<compile_context>
chip_gen: v7x
topology: tpu7x:2x2x1
jax: 0.10.2.dev20260603
libtpu: 0.0.44.dev20260713+nightly
codegen_flags: <defaults>
</compile_context>

<pallas_src>
import functools

import jax
import jax.numpy as jnp
from jax import lax
from jax.experimental import pallas as pl
from jax.experimental.pallas import tpu as pltpu
from jax.experimental.pallas import tpu_sc as plsc

NUM_CLASSES = 1000
N_PLANES = 4096
PLANE_ROWS = 20
NW = 32
PLANES_PER_W = N_PLANES // NW
NB = 4
ROWS_PER_BATCH = NB * PLANE_ROWS
GROUPS = ROWS_PER_BATCH // 16
BATCHES = PLANES_PER_W // NB

_mesh = plsc.VectorSubcoreMesh(core_axis_name="c", subcore_axis_name="s")


@functools.partial(
    pl.kernel,
    mesh=_mesh,
    compiler_params=pltpu.CompilerParams(use_tc_tiling_on_sc=True),
    out_type=jax.ShapeDtypeStruct((N_PLANES, PLANE_ROWS, NUM_CLASSES), jnp.int32),
    scratch_types=[
        pltpu.VMEM((PLANES_PER_W * PLANE_ROWS,), jnp.int32),
        pltpu.VMEM((NB, PLANE_ROWS, NUM_CLASSES), jnp.int32),
    ],
)
def _sc_onehot(cls_hbm, zeros_hbm, out_hbm, cls_v, buf):
    wid = lax.axis_index("s") * 2 + lax.axis_index("c")
    plane0 = wid * PLANES_PER_W
    pltpu.sync_copy(cls_hbm.at[pl.ds(plane0 * PLANE_ROWS, PLANES_PER_W * PLANE_ROWS)],
                    cls_v)
    pltpu.sync_copy(zeros_hbm, buf)

    def scatter_batch(i, val):
        loc_lanes = lax.iota(jnp.int32, 16)
        for g in range(GROUPS):
            r0 = i * ROWS_PER_BATCH + g * 16
            cls16 = cls_v[pl.ds(r0, 16)]
            for k in range(16):
                r = g * 16 + k
                p, j = divmod(r, PLANE_ROWS)
                c = cls16[k]
                cb = pl.multiple_of(c & ~15, 16)
                d = jnp.minimum(jnp.abs(loc_lanes - (c - cb)), 31)
                vec = (jnp.int32(1) >> d) * val
                buf[p, j, pl.ds(cb, 16)] = vec

    def batch(i, carry):
        scatter_batch(i, jnp.int32(1))
        pltpu.sync_copy(buf, out_hbm.at[pl.ds(plane0 + i * NB, NB)])
        scatter_batch(i, jnp.int32(0))
        return carry

    lax.fori_loop(0, BATCHES, batch, 0)


def kernel(classes):
    cls_flat = classes.reshape(-1)
    zeros_help = jnp.zeros((NB, PLANE_ROWS, NUM_CLASSES), jnp.int32)
    return _sc_onehot(cls_flat, zeros_help)

# --- scband reference (transcript-rebuilt; emitter-appended) ---
"""Pipeline reference for scband-one-hot-emb-74801150427644 (READ-ONLY COPY).

The authoritative reference and input builder live on the scoring server;
editing this copy changes nothing except your own understanding.
"""

import jax, jax.numpy as jnp
import numpy as np

NUM_CLASSES = 1000

def setup_inputs(seed: int = 0) -> dict:
    key = jax.random.key(seed)
    classes = jax.random.randint(key, (4096, 20), 0, NUM_CLASSES, dtype=jnp.int64 if jax.config.jax_enable_x64 else jnp.int32)
    return {"classes": classes}

def reference(classes) -> jnp.ndarray:
    # Faithful translation of torch.nn.functional.one_hot(classes, num_classes):
    # produces an integer tensor of shape classes.shape + (num_classes,)
    # with a 1 at the index given by each class value and 0 elsewhere.
    eye = jnp.arange(NUM_CLASSES, dtype=classes.dtype)
    out = (classes[..., None] == eye).astype(jnp.int32)
    return out

if __name__ == "__main__":
    import jax
    _d = setup_inputs()
    print(jax.jit(kernel)(*tuple(_d.values())))

</pallas_src>

<mosaic_0001>
#map = affine_map<(d0, d1) -> (0)>
#map1 = affine_map<(d0, d1) -> (0, 0, 0)>
module attributes {stable_mosaic.version = 14 : i64} {
  func.func @_sc_onehot(%arg0: i32, %arg1: i32, %arg2: memref<81920xi32, #tpu.memory_space<hbm>>, %arg3: memref<4x20x1000xi32, #tpu.memory_space<hbm>>, %arg4: memref<4096x20x1000xi32, #tpu.memory_space<hbm>>, %arg5: memref<2560xi32, #tpu.memory_space<vmem>>, %arg6: memref<4x20x1000xi32, #tpu.memory_space<vmem>>) attributes {dimension_semantics = [#tpu.dimension_semantics<core_parallel>, #tpu.dimension_semantics<subcore_parallel>], iteration_bounds = array<i64: 2, 16>, scalar_prefetch = 0 : i64, scratch_operands = 2 : i64, tpu.core_type = #tpu.core_type<sc_vector_subcore>, window_params = [{transform_indices = #map}, {transform_indices = #map1}, {transform_indices = #map1}]} {
    %mul3A = arith.constant 2 : i32
    %mul3A_0 = arith.muli %arg1, %mul3A : i32
    %add3A = arith.addi %mul3A_0, %arg0 : i32
    %mul3A_1 = arith.constant 128 : i32
    %mul3A_2 = arith.muli %add3A, %mul3A_1 : i32
    %mul3A_3 = arith.constant 20 : i32
    %mul3A_4 = arith.muli %mul3A_2, %mul3A_3 : i32
    "tpu.region"() ({
      %run_scoped3A = tpu.sem_alloc : memref<!tpu.dma_semaphore, #tpu.memory_space<semaphore_mem>>
      %dma_start3A = tpu.memref_slice %arg2[%mul3A_4] : memref<81920xi32, #tpu.memory_space<hbm>> -> memref<2560xi32, #tpu.memory_space<hbm>>
      %dma_start3A_10 = tpu.memref_slice %arg2[%mul3A_4] : memref<81920xi32, #tpu.memory_space<hbm>> -> memref<2560xi32, #tpu.memory_space<hbm>>
      tpu.enqueue_dma source(%dma_start3A_10 : memref<2560xi32, #tpu.memory_space<hbm>>) target(%arg5 : memref<2560xi32, #tpu.memory_space<vmem>>) target_semaphore(%run_scoped3A : memref<!tpu.dma_semaphore, #tpu.memory_space<semaphore_mem>>)
      %dma_wait3A = tpu.memref_slice %arg2[%mul3A_4] : memref<81920xi32, #tpu.memory_space<hbm>> -> memref<2560xi32, #tpu.memory_space<hbm>>
      %dma_wait3A_11 = tpu.memref_slice %arg2[%mul3A_4] : memref<81920xi32, #tpu.memory_space<hbm>> -> memref<2560xi32, #tpu.memory_space<hbm>>
      tpu.wait_dma2 semaphore(%run_scoped3A : memref<!tpu.dma_semaphore, #tpu.memory_space<semaphore_mem>>) src(%dma_wait3A_11 : memref<2560xi32, #tpu.memory_space<hbm>>) dst(%arg5 : memref<2560xi32, #tpu.memory_space<vmem>>)
      tpu.yield
    }) : () -> ()
    "tpu.region"() ({
      %run_scoped3A = tpu.sem_alloc : memref<!tpu.dma_semaphore, #tpu.memory_space<semaphore_mem>>
      tpu.enqueue_dma source(%arg3 : memref<4x20x1000xi32, #tpu.memory_space<hbm>>) target(%arg6 : memref<4x20x1000xi32, #tpu.memory_space<vmem>>) target_semaphore(%run_scoped3A : memref<!tpu.dma_semaphore, #tpu.memory_space<semaphore_mem>>)
      tpu.wait_dma2 semaphore(%run_scoped3A : memref<!tpu.dma_semaphore, #tpu.memory_space<semaphore_mem>>) src(%arg3 : memref<4x20x1000xi32, #tpu.memory_space<hbm>>) dst(%arg6 : memref<4x20x1000xi32, #tpu.memory_space<vmem>>)
      tpu.yield
    }) : () -> ()
    %scan3A = arith.constant 0 : i32
    %scan3A_5 = arith.constant 0 : i32
    %scan3A_6 = arith.constant 32 : i32
    %scan3A_7 = arith.addi %scan3A_5, %scan3A_6 : i32
    %scan3A_8 = arith.constant 1 : i32
    scf.for %scan3A_10 = %scan3A_5 to %scan3A_7 step %scan3A_8  : i32 {
      %iota3A = tpu.iota {dimensions = array<i32: 0>} : vector<16xi32>
      %mul3A_11 = arith.constant 80 : i32
      %mul3A_12 = arith.muli %scan3A_10, %mul3A_11 : i32
      %add3A_13 = arith.constant 0 : i32
      %add3A_14 = arith.addi %mul3A_12, %add3A_13 : i32
      %get3A = arith.index_cast %add3A_14 : i32 to index
      %get3A_15 = tpu.vector_load %arg5[%get3A] {strides = array<i32>} : memref<2560xi32, #tpu.memory_space<vmem>>, vector<16xi32>,
      %get3A_16 = vector.shape_cast %get3A_15 : vector<16xi32> to vector<16xi32>
      %slice3A = vector.extract_strided_slice %get3A_16 {offsets = [0], sizes = [1], strides = [1]} : vector<16xi32> to vector<1xi32>
      %squeeze3A = vector.extract %slice3A[0] : i32 from vector<1xi32>
      %and3A = arith.constant -16 : i32
      %and3A_17 = arith.andi %squeeze3A, %and3A : i32
      %multiple_of3A = tpu.assume_multiple %and3A_17, 16 : i32
      %sub3A = arith.subi %squeeze3A, %multiple_of3A : i32
      %sub3A_18 = vector.broadcast %sub3A : i32 to vector<16xi32>
      %sub3A_19 = arith.subi %iota3A, %sub3A_18 : vector<16xi32>
      %abs3A = math.absi %sub3A_19 : vector<16xi32>
      %min3A = arith.constant 31 : i32
      %min3A_20 = vector.broadcast %min3A : i32 to vector<16xi32>
      %min3A_21 = arith.minsi %abs3A, %min3A_20 : vector<16xi32>
      %shift_right_arithmetic3A = arith.constant 1 : i32
      %shift_right_arithmetic3A_22 = vector.broadcast %shift_right_arithmetic3A : i32 to vector<16xi32>
      %shift_right_arithmetic3A_23 = arith.shrsi %shift_right_arithmetic3A_22, %min3A_21 : vector<16xi32>
      %mul3A_24 = arith.constant 1 : i32
      %mul3A_25 = vector.broadcast %mul3A_24 : i32 to vector<16xi32>
      %mul3A_26 = arith.muli %shift_right_arithmetic3A_23, %mul3A_25 : vector<16xi32>
      %swap3A = arith.constant 0 : i32
      %swap3A_27 = arith.constant 0 : i32
      %swap3A_28 = arith.index_cast %swap3A : i32 to index
      %swap3A_29 = arith.index_cast %swap3A_27 : i32 to index
      %swap3A_30 = arith.index_cast %multiple_of3A : i32 to index
      %swap3A_31 = tpu.vector_load %arg6[%swap3A_28, %swap3A_29, %swap3A_30] {strides = array<i32>} : memref<4x20x1000xi32, #tpu.memory_space<vmem>>, vector<1x1x16xi32>,
      %swap3A_32 = vector.shape_cast %swap3A_31 : vector<1x1x16xi32> to vector<16xi32>
      %swap3A_33 = vector.shape_cast %mul3A_26 : vector<16xi32> to vector<1x1x16xi32>
      tpu.vector_store %arg6[%swap3A_28, %swap3A_29, %swap3A_30], %swap3A_33 {strides = array<i32>} : memref<4x20x1000xi32, #tpu.memory_space<vmem>>, vector<1x1x16xi32>,
      %slice3A_34 = vector.extract_strided_slice %get3A_16 {offsets = [1], sizes = [1], strides = [1]} : vector<16xi32> to vector<1xi32>
      %squeeze3A_35 = vector.extract %slice3A_34[0] : i32 from vector<1xi32>
      %and3A_36 = arith.constant -16 : i32
      %and3A_37 = arith.andi %squeeze3A_35, %and3A_36 : i32
      %multiple_of3A_38 = tpu.assume_multiple %and3A_37, 16 : i32
      %sub3A_39 = arith.subi %squeeze3A_35, %multiple_of3A_38 : i32
      %sub3A_40 = vector.broadcast %sub3A_39 : i32 to vector<16xi32>
      %sub3A_41 = arith.subi %iota3A, %sub3A_40 : vector<16xi32>
      %abs3A_42 = math.absi %sub3A_41 : vector<16xi32>
      %min3A_43 = arith.constant 31 : i32
      %min3A_44 = vector.broadcast %min3A_43 : i32 to vector<16xi32>
      %min3A_45 = arith.minsi %abs3A_42, %min3A_44 : vector<16xi32>
      %shift_right_arithmetic3A_46 = arith.constant 1 : i32
      %shift_right_arithmetic3A_47 = vector.broadcast %shift_right_arithmetic3A_46 : i32 to vector<16xi32>
      %shift_right_arithmetic3A_48 = arith.shrsi %shift_right_arithmetic3A_47, %min3A_45 : vector<16xi32>
      %mul3A_49 = arith.constant 1 : i32
      %mul3A_50 = vector.broadcast %mul3A_49 : i32 to vector<16xi32>
      %mul3A_51 = arith.muli %shift_right_arithmetic3A_48, %mul3A_50 : vector<16xi32>
      %swap3A_52 = arith.constant 0 : i32
      %swap3A_53 = arith.constant 1 : i32
      %swap3A_54 = arith.index_cast %swap3A_52 : i32 to index
      %swap3A_55 = arith.index_cast %swap3A_53 : i32 to index
      %swap3A_56 = arith.index_cast %multiple_of3A_38 : i32 to index
      %swap3A_57 = tpu.vector_load %arg6[%swap3A_54, %swap3A_55, %swap3A_56] {strides = array<i32>} : memref<4x20x1000xi32, #tpu.memory_space<vmem>>, vector<1x1x16xi32>,
      %swap3A_58 = vector.shape_cast %swap3A_57 : vector<1x1x16xi32> to vector<16xi32>
      %swap3A_59 = vector.shape_cast %mul3A_51 : vector<16xi32> to vector<1x1x16xi32>
      tpu.vector_store %arg6[%swap3A_54, %swap3A_55, %swap3A_56], %swap3A_59 {strides = array<i32>} : memref<4x20x1000xi32, #tpu.memory_space<vmem>>, vector<1x1x16xi32>,
      %slice3A_60 = vector.extract_strided_slice %get3A_16 {offsets = [2], sizes = [1], strides = [1]} : vector<16xi32> to vector<1xi32>
      %squeeze3A_61 = vector.extract %slice3A_60[0] : i32 from vector<1xi32>
      %and3A_62 = arith.constant -16 : i32
      %and3A_63 = arith.andi %squeeze3A_61, %and3A_62 : i32
      %multiple_of3A_64 = tpu.assume_multiple %and3A_63, 16 : i32
      %sub3A_65 = arith.subi %squeeze3A_61, %multiple_of3A_64 : i32
      %sub3A_66 = vector.broadcast %sub3A_65 : i32 to vector<16xi32>
      %sub3A_67 = arith.subi %iota3A, %sub3A_66 : vector<16xi32>
      %abs3A_68 = math.absi %sub3A_67 : vector<16xi32>
      %min3A_69 = arith.constant 31 : i32
      %min3A_70 = vector.broadcast %min3A_69 : i32 to vector<16xi32>
      %min3A_71 = arith.minsi %abs3A_68, %min3A_70 : vector<16xi32>
      %shift_right_arithmetic3A_72 = arith.constant 1 : i32
      %shift_right_arithmetic3A_73 = vector.broadcast %shift_right_arithmetic3A_72 : i32 to vector<16xi32>
      %shift_right_arithmetic3A_74 = arith.shrsi %shift_right_arithmetic3A_73, %min3A_71 : vector<16xi32>
      %mul3A_75 = arith.constant 1 : i32
      %mul3A_76 = vector.broadcast %mul3A_75 : i32 to vector<16xi32>
      %mul3A_77 = arith.muli %shift_right_arithmetic3A_74, %mul3A_76 : vector<16xi32>
      %swap3A_78 = arith.constant 0 : i32
      %swap3A_79 = arith.constant 2 : i32
      %swap3A_80 = arith.index_cast %swap3A_78 : i32 to index
      %swap3A_81 = arith.index_cast %swap3A_79 : i32 to index
      %swap3A_82 = arith.index_cast %multiple_of3A_64 : i32 to index
      %swap3A_83 = tpu.vector_load %arg6[%swap3A_80, %swap3A_81, %swap3A_82] {strides = array<i32>} : memref<4x20x1000xi32, #tpu.memory_space<vmem>>, vector<1x1x16xi32>,
      %swap3A_84 = vector.shape_cast %swap3A_83 : vector<1x1x16xi32> to vector<16xi32>
      %swap3A_85 = vector.shape_cast %mul3A_77 : vector<16xi32> to vector<1x1x16xi32>
      tpu.vector_store %arg6[%swap3A_80, %swap3A_81, %swap3A_82], %swap3A_85 {strides = array<i32>} : memref<4x20x1000xi32, #tpu.memory_space<vmem>>, vector<1x1x16xi32>,
      %slice3A_86 = vector.extract_strided_slice %get3A_16 {offsets = [3], sizes = [1], strides = [1]} : vector<16xi32> to vector<1xi32>
      %squeeze3A_87 = vector.extract %slice3A_86[0] : i32 from vector<1xi32>
      %and3A_88 = arith.constant -16 : i32
      %and3A_89 = arith.andi %squeeze3A_87, %and3A_88 : i32
      %multiple_of3A_90 = tpu.assume_multiple %and3A_89, 16 : i32
      %sub3A_91 = arith.subi %squeeze3A_87, %multiple_of3A_90 : i32
      %sub3A_92 = vector.broadcast %sub3A_91 : i32 to vector<16xi32>
      %sub3A_93 = arith.subi %iota3A, %sub3A_92 : vector<16xi32>
      %abs3A_94 = math.absi %sub3A_93 : vector<16xi32>
      %min3A_95 = arith.constant 31 : i32
      %min3A_96 = vector.broadcast %min3A_95 : i32 to vector<16xi32>
      %min3A_97 = arith.minsi %abs3A_94, %min3A_96 : vector<16xi32>
      %shift_right_arithmetic3A_98 = arith.constant 1 : i32
      %shift_right_arithmetic3A_99 = vector.broadcast %shift_right_arithmetic3A_98 : i32 to vector<16xi32>
      %shift_right_arithmetic3A_100 = arith.shrsi %shift_right_arithmetic3A_99, %min3A_97 : vector<16xi32>
      %mul3A_101 = arith.constant 1 : i32
      %mul3A_102 = vector.broadcast %mul3A_101 : i32 to vector<16xi32>
      %mul3A_103 = arith.muli %shift_right_arithmetic3A_100, %mul3A_102 : vector<16xi32>
      %swap3A_104 = arith.constant 0 : i32
      %swap3A_105 = arith.constant 3 : i32
      %swap3A_106 = arith.index_cast %swap3A_104 : i32 to index
      %swap3A_107 = arith.index_cast %swap3A_105 : i32 to index
      %swap3A_108 = arith.index_cast %multiple_of3A_90 : i32 to index
      %swap3A_109 = tpu.vector_load %arg6[%swap3A_106, %swap3A_107, %swap3A_108] {strides = array<i32>} : memref<4x20x1000xi32, #tpu.memory_space<vmem>>, vector<1x1x16xi32>,
      %swap3A_110 = vector.shape_cast %swap3A_109 : vector<1x1x16xi32> to vector<16xi32>
      %swap3A_111 = vector.shape_cast %mul3A_103 : vector<16xi32> to vector<1x1x16xi32>
      tpu.vector_store %arg6[%swap3A_106, %swap3A_107, %swap3A_108], %swap3A_111 {strides = array<i32>} : memref<4x20x1000xi32, #tpu.memory_space<vmem>>, vector<1x1x16xi32>,
      %slice3A_112 = vector.extract_strided_slice %get3A_16 {offsets = [4], sizes = [1], strides = [1]} : vector<16xi32> to vector<1xi32>
      %squeeze3A_113 = vector.extract %slice3A_112[0] : i32 from vector<1xi32>
      %and3A_114 = arith.constant -16 : i32
      %and3A_115 = arith.andi %squeeze3A_113, %and3A_114 : i32
      %multiple_of3A_116 = tpu.assume_multiple %and3A_115, 16 : i32
      %sub3A_117 = arith.subi %squeeze3A_113, %multiple_of3A_116 : i32
      %sub3A_118 = vector.broadcast %sub3A_117 : i32 to vector<16xi32>
      %sub3A_119 = arith.subi %iota3A, %sub3A_118 : vector<16xi32>
      %abs3A_120 = math.absi %sub3A_119 : vector<16xi32>
      %min3A_121 = arith.constant 31 : i32
      %min3A_122 = vector.broadcast %min3A_121 : i32 to vector<16xi32>
      %min3A_123 = arith.minsi %abs3A_120, %min3A_122 : vector<16xi32>
      %shift_right_arithmetic3A_124 = arith.constant 1 : i32
      %shift_right_arithmetic3A_125 = vector.broadcast %shift_right_arithmetic3A_124 : i32 to vector<16xi32>
      %shift_right_arithmetic3A_126 = arith.shrsi %shift_right_arithmetic3A_125, %min3A_123 : vector<16xi32>
      %mul3A_127 = arith.constant 1 : i32
      %mul3A_128 = vector.broadcast %mul3A_127 : i32 to vector<16xi32>
      %mul3A_129 = arith.muli %shift_right_arithmetic3A_126, %mul3A_128 : vector<16xi32>
      %swap3A_130 = arith.constant 0 : i32
      %swap3A_131 = arith.constant 4 : i32
      %swap3A_132 = arith.index_cast %swap3A_130 : i32 to index
      %swap3A_133 = arith.index_cast %swap3A_131 : i32 to index
      %swap3A_134 = arith.index_cast %multiple_of3A_116 : i32 to index
      %swap3A_135 = tpu.vector_load %arg6[%swap3A_132, %swap3A_133, %swap3A_134] {strides = array<i32>} : memref<4x20x1000xi32, #tpu.memory_space<vmem>>, vector<1x1x16xi32>,
      %swap3A_136 = vector.shape_cast %swap3A_135 : vector<1x1x16xi32> to vector<16xi32>
      %swap3A_137 = vector.shape_cast %mul3A_129 : vector<16xi32> to vector<1x1x16xi32>
      tpu.vector_store %arg6[%swap3A_132, %swap3A_133, %swap3A_134], %swap3A_137 {strides = array<i32>} : memref<4x20x1000xi32, #tpu.memory_space<vmem>>, vector<1x1x16xi32>,
      %slice3A_138 = vector.extract_strided_slice %get3A_16 {offsets = [5], sizes = [1], strides = [1]} : vector<16xi32> to vector<1xi32>
      %squeeze3A_139 = vector.extract %slice3A_138[0] : i32 from vector<1xi32>
      %and3A_140 = arith.constant -16 : i32
      %and3A_141 = arith.andi %squeeze3A_139, %and3A_140 : i32
      %multiple_of3A_142 = tpu.assume_multiple %and3A_141, 16 : i32
      %sub3A_143 = arith.subi %squeeze3A_139, %multiple_of3A_142 : i32
      %sub3A_144 = vector.broadcast %sub3A_143 : i32 to vector<16xi32>
      %sub3A_145 = arith.subi %iota3A, %sub3A_144 : vector<16xi32>
      %abs3A_146 = math.absi %sub3A_145 : vector<16xi32>
      %min3A_147 = arith.constant 31 : i32
      %min3A_148 = vector.broadcast %min3A_147 : i32 to vector<16xi32>
      %min3A_149 = arith.minsi %abs3A_146, %min3A_148 : vector<16xi32>
      %shift_right_arithmetic3A_150 = arith.constant 1 : i32
      %shift_right_arithmetic3A_151 = vector.broadcast %shift_right_arithmetic3A_150 : i32 to vector<16xi32>
      %shift_right_arithmetic3A_152 = arith.shrsi %shift_right_arithmetic3A_151, %min3A_149 : vector<16xi32>
      %mul3A_153 = arith.constant 1 : i32
      %mul3A_154 = vector.broadcast %mul3A_153 : i32 to vector<16xi32>
      %mul3A_155 = arith.muli %shift_right_arithmetic3A_152, %mul3A_154 : vector<16xi32>
      %swap3A_156 = arith.constant 0 : i32
      %swap3A_157 = arith.constant 5 : i32
      %swap3A_158 = arith.index_cast %swap3A_156 : i32 to index
      %swap3A_159 = arith.index_cast %swap3A_157 : i32 to index
      %swap3A_160 = arith.index_cast %multiple_of3A_142 : i32 to index
      %swap3A_161 = tpu.vector_load %arg6[%swap3A_158, %swap3A_159, %swap3A_160] {strides = array<i32>} : memref<4x20x1000xi32, #tpu.memory_space<vmem>>, vector<1x1x16xi32>,
      %swap3A_162 = vector.shape_cast %swap3A_161 : vector<1x1x16xi32> to vector<16xi32>
      %swap3A_163 = vector.shape_cast %mul3A_155 : vector<16xi32> to vector<1x1x16xi32>
      tpu.vector_store %arg6[%swap3A_158, %swap3A_159, %swap3A_160], %swap3A_163 {strides = array<i32>} : memref<4x20x1000xi32, #tpu.memory_space<vmem>>, vector<1x1x16xi32>,
      %slice3A_164 = vector.extract_strided_slice %get3A_16 {offsets = [6], sizes = [1], strides = [1]} : vector<16xi32> to vector<1xi32>
      %squeeze3A_165 = vector.extract %slice3A_164[0] : i32 from vector<1xi32>
      %and3A_166 = arith.constant -16 : i32
      %and3A_167 = arith.andi %squeeze3A_165, %and3A_166 : i32
      %multiple_of3A_168 = tpu.assume_multiple %and3A_167, 16 : i32
      %sub3A_169 = arith.subi %squeeze3A_165, %multiple_of3A_168 : i32
      %sub3A_170 = vector.broadcast %sub3A_169 : i32 to vector<16xi32>
      %sub3A_171 = arith.subi %iota3A, %sub3A_170 : vector<16xi32>
      %abs3A_172 = math.absi %sub3A_171 : vector<16xi32>
      %min3A_173 = arith.constant 31 : i32
      %min3A_174 = vector.broadcast %min3A_173 : i32 to vector<16xi32>
      %min3A_175 = arith.minsi %abs3A_172, %min3A_174 : vector<16xi32>
      %shift_right_arithmetic3A_176 = arith.constant 1 : i32
      %shift_right_arithmetic3A_177 = vector.broadcast %shift_right_arithmetic3A_176 : i32 to vector<16xi32>
      %shift_right_arithmetic3A_178 = arith.shrsi %shift_right_arithmetic3A_177, %min3A_175 : vector<16xi32>
      %mul3A_179 = arith.constant 1 : i32
      %mul3A_180 = vector.broadcast %mul3A_179 : i32 to vector<16xi32>
      %mul3A_181 = arith.muli %shift_right_arithmetic3A_178, %mul3A_180 : vector<16xi32>
      %swap3A_182 = arith.constant 0 : i32
      %swap3A_183 = arith.constant 6 : i32
      %swap3A_184 = arith.index_cast %swap3A_182 : i32 to index
      %swap3A_185 = arith.index_cast %swap3A_183 : i32 to index
      %swap3A_186 = arith.index_cast %multiple_of3A_168 : i32 to index
      %swap3A_187 = tpu.vector_load %arg6[%swap3A_184, %swap3A_185, %swap3A_186] {strides = array<i32>} : memref<4x20x1000xi32, #tpu.memory_space<vmem>>, vector<1x1x16xi32>,
      %swap3A_188 = vector.shape_cast %swap3A_187 : vector<1x1x16xi32> to vector<16xi32>
      %swap3A_189 = vector.shape_cast %mul3A_181 : vector<16xi32> to vector<1x1x16xi32>
      tpu.vector_store %arg6[%swap3A_184, %swap3A_185, %swap3A_186], %swap3A_189 {strides = array<i32>} : memref<4x20x1000xi32, #tpu.memory_space<vmem>>, vector<1x1x16xi32>,
      %slice3A_190 = vector.extract_strided_slice %get3A_16 {offsets = [7], sizes = [1], strides = [1]} : vector<16xi32> to vector<1xi32>
      %squeeze3A_191 = vector.extract %slice3A_190[0] : i32 from vector<1xi32>
      %and3A_192 = arith.constant -16 : i32
      %and3A_193 = arith.andi %squeeze3A_191, %and3A_192 : i32
      %multiple_of3A_194 = tpu.assume_multiple %and3A_193, 16 : i32
      %sub3A_195 = arith.subi %squeeze3A_191, %multiple_of3A_194 : i32
      %sub3A_196 = vector.broadcast %sub3A_195 : i32 to vector<16xi32>
      %sub3A_197 = arith.subi %iota3A, %sub3A_196 : vector<16xi32>
      %abs3A_198 = math.absi %sub3A_197 : vector<16xi32>
      %min3A_199 = arith.constant 31 : i32
      %min3A_200 = vector.broadcast %min3A_199 : i32 to vector<16xi32>
      %min3A_201 = arith.minsi %abs3A_198, %min3A_200 : vector<16xi32>
      %shift_right_arithmetic3A_202 = arith.constant 1 : i32
      %shift_right_arithmetic3A_203 = vector.broadcast %shift_right_arithmetic3A_202 : i32 to vector<16xi32>
      %shift_right_arithmetic3A_204 = arith.shrsi %shift_right_arithmetic3A_203, %min3A_201 : vector<16xi32>
      %mul3A_205 = arith.constant 1 : i32
      %mul3A_206 = vector.broadcast %mul3A_205 : i32 to vector<16xi32>
      %mul3A_207 = arith.muli %shift_right_arithmetic3A_204, %mul3A_206 : vector<16xi32>
      %swap3A_208 = arith.constant 0 : i32
      %swap3A_209 = arith.constant 7 : i32
      %swap3A_210 = arith.index_cast %swap3A_208 : i32 to index
      %swap3A_211 = arith.index_cast %swap3A_209 : i32 to index
      %swap3A_212 = arith.index_cast %multiple_of3A_194 : i32 to index
      %swap3A_213 = tpu.vector_load %arg6[%swap3A_210, %swap3A_211, %swap3A_212] {strides = array<i32>} : memref<4x20x1000xi32, #tpu.memory_space<vmem>>, vector<1x1x16xi32>,
      %swap3A_214 = vector.shape_cast %swap3A_213 : vector<1x1x16xi32> to vector<16xi32>
      %swap3A_215 = vector.shape_cast %mul3A_207 : vector<16xi32> to vector<1x1x16xi32>
      tpu.vector_store %arg6[%swap3A_210, %swap3A_211, %swap3A_212], %swap3A_215 {strides = array<i32>} : memref<4x20x1000xi32, #tpu.memory_space<vmem>>, vector<1x1x16xi32>,
      %slice3A_216 = vector.extract_strided_slice %get3A_16 {offsets = [8], sizes = [1], strides = [1]} : vector<16xi32> to vector<1xi32>
      %squeeze3A_217 = vector.extract %slice3A_216[0] : i32 from vector<1xi32>
      %and3A_218 = arith.constant -16 : i32
      %and3A_219 = arith.andi %squeeze3A_217, %and3A_218 : i32
      %multiple_of3A_220 = tpu.assume_multiple %and3A_219, 16 : i32
      %sub3A_221 = arith.subi %squeeze3A_217, %multiple_of3A_220 : i32
      %sub3A_222 = vector.broadcast %sub3A_221 : i32 to vector<16xi32>
      %sub3A_223 = arith.subi %iota3A, %sub3A_222 : vector<16xi32>
      %abs3A_224 = math.absi %sub3A_223 : vector<16xi32>
      %min3A_225 = arith.constant 31 : i32
      %min3A_226 = vector.broadcast %min3A_225 : i32 to vector<16xi32>
      %min3A_227 = arith.minsi %abs3A_224, %min3A_226 : vector<16xi32>
      %shift_right_arithmetic3A_228 = arith.constant 1 : i32
      %shift_right_arithmetic3A_229 = vector.broadcast %shift_right_arithmetic3A_228 : i32 to vector<16xi32>
      %shift_right_arithmetic3A_230 = arith.shrsi %shift_right_arithmetic3A_229, %min3A_227 : vector<16xi32>
      %mul3A_231 = arith.constant 1 : i32
      %mul3A_232 = vector.broadcast %mul3A_231 : i32 to vector<16xi32>
      %mul3A_233 = arith.muli %shift_right_arithmetic3A_230, %mul3A_232 : vector<16xi32>
      %swap3A_234 = arith.constant 0 : i32
      %swap3A_235 = arith.constant 8 : i32
      %swap3A_236 = arith.index_cast %swap3A_234 : i32 to index
      %swap3A_237 = arith.index_cast %swap3A_235 : i32 to index
      %swap3A_238 = arith.index_cast %multiple_of3A_220 : i32 to index
      %swap3A_239 = tpu.vector_load %arg6[%swap3A_236, %swap3A_237, %swap3A_238] {strides = array<i32>} : memref<4x20x1000xi32, #tpu.memory_space<vmem>>, vector<1x1x16xi32>,
      %swap3A_240 = vector.shape_cast %swap3A_239 : vector<1x1x16xi32> to vector<16xi32>
      %swap3A_241 = vector.shape_cast %mul3A_233 : vector<16xi32> to vector<1x1x16xi32>
      tpu.vector_store %arg6[%swap3A_236, %swap3A_237, %swap3A_238], %swap3A_241 {strides = array<i32>} : memref<4x20x1000xi32, #tpu.memory_space<vmem>>, vector<1x1x16xi32>,
      %slice3A_242 = vector.extract_strided_slice %get3A_16 {offsets = [9], sizes = [1], strides = [1]} : vector<16xi32> to vector<1xi32>
      %squeeze3A_243 = vector.extract %slice3A_242[0] : i32 from vector<1xi32>
      %and3A_244 = arith.constant -16 : i32
      %and3A_245 = arith.andi %squeeze3A_243, %and3A_244 : i32
      %multiple_of3A_246 = tpu.assume_multiple %and3A_245, 16 : i32
      %sub3A_247 = arith.subi %squeeze3A_243, %multiple_of3A_246 : i32
      %sub3A_248 = vector.broadcast %sub3A_247 : i32 to vector<16xi32>
      %sub3A_249 = arith.subi %iota3A, %sub3A_248 : vector<16xi32>
      %abs3A_250 = math.absi %sub3A_249 : vector<16xi32>
      %min3A_251 = arith.constant 31 : i32
      %min3A_252 = vector.broadcast %min3A_251 : i32 to vector<16xi32>
      %min3A_253 = arith.minsi %abs3A_250, %min3A_252 : vector<16xi32>
      %shift_right_arithmetic3A_254 = arith.constant 1 : i32
      %shift_right_arithmetic3A_255 = vector.broadcast %shift_right_arithmetic3A_254 : i32 to vector<16xi32>
      %shift_right_arithmetic3A_256 = arith.shrsi %shift_right_arithmetic3A_255, %min3A_253 : vector<16xi32>
      %mul3A_257 = arith.constant 1 : i32
      %mul3A_258 = vector.broadcast %mul3A_257 : i32 to vector<16xi32>
      %mul3A_259 = arith.muli %shift_right_arithmetic3A_256, %mul3A_258 : vector<16xi32>
      %swap3A_260 = arith.constant 0 : i32
      %swap3A_261 = arith.constant 9 : i32
      %swap3A_262 = arith.index_cast %swap3A_260 : i32 to index
      %swap3A_263 = arith.index_cast %swap3A_261 : i32 to index
      %swap3A_264 = arith.index_cast %multiple_of3A_246 : i32 to index
      %swap3A_265 = tpu.vector_load %arg6[%swap3A_262, %swap3A_263, %swap3A_264] {strides = array<i32>} : memref<4x20x1000xi32, #tpu.memory_space<vmem>>, vector<1x1x16xi32>,
      %swap3A_266 = vector.shape_cast %swap3A_265 : vector<1x1x16xi32> to vector<16xi32>
      %swap3A_267 = vector.shape_cast %mul3A_259 : vector<16xi32> to vector<1x1x16xi32>
      tpu.vector_store %arg6[%swap3A_262, %swap3A_263, %swap3A_264], %swap3A_267 {strides = array<i32>} : memref<4x20x1000xi32, #tpu.memory_space<vmem>>, vector<1x1x16xi32>,
      %slice3A_268 = vector.extract_strided_slice %get3A_16 {offsets = [10], sizes = [1], strides = [1]} : vector<16xi32> to vector<1xi32>
      %squeeze3A_269 = vector.extract %slice3A_268[0] : i32 from vector<1xi32>
      %and3A_270 = arith.constant -16 : i32
      %and3A_271 = arith.andi %squeeze3A_269, %and3A_270 : i32
      %multiple_of3A_272 = tpu.assume_multiple %and3A_271, 16 : i32
      %sub3A_273 = arith.subi %squeeze3A_269, %multiple_of3A_272 : i32
      %sub3A_274 = vector.broadcast %sub3A_273 : i32 to vector<16xi32>
      %sub3A_275 = arith.subi %iota3A, %sub3A_274 : vector<16xi32>
      %abs3A_276 = math.absi %sub3A_275 : vector<16xi32>
      %min3A_277 = arith.constant 31 : i32
      %min3A_278 = vector.broadcast %min3A_277 : i32 to vector<16xi32>
      %min3A_279 = arith.minsi %abs3A_276, %min3A_278 : vector<16xi32>
      %shift_right_arithmetic3A_280 = arith.constant 1 : i32
      %shift_right_arithmetic3A_281 = vector.broadcast %shift_right_arithmetic3A_280 : i32 to vector<16xi32>
      %shift_right_arithmetic3A_282 = arith.shrsi %shift_right_arithmetic3A_281, %min3A_279 : vector<16xi32>
      %mul3A_283 = arith.constant 1 : i32
      %mul3A_284 = vector.broadcast %mul3A_283 : i32 to vector<16xi32>
      %mul3A_285 = arith.muli %shift_right_arithmetic3A_282, %mul3A_284 : vector<16xi32>
      %swap3A_286 = arith.constant 0 : i32
      %swap3A_287 = arith.constant 10 : i32
      %swap3A_288 = arith.index_cast %swap3A_286 : i32 to index
      %swap3A_289 = arith.index_cast %swap3A_287 : i32 to index
      %swap3A_290 = arith.index_cast %multiple_of3A_272 : i32 to index
      %swap3A_291 = tpu.vector_load %arg6[%swap3A_288, %swap3A_289, %swap3A_290] {strides = array<i32>} : memref<4x20x1000xi32, #tpu.memory_space<vmem>>, vector<1x1x16xi32>,
      %swap3A_292 = vector.shape_cast %swap3A_291 : vector<1x1x16xi32> to vector<16xi32>
      %swap3A_293 = vector.shape_cast %mul3A_285 : vector<16xi32> to vector<1x1x16xi32>
      tpu.vector_store %arg6[%swap3A_288, %swap3A_289, %swap3A_290], %swap3A_293 {strides = array<i32>} : memref<4x20x1000xi32, #tpu.memory_space<vmem>>, vector<1x1x16xi32>,
      %slice3A_294 = vector.extract_strided_slice %get3A_16 {offsets = [11], sizes = [1], strides = [1]} : vector<16xi32> to vector<1xi32>
      %squeeze3A_295 = vector.extract %slice3A_294[0] : i32 from vector<1xi32>
      %and3A_296 = arith.constant -16 : i32
      %and3A_297 = arith.andi %squeeze3A_295, %and3A_296 : i32
      %multiple_of3A_298 = tpu.assume_multiple %and3A_297, 16 : i32
      %sub3A_299 = arith.subi %squeeze3A_295, %multiple_of3A_298 : i32
      %sub3A_300 = vector.broadcast %sub3A_299 : i32 to vector<16xi32>
      %sub3A_301 = arith.subi %iota3A, %sub3A_300 : vector<16xi32>
      %abs3A_302 = math.absi %sub3A_301 : vector<16xi32>
      %min3A_303 = arith.constant 31 : i32
      %min3A_304 = vector.broadcast %min3A_303 : i32 to vector<16xi32>
      %min3A_305 = arith.minsi %abs3A_302, %min3A_304 : vector<16xi32>
      %shift_right_arithmetic3A_306 = arith.constant 1 : i32
      %shift_right_arithmetic3A_307 = vector.broadcast %shift_right_arithmetic3A_306 : i32 to vector<16xi32>
      %shift_right_arithmetic3A_308 = arith.shrsi %shift_right_arithmetic3A_307, %min3A_305 : vector<16xi32>
      %mul3A_309 = arith.constant 1 : i32
      %mul3A_310 = vector.broadcast %mul3A_309 : i32 to vector<16xi32>
      %mul3A_311 = arith.muli %shift_right_arithmetic3A_308, %mul3A_310 : vector<16xi32>
      %swap3A_312 = arith.constant 0 : i32
      %swap3A_313 = arith.constant 11 : i32
      %swap3A_314 = arith.index_cast %swap3A_312 : i32 to index
      %swap3A_315 = arith.index_cast %swap3A_313 : i32 to index
      %swap3A_316 = arith.index_cast %multiple_of3A_298 : i32 to index
      %swap3A_317 = tpu.vector_load %arg6[%swap3A_314, %swap3A_315, %swap3A_316] {strides = array<i32>} : memref<4x20x1000xi32, #tpu.memory_space<vmem>>, vector<1x1x16xi32>,
      %swap3A_318 = vector.shape_cast %swap3A_317 : vector<1x1x16xi32> to vector<16xi32>
      %swap3A_319 = vector.shape_cast %mul3A_311 : vector<16xi32> to vector<1x1x16xi32>
      tpu.vector_store %arg6[%swap3A_314, %swap3A_315, %swap3A_316], %swap3A_319 {strides = array<i32>} : memref<4x20x1000xi32, #tpu.memory_space<vmem>>, vector<1x1x16xi32>,
      %slice3A_320 = vector.extract_strided_slice %get3A_16 {offsets = [12], sizes = [1], strides = [1]} : vector<16xi32> to vector<1xi32>
      %squeeze3A_321 = vector.extract %slice3A_320[0] : i32 from vector<1xi32>
      %and3A_322 = arith.constant -16 : i32
      %and3A_323 = arith.andi %squeeze3A_321, %and3A_322 : i32
      %multiple_of3A_324 = tpu.assume_multiple %and3A_323, 16 : i32
      %sub3A_325 = arith.subi %squeeze3A_321, %multiple_of3A_324 : i32
      %sub3A_326 = vector.broadcast %sub3A_325 : i32 to vector<16xi32>
      %sub3A_327 = arith.subi %iota3A, %sub3A_326 : vector<16xi32>
      %abs3A_328 = math.absi %sub3A_327 : vector<16xi32>
      %min3A_329 = arith.constant 31 : i32
      %min3A_330 = vector.broadcast %min3A_329 : i32 to vector<16xi32>
      %min3A_331 = arith.minsi %abs3A_328, %min3A_330 : vector<16xi32>
      %shift_right_arithmetic3A_332 = arith.constant 1 : i32
      %shift_right_arithmetic3A_333 = vector.broadcast %shift_right_arithmetic3A_332 : i32 to vector<16xi32>
      %shift_right_arithmetic3A_334 = arith.shrsi %shift_right_arithmetic3A_333, %min3A_331 : vector<16xi32>
      %mul3A_335 = arith.constant 1 : i32
      %mul3A_336 = vector.broadcast %mul3A_335 : i32 to vector<16xi32>
      %mul3A_337 = arith.muli %shift_right_arithmetic3A_334, %mul3A_336 : vector<16xi32>
      %swap3A_338 = arith.constant 0 : i32
      %swap3A_339 = arith.constant 12 : i32
      %swap3A_340 = arith.index_cast %swap3A_338 : i32 to index
      %swap3A_341 = arith.index_cast %swap3A_339 : i32 to index
      %swap3A_342 = arith.index_cast %multiple_of3A_324 : i32 to index
      %swap3A_343 = tpu.vector_load %arg6[%swap3A_340, %swap3A_341, %swap3A_342] {strides = array<i32>} : memref<4x20x1000xi32, #tpu.memory_space<vmem>>, vector<1x1x16xi32>,
      %swap3A_344 = vector.shape_cast %swap3A_343 : vector<1x1x16xi32> to vector<16xi32>
      %swap3A_345 = vector.shape_cast %mul3A_337 : vector<16xi32> to vector<1x1x16xi32>
      tpu.vector_store %arg6[%swap3A_340, %swap3A_341, %swap3A_342], %swap3A_345 {strides = array<i32>} : memref<4x20x1000xi32, #tpu.memory_space<vmem>>, vector<1x1x16xi32>,
      %slice3A_346 = vector.extract_strided_slice %get3A_16 {offsets = [13], sizes = [1], strides = [1]} : vector<16xi32> to vector<1xi32>
      %squeeze3A_347 = vector.extract %slice3A_346[0] : i32 from vector<1xi32>
      %and3A_348 = arith.constant -16 : i32
      %and3A_349 = arith.andi %squeeze3A_347, %and3A_348 : i32
      %multiple_of3A_350 = tpu.assume_multiple %and3A_349, 16 : i32
      %sub3A_351 = arith.subi %squeeze3A_347, %multiple_of3A_350 : i32
      %sub3A_352 = vector.broadcast %sub3A_351 : i32 to vector<16xi32>
      %sub3A_353 = arith.subi %iota3A, %sub3A_352 : vector<16xi32>
      %abs3A_354 = math.absi %sub3A_353 : vector<16xi32>
      %min3A_355 = arith.constant 31 : i32
      %min3A_356 = vector.broadcast %min3A_355 : i32 to vector<16xi32>
      %min3A_357 = arith.minsi %abs3A_354, %min3A_356 : vector<16xi32>
      %shift_right_arithmetic3A_358 = arith.constant 1 : i32
      %shift_right_arithmetic3A_359 = vector.broadcast %shift_right_arithmetic3A_358 : i32 to vector<16xi32>
      %shift_right_arithmetic3A_360 = arith.shrsi %shift_right_arithmetic3A_359, %min3A_357 : vector<16xi32>
      %mul3A_361 = arith.constant 1 : i32
      %mul3A_362 = vector.broadcast %mul3A_361 : i32 to vector<16xi32>
      %mul3A_363 = arith.muli %shift_right_arithmetic3A_360, %mul3A_362 : vector<16xi32>
      %swap3A_364 = arith.constant 0 : i32
      %swap3A_365 = arith.constant 13 : i32
      %swap3A_366 = arith.index_cast %swap3A_364 : i32 to index
      %swap3A_367 = arith.index_cast %swap3A_365 : i32 to index
      %swap3A_368 = arith.index_cast %multiple_of3A_350 : i32 to index
      %swap3A_369 = tpu.vector_load %arg6[%swap3A_366, %swap3A_367, %swap3A_368] {strides = array<i32>} : memref<4x20x1000xi32, #tpu.memory_space<vmem>>, vector<1x1x16xi32>,
      %swap3A_370 = vector.shape_cast %swap3A_369 : vector<1x1x16xi32> to vector<16xi32>
      %swap3A_371 = vector.shape_cast %mul3A_363 : vector<16xi32> to vector<1x1x16xi32>
      tpu.vector_store %arg6[%swap3A_366, %swap3A_367, %swap3A_368], %swap3A_371 {strides = array<i32>} : memref<4x20x1000xi32, #tpu.memory_space<vmem>>, vector<1x1x16xi32>,
      %slice3A_372 = vector.extract_strided_slice %get3A_16 {offsets = [14], sizes = [1], strides = [1]} : vector<16xi32> to vector<1xi32>
      %squeeze3A_373 = vector.extract %slice3A_372[0] : i32 from vector<1xi32>
      %and3A_374 = arith.constant -16 : i32
      %and3A_375 = arith.andi %squeeze3A_373, %and3A_374 : i32
      %multiple_of3A_376 = tpu.assume_multiple %and3A_375, 16 : i32
      %sub3A_377 = arith.subi %squeeze3A_373, %multiple_of3A_376 : i32
      %sub3A_378 = vector.broadcast %sub3A_377 : i32 to vector<16xi32>
      %sub3A_379 = arith.subi %iota3A, %sub3A_378 : vector<16xi32>
      %abs3A_380 = math.absi %sub3A_379 : vector<16xi32>
      %min3A_381 = arith.constant 31 : i32
      %min3A_382 = vector.broadcast %min3A_381 : i32 to vector<16xi32>
      %min3A_383 = arith.minsi %abs3A_380, %min3A_382 : vector<16xi32>
      %shift_right_arithmetic3A_384 = arith.constant 1 : i32
      %shift_right_arithmetic3A_385 = vector.broadcast %shift_right_arithmetic3A_384 : i32 to vector<16xi32>
      %shift_right_arithmetic3A_386 = arith.shrsi %shift_right_arithmetic3A_385, %min3A_383 : vector<16xi32>
      %mul3A_387 = arith.constant 1 : i32
      %mul3A_388 = vector.broadcast %mul3A_387 : i32 to vector<16xi32>
      %mul3A_389 = arith.muli %shift_right_arithmetic3A_386, %mul3A_388 : vector<16xi32>
      %swap3A_390 = arith.constant 0 : i32
      %swap3A_391 = arith.constant 14 : i32
      %swap3A_392 = arith.index_cast %swap3A_390 : i32 to index
      %swap3A_393 = arith.index_cast %swap3A_391 : i32 to index
      %swap3A_394 = arith.index_cast %multiple_of3A_376 : i32 to index
      %swap3A_395 = tpu.vector_load %arg6[%swap3A_392, %swap3A_393, %swap3A_394] {strides = array<i32>} : memref<4x20x1000xi32, #tpu.memory_space<vmem>>, vector<1x1x16xi32>,
      %swap3A_396 = vector.shape_cast %swap3A_395 : vector<1x1x16xi32> to vector<16xi32>
      %swap3A_397 = vector.shape_cast %mul3A_389 : vector<16xi32> to vector<1x1x16xi32>
      tpu.vector_store %arg6[%swap3A_392, %swap3A_393, %swap3A_394], %swap3A_397 {strides = array<i32>} : memref<4x20x1000xi32, #tpu.memory_space<vmem>>, vector<1x1x16xi32>,
      %slice3A_398 = vector.extract_strided_slice %get3A_16 {offsets = [15], sizes = [1], strides = [1]} : vector<16xi32> to vector<1xi32>
      %squeeze3A_399 = vector.extract %slice3A_398[0] : i32 from vector<1xi32>
      %and3A_400 = arith.constant -16 : i32
      %and3A_401 = arith.andi %squeeze3A_399, %and3A_400 : i32
      %multiple_of3A_402 = tpu.assume_multiple %and3A_401, 16 : i32
      %sub3A_403 = arith.subi %squeeze3A_399, %multiple_of3A_402 : i32
      %sub3A_404 = vector.broadcast %sub3A_403 : i32 to vector<16xi32>
      %sub3A_405 = arith.subi %iota3A, %sub3A_404 : vector<16xi32>
      %abs3A_406 = math.absi %sub3A_405 : vector<16xi32>
      %min3A_407 = arith.constant 31 : i32
      %min3A_408 = vector.broadcast %min3A_407 : i32 to vector<16xi32>
      %min3A_409 = arith.minsi %abs3A_406, %min3A_408 : vector<16xi32>
      %shift_right_arithmetic3A_410 = arith.constant 1 : i32
      %shift_right_arithmetic3A_411 = vector.broadcast %shift_right_arithmetic3A_410 : i32 to vector<16xi32>
      %shift_right_arithmetic3A_412 = arith.shrsi %shift_right_arithmetic3A_411, %min3A_409 : vector<16xi32>
      %mul3A_413 = arith.constant 1 : i32
      %mul3A_414 = vector.broadcast %mul3A_413 : i32 to vector<16xi32>
      %mul3A_415 = arith.muli %shift_right_arithmetic3A_412, %mul3A_414 : vector<16xi32>
      %swap3A_416 = arith.constant 0 : i32
      %swap3A_417 = arith.constant 15 : i32
      %swap3A_418 = arith.index_cast %swap3A_416 : i32 to index
      %swap3A_419 = arith.index_cast %swap3A_417 : i32 to index
      %swap3A_420 = arith.index_cast %multiple_of3A_402 : i32 to index
      %swap3A_421 = tpu.vector_load %arg6[%swap3A_418, %swap3A_419, %swap3A_420] {strides = array<i32>} : memref<4x20x1000xi32, #tpu.memory_space<vmem>>, vector<1x1x16xi32>,
      %swap3A_422 = vector.shape_cast %swap3A_421 : vector<1x1x16xi32> to vector<16xi32>
      %swap3A_423 = vector.shape_cast %mul3A_415 : vector<16xi32> to vector<1x1x16xi32>
      tpu.vector_store %arg6[%swap3A_418, %swap3A_419, %swap3A_420], %swap3A_423 {strides = array<i32>} : memref<4x20x1000xi32, #tpu.memory_space<vmem>>, vector<1x1x16xi32>,
      %mul3A_424 = arith.constant 80 : i32
      %mul3A_425 = arith.muli %scan3A_10, %mul3A_424 : i32
      %add3A_426 = arith.constant 16 : i32
      %add3A_427 = arith.addi %mul3A_425, %add3A_426 : i32
      %get3A_428 = arith.index_cast %add3A_427 : i32 to index
      %get3A_429 = tpu.vector_load %arg5[%get3A_428] {strides = array<i32>} : memref<2560xi32, #tpu.memory_space<vmem>>, vector<16xi32>,
      %get3A_430 = vector.shape_cast %get3A_429 : vector<16xi32> to vector<16xi32>
      %slice3A_431 = vector.extract_strided_slice %get3A_430 {offsets = [0], sizes = [1], strides = [1]} : vector<16xi32> to vector<1xi32>
      %squeeze3A_432 = vector.extract %slice3A_431[0] : i32 from vector<1xi32>
      %and3A_433 = arith.constant -16 : i32
      %and3A_434 = arith.andi %squeeze3A_432, %and3A_433 : i32
      %multiple_of3A_435 = tpu.assume_multiple %and3A_434, 16 : i32
      %sub3A_436 = arith.subi %squeeze3A_432, %multiple_of3A_435 : i32
      %sub3A_437 = vector.broadcast %sub3A_436 : i32 to vector<16xi32>
      %sub3A_438 = arith.subi %iota3A, %sub3A_437 : vector<16xi32>
      %abs3A_439 = math.absi %sub3A_438 : vector<16xi32>
      %min3A_440 = arith.constant 31 : i32
      %min3A_441 = vector.broadcast %min3A_440 : i32 to vector<16xi32>
      %min3A_442 = arith.minsi %abs3A_439, %min3A_441 : vector<16xi32>
      %shift_right_arithmetic3A_443 = arith.constant 1 : i32
      %shift_right_arithmetic3A_444 = vector.broadcast %shift_right_arithmetic3A_443 : i32 to vector<16xi32>
      %shift_right_arithmetic3A_445 = arith.shrsi %shift_right_arithmetic3A_444, %min3A_442 : vector<16xi32>
      %mul3A_446 = arith.constant 1 : i32
      %mul3A_447 = vector.broadcast %mul3A_446 : i32 to vector<16xi32>
      %mul3A_448 = arith.muli %shift_right_arithmetic3A_445, %mul3A_447 : vector<16xi32>
      %swap3A_449 = arith.constant 0 : i32
      %swap3A_450 = arith.constant 16 : i32
      %swap3A_451 = arith.index_cast %swap3A_449 : i32 to index
      %swap3A_452 = arith.index_cast %swap3A_450 : i32 to index
      %swap3A_453 = arith.index_cast %multiple_of3A_435 : i32 to index
      %swap3A_454 = tpu.vector_load %arg6[%swap3A_451, %swap3A_452, %swap3A_453] {strides = array<i32>} : memref<4x20x1000xi32, #tpu.memory_space<vmem>>, vector<1x1x16xi32>,
      %swap3A_455 = vector.shape_cast %swap3A_454 : vector<1x1x16xi32> to vector<16xi32>
      %swap3A_456 = vector.shape_cast %mul3A_448 : vector<16xi32> to vector<1x1x16xi32>
      tpu.vector_store %arg6[%swap3A_451, %swap3A_452, %swap3A_453], %swap3A_456 {strides = array<i32>} : memref<4x20x1000xi32, #tpu.memory_space<vmem>>, vector<1x1x16xi32>,
      %slice3A_457 = vector.extract_strided_slice %get3A_430 {offsets = [1], sizes = [1], strides = [1]} : vector<16xi32> to vector<1xi32>
      %squeeze3A_458 = vector.extract %slice3A_457[0] : i32 from vector<1xi32>
      %and3A_459 = arith.constant -16 : i32
      %and3A_460 = arith.andi %squeeze3A_458, %and3A_459 : i32
      %multiple_of3A_461 = tpu.assume_multiple %and3A_460, 16 : i32
      %sub3A_462 = arith.subi %squeeze3A_458, %multiple_of3A_461 : i32
      %sub3A_463 = vector.broadcast %sub3A_462 : i32 to vector<16xi32>
      %sub3A_464 = arith.subi %iota3A, %sub3A_463 : vector<16xi32>
      %abs3A_465 = math.absi %sub3A_464 : vector<16xi32>
      %min3A_466 = arith.constant 31 : i32
      %min3A_467 = vector.broadcast %min3A_466 : i32 to vector<16xi32>
      %min3A_468 = arith.minsi %abs3A_465, %min3A_467 : vector<16xi32>
      %shift_right_arithmetic3A_469 = arith.constant 1 : i32
      %shift_right_arithmetic3A_470 = vector.broadcast %shift_right_arithmetic3A_469 : i32 to vector<16xi32>
      %shift_right_arithmetic3A_471 = arith.shrsi %shift_right_arithmetic3A_470, %min3A_468 : vector<16xi32>
      %mul3A_472 = arith.constant 1 : i32
      %mul3A_473 = vector.broadcast %mul3A_472 : i32 to vector<16xi32>
      %mul3A_474 = arith.muli %shift_right_arithmetic3A_471, %mul3A_473 : vector<16xi32>
      %swap3A_475 = arith.constant 0 : i32
      %swap3A_476 = arith.constant 17 : i32
      %swap3A_477 = arith.index_cast %swap3A_475 : i32 to index
      %swap3A_478 = arith.index_cast %swap3A_476 : i32 to index
      %swap3A_479 = arith.index_cast %multiple_of3A_461 : i32 to index
      %swap3A_480 = tpu.vector_load %arg6[%swap3A_477, %swap3A_478, %swap3A_479] {strides = array<i32>} : memref<4x20x1000xi32, #tpu.memory_space<vmem>>, vector<1x1x16xi32>,
      %swap3A_481 = vector.shape_cast %swap3A_480 : vector<1x1x16xi32> to vector<16xi32>
      %swap3A_482 = vector.shape_cast %mul3A_474 : vector<16xi32> to vector<1x1x16xi32>
      tpu.vector_store %arg6[%swap3A_477, %swap3A_478, %swap3A_479], %swap3A_482 {strides = array<i32>} : memref<4x20x1000xi32, #tpu.memory_space<vmem>>, vector<1x1x16xi32>,
      %slice3A_483 = vector.extract_strided_slice %get3A_430 {offsets = [2], sizes = [1], strides = [1]} : vector<16xi32> to vector<1xi32>
      %squeeze3A_484 = vector.extract %slice3A_483[0] : i32 from vector<1xi32>
      %and3A_485 = arith.constant -16 : i32
      %and3A_486 = arith.andi %squeeze3A_484, %and3A_485 : i32
      %multiple_of3A_487 = tpu.assume_multiple %and3A_486, 16 : i32
      %sub3A_488 = arith.subi %squeeze3A_484, %multiple_of3A_487 : i32
      %sub3A_489 = vector.broadcast %sub3A_488 : i32 to vector<16xi32>
      %sub3A_490 = arith.subi %iota3A, %sub3A_489 : vector<16xi32>
      %abs3A_491 = math.absi %sub3A_490 : vector<16xi32>
      %min3A_492 = arith.constant 31 : i32
      %min3A_493 = vector.broadcast %min3A_492 : i32 to vector<16xi32>
      %min3A_494 = arith.minsi %abs3A_491, %min3A_493 : vector<16xi32>
      %shift_right_arithmetic3A_495 = arith.constant 1 : i32
      %shift_right_arithmetic3A_496 = vector.broadcast %shift_right_arithmetic3A_495 : i32 to vector<16xi32>
      %shift_right_arithmetic3A_497 = arith.shrsi %shift_right_arithmetic3A_496, %min3A_494 : vector<16xi32>
      %mul3A_498 = arith.constant 1 : i32
      %mul3A_499 = vector.broadcast %mul3A_498 : i32 to vector<16xi32>
      %mul3A_500 = arith.muli %shift_right_arithmetic3A_497, %mul3A_499 : vector<16xi32>
      %swap3A_501 = arith.constant 0 : i32
      %swap3A_502 = arith.constant 18 : i32
      %swap3A_503 = arith.index_cast %swap3A_501 : i32 to index
      %swap3A_504 = arith.index_cast %swap3A_502 : i32 to index
      %swap3A_505 = arith.index_cast %multiple_of3A_487 : i32 to index
      %swap3A_506 = tpu.vector_load %arg6[%swap3A_503, %swap3A_504, %swap3A_505] {strides = array<i32>} : memref<4x20x1000xi32, #tpu.memory_space<vmem>>, vector<1x1x16xi32>,
      %swap3A_507 = vector.shape_cast %swap3A_506 : vector<1x1x16xi32> to vector<16xi32>
      %swap3A_508 = vector.shape_cast %mul3A_500 : vector<16xi32> to vector<1x1x16xi32>
      tpu.vector_store %arg6[%swap3A_503, %swap3A_504, %swap3A_505], %swap3A_508 {strides = array<i32>} : memref<4x20x1000xi32, #tpu.memory_space<vmem>>, vector<1x1x16xi32>,
      %slice3A_509 = vector.extract_strided_slice %get3A_430 {offsets = [3], sizes = [1], strides = [1]} : vector<16xi32> to vector<1xi32>
      %squeeze3A_510 = vector.extract %slice3A_509[0] : i32 from vector<1xi32>
      %and3A_511 = arith.constant -16 : i32
      %and3A_512 = arith.andi %squeeze3A_510, %and3A_511 : i32
      %multiple_of3A_513 = tpu.assume_multiple %and3A_512, 16 : i32
      %sub3A_514 = arith.subi %squeeze3A_510, %multiple_of3A_513 : i32
      %sub3A_515 = vector.broadcast %sub3A_514 : i32 to vector<16xi32>
      %sub3A_516 = arith.subi %iota3A, %sub3A_515 : vector<16xi32>
      %abs3A_517 = math.absi %sub3A_516 : vector<16xi32>
      %min3A_518 = arith.constant 31 : i32
      %min3A_519 = vector.broadcast %min3A_518 : i32 to vector<16xi32>
      %min3A_520 = arith.minsi %abs3A_517, %min3A_519 : vector<16xi32>
      %shift_right_arithmetic3A_521 = arith.constant 1 : i32
      %shift_right_arithmetic3A_522 = vector.broadcast %shift_right_arithmetic3A_521 : i32 to vector<16xi32>
      %shift_right_arithmetic3A_523 = arith.shrsi %shift_right_arithmetic3A_522, %min3A_520 : vector<16xi32>
      %mul3A_524 = arith.constant 1 : i32
      %mul3A_525 = vector.broadcast %mul3A_524 : i32 to vector<16xi32>
      %mul3A_526 = arith.muli %shift_right_arithmetic3A_523, %mul3A_525 : vector<16xi32>
      %swap3A_527 = arith.constant 0 : i32
      %swap3A_528 = arith.constant 19 : i32
      %swap3A_529 = arith.index_cast %swap3A_527 : i32 to index
      %swap3A_530 = arith.index_cast %swap3A_528 : i32 to index
      %swap3A_531 = arith.index_cast %multiple_of3A_513 : i32 to index
      %swap3A_532 = tpu.vector_load %arg6[%swap3A_529, %swap3A_530, %swap3A_531] {strides = array<i32>} : memref<4x20x1000xi32, #tpu.memory_space<vmem>>, vector<1x1x16xi32>,
      %swap3A_533 = vector.shape_cast %swap3A_532 : vector<1x1x16xi32> to vector<16xi32>
      %swap3A_534 = vector.shape_cast %mul3A_526 : vector<16xi32> to vector<1x1x16xi32>
      tpu.vector_store %arg6[%swap3A_529, %swap3A_530, %swap3A_531], %swap3A_534 {strides = array<i32>} : memref<4x20x1000xi32, #tpu.memory_space<vmem>>, vector<1x1x16xi32>,
      %slice3A_535 = vector.extract_strided_slice %get3A_430 {offsets = [4], sizes = [1], strides = [1]} : vector<16xi32> to vector<1xi32>
      %squeeze3A_536 = vector.extract %slice3A_535[0] : i32 from vector<1xi32>
      %and3A_537 = arith.constant -16 : i32
      %and3A_538 = arith.andi %squeeze3A_536, %and3A_537 : i32
      %multiple_of3A_539 = tpu.assume_multiple %and3A_538, 16 : i32
      %sub3A_540 = arith.subi %squeeze3A_536, %multiple_of3A_539 : i32
      %sub3A_541 = vector.broadcast %sub3A_540 : i32 to vector<16xi32>
      %sub3A_542 = arith.subi %iota3A, %sub3A_541 : vector<16xi32>
      %abs3A_543 = math.absi %sub3A_542 : vector<16xi32>
      %min3A_544 = arith.constant 31 : i32
      %min3A_545 = vector.broadcast %min3A_544 : i32 to vector<16xi32>
      %min3A_546 = arith.minsi %abs3A_543, %min3A_545 : vector<16xi32>
      %shift_right_arithmetic3A_547 = arith.constant 1 : i32
      %shift_right_arithmetic3A_548 = vector.broadcast %shift_right_arithmetic3A_547 : i32 to vector<16xi32>
      %shift_right_arithmetic3A_549 = arith.shrsi %shift_right_arithmetic3A_548, %min3A_546 : vector<16xi32>
      %mul3A_550 = arith.constant 1 : i32
      %mul3A_551 = vector.broadcast %mul3A_550 : i32 to vector<16xi32>
      %mul3A_552 = arith.muli %shift_right_arithmetic3A_549, %mul3A_551 : vector<16xi32>
      %swap3A_553 = arith.constant 1 : i32
      %swap3A_554 = arith.constant 0 : i32
      %swap3A_555 = arith.index_cast %swap3A_553 : i32 to index
      %swap3A_556 = arith.index_cast %swap3A_554 : i32 to index
      %swap3A_557 = arith.index_cast %multiple_of3A_539 : i32 to index
      %swap3A_558 = tpu.vector_load %arg6[%swap3A_555, %swap3A_556, %swap3A_557] {strides = array<i32>} : memref<4x20x1000xi32, #tpu.memory_space<vmem>>, vector<1x1x16xi32>,
      %swap3A_559 = vector.shape_cast %swap3A_558 : vector<1x1x16xi32> to vector<16xi32>
      %swap3A_560 = vector.shape_cast %mul3A_552 : vector<16xi32> to vector<1x1x16xi32>
      tpu.vector_store %arg6[%swap3A_555, %swap3A_556, %swap3A_557], %swap3A_560 {strides = array<i32>} : memref<4x20x1000xi32, #tpu.memory_space<vmem>>, vector<1x1x16xi32>,
      %slice3A_561 = vector.extract_strided_slice %get3A_430 {offsets = [5], sizes = [1], strides = [1]} : vector<16xi32> to vector<1xi32>
      %squeeze3A_562 = vector.extract %slice3A_561[0] : i32 from vector<1xi32>
      %and3A_563 = arith.constant -16 : i32
      %and3A_564 = arith.andi %squeeze3A_562, %and3A_563 : i32
      %multiple_of3A_565 = tpu.assume_multiple %and3A_564, 16 : i32
      %sub3A_566 = arith.subi %squeeze3A_562, %multiple_of3A_565 : i32
      %sub3A_567 = vector.broadcast %sub3A_566 : i32 to vector<16xi32>
      %sub3A_568 = arith.subi %iota3A, %sub3A_567 : vector<16xi32>
      %abs3A_569 = math.absi %sub3A_568 : vector<16xi32>
      %min3A_570 = arith.constant 31 : i32
      %min3A_571 = vector.broadcast %min3A_570 : i32 to vector<16xi32>
      %min3A_572 = arith.minsi %abs3A_569, %min3A_571 : vector<16xi32>
      %shift_right_arithmetic3A_573 = arith.constant 1 : i32
      %shift_right_arithmetic3A_574 = vector.broadcast %shift_right_arithmetic3A_573 : i32 to vector<16xi32>
      %shift_right_arithmetic3A_575 = arith.shrsi %shift_right_arithmetic3A_574, %min3A_572 : vector<16xi32>
      %mul3A_576 = arith.constant 1 : i32
      %mul3A_577 = vector.broadcast %mul3A_576 : i32 to vector<16xi32>
      %mul3A_578 = arith.muli %shift_right_arithmetic3A_575, %mul3A_577 : vector<16xi32>
      %swap3A_579 = arith.constant 1 : i32
      %swap3A_580 = arith.constant 1 : i32
      %swap3A_581 = arith.index_cast %swap3A_579 : i32 to index
      %swap3A_582 = arith.index_cast %swap3A_580 : i32 to index
      %swap3A_583 = arith.index_cast %multiple_of3A_565 : i32 to index
      %swap3A_584 = tpu.vector_load %arg6[%swap3A_581, %swap3A_582, %swap3A_583] {strides = array<i32>} : memref<4x20x1000xi32, #tpu.memory_space<vmem>>, vector<1x1x16xi32>,
      %swap3A_585 = vector.shape_cast %swap3A_584 : vector<1x1x16xi32> to vector<16xi32>
      %swap3A_586 = vector.shape_cast %mul3A_578 : vector<16xi32> to vector<1x1x16xi32>
      tpu.vector_store %arg6[%swap3A_581, %swap3A_582, %swap3A_583], %swap3A_586 {strides = array<i32>} : memref<4x20x1000xi32, #tpu.memory_space<vmem>>, vector<1x1x16xi32>,
      %slice3A_587 = vector.extract_strided_slice %get3A_430 {offsets = [6], sizes = [1], strides = [1]} : vector<16xi32> to vector<1xi32>
      %squeeze3A_588 = vector.extract %slice3A_587[0] : i32 from vector<1xi32>
      %and3A_589 = arith.constant -16 : i32
      %and3A_590 = arith.andi %squeeze3A_588, %and3A_589 : i32
      %multiple_of3A_591 = tpu.assume_multiple %and3A_590, 16 : i32
      %sub3A_592 = arith.subi %squeeze3A_588, %multiple_of3A_591 : i32
      %sub3A_593 = vector.broadcast %sub3A_592 : i32 to vector<16xi32>
      %sub3A_594 = arith.subi %iota3A, %sub3A_593 : vector<16xi32>
      %abs3A_595 = math.absi %sub3A_594 : vector<16xi32>
      %min3A_596 = arith.constant 31 : i32
      %min3A_597 = vector.broadcast %min3A_596 : i32 to vector<16xi32>
      %min3A_598 = arith.minsi %abs3A_595, %min3A_597 : vector<16xi32>
      %shift_right_arithmetic3A_599 = arith.constant 1 : i32
      %shift_right_arithmetic3A_600 = vector.broadcast %shift_right_arithmetic3A_599 : i32 to vector<16xi32>
      %shift_right_arithmetic3A_601 = arith.shrsi %shift_right_arithmetic3A_600, %min3A_598 : vector<16xi32>
      %mul3A_602 = arith.constant 1 : i32
      %mul3A_603 = vector.broadcast %mul3A_602 : i32 to vector<16xi32>
      %mul3A_604 = arith.muli %shift_right_arithmetic3A_601, %mul3A_603 : vector<16xi32>
      %swap3A_605 = arith.constant 1 : i32
      %swap3A_606 = arith.constant 2 : i32
      %swap3A_607 = arith.index_cast %swap3A_605 : i32 to index
      %swap3A_608 = arith.index_cast %swap3A_606 : i32 to index
      %swap3A_609 = arith.index_cast %multiple_of3A_591 : i32 to index
      %swap3A_610 = tpu.vector_load %arg6[%swap3A_607, %swap3A_608, %swap3A_609] {strides = array<i32>} : memref<4x20x1000xi32, #tpu.memory_space<vmem>>, vector<1x1x16xi32>,
      %swap3A_611 = vector.shape_cast %swap3A_610 : vector<1x1x16xi32> to vector<16xi32>
      %swap3A_612 = vector.shape_cast %mul3A_604 : vector<16xi32> to vector<1x1x16xi32>
      tpu.vector_store %arg6[%swap3A_607, %swap3A_608, %swap3A_609], %swap3A_612 {strides = array<i32>} : memref<4x20x1000xi32, #tpu.memory_space<vmem>>, vector<1x1x16xi32>,
      %slice3A_613 = vector.extract_strided_slice %get3A_430 {offsets = [7], sizes = [1], strides = [1]} : vector<16xi32> to vector<1xi32>
      %squeeze3A_614 = vector.extract %slice3A_613[0] : i32 from vector<1xi32>
      %and3A_615 = arith.constant -16 : i32
      %and3A_616 = arith.andi %squeeze3A_614, %and3A_615 : i32
      %multiple_of3A_617 = tpu.assume_multiple %and3A_616, 16 : i32
      %sub3A_618 = arith.subi %squeeze3A_614, %multiple_of3A_617 : i32
      %sub3A_619 = vector.broadcast %sub3A_618 : i32 to vector<16xi32>
      %sub3A_620 = arith.subi %iota3A, %sub3A_619 : vector<16xi32>
      %abs3A_621 = math.absi %sub3A_620 : vector<16xi32>
      %min3A_622 = arith.constant 31 : i32
      %min3A_623 = vector.broadcast %min3A_622 : i32 to vector<16xi32>
      %min3A_624 = arith.minsi %abs3A_621, %min3A_623 : vector<16xi32>
      %shift_right_arithmetic3A_625 = arith.constant 1 : i32
      %shift_right_arithmetic3A_626 = vector.broadcast %shift_right_arithmetic3A_625 : i32 to vector<16xi32>
      %shift_right_arithmetic3A_627 = arith.shrsi %shift_right_arithmetic3A_626, %min3A_624 : vector<16xi32>
      %mul3A_628 = arith.constant 1 : i32
      %mul3A_629 = vector.broadcast %mul3A_628 : i32 to vector<16xi32>
      %mul3A_630 = arith.muli %shift_right_arithmetic3A_627, %mul3A_629 : vector<16xi32>
      %swap3A_631 = arith.constant 1 : i32
      %swap3A_632 = arith.constant 3 : i32
      %swap3A_633 = arith.index_cast %swap3A_631 : i32 to index
      %swap3A_634 = arith.index_cast %swap3A_632 : i32 to index
      %swap3A_635 = arith.index_cast %multiple_of3A_617 : i32 to index
      %swap3A_636 = tpu.vector_load %arg6[%swap3A_633, %swap3A_634, %swap3A_635] {strides = array<i32>} : memref<4x20x1000xi32, #tpu.memory_space<vmem>>, vector<1x1x16xi32>,
      %swap3A_637 = vector.shape_cast %swap3A_636 : vector<1x1x16xi32> to vector<16xi32>
      %swap3A_638 = vector.shape_cast %mul3A_630 : vector<16xi32> to vector<1x1x16xi32>
      tpu.vector_store %arg6[%swap3A_633, %swap3A_634, %swap3A_635], %swap3A_638 {strides = array<i32>} : memref<4x20x1000xi32, #tpu.memory_space<vmem>>, vector<1x1x16xi32>,
      %slice3A_639 = vector.extract_strided_slice %get3A_430 {offsets = [8], sizes = [1], strides = [1]} : vector<16xi32> to vector<1xi32>
      %squeeze3A_640 = vector.extract %slice3A_639[0] : i32 from vector<1xi32>
      %and3A_641 = arith.constant -16 : i32
      %and3A_642 = arith.andi %squeeze3A_640, %and3A_641 : i32
      %multiple_of3A_643 = tpu.assume_multiple %and3A_642, 16 : i32
      %sub3A_644 = arith.subi %squeeze3A_640, %multiple_of3A_643 : i32
      %sub3A_645 = vector.broadcast %sub3A_644 : i32 to vector<16xi32>
      %sub3A_646 = arith.subi %iota3A, %sub3A_645 : vector<16xi32>
      %abs3A_647 = math.absi %sub3A_646 : vector<16xi32>
      %min3A_648 = arith.constant 31 : i32
      %min3A_649 = vector.broadcast %min3A_648 : i32 to vector<16xi32>
      %min3A_650 = arith.minsi %abs3A_647, %min3A_649 : vector<16xi32>
      %shift_right_arithmetic3A_651 = arith.constant 1 : i32
      %shift_right_arithmetic3A_652 = vector.broadcast %shift_right_arithmetic3A_651 : i32 to vector<16xi32>
      %shift_right_arithmetic3A_653 = arith.shrsi %shift_right_arithmetic3A_652, %min3A_650 : vector<16xi32>
      %mul3A_654 = arith.constant 1 : i32
      %mul3A_655 = vector.broadcast %mul3A_654 : i32 to vector<16xi32>
      %mul3A_656 = arith.muli %shift_right_arithmetic3A_653, %mul3A_655 : vector<16xi32>
      %swap3A_657 = arith.constant 1 : i32
      %swap3A_658 = arith.constant 4 : i32
      %swap3A_659 = arith.index_cast %swap3A_657 : i32 to index
      %swap3A_660 = arith.index_cast %swap3A_658 : i32 to index
      %swap3A_661 = arith.index_cast %multiple_of3A_643 : i32 to index
      %swap3A_662 = tpu.vector_load %arg6[%swap3A_659, %swap3A_660, %swap3A_661] {strides = array<i32>} : memref<4x20x1000xi32, #tpu.memory_space<vmem>>, vector<1x1x16xi32>,
      %swap3A_663 = vector.shape_cast %swap3A_662 : vector<1x1x16xi32> to vector<16xi32>
      %swap3A_664 = vector.shape_cast %mul3A_656 : vector<16xi32> to vector<1x1x16xi32>
      tpu.vector_store %arg6[%swap3A_659, %swap3A_660, %swap3A_661], %swap3A_664 {strides = array<i32>} : memref<4x20x1000xi32, #tpu.memory_space<vmem>>, vector<1x1x16xi32>,
      %slice3A_665 = vector.extract_strided_slice %get3A_430 {offsets = [9], sizes = [1], strides = [1]} : vector<16xi32> to vector<1xi32>
      %squeeze3A_666 = vector.extract %slice3A_665[0] : i32 from vector<1xi32>
      %and3A_667 = arith.constant -16 : i32
      %and3A_668 = arith.andi %squeeze3A_666, %and3A_667 : i32
      %multiple_of3A_669 = tpu.assume_multiple %and3A_668, 16 : i32
      %sub3A_670 = arith.subi %squeeze3A_666, %multiple_of3A_669 : i32
      %sub3A_671 = vector.broadcast %sub3A_670 : i32 to vector<16xi32>
      %sub3A_672 = arith.subi %iota3A, %sub3A_671 : vector<16xi32>
      %abs3A_673 = math.absi %sub3A_672 : vector<16xi32>
      %min3A_674 = arith.constant 31 : i32
      %min3A_675 = vector.broadcast %min3A_674 : i32 to vector<16xi32>
      %min3A_676 = arith.minsi %abs3A_673, %min3A_675 : vector<16xi32>
      %shift_right_arithmetic3A_677 = arith.constant 1 : i32
      %shift_right_arithmetic3A_678 = vector.broadcast %shift_right_arithmetic3A_677 : i32 to vector<16xi32>
      %shift_right_arithmetic3A_679 = arith.shrsi %shift_right_arithmetic3A_678, %min3A_676 : vector<16xi32>
      %mul3A_680 = arith.constant 1 : i32
      %mul3A_681 = vector.broadcast %mul3A_680 : i32 to vector<16xi32>
      %mul3A_682 = arith.muli %shift_right_arithmetic3A_679, %mul3A_681 : vector<16xi32>
      %swap3A_683 = arith.constant 1 : i32
      %swap3A_684 = arith.constant 5 : i32
      %swap3A_685 = arith.index_cast %swap3A_683 : i32 to index
      %swap3A_686 = arith.index_cast %swap3A_684 : i32 to index
      %swap3A_687 = arith.index_cast %multiple_of3A_669 : i32 to index
      %swap3A_688 = tpu.vector_load %arg6[%swap3A_685, %swap3A_686, %swap3A_687] {strides = array<i32>} : memref<4x20x1000xi32, #tpu.memory_space<vmem>>, vector<1x1x16xi32>,
      %swap3A_689 = vector.shape_cast %swap3A_688 : vector<1x1x16xi32> to vector<16xi32>
      %swap3A_690 = vector.shape_cast %mul3A_682 : vector<16xi32> to vector<1x1x16xi32>
      tpu.vector_store %arg6[%swap3A_685, %swap3A_686, %swap3A_687], %swap3A_690 {strides = array<i32>} : memref<4x20x1000xi32, #tpu.memory_space<vmem>>, vector<1x1x16xi32>,
      %slice3A_691 = vector.extract_strided_slice %get3A_430 {offsets = [10], sizes = [1], strides = [1]} : vector<16xi32> to vector<1xi32>
      %squeeze3A_692 = vector.extract %slice3A_691[0] : i32 from vector<1xi32>
      %and3A_693 = arith.constant -16 : i32
      %and3A_694 = arith.andi %squeeze3A_692, %and3A_693 : i32
      %multiple_of3A_695 = tpu.assume_multiple %and3A_694, 16 : i32
      %sub3A_696 = arith.subi %squeeze3A_692, %multiple_of3A_695 : i32
      %sub3A_697 = vector.broadcast %sub3A_696 : i32 to vector<16xi32>
      %sub3A_698 = arith.subi %iota3A, %sub3A_697 : vector<16xi32>
      %abs3A_699 = math.absi %sub3A_698 : vector<16xi32>
      %min3A_700 = arith.constant 31 : i32
      %min3A_701 = vector.broadcast %min3A_700 : i32 to vector<16xi32>
      %min3A_702 = arith.minsi %abs3A_699, %min3A_701 : vector<16xi32>
      %shift_right_arithmetic3A_703 = arith.constant 1 : i32
      %shift_right_arithmetic3A_704 = vector.broadcast %shift_right_arithmetic3A_703 : i32 to vector<16xi32>
      %shift_right_arithmetic3A_705 = arith.shrsi %shift_right_arithmetic3A_704, %min3A_702 : vector<16xi32>
      %mul3A_706 = arith.constant 1 : i32
      %mul3A_707 = vector.broadcast %mul3A_706 : i32 to vector<16xi32>
      %mul3A_708 = arith.muli %shift_right_arithmetic3A_705, %mul3A_707 : vector<16xi32>
      %swap3A_709 = arith.constant 1 : i32
      %swap3A_710 = arith.constant 6 : i32
      %swap3A_711 = arith.index_cast %swap3A_709 : i32 to index
      %swap3A_712 = arith.index_cast %swap3A_710 : i32 to index
      %swap3A_713 = arith.index_cast %multiple_of3A_695 : i32 to index
      %swap3A_714 = tpu.vector_load %arg6[%swap3A_711, %swap3A_712, %swap3A_713] {strides = array<i32>} : memref<4x20x1000xi32, #tpu.memory_space<vmem>>, vector<1x1x16xi32>,
      %swap3A_715 = vector.shape_cast %swap3A_714 : vector<1x1x16xi32> to vector<16xi32>
      %swap3A_716 = vector.shape_cast %mul3A_708 : vector<16xi32> to vector<1x1x16xi32>
      tpu.vector_store %arg6[%swap3A_711, %swap3A_712, %swap3A_713], %swap3A_716 {strides = array<i32>} : memref<4x20x1000xi32, #tpu.memory_space<vmem>>, vector<1x1x16xi32>,
      %slice3A_717 = vector.extract_strided_slice %get3A_430 {offsets = [11], sizes = [1], strides = [1]} : vector<16xi32> to vector<1xi32>
      %squeeze3A_718 = vector.extract %slice3A_717[0] : i32 from vector<1xi32>
      %and3A_719 = arith.constant -16 : i32
      %and3A_720 = arith.andi %squeeze3A_718, %and3A_719 : i32
      %multiple_of3A_721 = tpu.assume_multiple %and3A_720, 16 : i32
      %sub3A_722 = arith.subi %squeeze3A_718, %multiple_of3A_721 : i32
      %sub3A_723 = vector.broadcast %sub3A_722 : i32 to vector<16xi32>
      %sub3A_724 = arith.subi %iota3A, %sub3A_723 : vector<16xi32>
      %abs3A_725 = math.absi %sub3A_724 : vector<16xi32>
      %min3A_726 = arith.constant 31 : i32
      %min3A_727 = vector.broadcast %min3A_726 : i32 to vector<16xi32>
      %min3A_728 = arith.minsi %abs3A_725, %min3A_727 : vector<16xi32>
      %shift_right_arithmetic3A_729 = arith.constant 1 : i32
      %shift_right_arithmetic3A_730 = vector.broadcast %shift_right_arithmetic3A_729 : i32 to vector<16xi32>
      %shift_right_arithmetic3A_731 = arith.shrsi %shift_right_arithmetic3A_730, %min3A_728 : vector<16xi32>
      %mul3A_732 = arith.constant 1 : i32
      %mul3A_733 = vector.broadcast %mul3A_732 : i32 to vector<16xi32>
      %mul3A_734 = arith.muli %shift_right_arithmetic3A_731, %mul3A_733 : vector<16xi32>
      %swap3A_735 = arith.constant 1 : i32
      %swap3A_736 = arith.constant 7 : i32
      %swap3A_737 = arith.index_cast %swap3A_735 : i32 to index
      %swap3A_738 = arith.index_cast %swap3A_736 : i32 to index
      %swap3A_739 = arith.index_cast %multiple_of3A_721 : i32 to index
      %swap3A_740 = tpu.vector_load %arg6[%swap3A_737, %swap3A_738, %swap3A_739] {strides = array<i32>} : memref<4x20x1000xi32, #tpu.memory_space<vmem>>, vector<1x1x16xi32>,
      %swap3A_741 = vector.shape_cast %swap3A_740 : vector<1x1x16xi32> to vector<16xi32>
      %swap3A_742 = vector.shape_cast %mul3A_734 : vector<16xi32> to vector<1x1x16xi32>
      tpu.vector_store %arg6[%swap3A_737, %swap3A_738, %swap3A_739], %swap3A_742 {strides = array<i32>} : memref<4x20x1000xi32, #tpu.memory_space<vmem>>, vector<1x1x16xi32>,
      %slice3A_743 = vector.extract_strided_slice %get3A_430 {offsets = [12], sizes = [1], strides = [1]} : vector<16xi32> to vector<1xi32>
      %squeeze3A_744 = vector.extract %slice3A_743[0] : i32 from vector<1xi32>
      %and3A_745 = arith.constant -16 : i32
      %and3A_746 = arith.andi %squeeze3A_744, %and3A_745 : i32
      %multiple_of3A_747 = tpu.assume_multiple %and3A_746, 16 : i32
      %sub3A_748 = arith.subi %squeeze3A_744, %multiple_of3A_747 : i32
      %sub3A_749 = vector.broadcast %sub3A_748 : i32 to vector<16xi32>
      %sub3A_750 = arith.subi %iota3A, %sub3A_749 : vector<16xi32>
      %abs3A_751 = math.absi %sub3A_750 : vector<16xi32>
      %min3A_752 = arith.constant 31 : i32
      %min3A_753 = vector.broadcast %min3A_752 : i32 to vector<16xi32>
      %min3A_754 = arith.minsi %abs3A_751, %min3A_753 : vector<16xi32>
      %shift_right_arithmetic3A_755 = arith.constant 1 : i32
      %shift_right_arithmetic3A_756 = vector.broadcast %shift_right_arithmetic3A_755 : i32 to vector<16xi32>
      %shift_right_arithmetic3A_757 = arith.shrsi %shift_right_arithmetic3A_756, %min3A_754 : vector<16xi32>
      %mul3A_758 = arith.constant 1 : i32
      %mul3A_759 = vector.broadcast %mul3A_758 : i32 to vector<16xi32>
      %mul3A_760 = arith.muli %shift_right_arithmetic3A_757, %mul3A_759 : vector<16xi32>
      %swap3A_761 = arith.constant 1 : i32
      %swap3A_762 = arith.constant 8 : i32
      %swap3A_763 = arith.index_cast %swap3A_761 : i32 to index
      %swap3A_764 = arith.index_cast %swap3A_762 : i32 to index
      %swap3A_765 = arith.index_cast %multiple_of3A_747 : i32 to index
      %swap3A_766 = tpu.vector_load %arg6[%swap3A_763, %swap3A_764, %swap3A_765] {strides = array<i32>} : memref<4x20x1000xi32, #tpu.memory_space<vmem>>, vector<1x1x16xi32>,
      %swap3A_767 = vector.shape_cast %swap3A_766 : vector<1x1x16xi32> to vector<16xi32>
      %swap3A_768 = vector.shape_cast %mul3A_760 : vector<16xi32> to vector<1x1x16xi32>
      tpu.vector_store %arg6[%swap3A_763, %swap3A_764, %swap3A_765], %swap3A_768 {strides = array<i32>} : memref<4x20x1000xi32, #tpu.memory_space<vmem>>, vector<1x1x16xi32>,
      %slice3A_769 = vector.extract_strided_slice %get3A_430 {offsets = [13], sizes = [1], strides = [1]} : vector<16xi32> to vector<1xi32>
      %squeeze3A_770 = vector.extract %slice3A_769[0] : i32 from vector<1xi32>
      %and3A_771 = arith.constant -16 : i32
      %and3A_772 = arith.andi %squeeze3A_770, %and3A_771 : i32
      %multiple_of3A_773 = tpu.assume_multiple %and3A_772, 16 : i32
      %sub3A_774 = arith.subi %squeeze3A_770, %multiple_of3A_773 : i32
      %sub3A_775 = vector.broadcast %sub3A_774 : i32 to vector<16xi32>
      %sub3A_776 = arith.subi %iota3A, %sub3A_775 : vector<16xi32>
      %abs3A_777 = math.absi %sub3A_776 : vector<16xi32>
      %min3A_778 = arith.constant 31 : i32
      %min3A_779 = vector.broadcast %min3A_778 : i32 to vector<16xi32>
      %min3A_780 = arith.minsi %abs3A_777, %min3A_779 : vector<16xi32>
      %shift_right_arithmetic3A_781 = arith.constant 1 : i32
      %shift_right_arithmetic3A_782 = vector.broadcast %shift_right_arithmetic3A_781 : i32 to vector<16xi32>
      %shift_right_arithmetic3A_783 = arith.shrsi %shift_right_arithmetic3A_782, %min3A_780 : vector<16xi32>
      %mul3A_784 = arith.constant 1 : i32
      %mul3A_785 = vector.broadcast %mul3A_784 : i32 to vector<16xi32>
      %mul3A_786 = arith.muli %shift_right_arithmetic3A_783, %mul3A_785 : vector<16xi32>
      %swap3A_787 = arith.constant 1 : i32
      %swap3A_788 = arith.constant 9 : i32
      %swap3A_789 = arith.index_cast %swap3A_787 : i32 to index
      %swap3A_790 = arith.index_cast %swap3A_788 : i32 to index
      %swap3A_791 = arith.index_cast %multiple_of3A_773 : i32 to index
      %swap3A_792 = tpu.vector_load %arg6[%swap3A_789, %swap3A_790, %swap3A_791] {strides = array<i32>} : memref<4x20x1000xi32, #tpu.memory_space<vmem>>, vector<1x1x16xi32>,
      %swap3A_793 = vector.shape_cast %swap3A_792 : vector<1x1x16xi32> to vector<16xi32>
      %swap3A_794 = vector.shape_cast %mul3A_786 : vector<16xi32> to vector<1x1x16xi32>
      tpu.vector_store %arg6[%swap3A_789, %swap3A_790, %swap3A_791], %swap3A_794 {strides = array<i32>} : memref<4x20x1000xi32, #tpu.memory_space<vmem>>, vector<1x1x16xi32>,
      %slice3A_795 = vector.extract_strided_slice %get3A_430 {offsets = [14], sizes = [1], strides = [1]} : vector<16xi32> to vector<1xi32>
      %squeeze3A_796 = vector.extract %slice3A_795[0] : i32 from vector<1xi32>
      %and3A_797 = arith.constant -16 : i32
      %and3A_798 = arith.andi %squeeze3A_796, %and3A_797 : i32
      %multiple_of3A_799 = tpu.assume_multiple %and3A_798, 16 : i32
      %sub3A_800 = arith.subi %squeeze3A_796, %multiple_of3A_799 : i32
      %sub3A_801 = vector.broadcast %sub3A_800 : i32 to vector<16xi32>
      %sub3A_802 = arith.subi %iota3A, %sub3A_801 : vector<16xi32>
      %abs3A_803 = math.absi %sub3A_802 : vector<16xi32>
      %min3A_804 = arith.constant 31 : i32
      %min3A_805 = vector.broadcast %min3A_804 : i32 to vector<16xi32>
      %min3A_806 = arith.minsi %abs3A_803, %min3A_805 : vector<16xi32>
      %shift_right_arithmetic3A_807 = arith.constant 1 : i32
      %shift_right_arithmetic3A_808 = vector.broadcast %shift_right_arithmetic3A_807 : i32 to vector<16xi32>
      %shift_right_arithmetic3A_809 = arith.shrsi %shift_right_arithmetic3A_808, %min3A_806 : vector<16xi32>
      %mul3A_810 = arith.constant 1 : i32
      %mul3A_811 = vector.broadcast %mul3A_810 : i32 to vector<16xi32>
      %mul3A_812 = arith.muli %shift_right_arithmetic3A_809, %mul3A_811 : vector<16xi32>
      %swap3A_813 = arith.constant 1 : i32
      %swap3A_814 = arith.constant 10 : i32
      %swap3A_815 = arith.index_cast %swap3A_813 : i32 to index
      %swap3A_816 = arith.index_cast %swap3A_814 : i32 to index
      %swap3A_817 = arith.index_cast %multiple_of3A_799 : i32 to index
      %swap3A_818 = tpu.vector_load %arg6[%swap3A_815, %swap3A_816, %swap3A_817] {strides = array<i32>} : memref<4x20x1000xi32, #tpu.memory_space<vmem>>, vector<1x1x16xi32>,
      %swap3A_819 = vector.shape_cast %swap3A_818 : vector<1x1x16xi32> to vector<16xi32>
      %swap3A_820 = vector.shape_cast %mul3A_812 : vector<16xi32> to vector<1x1x16xi32>
      tpu.vector_store %arg6[%swap3A_815, %swap3A_816, %swap3A_817], %swap3A_820 {strides = array<i32>} : memref<4x20x1000xi32, #tpu.memory_space<vmem>>, vector<1x1x16xi32>,
      %slice3A_821 = vector.extract_strided_slice %get3A_430 {offsets = [15], sizes = [1], strides = [1]} : vector<16xi32> to vector<1xi32>
      %squeeze3A_822 = vector.extract %slice3A_821[0] : i32 from vector<1xi32>
      %and3A_823 = arith.constant -16 : i32
      %and3A_824 = arith.andi %squeeze3A_822, %and3A_823 : i32
      %multiple_of3A_825 = tpu.assume_multiple %and3A_824, 16 : i32
      %sub3A_826 = arith.subi %squeeze3A_822, %multiple_of3A_825 : i32
      %sub3A_827 = vector.broadcast %sub3A_826 : i32 to vector<16xi32>
      %sub3A_828 = arith.subi %iota3A, %sub3A_827 : vector<16xi32>
      %abs3A_829 = math.absi %sub3A_828 : vector<16xi32>
      %min3A_830 = arith.constant 31 : i32
      %min3A_831 = vector.broadcast %min3A_830 : i32 to vector<16xi32>
      %min3A_832 = arith.minsi %abs3A_829, %min3A_831 : vector<16xi32>
      %shift_right_arithmetic3A_833 = arith.constant 1 : i32
      %shift_right_arithmetic3A_834 = vector.broadcast %shift_right_arithmetic3A_833 : i32 to vector<16xi32>
      %shift_right_arithmetic3A_835 = arith.shrsi %shift_right_arithmetic3A_834, %min3A_832 : vector<16xi32>
      %mul3A_836 = arith.constant 1 : i32
      %mul3A_837 = vector.broadcast %mul3A_836 : i32 to vector<16xi32>
      %mul3A_838 = arith.muli %shift_right_arithmetic3A_835, %mul3A_837 : vector<16xi32>
      %swap3A_839 = arith.constant 1 : i32
      %swap3A_840 = arith.constant 11 : i32
      %swap3A_841 = arith.index_cast %swap3A_839 : i32 to index
      %swap3A_842 = arith.index_cast %swap3A_840 : i32 to index
      %swap3A_843 = arith.index_cast %multiple_of3A_825 : i32 to index
      %swap3A_844 = tpu.vector_load %arg6[%swap3A_841, %swap3A_842, %swap3A_843] {strides = array<i32>} : memref<4x20x1000xi32, #tpu.memory_space<vmem>>, vector<1x1x16xi32>,
      %swap3A_845 = vector.shape_cast %swap3A_844 : vector<1x1x16xi32> to vector<16xi32>
      %swap3A_846 = vector.shape_cast %mul3A_838 : vector<16xi32> to vector<1x1x16xi32>
      tpu.vector_store %arg6[%swap3A_841, %swap3A_842, %swap3A_843], %swap3A_846 {strides = array<i32>} : memref<4x20x1000xi32, #tpu.memory_space<vmem>>, vector<1x1x16xi32>,
      %mul3A_847 = arith.constant 80 : i32
      %mul3A_848 = arith.muli %scan3A_10, %mul3A_847 : i32
      %add3A_849 = arith.constant 32 : i32
      %add3A_850 = arith.addi %mul3A_848, %add3A_849 : i32
      %get3A_851 = arith.index_cast %add3A_850 : i32 to index
      %get3A_852 = tpu.vector_load %arg5[%get3A_851] {strides = array<i32>} : memref<2560xi32, #tpu.memory_space<vmem>>, vector<16xi32>,
      %get3A_853 = vector.shape_cast %get3A_852 : vector<16xi32> to vector<16xi32>
      %slice3A_854 = vector.extract_strided_slice %get3A_853 {offsets = [0], sizes = [1], strides = [1]} : vector<16xi32> to vector<1xi32>
      %squeeze3A_855 = vector.extract %slice3A_854[0] : i32 from vector<1xi32>
      %and3A_856 = arith.constant -16 : i32
      %and3A_857 = arith.andi %squeeze3A_855, %and3A_856 : i32
      %multiple_of3A_858 = tpu.assume_multiple %and3A_857, 16 : i32
      %sub3A_859 = arith.subi %squeeze3A_855, %multiple_of3A_858 : i32
      %sub3A_860 = vector.broadcast %sub3A_859 : i32 to vector<16xi32>
      %sub3A_861 = arith.subi %iota3A, %sub3A_860 : vector<16xi32>
      %abs3A_862 = math.absi %sub3A_861 : vector<16xi32>
      %min3A_863 = arith.constant 31 : i32
      %min3A_864 = vector.broadcast %min3A_863 : i32 to vector<16xi32>
      %min3A_865 = arith.minsi %abs3A_862, %min3A_864 : vector<16xi32>
      %shift_right_arithmetic3A_866 = arith.constant 1 : i32
      %shift_right_arithmetic3A_867 = vector.broadcast %shift_right_arithmetic3A_866 : i32 to vector<16xi32>
      %shift_right_arithmetic3A_868 = arith.shrsi %shift_right_arithmetic3A_867, %min3A_865 : vector<16xi32>
      %mul3A_869 = arith.constant 1 : i32
      %mul3A_870 = vector.broadcast %mul3A_869 : i32 to vector<16xi32>
      %mul3A_871 = arith.muli %shift_right_arithmetic3A_868, %mul3A_870 : vector<16xi32>
      %swap3A_872 = arith.constant 1 : i32
      %swap3A_873 = arith.constant 12 : i32
      %swap3A_874 = arith.index_cast %swap3A_872 : i32 to index
      %swap3A_875 = arith.index_cast %swap3A_873 : i32 to index
      %swap3A_876 = arith.index_cast %multiple_of3A_858 : i32 to index
      %swap3A_877 = tpu.vector_load %arg6[%swap3A_874, %swap3A_875, %swap3A_876] {strides = array<i32>} : memref<4x20x1000xi32, #tpu.memory_space<vmem>>, vector<1x1x16xi32>,
      %swap3A_878 = vector.shape_cast %swap3A_877 : vector<1x1x16xi32> to vector<16xi32>
      %swap3A_879 = vector.shape_cast %mul3A_871 : vector<16xi32> to vector<1x1x16xi32>
      tpu.vector_store %arg6[%swap3A_874, %swap3A_875, %swap3A_876], %swap3A_879 {strides = array<i32>} : memref<4x20x1000xi32, #tpu.memory_space<vmem>>, vector<1x1x16xi32>,
      %slice3A_880 = vector.extract_strided_slice %get3A_853 {offsets = [1], sizes = [1], strides = [1]} : vector<16xi32> to vector<1xi32>
      %squeeze3A_881 = vector.extract %slice3A_880[0] : i32 from vector<1xi32>
      %and3A_882 = arith.constant -16 : i32
      %and3A_883 = arith.andi %squeeze3A_881, %and3A_882 : i32
      %multiple_of3A_884 = tpu.assume_multiple %and3A_883, 16 : i32
      %sub3A_885 = arith.subi %squeeze3A_881, %multiple_of3A_884 : i32
      %sub3A_886 = vector.broadcast %sub3A_885 : i32 to vector<16xi32>
      %sub3A_887 = arith.subi %iota3A, %sub3A_886 : vector<16xi32>
      %abs3A_888 = math.absi %sub3A_887 : vector<16xi32>
      %min3A_889 = arith.constant 31 : i32
      %min3A_890 = vector.broadcast %min3A_889 : i32 to vector<16xi32>
      %min3A_891 = arith.minsi %abs3A_888, %min3A_890 : vector<16xi32>
      %shift_right_arithmetic3A_892 = arith.constant 1 : i32
      %shift_right_arithmetic3A_893 = vector.broadcast %shift_right_arithmetic3A_892 : i32 to vector<16xi32>
      %shift_right_arithmetic3A_894 = arith.shrsi %shift_right_arithmetic3A_893, %min3A_891 : vector<16xi32>
      %mul3A_895 = arith.constant 1 : i32
      %mul3A_896 = vector.broadcast %mul3A_895 : i32 to vector<16xi32>
      %mul3A_897 = arith.muli %shift_right_arithmetic3A_894, %mul3A_896 : vector<16xi32>
      %swap3A_898 = arith.constant 1 : i32
      %swap3A_899 = arith.constant 13 : i32
      %swap3A_900 = arith.index_cast %swap3A_898 : i32 to index
      %swap3A_901 = arith.index_cast %swap3A_899 : i32 to index
      %swap3A_902 = arith.index_cast %multiple_of3A_884 : i32 to index
      %swap3A_903 = tpu.vector_load %arg6[%swap3A_900, %swap3A_901, %swap3A_902] {strides = array<i32>} : memref<4x20x1000xi32, #tpu.memory_space<vmem>>, vector<1x1x16xi32>,
      %swap3A_904 = vector.shape_cast %swap3A_903 : vector<1x1x16xi32> to vector<16xi32>
      %swap3A_905 = vector.shape_cast %mul3A_897 : vector<16xi32> to vector<1x1x16xi32>
      tpu.vector_store %arg6[%swap3A_900, %swap3A_901, %swap3A_902], %swap3A_905 {strides = array<i32>} : memref<4x20x1000xi32, #tpu.memory_space<vmem>>, vector<1x1x16xi32>,
      %slice3A_906 = vector.extract_strided_slice %get3A_853 {offsets = [2], sizes = [1], strides = [1]} : vector<16xi32> to vector<1xi32>
      %squeeze3A_907 = vector.extract %slice3A_906[0] : i32 from vector<1xi32>
      %and3A_908 = arith.constant -16 : i32
      %and3A_909 = arith.andi %squeeze3A_907, %and3A_908 : i32
      %multiple_of3A_910 = tpu.assume_multiple %and3A_909, 16 : i32
      %sub3A_911 = arith.subi %squeeze3A_907, %multiple_of3A_910 : i32
      %sub3A_912 = vector.broadcast %sub3A_911 : i32 to vector<16xi32>
      %sub3A_913 = arith.subi %iota3A, %sub3A_912 : vector<16xi32>
      %abs3A_914 = math.absi %sub3A_913 : vector<16xi32>
      %min3A_915 = arith.constant 31 : i32
      %min3A_916 = vector.broadcast %min3A_915 : i32 to vector<16xi32>
      %min3A_917 = arith.minsi %abs3A_914, %min3A_916 : vector<16xi32>
      %shift_right_arithmetic3A_918 = arith.constant 1 : i32
      %shift_right_arithmetic3A_919 = vector.broadcast %shift_right_arithmetic3A_918 : i32 to vector<16xi32>
      %shift_right_arithmetic3A_920 = arith.shrsi %shift_right_arithmetic3A_919, %min3A_917 : vector<16xi32>
      %mul3A_921 = arith.constant 1 : i32
      %mul3A_922 = vector.broadcast %mul3A_921 : i32 to vector<16xi32>
      %mul3A_923 = arith.muli %shift_right_arithmetic3A_920, %mul3A_922 : vector<16xi32>
      %swap3A_924 = arith.constant 1 : i32
      %swap3A_925 = arith.constant 14 : i32
      %swap3A_926 = arith.index_cast %swap3A_924 : i32 to index
      %swap3A_927 = arith.index_cast %swap3A_925 : i32 to index
      %swap3A_928 = arith.index_cast %multiple_of3A_910 : i32 to index
      %swap3A_929 = tpu.vector_load %arg6[%swap3A_926, %swap3A_927, %swap3A_928] {strides = array<i32>} : memref<4x20x1000xi32, #tpu.memory_space<vmem>>, vector<1x1x16xi32>,
      %swap3A_930 = vector.shape_cast %swap3A_929 : vector<1x1x16xi32> to vector<16xi32>
      %swap3A_931 = vector.shape_cast %mul3A_923 : vector<16xi32> to vector<1x1x16xi32>
      tpu.vector_store %arg6[%swap3A_926, %swap3A_927, %swap3A_928], %swap3A_931 {strides = array<i32>} : memref<4x20x1000xi32, #tpu.memory_space<vmem>>, vector<1x1x16xi32>,
      %slice3A_932 = vector.extract_strided_slice %get3A_853 {offsets = [3], sizes = [1], strides = [1]} : vector<16xi32> to vector<1xi32>
      %squeeze3A_933 = vector.extract %slice3A_932[0] : i32 from vector<1xi32>
      %and3A_934 = arith.constant -16 : i32
      %and3A_935 = arith.andi %squeeze3A_933, %and3A_934 : i32
      %multiple_of3A_936 = tpu.assume_multiple %and3A_935, 16 : i32
      %sub3A_937 = arith.subi %squeeze3A_933, %multiple_of3A_936 : i32
      %sub3A_938 = vector.broadcast %sub3A_937 : i32 to vector<16xi32>
      %sub3A_939 = arith.subi %iota3A, %sub3A_938 : vector<16xi32>
      %abs3A_940 = math.absi %sub3A_939 : vector<16xi32>
      %min3A_941 = arith.constant 31 : i32
      %min3A_942 = vector.broadcast %min3A_941 : i32 to vector<16xi32>
      %min3A_943 = arith.minsi %abs3A_940, %min3A_942 : vector<16xi32>
      %shift_right_arithmetic3A_944 = arith.constant 1 : i32
      %shift_right_arithmetic3A_945 = vector.broadcast %shift_right_arithmetic3A_944 : i32 to vector<16xi32>
      %shift_right_arithmetic3A_946 = arith.shrsi %shift_right_arithmetic3A_945, %min3A_943 : vector<16xi32>
      %mul3A_947 = arith.constant 1 : i32
      %mul3A_948 = vector.broadcast %mul3A_947 : i32 to vector<16xi32>
      %mul3A_949 = arith.muli %shift_right_arithmetic3A_946, %mul3A_948 : vector<16xi32>
      %swap3A_950 = arith.constant 1 : i32
      %swap3A_951 = arith.constant 15 : i32
      %swap3A_952 = arith.index_cast %swap3A_950 : i32 to index
      %swap3A_953 = arith.index_cast %swap3A_951 : i32 to index
      %swap3A_954 = arith.index_cast %multiple_of3A_936 : i32 to index
      %swap3A_955 = tpu.vector_load %arg6[%swap3A_952, %swap3A_953, %swap3A_954] {strides = array<i32>} : memref<4x20x1000xi32, #tpu.memory_space<vmem>>, vector<1x1x16xi32>,
      %swap3A_956 = vector.shape_cast %swap3A_955 : vector<1x1x16xi32> to vector<16xi32>
      %swap3A_957 = vector.shape_cast %mul3A_949 : vector<16xi32> to vector<1x1x16xi32>
      tpu.vector_store %arg6[%swap3A_952, %swap3A_953, %swap3A_954], %swap3A_957 {strides = array<i32>} : memref<4x20x1000xi32, #tpu.memory_space<vmem>>, vector<1x1x16xi32>,
      %slice3A_958 = vector.extract_strided_slice %get3A_853 {offsets = [4], sizes = [1], strides = [1]} : vector<16xi32> to vector<1xi32>
      %squeeze3A_959 = vector.extract %slice3A_958[0] : i32 from vector<1xi32>
      %and3A_960 = arith.constant -16 : i32
      %and3A_961 = arith.andi %squeeze3A_959, %and3A_960 : i32
      %multiple_of3A_962 = tpu.assume_multiple %and3A_961, 16 : i32
      %sub3A_963 = arith.subi %squeeze3A_959, %multiple_of3A_962 : i32
      %sub3A_964 = vector.broadcast %sub3A_963 : i32 to vector<16xi32>
      %sub3A_965 = arith.subi %iota3A, %sub3A_964 : vector<16xi32>
      %abs3A_966 = math.absi %sub3A_965 : vector<16xi32>
      %min3A_967 = arith.constant 31 : i32
      %min3A_968 = vector.broadcast %min3A_967 : i32 to vector<16xi32>
      %min3A_969 = arith.minsi %abs3A_966, %min3A_968 : vector<16xi32>
      %shift_right_arithmetic3A_970 = arith.constant 1 : i32
      %shift_right_arithmetic3A_971 = vector.broadcast %shift_right_arithmetic3A_970 : i32 to vector<16xi32>
      %shift_right_arithmetic3A_972 = arith.shrsi %shift_right_arithmetic3A_971, %min3A_969 : vector<16xi32>
      %mul3A_973 = arith.constant 1 : i32
      %mul3A_974 = vector.broadcast %mul3A_973 : i32 to vector<16xi32>
      %mul3A_975 = arith.muli %shift_right_arithmetic3A_972, %mul3A_974 : vector<16xi32>
      %swap3A_976 = arith.constant 1 : i32
      %swap3A_977 = arith.constant 16 : i32
      %swap3A_978 = arith.index_cast %swap3A_976 : i32 to index
      %swap3A_979 = arith.index_cast %swap3A_977 : i32 to index
      %swap3A_980 = arith.index_cast %multiple_of3A_962 : i32 to index
      %swap3A_981 = tpu.vector_load %arg6[%swap3A_978, %swap3A_979, %swap3A_980] {strides = array<i32>} : memref<4x20x1000xi32, #tpu.memory_space<vmem>>, vector<1x1x16xi32>,
      %swap3A_982 = vector.shape_cast %swap3A_981 : vector<1x1x16xi32> to vector<16xi32>
      %swap3A_983 = vector.shape_cast %mul3A_975 : vector<16xi32> to vector<1x1x16xi32>
      tpu.vector_store %arg6[%swap3A_978, %swap3A_979, %swap3A_980], %swap3A_983 {strides = array<i32>} : memref<4x20x1000xi32, #tpu.memory_space<vmem>>, vector<1x1x16xi32>,
      %slice3A_984 = vector.extract_strided_slice %get3A_853 {offsets = [5], sizes = [1], strides = [1]} : vector<16xi32> to vector<1xi32>
      %squeeze3A_985 = vector.extract %slice3A_984[0] : i32 from vector<1xi32>
      %and3A_986 = arith.constant -16 : i32
      %and3A_987 = arith.andi %squeeze3A_985, %and3A_986 : i32
      %multiple_of3A_988 = tpu.assume_multiple %and3A_987, 16 : i32
      %sub3A_989 = arith.subi %squeeze3A_985, %multiple_of3A_988 : i32
      %sub3A_990 = vector.broadcast %sub3A_989 : i32 to vector<16xi32>
      %sub3A_991 = arith.subi %iota3A, %sub3A_990 : vector<16xi32>
      %abs3A_992 = math.absi %sub3A_991 : vector<16xi32>
      %min3A_993 = arith.constant 31 : i32
      %min3A_994 = vector.broadcast %min3A_993 : i32 to vector<16xi32>
      %min3A_995 = arith.minsi %abs3A_992, %min3A_994 : vector<16xi32>
      %shift_right_arithmetic3A_996 = arith.constant 1 : i32
      %shift_right_arithmetic3A_997 = vector.broadcast %shift_right_arithmetic3A_996 : i32 to vector<16xi32>
      %shift_right_arithmetic3A_998 = arith.shrsi %shift_right_arithmetic3A_997, %min3A_995 : vector<16xi32>
      %mul3A_999 = arith.constant 1 : i32
      %mul3A_1000 = vector.broadcast %mul3A_999 : i32 to vector<16xi32>
      %mul3A_1001 = arith.muli %shift_right_arithmetic3A_998, %mul3A_1000 : vector<16xi32>
      %swap3A_1002 = arith.constant 1 : i32
      %swap3A_1003 = arith.constant 17 : i32
      %swap3A_1004 = arith.index_cast %swap3A_1002 : i32 to index
      %swap3A_1005 = arith.index_cast %swap3A_1003 : i32 to index
      %swap3A_1006 = arith.index_cast %multiple_of3A_988 : i32 to index
      %swap3A_1007 = tpu.vector_load %arg6[%swap3A_1004, %swap3A_1005, %swap3A_1006] {strides = array<i32>} : memref<4x20x1000xi32, #tpu.memory_space<vmem>>, vector<1x1x16xi32>,
      %swap3A_1008 = vector.shape_cast %swap3A_1007 : vector<1x1x16xi32> to vector<16xi32>
      %swap3A_1009 = vector.shape_cast %mul3A_1001 : vector<16xi32> to vector<1x1x16xi32>
      tpu.vector_store %arg6[%swap3A_1004, %swap3A_1005, %swap3A_1006], %swap3A_1009 {strides = array<i32>} : memref<4x20x1000xi32, #tpu.memory_space<vmem>>, vector<1x1x16xi32>,
      %slice3A_1010 = vector.extract_strided_slice %get3A_853 {offsets = [6], sizes = [1], strides = [1]} : vector<16xi32> to vector<1xi32>
      %squeeze3A_1011 = vector.extract %slice3A_1010[0] : i32 from vector<1xi32>
      %and3A_1012 = arith.constant -16 : i32
      %and3A_1013 = arith.andi %squeeze3A_1011, %and3A_1012 : i32
      %multiple_of3A_1014 = tpu.assume_multiple %and3A_1013, 16 : i32
      %sub3A_1015 = arith.subi %squeeze3A_1011, %multiple_of3A_1014 : i32
      %sub3A_1016 = vector.broadcast %sub3A_1015 : i32 to vector<16xi32>
      %sub3A_1017 = arith.subi %iota3A, %sub3A_1016 : vector<16xi32>
      %abs3A_1018 = math.absi %sub3A_1017 : vector<16xi32>
      %min3A_1019 = arith.constant 31 : i32
      %min3A_1020 = vector.broadcast %min3A_1019 : i32 to vector<16xi32>
      %min3A_1021 = arith.minsi %abs3A_1018, %min3A_1020 : vector<16xi32>
      %shift_right_arithmetic3A_1022 = arith.constant 1 : i32
      %shift_right_arithmetic3A_1023 = vector.broadcast %shift_right_arithmetic3A_1022 : i32 to vector<16xi32>
      %shift_right_arithmetic3A_1024 = arith.shrsi %shift_right_arithmetic3A_1023, %min3A_1021 : vector<16xi32>
      %mul3A_1025 = arith.constant 1 : i32
      %mul3A_1026 = vector.broadcast %mul3A_1025 : i32 to vector<16xi32>
      %mul3A_1027 = arith.muli %shift_right_arithmetic3A_1024, %mul3A_1026 : vector<16xi32>
      %swap3A_1028 = arith.constant 1 : i32
      %swap3A_1029 = arith.constant 18 : i32
      %swap3A_1030 = arith.index_cast %swap3A_1028 : i32 to index
      %swap3A_1031 = arith.index_cast %swap3A_1029 : i32 to index
      %swap3A_1032 = arith.index_cast %multiple_of3A_1014 : i32 to index
      %swap3A_1033 = tpu.vector_load %arg6[%swap3A_1030, %swap3A_1031, %swap3A_1032] {strides = array<i32>} : memref<4x20x1000xi32, #tpu.memory_space<vmem>>, vector<1x1x16xi32>,
      %swap3A_1034 = vector.shape_cast %swap3A_1033 : vector<1x1x16xi32> to vector<16xi32>
      %swap3A_1035 = vector.shape_cast %mul3A_1027 : vector<16xi32> to vector<1x1x16xi32>
      tpu.vector_store %arg6[%swap3A_1030, %swap3A_1031, %swap3A_1032], %swap3A_1035 {strides = array<i32>} : memref<4x20x1000xi32, #tpu.memory_space<vmem>>, vector<1x1x16xi32>,
      %slice3A_1036 = vector.extract_strided_slice %get3A_853 {offsets = [7], sizes = [1], strides = [1]} : vector<16xi32> to vector<1xi32>
      %squeeze3A_1037 = vector.extract %slice3A_1036[0] : i32 from vector<1xi32>
      %and3A_1038 = arith.constant -16 : i32
      %and3A_1039 = arith.andi %squeeze3A_1037, %and3A_1038 : i32
      %multiple_of3A_1040 = tpu.assume_multiple %and3A_1039, 16 : i32
      %sub3A_1041 = arith.subi %squeeze3A_1037, %multiple_of3A_1040 : i32
      %sub3A_1042 = vector.broadcast %sub3A_1041 : i32 to vector<16xi32>
      %sub3A_1043 = arith.subi %iota3A, %sub3A_1042 : vector<16xi32>
      %abs3A_1044 = math.absi %sub3A_1043 : vector<16xi32>
      %min3A_1045 = arith.constant 31 : i32
      %min3A_1046 = vector.broadcast %min3A_1045 : i32 to vector<16xi32>
      %min3A_1047 = arith.minsi %abs3A_1044, %min3A_1046 : vector<16xi32>
      %shift_right_arithmetic3A_1048 = arith.constant 1 : i32
      %shift_right_arithmetic3A_1049 = vector.broadcast %shift_right_arithmetic3A_1048 : i32 to vector<16xi32>
      %shift_right_arithmetic3A_1050 = arith.shrsi %shift_right_arithmetic3A_1049, %min3A_1047 : vector<16xi32>
      %mul3A_1051 = arith.constant 1 : i32
      %mul3A_1052 = vector.broadcast %mul3A_1051 : i32 to vector<16xi32>
      %mul3A_1053 = arith.muli %shift_right_arithmetic3A_1050, %mul3A_1052 : vector<16xi32>
      %swap3A_1054 = arith.constant 1 : i32
      %swap3A_1055 = arith.constant 19 : i32
      %swap3A_1056 = arith.index_cast %swap3A_1054 : i32 to index
      %swap3A_1057 = arith.index_cast %swap3A_1055 : i32 to index
      %swap3A_1058 = arith.index_cast %multiple_of3A_1040 : i32 to index
      %swap3A_1059 = tpu.vector_load %arg6[%swap3A_1056, %swap3A_1057, %swap3A_1058] {strides = array<i32>} : memref<4x20x1000xi32, #tpu.memory_space<vmem>>, vector<1x1x16xi32>,
      %swap3A_1060 = vector.shape_cast %swap3A_1059 : vector<1x1x16xi32> to vector<16xi32>
      %swap3A_1061 = vector.shape_cast %mul3A_1053 : vector<16xi32> to vector<1x1x16xi32>
      tpu.vector_store %arg6[%swap3A_1056, %swap3A_1057, %swap3A_1058], %swap3A_1061 {strides = array<i32>} : memref<4x20x1000xi32, #tpu.memory_space<vmem>>, vector<1x1x16xi32>,
      %slice3A_1062 = vector.extract_strided_slice %get3A_853 {offsets = [8], sizes = [1], strides = [1]} : vector<16xi32> to vector<1xi32>
      %squeeze3A_1063 = vector.extract %slice3A_1062[0] : i32 from vector<1xi32>
      %and3A_1064 = arith.constant -16 : i32
      %and3A_1065 = arith.andi %squeeze3A_1063, %and3A_1064 : i32
      %multiple_of3A_1066 = tpu.assume_multiple %and3A_1065, 16 : i32
      %sub3A_1067 = arith.subi %squeeze3A_1063, %multiple_of3A_1066 : i32
      %sub3A_1068 = vector.broadcast %sub3A_1067 : i32 to vector<16xi32>
      %sub3A_1069 = arith.subi %iota3A, %sub3A_1068 : vector<16xi32>
      %abs3A_1070 = math.absi %sub3A_1069 : vector<16xi32>
      %min3A_1071 = arith.constant 31 : i32
      %min3A_1072 = vector.broadcast %min3A_1071 : i32 to vector<16xi32>
      %min3A_1073 = arith.minsi %abs3A_1070, %min3A_1072 : vector<16xi32>
      %shift_right_arithmetic3A_1074 = arith.constant 1 : i32
      %shift_right_arithmetic3A_1075 = vector.broadcast %shift_right_arithmetic3A_1074 : i32 to vector<16xi32>
      %shift_right_arithmetic3A_1076 = arith.shrsi %shift_right_arithmetic3A_1075, %min3A_1073 : vector<16xi32>
      %mul3A_1077 = arith.constant 1 : i32
      %mul3A_1078 = vector.broadcast %mul3A_1077 : i32 to vector<16xi32>
      %mul3A_1079 = arith.muli %shift_right_arithmetic3A_1076, %mul3A_1078 : vector<16xi32>
      %swap3A_1080 = arith.constant 2 : i32
      %swap3A_1081 = arith.constant 0 : i32
      %swap3A_1082 = arith.index_cast %swap3A_1080 : i32 to index
      %swap3A_1083 = arith.index_cast %swap3A_1081 : i32 to index
      %swap3A_1084 = arith.index_cast %multiple_of3A_1066 : i32 to index
      %swap3A_1085 = tpu.vector_load %arg6[%swap3A_1082, %swap3A_1083, %swap3A_1084] {strides = array<i32>} : memref<4x20x1000xi32, #tpu.memory_space<vmem>>, vector<1x1x16xi32>,
      %swap3A_1086 = vector.shape_cast %swap3A_1085 : vector<1x1x16xi32> to vector<16xi32>
      %swap3A_1087 = vector.shape_cast %mul3A_1079 : vector<16xi32> to vector<1x1x16xi32>
      tpu.vector_store %arg6[%swap3A_1082, %swap3A_1083, %swap3A_1084], %swap3A_1087 {strides = array<i32>} : memref<4x20x1000xi32, #tpu.memory_space<vmem>>, vector<1x1x16xi32>,
      %slice3A_1088 = vector.extract_strided_slice %get3A_853 {offsets = [9], sizes = [1], strides = [1]} : vector<16xi32> to vector<1xi32>
      %squeeze3A_1089 = vector.extract %slice3A_1088[0] : i32 from vector<1xi32>
      %and3A_1090 = arith.constant -16 : i32
      %and3A_1091 = arith.andi %squeeze3A_1089, %and3A_1090 : i32
      %multiple_of3A_1092 = tpu.assume_multiple %and3A_1091, 16 : i32
      %sub3A_1093 = arith.subi %squeeze3A_1089, %multiple_of3A_1092 : i32
      %sub3A_1094 = vector.broadcast %sub3A_1093 : i32 to vector<16xi32>
      %sub3A_1095 = arith.subi %iota3A, %sub3A_1094 : vector<16xi32>
      %abs3A_1096 = math.absi %sub3A_1095 : vector<16xi32>
      %min3A_1097 = arith.constant 31 : i32
      %min3A_1098 = vector.broadcast %min3A_1097 : i32 to vector<16xi32>
      %min3A_1099 = arith.minsi %abs3A_1096, %min3A_1098 : vector<16xi32>
      %shift_right_arithmetic3A_1100 = arith.constant 1 : i32
      %shift_right_arithmetic3A_1101 = vector.broadcast %shift_right_arithmetic3A_1100 : i32 to vector<16xi32>
      %shift_right_arithmetic3A_1102 = arith.shrsi %shift_right_arithmetic3A_1101, %min3A_1099 : vector<16xi32>
      %mul3A_1103 = arith.constant 1 : i32
      %mul3A_1104 = vector.broadcast %mul3A_1103 : i32 to vector<16xi32>
      %mul3A_1105 = arith.muli %shift_right_arithmetic3A_1102, %mul3A_1104 : vector<16xi32>
      %swap3A_1106 = arith.constant 2 : i32
      %swap3A_1107 = arith.constant 1 : i32
      %swap3A_1108 = arith.index_cast %swap3A_1106 : i32 to index
      %swap3A_1109 = arith.index_cast %swap3A_1107 : i32 to index
      %swap3A_1110 = arith.index_cast %multiple_of3A_1092 : i32 to index
      %swap3A_1111 = tpu.vector_load %arg6[%swap3A_1108, %swap3A_1109, %swap3A_1110] {strides = array<i32>} : memref<4x20x1000xi32, #tpu.memory_space<vmem>>, vector<1x1x16xi32>,
      %swap3A_1112 = vector.shape_cast %swap3A_1111 : vector<1x1x16xi32> to vector<16xi32>
      %swap3A_1113 = vector.shape_cast %mul3A_1105 : vector<16xi32> to vector<1x1x16xi32>
      tpu.vector_store %arg6[%swap3A_1108, %swap3A_1109, %swap3A_1110], %swap3A_1113 {strides = array<i32>} : memref<4x20x1000xi32, #tpu.memory_space<vmem>>, vector<1x1x16xi32>,
      %slice3A_1114 = vector.extract_strided_slice %get3A_853 {offsets = [10], sizes = [1], strides = [1]} : vector<16xi32> to vector<1xi32>
      %squeeze3A_1115 = vector.extract %slice3A_1114[0] : i32 from vector<1xi32>
      %and3A_1116 = arith.constant -16 : i32
      %and3A_1117 = arith.andi %squeeze3A_1115, %and3A_1116 : i32
      %multiple_of3A_1118 = tpu.assume_multiple %and3A_1117, 16 : i32
      %sub3A_1119 = arith.subi %squeeze3A_1115, %multiple_of3A_1118 : i32
      %sub3A_1120 = vector.broadcast %sub3A_1119 : i32 to vector<16xi32>
      %sub3A_1121 = arith.subi %iota3A, %sub3A_1120 : vector<16xi32>
      %abs3A_1122 = math.absi %sub3A_1121 : vector<16xi32>
      %min3A_1123 = arith.constant 31 : i32
      %min3A_1124 = vector.broadcast %min3A_1123 : i32 to vector<16xi32>
      %min3A_1125 = arith.minsi %abs3A_1122, %min3A_1124 : vector<16xi32>
      %shift_right_arithmetic3A_1126 = arith.constant 1 : i32
      %shift_right_arithmetic3A_1127 = vector.broadcast %shift_right_arithmetic3A_1126 : i32 to vector<16xi32>
      %shift_right_arithmetic3A_1128 = arith.shrsi %shift_right_arithmetic3A_1127, %min3A_1125 : vector<16xi32>
      %mul3A_1129 = arith.constant 1 : i32
      %mul3A_1130 = vector.broadcast %mul3A_1129 : i32 to vector<16xi32>
      %mul3A_1131 = arith.muli %shift_right_arithmetic3A_1128, %mul3A_1130 : vector<16xi32>
      %swap3A_1132 = arith.constant 2 : i32
      %swap3A_1133 = arith.constant 2 : i32
      %swap3A_1134 = arith.index_cast %swap3A_1132 : i32 to index
      %swap3A_1135 = arith.index_cast %swap3A_1133 : i32 to index
      %swap3A_1136 = arith.index_cast %multiple_of3A_1118 : i32 to index
      %swap3A_1137 = tpu.vector_load %arg6[%swap3A_1134, %swap3A_1135, %swap3A_1136] {strides = array<i32>} : memref<4x20x1000xi32, #tpu.memory_space<vmem>>, vector<1x1x16xi32>,
      %swap3A_1138 = vector.shape_cast %swap3A_1137 : vector<1x1x16xi32> to vector<16xi32>
      %swap3A_1139 = vector.shape_cast %mul3A_1131 : vector<16xi32> to vector<1x1x16xi32>
      tpu.vector_store %arg6[%swap3A_1134, %swap3A_1135, %swap3A_1136], %swap3A_1139 {strides = array<i32>} : memref<4x20x1000xi32, #tpu.memory_space<vmem>>, vector<1x1x16xi32>,
      %slice3A_1140 = vector.extract_strided_slice %get3A_853 {offsets = [11], sizes = [1], strides = [1]} : vector<16xi32> to vector<1xi32>
      %squeeze3A_1141 = vector.extract %slice3A_1140[0] : i32 from vector<1xi32>
      %and3A_1142 = arith.constant -16 : i32
      %and3A_1143 = arith.andi %squeeze3A_1141, %and3A_1142 : i32
      %multiple_of3A_1144 = tpu.assume_multiple %and3A_1143, 16 : i32
      %sub3A_1145 = arith.subi %squeeze3A_1141, %multiple_of3A_1144 : i32
      %sub3A_1146 = vector.broadcast %sub3A_1145 : i32 to vector<16xi32>
      %sub3A_1147 = arith.subi %iota3A, %sub3A_1146 : vector<16xi32>
      %abs3A_1148 = math.absi %sub3A_1147 : vector<16xi32>
      %min3A_1149 = arith.constant 31 : i32
      %min3A_1150 = vector.broadcast %min3A_1149 : i32 to vector<16xi32>
      %min3A_1151 = arith.minsi %abs3A_1148, %min3A_1150 : vector<16xi32>
      %shift_right_arithmetic3A_1152 = arith.constant 1 : i32
      %shift_right_arithmetic3A_1153 = vector.broadcast %shift_right_arithmetic3A_1152 : i32 to vector<16xi32>
      %shift_right_arithmetic3A_1154 = arith.shrsi %shift_right_arithmetic3A_1153, %min3A_1151 : vector<16xi32>
      %mul3A_1155 = arith.constant 1 : i32
      %mul3A_1156 = vector.broadcast %mul3A_1155 : i32 to vector<16xi32>
      %mul3A_1157 = arith.muli %shift_right_arithmetic3A_1154, %mul3A_1156 : vector<16xi32>
      %swap3A_1158 = arith.constant 2 : i32
      %swap3A_1159 = arith.constant 3 : i32
      %swap3A_1160 = arith.index_cast %swap3A_1158 : i32 to index
      %swap3A_1161 = arith.index_cast %swap3A_1159 : i32 to index
      %swap3A_1162 = arith.index_cast %multiple_of3A_1144 : i32 to index
      %swap3A_1163 = tpu.vector_load %arg6[%swap3A_1160, %swap3A_1161, %swap3A_1162] {strides = array<i32>} : memref<4x20x1000xi32, #tpu.memory_space<vmem>>, vector<1x1x16xi32>,
      %swap3A_1164 = vector.shape_cast %swap3A_1163 : vector<1x1x16xi32> to vector<16xi32>
      %swap3A_1165 = vector.shape_cast %mul3A_1157 : vector<16xi32> to vector<1x1x16xi32>
      tpu.vector_store %arg6[%swap3A_1160, %swap3A_1161, %swap3A_1162], %swap3A_1165 {strides = array<i32>} : memref<4x20x1000xi32, #tpu.memory_space<vmem>>, vector<1x1x16xi32>,
      %slice3A_1166 = vector.extract_strided_slice %get3A_853 {offsets = [12], sizes = [1], strides = [1]} : vector<16xi32> to vector<1xi32>
      %squeeze3A_1167 = vector.extract %slice3A_1166[0] : i32 from vector<1xi32>
      %and3A_1168 = arith.constant -16 : i32
      %and3A_1169 = arith.andi %squeeze3A_1167, %and3A_1168 : i32
      %multiple_of3A_1170 = tpu.assume_multiple %and3A_1169, 16 : i32
      %sub3A_1171 = arith.subi %squeeze3A_1167, %multiple_of3A_1170 : i32
      %sub3A_1172 = vector.broadcast %sub3A_1171 : i32 to vector<16xi32>
      %sub3A_1173 = arith.subi %iota3A, %sub3A_1172 : vector<16xi32>
      %abs3A_1174 = math.absi %sub3A_1173 : vector<16xi32>
      %min3A_1175 = arith.constant 31 : i32
      %min3A_1176 = vector.broadcast %min3A_1175 : i32 to vector<16xi32>
      %min3A_1177 = arith.minsi %abs3A_1174, %min3A_1176 : vector<16xi32>
      %shift_right_arithmetic3A_1178 = arith.constant 1 : i32
      %shift_right_arithmetic3A_1179 = vector.broadcast %shift_right_arithmetic3A_1178 : i32 to vector<16xi32>
      %shift_right_arithmetic3A_1180 = arith.shrsi %shift_right_arithmetic3A_1179, %min3A_1177 : vector<16xi32>
      %mul3A_1181 = arith.constant 1 : i32
      %mul3A_1182 = vector.broadcast %mul3A_1181 : i32 to vector<16xi32>
      %mul3A_1183 = arith.muli %shift_right_arithmetic3A_1180, %mul3A_1182 : vector<16xi32>
      %swap3A_1184 = arith.constant 2 : i32
      %swap3A_1185 = arith.constant 4 : i32
      %swap3A_1186 = arith.index_cast %swap3A_1184 : i32 to index
      %swap3A_1187 = arith.index_cast %swap3A_1185 : i32 to index
      %swap3A_1188 = arith.index_cast %multiple_of3A_1170 : i32 to index
      %swap3A_1189 = tpu.vector_load %arg6[%swap3A_1186, %swap3A_1187, %swap3A_1188] {strides = array<i32>} : memref<4x20x1000xi32, #tpu.memory_space<vmem>>, vector<1x1x16xi32>,
      %swap3A_1190 = vector.shape_cast %swap3A_1189 : vector<1x1x16xi32> to vector<16xi32>
      %swap3A_1191 = vector.shape_cast %mul3A_1183 : vector<16xi32> to vector<1x1x16xi32>
      tpu.vector_store %arg6[%swap3A_1186, %swap3A_1187, %swap3A_1188], %swap3A_1191 {strides = array<i32>} : memref<4x20x1000xi32, #tpu.memory_space<vmem>>, vector<1x1x16xi32>,
      %slice3A_1192 = vector.extract_strided_slice %get3A_853 {offsets = [13], sizes = [1], strides = [1]} : vector<16xi32> to vector<1xi32>
      %squeeze3A_1193 = vector.extract %slice3A_1192[0] : i32 from vector<1xi32>
      %and3A_1194 = arith.constant -16 : i32
      %and3A_1195 = arith.andi %squeeze3A_1193, %and3A_1194 : i32
      %multiple_of3A_1196 = tpu.assume_multiple %and3A_1195, 16 : i32
      %sub3A_1197 = arith.subi %squeeze3A_1193, %multiple_of3A_1196 : i32
      %sub3A_1198 = vector.broadcast %sub3A_1197 : i32 to vector<16xi32>
      %sub3A_1199 = arith.subi %iota3A, %sub3A_1198 : vector<16xi32>
      %abs3A_1200 = math.absi %sub3A_1199 : vector<16xi32>
      %min3A_1201 = arith.constant 31 : i32
      %min3A_1202 = vector.broadcast %min3A_1201 : i32 to vector<16xi32>
      %min3A_1203 = arith.minsi %abs3A_1200, %min3A_1202 : vector<16xi32>
      %shift_right_arithmetic3A_1204 = arith.constant 1 : i32
      %shift_right_arithmetic3A_1205 = vector.broadcast %shift_right_arithmetic3A_1204 : i32 to vector<16xi32>
      %shift_right_arithmetic3A_1206 = arith.shrsi %shift_right_arithmetic3A_1205, %min3A_1203 : vector<16xi32>
      %mul3A_1207 = arith.constant 1 : i32
      %mul3A_1208 = vector.broadcast %mul3A_1207 : i32 to vector<16xi32>
      %mul3A_1209 = arith.muli %shift_right_arithmetic3A_1206, %mul3A_1208 : vector<16xi32>
      %swap3A_1210 = arith.constant 2 : i32
      %swap3A_1211 = arith.constant 5 : i32
      %swap3A_1212 = arith.index_cast %swap3A_1210 : i32 to index
      %swap3A_1213 = arith.index_cast %swap3A_1211 : i32 to index
      %swap3A_1214 = arith.index_cast %multiple_of3A_1196 : i32 to index
      %swap3A_1215 = tpu.vector_load %arg6[%swap3A_1212, %swap3A_1213, %swap3A_1214] {strides = array<i32>} : memref<4x20x1000xi32, #tpu.memory_space<vmem>>, vector<1x1x16xi32>,
      %swap3A_1216 = vector.shape_cast %swap3A_1215 : vector<1x1x16xi32> to vector<16xi32>
      %swap3A_1217 = vector.shape_cast %mul3A_1209 : vector<16xi32> to vector<1x1x16xi32>
      tpu.vector_store %arg6[%swap3A_1212, %swap3A_1213, %swap3A_1214], %swap3A_1217 {strides = array<i32>} : memref<4x20x1000xi32, #tpu.memory_space<vmem>>, vector<1x1x16xi32>,
      %slice3A_1218 = vector.extract_strided_slice %get3A_853 {offsets = [14], sizes = [1], strides = [1]} : vector<16xi32> to vector<1xi32>
      %squeeze3A_1219 = vector.extract %slice3A_1218[0] : i32 from vector<1xi32>
      %and3A_1220 = arith.constant -16 : i32
      %and3A_1221 = arith.andi %squeeze3A_1219, %and3A_1220 : i32
      %multiple_of3A_1222 = tpu.assume_multiple %and3A_1221, 16 : i32
      %sub3A_1223 = arith.subi %squeeze3A_1219, %multiple_of3A_1222 : i32
      %sub3A_1224 = vector.broadcast %sub3A_1223 : i32 to vector<16xi32>
      %sub3A_1225 = arith.subi %iota3A, %sub3A_1224 : vector<16xi32>
      %abs3A_1226 = math.absi %sub3A_1225 : vector<16xi32>
      %min3A_1227 = arith.constant 31 : i32
      %min3A_1228 = vector.broadcast %min3A_1227 : i32 to vector<16xi32>
      %min3A_1229 = arith.minsi %abs3A_1226, %min3A_1228 : vector<16xi32>
      %shift_right_arithmetic3A_1230 = arith.constant 1 : i32
      %shift_right_arithmetic3A_1231 = vector.broadcast %shift_right_arithmetic3A_1230 : i32 to vector<16xi32>
      %shift_right_arithmetic3A_1232 = arith.shrsi %shift_right_arithmetic3A_1231, %min3A_1229 : vector<16xi32>
      %mul3A_1233 = arith.constant 1 : i32
      %mul3A_1234 = vector.broadcast %mul3A_1233 : i32 to vector<16xi32>
      %mul3A_1235 = arith.muli %shift_right_arithmetic3A_1232, %mul3A_1234 : vector<16xi32>
      %swap3A_1236 = arith.constant 2 : i32
      %swap3A_1237 = arith.constant 6 : i32
      %swap3A_1238 = arith.index_cast %swap3A_1236 : i32 to index
      %swap3A_1239 = arith.index_cast %swap3A_1237 : i32 to index
      %swap3A_1240 = arith.index_cast %multiple_of3A_1222 : i32 to index
      %swap3A_1241 = tpu.vector_load %arg6[%swap3A_1238, %swap3A_1239, %swap3A_1240] {strides = array<i32>} : memref<4x20x1000xi32, #tpu.memory_space<vmem>>, vector<1x1x16xi32>,
      %swap3A_1242 = vector.shape_cast %swap3A_1241 : vector<1x1x16xi32> to vector<16xi32>
      %swap3A_1243 = vector.shape_cast %mul3A_1235 : vector<16xi32> to vector<1x1x16xi32>
      tpu.vector_store %arg6[%swap3A_1238, %swap3A_1239, %swap3A_1240], %swap3A_1243 {strides = array<i32>} : memref<4x20x1000xi32, #tpu.memory_space<vmem>>, vector<1x1x16xi32>,
      %slice3A_1244 = vector.extract_strided_slice %get3A_853 {offsets = [15], sizes = [1], strides = [1]} : vector<16xi32> to vector<1xi32>
      %squeeze3A_1245 = vector.extract %slice3A_1244[0] : i32 from vector<1xi32>
      %and3A_1246 = arith.constant -16 : i32
      %and3A_1247 = arith.andi %squeeze3A_1245, %and3A_1246 : i32
      %multiple_of3A_1248 = tpu.assume_multiple %and3A_1247, 16 : i32
      %sub3A_1249 = arith.subi %squeeze3A_1245, %multiple_of3A_1248 : i32
      %sub3A_1250 = vector.broadcast %sub3A_1249 : i32 to vector<16xi32>
      %sub3A_1251 = arith.subi %iota3A, %sub3A_1250 : vector<16xi32>
      %abs3A_1252 = math.absi %sub3A_1251 : vector<16xi32>
      %min3A_1253 = arith.constant 31 : i32
      %min3A_1254 = vector.broadcast %min3A_1253 : i32 to vector<16xi32>
      %min3A_1255 = arith.minsi %abs3A_1252, %min3A_1254 : vector<16xi32>
      %shift_right_arithmetic3A_1256 = arith.constant 1 : i32
      %shift_right_arithmetic3A_1257 = vector.broadcast %shift_right_arithmetic3A_1256 : i32 to vector<16xi32>
      %shift_right_arithmetic3A_1258 = arith.shrsi %shift_right_arithmetic3A_1257, %min3A_1255 : vector<16xi32>
      %mul3A_1259 = arith.constant 1 : i32
      %mul3A_1260 = vector.broadcast %mul3A_1259 : i32 to vector<16xi32>
      %mul3A_1261 = arith.muli %shift_right_arithmetic3A_1258, %mul3A_1260 : vector<16xi32>
      %swap3A_1262 = arith.constant 2 : i32
      %swap3A_1263 = arith.constant 7 : i32
      %swap3A_1264 = arith.index_cast %swap3A_1262 : i32 to index
      %swap3A_1265 = arith.index_cast %swap3A_1263 : i32 to index
      %swap3A_1266 = arith.index_cast %multiple_of3A_1248 : i32 to index
      %swap3A_1267 = tpu.vector_load %arg6[%swap3A_1264, %swap3A_1265, %swap3A_1266] {strides = array<i32>} : memref<4x20x1000xi32, #tpu.memory_space<vmem>>, vector<1x1x16xi32>,
      %swap3A_1268 = vector.shape_cast %swap3A_1267 : vector<1x1x16xi32> to vector<16xi32>
      %swap3A_1269 = vector.shape_cast %mul3A_1261 : vector<16xi32> to vector<1x1x16xi32>
      tpu.vector_store %arg6[%swap3A_1264, %swap3A_1265, %swap3A_1266], %swap3A_1269 {strides = array<i32>} : memref<4x20x1000xi32, #tpu.memory_space<vmem>>, vector<1x1x16xi32>,
      %mul3A_1270 = arith.constant 80 : i32
      %mul3A_1271 = arith.muli %scan3A_10, %mul3A_1270 : i32
      %add3A_1272 = arith.constant 48 : i32
      %add3A_1273 = arith.addi %mul3A_1271, %add3A_1272 : i32
      %get3A_1274 = arith.index_cast %add3A_1273 : i32 to index
      %get3A_1275 = tpu.vector_load %arg5[%get3A_1274] {strides = array<i32>} : memref<2560xi32, #tpu.memory_space<vmem>>, vector<16xi32>,
      %get3A_1276 = vector.shape_cast %get3A_1275 : vector<16xi32> to vector<16xi32>
      %slice3A_1277 = vector.extract_strided_slice %get3A_1276 {offsets = [0], sizes = [1], strides = [1]} : vector<16xi32> to vector<1xi32>
      %squeeze3A_1278 = vector.extract %slice3A_1277[0] : i32 from vector<1xi32>
      %and3A_1279 = arith.constant -16 : i32
      %and3A_1280 = arith.andi %squeeze3A_1278, %and3A_1279 : i32
      %multiple_of3A_1281 = tpu.assume_multiple %and3A_1280, 16 : i32
      %sub3A_1282 = arith.subi %squeeze3A_1278, %multiple_of3A_1281 : i32
      %sub3A_1283 = vector.broadcast %sub3A_1282 : i32 to vector<16xi32>
      %sub3A_1284 = arith.subi %iota3A, %sub3A_1283 : vector<16xi32>
      %abs3A_1285 = math.absi %sub3A_1284 : vector<16xi32>
      %min3A_1286 = arith.constant 31 : i32
      %min3A_1287 = vector.broadcast %min3A_1286 : i32 to vector<16xi32>
      %min3A_1288 = arith.minsi %abs3A_1285, %min3A_1287 : vector<16xi32>
      %shift_right_arithmetic3A_1289 = arith.constant 1 : i32
      %shift_right_arithmetic3A_1290 = vector.broadcast %shift_right_arithmetic3A_1289 : i32 to vector<16xi32>
      %shift_right_arithmetic3A_1291 = arith.shrsi %shift_right_arithmetic3A_1290, %min3A_1288 : vector<16xi32>
      %mul3A_1292 = arith.constant 1 : i32
      %mul3A_1293 = vector.broadcast %mul3A_1292 : i32 to vector<16xi32>
      %mul3A_1294 = arith.muli %shift_right_arithmetic3A_1291, %mul3A_1293 : vector<16xi32>
      %swap3A_1295 = arith.constant 2 : i32
      %swap3A_1296 = arith.constant 8 : i32
      %swap3A_1297 = arith.index_cast %swap3A_1295 : i32 to index
      %swap3A_1298 = arith.index_cast %swap3A_1296 : i32 to index
      %swap3A_1299 = arith.index_cast %multiple_of3A_1281 : i32 to index
      %swap3A_1300 = tpu.vector_load %arg6[%swap3A_1297, %swap3A_1298, %swap3A_1299] {strides = array<i32>} : memref<4x20x1000xi32, #tpu.memory_space<vmem>>, vector<1x1x16xi32>,
      %swap3A_1301 = vector.shape_cast %swap3A_1300 : vector<1x1x16xi32> to vector<16xi32>
      %swap3A_1302 = vector.shape_cast %mul3A_1294 : vector<16xi32> to vector<1x1x16xi32>
      tpu.vector_store %arg6[%swap3A_1297, %swap3A_1298, %swap3A_1299], %swap3A_1302 {strides = array<i32>} : memref<4x20x1000xi32, #tpu.memory_space<vmem>>, vector<1x1x16xi32>,
      %slice3A_1303 = vector.extract_strided_slice %get3A_1276 {offsets = [1], sizes = [1], strides = [1]} : vector<16xi32> to vector<1xi32>
      %squeeze3A_1304 = vector.extract %slice3A_1303[0] : i32 from vector<1xi32>
      %and3A_1305 = arith.constant -16 : i32
      %and3A_1306 = arith.andi %squeeze3A_1304, %and3A_1305 : i32
      %multiple_of3A_1307 = tpu.assume_multiple %and3A_1306, 16 : i32
      %sub3A_1308 = arith.subi %squeeze3A_1304, %multiple_of3A_1307 : i32
      %sub3A_1309 = vector.broadcast %sub3A_1308 : i32 to vector<16xi32>
      %sub3A_1310 = arith.subi %iota3A, %sub3A_1309 : vector<16xi32>
      %abs3A_1311 = math.absi %sub3A_1310 : vector<16xi32>
      %min3A_1312 = arith.constant 31 : i32
      %min3A_1313 = vector.broadcast %min3A_1312 : i32 to vector<16xi32>
      %min3A_1314 = arith.minsi %abs3A_1311, %min3A_1313 : vector<16xi32>
      %shift_right_arithmetic3A_1315 = arith.constant 1 : i32
      %shift_right_arithmetic3A_1316 = vector.broadcast %shift_right_arithmetic3A_1315 : i32 to vector<16xi32>
      %shift_right_arithmetic3A_1317 = arith.shrsi %shift_right_arithmetic3A_1316, %min3A_1314 : vector<16xi32>
      %mul3A_1318 = arith.constant 1 : i32
      %mul3A_1319 = vector.broadcast %mul3A_1318 : i32 to vector<16xi32>
      %mul3A_1320 = arith.muli %shift_right_arithmetic3A_1317, %mul3A_1319 : vector<16xi32>
      %swap3A_1321 = arith.constant 2 : i32
      %swap3A_1322 = arith.constant 9 : i32
      %swap3A_1323 = arith.index_cast %swap3A_1321 : i32 to index
      %swap3A_1324 = arith.index_cast %swap3A_1322 : i32 to index
      %swap3A_1325 = arith.index_cast %multiple_of3A_1307 : i32 to index
      %swap3A_1326 = tpu.vector_load %arg6[%swap3A_1323, %swap3A_1324, %swap3A_1325] {strides = array<i32>} : memref<4x20x1000xi32, #tpu.memory_space<vmem>>, vector<1x1x16xi32>,
      %swap3A_1327 = vector.shape_cast %swap3A_1326 : vector<1x1x16xi32> to vector<16xi32>
      %swap3A_1328 = vector.shape_cast %mul3A_1320 : vector<16xi32> to vector<1x1x16xi32>
      tpu.vector_store %arg6[%swap3A_1323, %swap3A_1324, %swap3A_1325], %swap3A_1328 {strides = array<i32>} : memref<4x20x1000xi32, #tpu.memory_space<vmem>>, vector<1x1x16xi32>,
      %slice3A_1329 = vector.extract_strided_slice %get3A_1276 {offsets = [2], sizes = [1], strides = [1]} : vector<16xi32> to vector<1xi32>
      %squeeze3A_1330 = vector.extract %slice3A_1329[0] : i32 from vector<1xi32>
      %and3A_1331 = arith.constant -16 : i32
      %and3A_1332 = arith.andi %squeeze3A_1330, %and3A_1331 : i32
      %multiple_of3A_1333 = tpu.assume_multiple %and3A_1332, 16 : i32
      %sub3A_1334 = arith.subi %squeeze3A_1330, %multiple_of3A_1333 : i32
      %sub3A_1335 = vector.broadcast %sub3A_1334 : i32 to vector<16xi32>
      %sub3A_1336 = arith.subi %iota3A, %sub3A_1335 : vector<16xi32>
      %abs3A_1337 = math.absi %sub3A_1336 : vector<16xi32>
      %min3A_1338 = arith.constant 31 : i32
      %min3A_1339 = vector.broadcast %min3A_1338 : i32 to vector<16xi32>
      %min3A_1340 = arith.minsi %abs3A_1337, %min3A_1339 : vector<16xi32>
      %shift_right_arithmetic3A_1341 = arith.constant 1 : i32
      %shift_right_arithmetic3A_1342 = vector.broadcast %shift_right_arithmetic3A_1341 : i32 to vector<16xi32>
      %shift_right_arithmetic3A_1343 = arith.shrsi %shift_right_arithmetic3A_1342, %min3A_1340 : vector<16xi32>
      %mul3A_1344 = arith.constant 1 : i32
      %mul3A_1345 = vector.broadcast %mul3A_1344 : i32 to vector<16xi32>
      %mul3A_1346 = arith.muli %shift_right_arithmetic3A_1343, %mul3A_1345 : vector<16xi32>
      %swap3A_1347 = arith.constant 2 : i32
      %swap3A_1348 = arith.constant 10 : i32
      %swap3A_1349 = arith.index_cast %swap3A_1347 : i32 to index
      %swap3A_1350 = arith.index_cast %swap3A_1348 : i32 to index
      %swap3A_1351 = arith.index_cast %multiple_of3A_1333 : i32 to index
      %swap3A_1352 = tpu.vector_load %arg6[%swap3A_1349, %swap3A_1350, %swap3A_1351] {strides = array<i32>} : memref<4x20x1000xi32, #tpu.memory_space<vmem>>, vector<1x1x16xi32>,
      %swap3A_1353 = vector.shape_cast %swap3A_1352 : vector<1x1x16xi32> to vector<16xi32>
      %swap3A_1354 = vector.shape_cast %mul3A_1346 : vector<16xi32> to vector<1x1x16xi32>
      tpu.vector_store %arg6[%swap3A_1349, %swap3A_1350, %swap3A_1351], %swap3A_1354 {strides = array<i32>} : memref<4x20x1000xi32, #tpu.memory_space<vmem>>, vector<1x1x16xi32>,
      %slice3A_1355 = vector.extract_strided_slice %get3A_1276 {offsets = [3], sizes = [1], strides = [1]} : vector<16xi32> to vector<1xi32>
      %squeeze3A_1356 = vector.extract %slice3A_1355[0] : i32 from vector<1xi32>
      %and3A_1357 = arith.constant -16 : i32
      %and3A_1358 = arith.andi %squeeze3A_1356, %and3A_1357 : i32
      %multiple_of3A_1359 = tpu.assume_multiple %and3A_1358, 16 : i32
      %sub3A_1360 = arith.subi %squeeze3A_1356, %multiple_of3A_1359 : i32
      %sub3A_1361 = vector.broadcast %sub3A_1360 : i32 to vector<16xi32>
      %sub3A_1362 = arith.subi %iota3A, %sub3A_1361 : vector<16xi32>
      %abs3A_1363 = math.absi %sub3A_1362 : vector<16xi32>
      %min3A_1364 = arith.constant 31 : i32
      %min3A_1365 = vector.broadcast %min3A_1364 : i32 to vector<16xi32>
      %min3A_1366 = arith.minsi %abs3A_1363, %min3A_1365 : vector<16xi32>
      %shift_right_arithmetic3A_1367 = arith.constant 1 : i32
      %shift_right_arithmetic3A_1368 = vector.broadcast %shift_right_arithmetic3A_1367 : i32 to vector<16xi32>
      %shift_right_arithmetic3A_1369 = arith.shrsi %shift_right_arithmetic3A_1368, %min3A_1366 : vector<16xi32>
      %mul3A_1370 = arith.constant 1 : i32
      %mul3A_1371 = vector.broadcast %mul3A_1370 : i32 to vector<16xi32>
      %mul3A_1372 = arith.muli %shift_right_arithmetic3A_1369, %mul3A_1371 : vector<16xi32>
      %swap3A_1373 = arith.constant 2 : i32
      %swap3A_1374 = arith.constant 11 : i32
      %swap3A_1375 = arith.index_cast %swap3A_1373 : i32 to index
      %swap3A_1376 = arith.index_cast %swap3A_1374 : i32 to index
      %swap3A_1377 = arith.index_cast %multiple_of3A_1359 : i32 to index
      %swap3A_1378 = tpu.vector_load %arg6[%swap3A_1375, %swap3A_1376, %swap3A_1377] {strides = array<i32>} : memref<4x20x1000xi32, #tpu.memory_space<vmem>>, vector<1x1x16xi32>,
      %swap3A_1379 = vector.shape_cast %swap3A_1378 : vector<1x1x16xi32> to vector<16xi32>
      %swap3A_1380 = vector.shape_cast %mul3A_1372 : vector<16xi32> to vector<1x1x16xi32>
      tpu.vector_store %arg6[%swap3A_1375, %swap3A_1376, %swap3A_1377], %swap3A_1380 {strides = array<i32>} : memref<4x20x1000xi32, #tpu.memory_space<vmem>>, vector<1x1x16xi32>,
      %slice3A_1381 = vector.extract_strided_slice %get3A_1276 {offsets = [4], sizes = [1], strides = [1]} : vector<16xi32> to vector<1xi32>
      %squeeze3A_1382 = vector.extract %slice3A_1381[0] : i32 from vector<1xi32>
      %and3A_1383 = arith.constant -16 : i32
      %and3A_1384 = arith.andi %squeeze3A_1382, %and3A_1383 : i32
      %multiple_of3A_1385 = tpu.assume_multiple %and3A_1384, 16 : i32
      %sub3A_1386 = arith.subi %squeeze3A_1382, %multiple_of3A_1385 : i32
      %sub3A_1387 = vector.broadcast %sub3A_1386 : i32 to vector<16xi32>
      %sub3A_1388 = arith.subi %iota3A, %sub3A_1387 : vector<16xi32>
      %abs3A_1389 = math.absi %sub3A_1388 : vector<16xi32>
      %min3A_1390 = arith.constant 31 : i32
      %min3A_1391 = vector.broadcast %min3A_1390 : i32 to vector<16xi32>
      %min3A_1392 = arith.minsi %abs3A_1389, %min3A_1391 : vector<16xi32>
      %shift_right_arithmetic3A_1393 = arith.constant 1 : i32
      %shift_right_arithmetic3A_1394 = vector.broadcast %shift_right_arithmetic3A_1393 : i32 to vector<16xi32>
      %shift_right_arithmetic3A_1395 = arith.shrsi %shift_right_arithmetic3A_1394, %min3A_1392 : vector<16xi32>
      %mul3A_1396 = arith.constant 1 : i32
      %mul3A_1397 = vector.broadcast %mul3A_1396 : i32 to vector<16xi32>
      %mul3A_1398 = arith.muli %shift_right_arithmetic3A_1395, %mul3A_1397 : vector<16xi32>
      %swap3A_1399 = arith.constant 2 : i32
      %swap3A_1400 = arith.constant 12 : i32
      %swap3A_1401 = arith.index_cast %swap3A_1399 : i32 to index
      %swap3A_1402 = arith.index_cast %swap3A_1400 : i32 to index
      %swap3A_1403 = arith.index_cast %multiple_of3A_1385 : i32 to index
      %swap3A_1404 = tpu.vector_load %arg6[%swap3A_1401, %swap3A_1402, %swap3A_1403] {strides = array<i32>} : memref<4x20x1000xi32, #tpu.memory_space<vmem>>, vector<1x1x16xi32>,
      %swap3A_1405 = vector.shape_cast %swap3A_1404 : vector<1x1x16xi32> to vector<16xi32>
      %swap3A_1406 = vector.shape_cast %mul3A_1398 : vector<16xi32> to vector<1x1x16xi32>
      tpu.vector_store %arg6[%swap3A_1401, %swap3A_1402, %swap3A_1403], %swap3A_1406 {strides = array<i32>} : memref<4x20x1000xi32, #tpu.memory_space<vmem>>, vector<1x1x16xi32>,
      %slice3A_1407 = vector.extract_strided_slice %get3A_1276 {offsets = [5], sizes = [1], strides = [1]} : vector<16xi32> to vector<1xi32>
      %squeeze3A_1408 = vector.extract %slice3A_1407[0] : i32 from vector<1xi32>
      %and3A_1409 = arith.constant -16 : i32
      %and3A_1410 = arith.andi %squeeze3A_1408, %and3A_1409 : i32
      %multiple_of3A_1411 = tpu.assume_multiple %and3A_1410, 16 : i32
      %sub3A_1412 = arith.subi %squeeze3A_1408, %multiple_of3A_1411 : i32
      %sub3A_1413 = vector.broadcast %sub3A_1412 : i32 to vector<16xi32>
      %sub3A_1414 = arith.subi %iota3A, %sub3A_1413 : vector<16xi32>
      %abs3A_1415 = math.absi %sub3A_1414 : vector<16xi32>
      %min3A_1416 = arith.constant 31 : i32
      %min3A_1417 = vector.broadcast %min3A_1416 : i32 to vector<16xi32>
      %min3A_1418 = arith.minsi %abs3A_1415, %min3A_1417 : vector<16xi32>
      %shift_right_arithmetic3A_1419 = arith.constant 1 : i32
      %shift_right_arithmetic3A_1420 = vector.broadcast %shift_right_arithmetic3A_1419 : i32 to vector<16xi32>
      %shift_right_arithmetic3A_1421 = arith.shrsi %shift_right_arithmetic3A_1420, %min3A_1418 : vector<16xi32>
      %mul3A_1422 = arith.constant 1 : i32
      %mul3A_1423 = vector.broadcast %mul3A_1422 : i32 to vector<16xi32>
      %mul3A_1424 = arith.muli %shift_right_arithmetic3A_1421, %mul3A_1423 : vector<16xi32>
      %swap3A_1425 = arith.constant 2 : i32
      %swap3A_1426 = arith.constant 13 : i32
      %swap3A_1427 = arith.index_cast %swap3A_1425 : i32 to index
      %swap3A_1428 = arith.index_cast %swap3A_1426 : i32 to index
      %swap3A_1429 = arith.index_cast %multiple_of3A_1411 : i32 to index
      %swap3A_1430 = tpu.vector_load %arg6[%swap3A_1427, %swap3A_1428, %swap3A_1429] {strides = array<i32>} : memref<4x20x1000xi32, #tpu.memory_space<vmem>>, vector<1x1x16xi32>,
      %swap3A_1431 = vector.shape_cast %swap3A_1430 : vector<1x1x16xi32> to vector<16xi32>
      %swap3A_1432 = vector.shape_cast %mul3A_1424 : vector<16xi32> to vector<1x1x16xi32>
      tpu.vector_store %arg6[%swap3A_1427, %swap3A_1428, %swap3A_1429], %swap3A_1432 {strides = array<i32>} : memref<4x20x1000xi32, #tpu.memory_space<vmem>>, vector<1x1x16xi32>,
      %slice3A_1433 = vector.extract_strided_slice %get3A_1276 {offsets = [6], sizes = [1], strides = [1]} : vector<16xi32> to vector<1xi32>
      %squeeze3A_1434 = vector.extract %slice3A_1433[0] : i32 from vector<1xi32>
      %and3A_1435 = arith.constant -16 : i32
      %and3A_1436 = arith.andi %squeeze3A_1434, %and3A_1435 : i32
      %multiple_of3A_1437 = tpu.assume_multiple %and3A_1436, 16 : i32
      %sub3A_1438 = arith.subi %squeeze3A_1434, %multiple_of3A_1437 : i32
      %sub3A_1439 = vector.broadcast %sub3A_1438 : i32 to vector<16xi32>
      %sub3A_1440 = arith.subi %iota3A, %sub3A_1439 : vector<16xi32>
      %abs3A_1441 = math.absi %sub3A_1440 : vector<16xi32>
      %min3A_1442 = arith.constant 31 : i32
      %min3A_1443 = vector.broadcast %min3A_1442 : i32 to vector<16xi32>
      %min3A_1444 = arith.minsi %abs3A_1441, %min3A_1443 : vector<16xi32>
      %shift_right_arithmetic3A_1445 = arith.constant 1 : i32
      %shift_right_arithmetic3A_1446 = vector.broadcast %shift_right_arithmetic3A_1445 : i32 to vector<16xi32>
      %shift_right_arithmetic3A_1447 = arith.shrsi %shift_right_arithmetic3A_1446, %min3A_1444 : vector<16xi32>
      %mul3A_1448 = arith.constant 1 : i32
      %mul3A_1449 = vector.broadcast %mul3A_1448 : i32 to vector<16xi32>
      %mul3A_1450 = arith.muli %shift_right_arithmetic3A_1447, %mul3A_1449 : vector<16xi32>
      %swap3A_1451 = arith.constant 2 : i32
      %swap3A_1452 = arith.constant 14 : i32
      %swap3A_1453 = arith.index_cast %swap3A_1451 : i32 to index
      %swap3A_1454 = arith.index_cast %swap3A_1452 : i32 to index
      %swap3A_1455 = arith.index_cast %multiple_of3A_1437 : i32 to index
      %swap3A_1456 = tpu.vector_load %arg6[%swap3A_1453, %swap3A_1454, %swap3A_1455] {strides = array<i32>} : memref<4x20x1000xi32, #tpu.memory_space<vmem>>, vector<1x1x16xi32>,
      %swap3A_1457 = vector.shape_cast %swap3A_1456 : vector<1x1x16xi32> to vector<16xi32>
      %swap3A_1458 = vector.shape_cast %mul3A_1450 : vector<16xi32> to vector<1x1x16xi32>
      tpu.vector_store %arg6[%swap3A_1453, %swap3A_1454, %swap3A_1455], %swap3A_1458 {strides = array<i32>} : memref<4x20x1000xi32, #tpu.memory_space<vmem>>, vector<1x1x16xi32>,
      %slice3A_1459 = vector.extract_strided_slice %get3A_1276 {offsets = [7], sizes = [1], strides = [1]} : vector<16xi32> to vector<1xi32>
      %squeeze3A_1460 = vector.extract %slice3A_1459[0] : i32 from vector<1xi32>
      %and3A_1461 = arith.constant -16 : i32
      %and3A_1462 = arith.andi %squeeze3A_1460, %and3A_1461 : i32
      %multiple_of3A_1463 = tpu.assume_multiple %and3A_1462, 16 : i32
      %sub3A_1464 = arith.subi %squeeze3A_1460, %multiple_of3A_1463 : i32
      %sub3A_1465 = vector.broadcast %sub3A_1464 : i32 to vector<16xi32>
      %sub3A_1466 = arith.subi %iota3A, %sub3A_1465 : vector<16xi32>
      %abs3A_1467 = math.absi %sub3A_1466 : vector<16xi32>
      %min3A_1468 = arith.constant 31 : i32
      %min3A_1469 = vector.broadcast %min3A_1468 : i32 to vector<16xi32>
      %min3A_1470 = arith.minsi %abs3A_1467, %min3A_1469 : vector<16xi32>
      %shift_right_arithmetic3A_1471 = arith.constant 1 : i32
      %shift_right_arithmetic3A_1472 = vector.broadcast %shift_right_arithmetic3A_1471 : i32 to vector<16xi32>
      %shift_right_arithmetic3A_1473 = arith.shrsi %shift_right_arithmetic3A_1472, %min3A_1470 : vector<16xi32>
      %mul3A_1474 = arith.constant 1 : i32
      %mul3A_1475 = vector.broadcast %mul3A_1474 : i32 to vector<16xi32>
      %mul3A_1476 = arith.muli %shift_right_arithmetic3A_1473, %mul3A_1475 : vector<16xi32>
      %swap3A_1477 = arith.constant 2 : i32
      %swap3A_1478 = arith.constant 15 : i32
      %swap3A_1479 = arith.index_cast %swap3A_1477 : i32 to index
      %swap3A_1480 = arith.index_cast %swap3A_1478 : i32 to index
      %swap3A_1481 = arith.index_cast %multiple_of3A_1463 : i32 to index
      %swap3A_1482 = tpu.vector_load %arg6[%swap3A_1479, %swap3A_1480, %swap3A_1481] {strides = array<i32>} : memref<4x20x1000xi32, #tpu.memory_space<vmem>>, vector<1x1x16xi32>,
      %swap3A_1483 = vector.shape_cast %swap3A_1482 : vector<1x1x16xi32> to vector<16xi32>
      %swap3A_1484 = vector.shape_cast %mul3A_1476 : vector<16xi32> to vector<1x1x16xi32>
      tpu.vector_store %arg6[%swap3A_1479, %swap3A_1480, %swap3A_1481], %swap3A_1484 {strides = array<i32>} : memref<4x20x1000xi32, #tpu.memory_space<vmem>>, vector<1x1x16xi32>,
      %slice3A_1485 = vector.extract_strided_slice %get3A_1276 {offsets = [8], sizes = [1], strides = [1]} : vector<16xi32> to vector<1xi32>
      %squeeze3A_1486 = vector.extract %slice3A_1485[0] : i32 from vector<1xi32>
      %and3A_1487 = arith.constant -16 : i32
      %and3A_1488 = arith.andi %squeeze3A_1486, %and3A_1487 : i32
      %multiple_of3A_1489 = tpu.assume_multiple %and3A_1488, 16 : i32
      %sub3A_1490 = arith.subi %squeeze3A_1486, %multiple_of3A_1489 : i32
      %sub3A_1491 = vector.broadcast %sub3A_1490 : i32 to vector<16xi32>
      %sub3A_1492 = arith.subi %iota3A, %sub3A_1491 : vector<16xi32>
      %abs3A_1493 = math.absi %sub3A_1492 : vector<16xi32>
      %min3A_1494 = arith.constant 31 : i32
      %min3A_1495 = vector.broadcast %min3A_1494 : i32 to vector<16xi32>
      %min3A_1496 = arith.minsi %abs3A_1493, %min3A_1495 : vector<16xi32>
      %shift_right_arithmetic3A_1497 = arith.constant 1 : i32
      %shift_right_arithmetic3A_1498 = vector.broadcast %shift_right_arithmetic3A_1497 : i32 to vector<16xi32>
      %shift_right_arithmetic3A_1499 = arith.shrsi %shift_right_arithmetic3A_1498, %min3A_1496 : vector<16xi32>
      %mul3A_1500 = arith.constant 1 : i32
      %mul3A_1501 = vector.broadcast %mul3A_1500 : i32 to vector<16xi32>
      %mul3A_1502 = arith.muli %shift_right_arithmetic3A_1499, %mul3A_1501 : vector<16xi32>
      %swap3A_1503 = arith.constant 2 : i32
      %swap3A_1504 = arith.constant 16 : i32
      %swap3A_1505 = arith.index_cast %swap3A_1503 : i32 to index
      %swap3A_1506 = arith.index_cast %swap3A_1504 : i32 to index
      %swap3A_1507 = arith.index_cast %multiple_of3A_1489 : i32 to index
      %swap3A_1508 = tpu.vector_load %arg6[%swap3A_1505, %swap3A_1506, %swap3A_1507] {strides = array<i32>} : memref<4x20x1000xi32, #tpu.memory_space<vmem>>, vector<1x1x16xi32>,
      %swap3A_1509 = vector.shape_cast %swap3A_1508 : vector<1x1x16xi32> to vector<16xi32>
      %swap3A_1510 = vector.shape_cast %mul3A_1502 : vector<16xi32> to vector<1x1x16xi32>
      tpu.vector_store %arg6[%swap3A_1505, %swap3A_1506, %swap3A_1507], %swap3A_1510 {strides = array<i32>} : memref<4x20x1000xi32, #tpu.memory_space<vmem>>, vector<1x1x16xi32>,
      %slice3A_1511 = vector.extract_strided_slice %get3A_1276 {offsets = [9], sizes = [1], strides = [1]} : vector<16xi32> to vector<1xi32>
      %squeeze3A_1512 = vector.extract %slice3A_1511[0] : i32 from vector<1xi32>
      %and3A_1513 = arith.constant -16 : i32
      %and3A_1514 = arith.andi %squeeze3A_1512, %and3A_1513 : i32
      %multiple_of3A_1515 = tpu.assume_multiple %and3A_1514, 16 : i32
      %sub3A_1516 = arith.subi %squeeze3A_1512, %multiple_of3A_1515 : i32
      %sub3A_1517 = vector.broadcast %sub3A_1516 : i32 to vector<16xi32>
      %sub3A_1518 = arith.subi %iota3A, %sub3A_1517 : vector<16xi32>
      %abs3A_1519 = math.absi %sub3A_1518 : vector<16xi32>
      %min3A_1520 = arith.constant 31 : i32
      %min3A_1521 = vector.broadcast %min3A_1520 : i32 to vector<16xi32>
      %min3A_1522 = arith.minsi %abs3A_1519, %min3A_1521 : vector<16xi32>
      %shift_right_arithmetic3A_1523 = arith.constant 1 : i32
      %shift_right_arithmetic3A_1524 = vector.broadcast %shift_right_arithmetic3A_1523 : i32 to vector<16xi32>
      %shift_right_arithmetic3A_1525 = arith.shrsi %shift_right_arithmetic3A_1524, %min3A_1522 : vector<16xi32>
      %mul3A_1526 = arith.constant 1 : i32
      %mul3A_1527 = vector.broadcast %mul3A_1526 : i32 to vector<16xi32>
      %mul3A_1528 = arith.muli %shift_right_arithmetic3A_1525, %mul3A_1527 : vector<16xi32>
      %swap3A_1529 = arith.constant 2 : i32
      %swap3A_1530 = arith.constant 17 : i32
      %swap3A_1531 = arith.index_cast %swap3A_1529 : i32 to index
      %swap3A_1532 = arith.index_cast %swap3A_1530 : i32 to index
      %swap3A_1533 = arith.index_cast %multiple_of3A_1515 : i32 to index
      %swap3A_1534 = tpu.vector_load %arg6[%swap3A_1531, %swap3A_1532, %swap3A_1533] {strides = array<i32>} : memref<4x20x1000xi32, #tpu.memory_space<vmem>>, vector<1x1x16xi32>,
      %swap3A_1535 = vector.shape_cast %swap3A_1534 : vector<1x1x16xi32> to vector<16xi32>
      %swap3A_1536 = vector.shape_cast %mul3A_1528 : vector<16xi32> to vector<1x1x16xi32>
      tpu.vector_store %arg6[%swap3A_1531, %swap3A_1532, %swap3A_1533], %swap3A_1536 {strides = array<i32>} : memref<4x20x1000xi32, #tpu.memory_space<vmem>>, vector<1x1x16xi32>,
      %slice3A_1537 = vector.extract_strided_slice %get3A_1276 {offsets = [10], sizes = [1], strides = [1]} : vector<16xi32> to vector<1xi32>
      %squeeze3A_1538 = vector.extract %slice3A_1537[0] : i32 from vector<1xi32>
      %and3A_1539 = arith.constant -16 : i32
      %and3A_1540 = arith.andi %squeeze3A_1538, %and3A_1539 : i32
      %multiple_of3A_1541 = tpu.assume_multiple %and3A_1540, 16 : i32
      %sub3A_1542 = arith.subi %squeeze3A_1538, %multiple_of3A_1541 : i32
      %sub3A_1543 = vector.broadcast %sub3A_1542 : i32 to vector<16xi32>
      %sub3A_1544 = arith.subi %iota3A, %sub3A_1543 : vector<16xi32>
      %abs3A_1545 = math.absi %sub3A_1544 : vector<16xi32>
      %min3A_1546 = arith.constant 31 : i32
      %min3A_1547 = vector.broadcast %min3A_1546 : i32 to vector<16xi32>
      %min3A_1548 = arith.minsi %abs3A_1545, %min3A_1547 : vector<16xi32>
      %shift_right_arithmetic3A_1549 = arith.constant 1 : i32
      %shift_right_arithmetic3A_1550 = vector.broadcast %shift_right_arithmetic3A_1549 : i32 to vector<16xi32>
      %shift_right_arithmetic3A_1551 = arith.shrsi %shift_right_arithmetic3A_1550, %min3A_1548 : vector<16xi32>
      %mul3A_1552 = arith.constant 1 : i32
      %mul3A_1553 = vector.broadcast %mul3A_1552 : i32 to vector<16xi32>
      %mul3A_1554 = arith.muli %shift_right_arithmetic3A_1551, %mul3A_1553 : vector<16xi32>
      %swap3A_1555 = arith.constant 2 : i32
      %swap3A_1556 = arith.constant 18 : i32
      %swap3A_1557 = arith.index_cast %swap3A_1555 : i32 to index
      %swap3A_1558 = arith.index_cast %swap3A_1556 : i32 to index
      %swap3A_1559 = arith.index_cast %multiple_of3A_1541 : i32 to index
      %swap3A_1560 = tpu.vector_load %arg6[%swap3A_1557, %swap3A_1558, %swap3A_1559] {strides = array<i32>} : memref<4x20x1000xi32, #tpu.memory_space<vmem>>, vector<1x1x16xi32>,
      %swap3A_1561 = vector.shape_cast %swap3A_1560 : vector<1x1x16xi32> to vector<16xi32>
      %swap3A_1562 = vector.shape_cast %mul3A_1554 : vector<16xi32> to vector<1x1x16xi32>
      tpu.vector_store %arg6[%swap3A_1557, %swap3A_1558, %swap3A_1559], %swap3A_1562 {strides = array<i32>} : memref<4x20x1000xi32, #tpu.memory_space<vmem>>, vector<1x1x16xi32>,
      %slice3A_1563 = vector.extract_strided_slice %get3A_1276 {offsets = [11], sizes = [1], strides = [1]} : vector<16xi32> to vector<1xi32>
      %squeeze3A_1564 = vector.extract %slice3A_1563[0] : i32 from vector<1xi32>
      %and3A_1565 = arith.constant -16 : i32
      %and3A_1566 = arith.andi %squeeze3A_1564, %and3A_1565 : i32
      %multiple_of3A_1567 = tpu.assume_multiple %and3A_1566, 16 : i32
      %sub3A_1568 = arith.subi %squeeze3A_1564, %multiple_of3A_1567 : i32
      %sub3A_1569 = vector.broadcast %sub3A_1568 : i32 to vector<16xi32>
      %sub3A_1570 = arith.subi %iota3A, %sub3A_1569 : vector<16xi32>
      %abs3A_1571 = math.absi %sub3A_1570 : vector<16xi32>
      %min3A_1572 = arith.constant 31 : i32
      %min3A_1573 = vector.broadcast %min3A_1572 : i32 to vector<16xi32>
      %min3A_1574 = arith.minsi %abs3A_1571, %min3A_1573 : vector<16xi32>
      %shift_right_arithmetic3A_1575 = arith.constant 1 : i32
      %shift_right_arithmetic3A_1576 = vector.broadcast %shift_right_arithmetic3A_1575 : i32 to vector<16xi32>
      %shift_right_arithmetic3A_1577 = arith.shrsi %shift_right_arithmetic3A_1576, %min3A_1574 : vector<16xi32>
      %mul3A_1578 = arith.constant 1 : i32
      %mul3A_1579 = vector.broadcast %mul3A_1578 : i32 to vector<16xi32>
      %mul3A_1580 = arith.muli %shift_right_arithmetic3A_1577, %mul3A_1579 : vector<16xi32>
      %swap3A_1581 = arith.constant 2 : i32
      %swap3A_1582 = arith.constant 19 : i32
      %swap3A_1583 = arith.index_cast %swap3A_1581 : i32 to index
      %swap3A_1584 = arith.index_cast %swap3A_1582 : i32 to index
      %swap3A_1585 = arith.index_cast %multiple_of3A_1567 : i32 to index
      %swap3A_1586 = tpu.vector_load %arg6[%swap3A_1583, %swap3A_1584, %swap3A_1585] {strides = array<i32>} : memref<4x20x1000xi32, #tpu.memory_space<vmem>>, vector<1x1x16xi32>,
      %swap3A_1587 = vector.shape_cast %swap3A_1586 : vector<1x1x16xi32> to vector<16xi32>
      %swap3A_1588 = vector.shape_cast %mul3A_1580 : vector<16xi32> to vector<1x1x16xi32>
      tpu.vector_store %arg6[%swap3A_1583, %swap3A_1584, %swap3A_1585], %swap3A_1588 {strides = array<i32>} : memref<4x20x1000xi32, #tpu.memory_space<vmem>>, vector<1x1x16xi32>,
      %slice3A_1589 = vector.extract_strided_slice %get3A_1276 {offsets = [12], sizes = [1], strides = [1]} : vector<16xi32> to vector<1xi32>
      %squeeze3A_1590 = vector.extract %slice3A_1589[0] : i32 from vector<1xi32>
      %and3A_1591 = arith.constant -16 : i32
      %and3A_1592 = arith.andi %squeeze3A_1590, %and3A_1591 : i32
      %multiple_of3A_1593 = tpu.assume_multiple %and3A_1592, 16 : i32
      %sub3A_1594 = arith.subi %squeeze3A_1590, %multiple_of3A_1593 : i32
      %sub3A_1595 = vector.broadcast %sub3A_1594 : i32 to vector<16xi32>
      %sub3A_1596 = arith.subi %iota3A, %sub3A_1595 : vector<16xi32>
      %abs3A_1597 = math.absi %sub3A_1596 : vector<16xi32>
      %min3A_1598 = arith.constant 31 : i32
      %min3A_1599 = vector.broadcast %min3A_1598 : i32 to vector<16xi32>
      %min3A_1600 = arith.minsi %abs3A_1597, %min3A_1599 : vector<16xi32>
      %shift_right_arithmetic3A_1601 = arith.constant 1 : i32
      %shift_right_arithmetic3A_1602 = vector.broadcast %shift_right_arithmetic3A_1601 : i32 to vector<16xi32>
      %shift_right_arithmetic3A_1603 = arith.shrsi %shift_right_arithmetic3A_1602, %min3A_1600 : vector<16xi32>
      %mul3A_1604 = arith.constant 1 : i32
      %mul3A_1605 = vector.broadcast %mul3A_1604 : i32 to vector<16xi32>
      %mul3A_1606 = arith.muli %shift_right_arithmetic3A_1603, %mul3A_1605 : vector<16xi32>
      %swap3A_1607 = arith.constant 3 : i32
      %swap3A_1608 = arith.constant 0 : i32
      %swap3A_1609 = arith.index_cast %swap3A_1607 : i32 to index
      %swap3A_1610 = arith.index_cast %swap3A_1608 : i32 to index
      %swap3A_1611 = arith.index_cast %multiple_of3A_1593 : i32 to index
      %swap3A_1612 = tpu.vector_load %arg6[%swap3A_1609, %swap3A_1610, %swap3A_1611] {strides = array<i32>} : memref<4x20x1000xi32, #tpu.memory_space<vmem>>, vector<1x1x16xi32>,
      %swap3A_1613 = vector.shape_cast %swap3A_1612 : vector<1x1x16xi32> to vector<16xi32>
      %swap3A_1614 = vector.shape_cast %mul3A_1606 : vector<16xi32> to vector<1x1x16xi32>
      tpu.vector_store %arg6[%swap3A_1609, %swap3A_1610, %swap3A_1611], %swap3A_1614 {strides = array<i32>} : memref<4x20x1000xi32, #tpu.memory_space<vmem>>, vector<1x1x16xi32>,
      %slice3A_1615 = vector.extract_strided_slice %get3A_1276 {offsets = [13], sizes = [1], strides = [1]} : vector<16xi32> to vector<1xi32>
      %squeeze3A_1616 = vector.extract %slice3A_1615[0] : i32 from vector<1xi32>
      %and3A_1617 = arith.constant -16 : i32
      %and3A_1618 = arith.andi %squeeze3A_1616, %and3A_1617 : i32
      %multiple_of3A_1619 = tpu.assume_multiple %and3A_1618, 16 : i32
      %sub3A_1620 = arith.subi %squeeze3A_1616, %multiple_of3A_1619 : i32
      %sub3A_1621 = vector.broadcast %sub3A_1620 : i32 to vector<16xi32>
      %sub3A_1622 = arith.subi %iota3A, %sub3A_1621 : vector<16xi32>
      %abs3A_1623 = math.absi %sub3A_1622 : vector<16xi32>
      %min3A_1624 = arith.constant 31 : i32
      %min3A_1625 = vector.broadcast %min3A_1624 : i32 to vector<16xi32>
      %min3A_1626 = arith.minsi %abs3A_1623, %min3A_1625 : vector<16xi32>
      %shift_right_arithmetic3A_1627 = arith.constant 1 : i32
      %shift_right_arithmetic3A_1628 = vector.broadcast %shift_right_arithmetic3A_1627 : i32 to vector<16xi32>
      %shift_right_arithmetic3A_1629 = arith.shrsi %shift_right_arithmetic3A_1628, %min3A_1626 : vector<16xi32>
      %mul3A_1630 = arith.constant 1 : i32
      %mul3A_1631 = vector.broadcast %mul3A_1630 : i32 to vector<16xi32>
      %mul3A_1632 = arith.muli %shift_right_arithmetic3A_1629, %mul3A_1631 : vector<16xi32>
      %swap3A_1633 = arith.constant 3 : i32
      %swap3A_1634 = arith.constant 1 : i32
      %swap3A_1635 = arith.index_cast %swap3A_1633 : i32 to index
      %swap3A_1636 = arith.index_cast %swap3A_1634 : i32 to index
      %swap3A_1637 = arith.index_cast %multiple_of3A_1619 : i32 to index
      %swap3A_1638 = tpu.vector_load %arg6[%swap3A_1635, %swap3A_1636, %swap3A_1637] {strides = array<i32>} : memref<4x20x1000xi32, #tpu.memory_space<vmem>>, vector<1x1x16xi32>,
      %swap3A_1639 = vector.shape_cast %swap3A_1638 : vector<1x1x16xi32> to vector<16xi32>
      %swap3A_1640 = vector.shape_cast %mul3A_1632 : vector<16xi32> to vector<1x1x16xi32>
      tpu.vector_store %arg6[%swap3A_1635, %swap3A_1636, %swap3A_1637], %swap3A_1640 {strides = array<i32>} : memref<4x20x1000xi32, #tpu.memory_space<vmem>>, vector<1x1x16xi32>,
      %slice3A_1641 = vector.extract_strided_slice %get3A_1276 {offsets = [14], sizes = [1], strides = [1]} : vector<16xi32> to vector<1xi32>
      %squeeze3A_1642 = vector.extract %slice3A_1641[0] : i32 from vector<1xi32>
      %and3A_1643 = arith.constant -16 : i32
      %and3A_1644 = arith.andi %squeeze3A_1642, %and3A_1643 : i32
      %multiple_of3A_1645 = tpu.assume_multiple %and3A_1644, 16 : i32
      %sub3A_1646 = arith.subi %squeeze3A_1642, %multiple_of3A_1645 : i32
      %sub3A_1647 = vector.broadcast %sub3A_1646 : i32 to vector<16xi32>
      %sub3A_1648 = arith.subi %iota3A, %sub3A_1647 : vector<16xi32>
      %abs3A_1649 = math.absi %sub3A_1648 : vector<16xi32>
      %min3A_1650 = arith.constant 31 : i32
      %min3A_1651 = vector.broadcast %min3A_1650 : i32 to vector<16xi32>
      %min3A_1652 = arith.minsi %abs3A_1649, %min3A_1651 : vector<16xi32>
      %shift_right_arithmetic3A_1653 = arith.constant 1 : i32
      %shift_right_arithmetic3A_1654 = vector.broadcast %shift_right_arithmetic3A_1653 : i32 to vector<16xi32>
      %shift_right_arithmetic3A_1655 = arith.shrsi %shift_right_arithmetic3A_1654, %min3A_1652 : vector<16xi32>
      %mul3A_1656 = arith.constant 1 : i32
      %mul3A_1657 = vector.broadcast %mul3A_1656 : i32 to vector<16xi32>
      %mul3A_1658 = arith.muli %shift_right_arithmetic3A_1655, %mul3A_1657 : vector<16xi32>
      %swap3A_1659 = arith.constant 3 : i32
      %swap3A_1660 = arith.constant 2 : i32
      %swap3A_1661 = arith.index_cast %swap3A_1659 : i32 to index
      %swap3A_1662 = arith.index_cast %swap3A_1660 : i32 to index
      %swap3A_1663 = arith.index_cast %multiple_of3A_1645 : i32 to index
      %swap3A_1664 = tpu.vector_load %arg6[%swap3A_1661, %swap3A_1662, %swap3A_1663] {strides = array<i32>} : memref<4x20x1000xi32, #tpu.memory_space<vmem>>, vector<1x1x16xi32>,
      %swap3A_1665 = vector.shape_cast %swap3A_1664 : vector<1x1x16xi32> to vector<16xi32>
      %swap3A_1666 = vector.shape_cast %mul3A_1658 : vector<16xi32> to vector<1x1x16xi32>
      tpu.vector_store %arg6[%swap3A_1661, %swap3A_1662, %swap3A_1663], %swap3A_1666 {strides = array<i32>} : memref<4x20x1000xi32, #tpu.memory_space<vmem>>, vector<1x1x16xi32>,
      %slice3A_1667 = vector.extract_strided_slice %get3A_1276 {offsets = [15], sizes = [1], strides = [1]} : vector<16xi32> to vector<1xi32>
      %squeeze3A_1668 = vector.extract %slice3A_1667[0] : i32 from vector<1xi32>
      %and3A_1669 = arith.constant -16 : i32
      %and3A_1670 = arith.andi %squeeze3A_1668, %and3A_1669 : i32
      %multiple_of3A_1671 = tpu.assume_multiple %and3A_1670, 16 : i32
      %sub3A_1672 = arith.subi %squeeze3A_1668, %multiple_of3A_1671 : i32
      %sub3A_1673 = vector.broadcast %sub3A_1672 : i32 to vector<16xi32>
      %sub3A_1674 = arith.subi %iota3A, %sub3A_1673 : vector<16xi32>
      %abs3A_1675 = math.absi %sub3A_1674 : vector<16xi32>
      %min3A_1676 = arith.constant 31 : i32
      %min3A_1677 = vector.broadcast %min3A_1676 : i32 to vector<16xi32>
      %min3A_1678 = arith.minsi %abs3A_1675, %min3A_1677 : vector<16xi32>
      %shift_right_arithmetic3A_1679 = arith.constant 1 : i32
      %shift_right_arithmetic3A_1680 = vector.broadcast %shift_right_arithmetic3A_1679 : i32 to vector<16xi32>
      %shift_right_arithmetic3A_1681 = arith.shrsi %shift_right_arithmetic3A_1680, %min3A_1678 : vector<16xi32>
      %mul3A_1682 = arith.constant 1 : i32
      %mul3A_1683 = vector.broadcast %mul3A_1682 : i32 to vector<16xi32>
      %mul3A_1684 = arith.muli %shift_right_arithmetic3A_1681, %mul3A_1683 : vector<16xi32>
      %swap3A_1685 = arith.constant 3 : i32
      %swap3A_1686 = arith.constant 3 : i32
      %swap3A_1687 = arith.index_cast %swap3A_1685 : i32 to index
      %swap3A_1688 = arith.index_cast %swap3A_1686 : i32 to index
      %swap3A_1689 = arith.index_cast %multiple_of3A_1671 : i32 to index
      %swap3A_1690 = tpu.vector_load %arg6[%swap3A_1687, %swap3A_1688, %swap3A_1689] {strides = array<i32>} : memref<4x20x1000xi32, #tpu.memory_space<vmem>>, vector<1x1x16xi32>,
      %swap3A_1691 = vector.shape_cast %swap3A_1690 : vector<1x1x16xi32> to vector<16xi32>
      %swap3A_1692 = vector.shape_cast %mul3A_1684 : vector<16xi32> to vector<1x1x16xi32>
      tpu.vector_store %arg6[%swap3A_1687, %swap3A_1688, %swap3A_1689], %swap3A_1692 {strides = array<i32>} : memref<4x20x1000xi32, #tpu.memory_space<vmem>>, vector<1x1x16xi32>,
      %mul3A_1693 = arith.constant 80 : i32
      %mul3A_1694 = arith.muli %scan3A_10, %mul3A_1693 : i32
      %add3A_1695 = arith.constant 64 : i32
      %add3A_1696 = arith.addi %mul3A_1694, %add3A_1695 : i32
      %get3A_1697 = arith.index_cast %add3A_1696 : i32 to index
      %get3A_1698 = tpu.vector_load %arg5[%get3A_1697] {strides = array<i32>} : memref<2560xi32, #tpu.memory_space<vmem>>, vector<16xi32>,
      %get3A_1699 = vector.shape_cast %get3A_1698 : vector<16xi32> to vector<16xi32>
      %slice3A_1700 = vector.extract_strided_slice %get3A_1699 {offsets = [0], sizes = [1], strides = [1]} : vector<16xi32> to vector<1xi32>
      %squeeze3A_1701 = vector.extract %slice3A_1700[0] : i32 from vector<1xi32>
      %and3A_1702 = arith.constant -16 : i32
      %and3A_1703 = arith.andi %squeeze3A_1701, %and3A_1702 : i32
      %multiple_of3A_1704 = tpu.assume_multiple %and3A_1703, 16 : i32
      %sub3A_1705 = arith.subi %squeeze3A_1701, %multiple_of3A_1704 : i32
      %sub3A_1706 = vector.broadcast %sub3A_1705 : i32 to vector<16xi32>
      %sub3A_1707 = arith.subi %iota3A, %sub3A_1706 : vector<16xi32>
      %abs3A_1708 = math.absi %sub3A_1707 : vector<16xi32>
      %min3A_1709 = arith.constant 31 : i32
      %min3A_1710 = vector.broadcast %min3A_1709 : i32 to vector<16xi32>
      %min3A_1711 = arith.minsi %abs3A_1708, %min3A_1710 : vector<16xi32>
      %shift_right_arithmetic3A_1712 = arith.constant 1 : i32
      %shift_right_arithmetic3A_1713 = vector.broadcast %shift_right_arithmetic3A_1712 : i32 to vector<16xi32>
      %shift_right_arithmetic3A_1714 = arith.shrsi %shift_right_arithmetic3A_1713, %min3A_1711 : vector<16xi32>
      %mul3A_1715 = arith.constant 1 : i32
      %mul3A_1716 = vector.broadcast %mul3A_1715 : i32 to vector<16xi32>
      %mul3A_1717 = arith.muli %shift_right_arithmetic3A_1714, %mul3A_1716 : vector<16xi32>
      %swap3A_1718 = arith.constant 3 : i32
      %swap3A_1719 = arith.constant 4 : i32
      %swap3A_1720 = arith.index_cast %swap3A_1718 : i32 to index
      %swap3A_1721 = arith.index_cast %swap3A_1719 : i32 to index
      %swap3A_1722 = arith.index_cast %multiple_of3A_1704 : i32 to index
      %swap3A_1723 = tpu.vector_load %arg6[%swap3A_1720, %swap3A_1721, %swap3A_1722] {strides = array<i32>} : memref<4x20x1000xi32, #tpu.memory_space<vmem>>, vector<1x1x16xi32>,
      %swap3A_1724 = vector.shape_cast %swap3A_1723 : vector<1x1x16xi32> to vector<16xi32>
      %swap3A_1725 = vector.shape_cast %mul3A_1717 : vector<16xi32> to vector<1x1x16xi32>
      tpu.vector_store %arg6[%swap3A_1720, %swap3A_1721, %swap3A_1722], %swap3A_1725 {strides = array<i32>} : memref<4x20x1000xi32, #tpu.memory_space<vmem>>, vector<1x1x16xi32>,
      %slice3A_1726 = vector.extract_strided_slice %get3A_1699 {offsets = [1], sizes = [1], strides = [1]} : vector<16xi32> to vector<1xi32>
      %squeeze3A_1727 = vector.extract %slice3A_1726[0] : i32 from vector<1xi32>
      %and3A_1728 = arith.constant -16 : i32
      %and3A_1729 = arith.andi %squeeze3A_1727, %and3A_1728 : i32
      %multiple_of3A_1730 = tpu.assume_multiple %and3A_1729, 16 : i32
      %sub3A_1731 = arith.subi %squeeze3A_1727, %multiple_of3A_1730 : i32
      %sub3A_1732 = vector.broadcast %sub3A_1731 : i32 to vector<16xi32>
      %sub3A_1733 = arith.subi %iota3A, %sub3A_1732 : vector<16xi32>
      %abs3A_1734 = math.absi %sub3A_1733 : vector<16xi32>
      %min3A_1735 = arith.constant 31 : i32
      %min3A_1736 = vector.broadcast %min3A_1735 : i32 to vector<16xi32>
      %min3A_1737 = arith.minsi %abs3A_1734, %min3A_1736 : vector<16xi32>
      %shift_right_arithmetic3A_1738 = arith.constant 1 : i32
      %shift_right_arithmetic3A_1739 = vector.broadcast %shift_right_arithmetic3A_1738 : i32 to vector<16xi32>
      %shift_right_arithmetic3A_1740 = arith.shrsi %shift_right_arithmetic3A_1739, %min3A_1737 : vector<16xi32>
      %mul3A_1741 = arith.constant 1 : i32
      %mul3A_1742 = vector.broadcast %mul3A_1741 : i32 to vector<16xi32>
      %mul3A_1743 = arith.muli %shift_right_arithmetic3A_1740, %mul3A_1742 : vector<16xi32>
      %swap3A_1744 = arith.constant 3 : i32
      %swap3A_1745 = arith.constant 5 : i32
      %swap3A_1746 = arith.index_cast %swap3A_1744 : i32 to index
      %swap3A_1747 = arith.index_cast %swap3A_1745 : i32 to index
      %swap3A_1748 = arith.index_cast %multiple_of3A_1730 : i32 to index
      %swap3A_1749 = tpu.vector_load %arg6[%swap3A_1746, %swap3A_1747, %swap3A_1748] {strides = array<i32>} : memref<4x20x1000xi32, #tpu.memory_space<vmem>>, vector<1x1x16xi32>,
      %swap3A_1750 = vector.shape_cast %swap3A_1749 : vector<1x1x16xi32> to vector<16xi32>
      %swap3A_1751 = vector.shape_cast %mul3A_1743 : vector<16xi32> to vector<1x1x16xi32>
      tpu.vector_store %arg6[%swap3A_1746, %swap3A_1747, %swap3A_1748], %swap3A_1751 {strides = array<i32>} : memref<4x20x1000xi32, #tpu.memory_space<vmem>>, vector<1x1x16xi32>,
      %slice3A_1752 = vector.extract_strided_slice %get3A_1699 {offsets = [2], sizes = [1], strides = [1]} : vector<16xi32> to vector<1xi32>
      %squeeze3A_1753 = vector.extract %slice3A_1752[0] : i32 from vector<1xi32>
      %and3A_1754 = arith.constant -16 : i32
      %and3A_1755 = arith.andi %squeeze3A_1753, %and3A_1754 : i32
      %multiple_of3A_1756 = tpu.assume_multiple %and3A_1755, 16 : i32
      %sub3A_1757 = arith.subi %squeeze3A_1753, %multiple_of3A_1756 : i32
      %sub3A_1758 = vector.broadcast %sub3A_1757 : i32 to vector<16xi32>
      %sub3A_1759 = arith.subi %iota3A, %sub3A_1758 : vector<16xi32>
      %abs3A_1760 = math.absi %sub3A_1759 : vector<16xi32>
      %min3A_1761 = arith.constant 31 : i32
      %min3A_1762 = vector.broadcast %min3A_1761 : i32 to vector<16xi32>
      %min3A_1763 = arith.minsi %abs3A_1760, %min3A_1762 : vector<16xi32>
      %shift_right_arithmetic3A_1764 = arith.constant 1 : i32
      %shift_right_arithmetic3A_1765 = vector.broadcast %shift_right_arithmetic3A_1764 : i32 to vector<16xi32>
      %shift_right_arithmetic3A_1766 = arith.shrsi %shift_right_arithmetic3A_1765, %min3A_1763 : vector<16xi32>
      %mul3A_1767 = arith.constant 1 : i32
      %mul3A_1768 = vector.broadcast %mul3A_1767 : i32 to vector<16xi32>
      %mul3A_1769 = arith.muli %shift_right_arithmetic3A_1766, %mul3A_1768 : vector<16xi32>
      %swap3A_1770 = arith.constant 3 : i32
      %swap3A_1771 = arith.constant 6 : i32
      %swap3A_1772 = arith.index_cast %swap3A_1770 : i32 to index
      %swap3A_1773 = arith.index_cast %swap3A_1771 : i32 to index
      %swap3A_1774 = arith.index_cast %multiple_of3A_1756 : i32 to index
      %swap3A_1775 = tpu.vector_load %arg6[%swap3A_1772, %swap3A_1773, %swap3A_1774] {strides = array<i32>} : memref<4x20x1000xi32, #tpu.memory_space<vmem>>, vector<1x1x16xi32>,
      %swap3A_1776 = vector.shape_cast %swap3A_1775 : vector<1x1x16xi32> to vector<16xi32>
      %swap3A_1777 = vector.shape_cast %mul3A_1769 : vector<16xi32> to vector<1x1x16xi32>
      tpu.vector_store %arg6[%swap3A_1772, %swap3A_1773, %swap3A_1774], %swap3A_1777 {strides = array<i32>} : memref<4x20x1000xi32, #tpu.memory_space<vmem>>, vector<1x1x16xi32>,
      %slice3A_1778 = vector.extract_strided_slice %get3A_1699 {offsets = [3], sizes = [1], strides = [1]} : vector<16xi32> to vector<1xi32>
      %squeeze3A_1779 = vector.extract %slice3A_1778[0] : i32 from vector<1xi32>
      %and3A_1780 = arith.constant -16 : i32
      %and3A_1781 = arith.andi %squeeze3A_1779, %and3A_1780 : i32
      %multiple_of3A_1782 = tpu.assume_multiple %and3A_1781, 16 : i32
      %sub3A_1783 = arith.subi %squeeze3A_1779, %multiple_of3A_1782 : i32
      %sub3A_1784 = vector.broadcast %sub3A_1783 : i32 to vector<16xi32>
      %sub3A_1785 = arith.subi %iota3A, %sub3A_1784 : vector<16xi32>
      %abs3A_1786 = math.absi %sub3A_1785 : vector<16xi32>
      %min3A_1787 = arith.constant 31 : i32
      %min3A_1788 = vector.broadcast %min3A_1787 : i32 to vector<16xi32>
      %min3A_1789 = arith.minsi %abs3A_1786, %min3A_1788 : vector<16xi32>
      %shift_right_arithmetic3A_1790 = arith.constant 1 : i32
      %shift_right_arithmetic3A_1791 = vector.broadcast %shift_right_arithmetic3A_1790 : i32 to vector<16xi32>
      %shift_right_arithmetic3A_1792 = arith.shrsi %shift_right_arithmetic3A_1791, %min3A_1789 : vector<16xi32>
      %mul3A_1793 = arith.constant 1 : i32
      %mul3A_1794 = vector.broadcast %mul3A_1793 : i32 to vector<16xi32>
      %mul3A_1795 = arith.muli %shift_right_arithmetic3A_1792, %mul3A_1794 : vector<16xi32>
      %swap3A_1796 = arith.constant 3 : i32
      %swap3A_1797 = arith.constant 7 : i32
      %swap3A_1798 = arith.index_cast %swap3A_1796 : i32 to index
      %swap3A_1799 = arith.index_cast %swap3A_1797 : i32 to index
      %swap3A_1800 = arith.index_cast %multiple_of3A_1782 : i32 to index
      %swap3A_1801 = tpu.vector_load %arg6[%swap3A_1798, %swap3A_1799, %swap3A_1800] {strides = array<i32>} : memref<4x20x1000xi32, #tpu.memory_space<vmem>>, vector<1x1x16xi32>,
      %swap3A_1802 = vector.shape_cast %swap3A_1801 : vector<1x1x16xi32> to vector<16xi32>
      %swap3A_1803 = vector.shape_cast %mul3A_1795 : vector<16xi32> to vector<1x1x16xi32>
      tpu.vector_store %arg6[%swap3A_1798, %swap3A_1799, %swap3A_1800], %swap3A_1803 {strides = array<i32>} : memref<4x20x1000xi32, #tpu.memory_space<vmem>>, vector<1x1x16xi32>,
      %slice3A_1804 = vector.extract_strided_slice %get3A_1699 {offsets = [4], sizes = [1], strides = [1]} : vector<16xi32> to vector<1xi32>
      %squeeze3A_1805 = vector.extract %slice3A_1804[0] : i32 from vector<1xi32>
      %and3A_1806 = arith.constant -16 : i32
      %and3A_1807 = arith.andi %squeeze3A_1805, %and3A_1806 : i32
      %multiple_of3A_1808 = tpu.assume_multiple %and3A_1807, 16 : i32
      %sub3A_1809 = arith.subi %squeeze3A_1805, %multiple_of3A_1808 : i32
      %sub3A_1810 = vector.broadcast %sub3A_1809 : i32 to vector<16xi32>
      %sub3A_1811 = arith.subi %iota3A, %sub3A_1810 : vector<16xi32>
      %abs3A_1812 = math.absi %sub3A_1811 : vector<16xi32>
      %min3A_1813 = arith.constant 31 : i32
      %min3A_1814 = vector.broadcast %min3A_1813 : i32 to vector<16xi32>
      %min3A_1815 = arith.minsi %abs3A_1812, %min3A_1814 : vector<16xi32>
      %shift_right_arithmetic3A_1816 = arith.constant 1 : i32
      %shift_right_arithmetic3A_1817 = vector.broadcast %shift_right_arithmetic3A_1816 : i32 to vector<16xi32>
      %shift_right_arithmetic3A_1818 = arith.shrsi %shift_right_arithmetic3A_1817, %min3A_1815 : vector<16xi32>
      %mul3A_1819 = arith.constant 1 : i32
      %mul3A_1820 = vector.broadcast %mul3A_1819 : i32 to vector<16xi32>
      %mul3A_1821 = arith.muli %shift_right_arithmetic3A_1818, %mul3A_1820 : vector<16xi32>
      %swap3A_1822 = arith.constant 3 : i32
      %swap3A_1823 = arith.constant 8 : i32
      %swap3A_1824 = arith.index_cast %swap3A_1822 : i32 to index
      %swap3A_1825 = arith.index_cast %swap3A_1823 : i32 to index
      %swap3A_1826 = arith.index_cast %multiple_of3A_1808 : i32 to index
      %swap3A_1827 = tpu.vector_load %arg6[%swap3A_1824, %swap3A_1825, %swap3A_1826] {strides = array<i32>} : memref<4x20x1000xi32, #tpu.memory_space<vmem>>, vector<1x1x16xi32>,
      %swap3A_1828 = vector.shape_cast %swap3A_1827 : vector<1x1x16xi32> to vector<16xi32>
      %swap3A_1829 = vector.shape_cast %mul3A_1821 : vector<16xi32> to vector<1x1x16xi32>
      tpu.vector_store %arg6[%swap3A_1824, %swap3A_1825, %swap3A_1826], %swap3A_1829 {strides = array<i32>} : memref<4x20x1000xi32, #tpu.memory_space<vmem>>, vector<1x1x16xi32>,
      %slice3A_1830 = vector.extract_strided_slice %get3A_1699 {offsets = [5], sizes = [1], strides = [1]} : vector<16xi32> to vector<1xi32>
      %squeeze3A_1831 = vector.extract %slice3A_1830[0] : i32 from vector<1xi32>
      %and3A_1832 = arith.constant -16 : i32
      %and3A_1833 = arith.andi %squeeze3A_1831, %and3A_1832 : i32
      %multiple_of3A_1834 = tpu.assume_multiple %and3A_1833, 16 : i32
      %sub3A_1835 = arith.subi %squeeze3A_1831, %multiple_of3A_1834 : i32
      %sub3A_1836 = vector.broadcast %sub3A_1835 : i32 to vector<16xi32>
      %sub3A_1837 = arith.subi %iota3A, %sub3A_1836 : vector<16xi32>
      %abs3A_1838 = math.absi %sub3A_1837 : vector<16xi32>
      %min3A_1839 = arith.constant 31 : i32
      %min3A_1840 = vector.broadcast %min3A_1839 : i32 to vector<16xi32>
      %min3A_1841 = arith.minsi %abs3A_1838, %min3A_1840 : vector<16xi32>
      %shift_right_arithmetic3A_1842 = arith.constant 1 : i32
      %shift_right_arithmetic3A_1843 = vector.broadcast %shift_right_arithmetic3A_1842 : i32 to vector<16xi32>
      %shift_right_arithmetic3A_1844 = arith.shrsi %shift_right_arithmetic3A_1843, %min3A_1841 : vector<16xi32>
      %mul3A_1845 = arith.constant 1 : i32
      %mul3A_1846 = vector.broadcast %mul3A_1845 : i32 to vector<16xi32>
      %mul3A_1847 = arith.muli %shift_right_arithmetic3A_1844, %mul3A_1846 : vector<16xi32>
      %swap3A_1848 = arith.constant 3 : i32
      %swap3A_1849 = arith.constant 9 : i32
      %swap3A_1850 = arith.index_cast %swap3A_1848 : i32 to index
      %swap3A_1851 = arith.index_cast %swap3A_1849 : i32 to index
      %swap3A_1852 = arith.index_cast %multiple_of3A_1834 : i32 to index
      %swap3A_1853 = tpu.vector_load %arg6[%swap3A_1850, %swap3A_1851, %swap3A_1852] {strides = array<i32>} : memref<4x20x1000xi32, #tpu.memory_space<vmem>>, vector<1x1x16xi32>,
      %swap3A_1854 = vector.shape_cast %swap3A_1853 : vector<1x1x16xi32> to vector<16xi32>
      %swap3A_1855 = vector.shape_cast %mul3A_1847 : vector<16xi32> to vector<1x1x16xi32>
      tpu.vector_store %arg6[%swap3A_1850, %swap3A_1851, %swap3A_1852], %swap3A_1855 {strides = array<i32>} : memref<4x20x1000xi32, #tpu.memory_space<vmem>>, vector<1x1x16xi32>,
      %slice3A_1856 = vector.extract_strided_slice %get3A_1699 {offsets = [6], sizes = [1], strides = [1]} : vector<16xi32> to vector<1xi32>
      %squeeze3A_1857 = vector.extract %slice3A_1856[0] : i32 from vector<1xi32>
      %and3A_1858 = arith.constant -16 : i32
      %and3A_1859 = arith.andi %squeeze3A_1857, %and3A_1858 : i32
      %multiple_of3A_1860 = tpu.assume_multiple %and3A_1859, 16 : i32
      %sub3A_1861 = arith.subi %squeeze3A_1857, %multiple_of3A_1860 : i32
      %sub3A_1862 = vector.broadcast %sub3A_1861 : i32 to vector<16xi32>
      %sub3A_1863 = arith.subi %iota3A, %sub3A_1862 : vector<16xi32>
      %abs3A_1864 = math.absi %sub3A_1863 : vector<16xi32>
      %min3A_1865 = arith.constant 31 : i32
      %min3A_1866 = vector.broadcast %min3A_1865 : i32 to vector<16xi32>
      %min3A_1867 = arith.minsi %abs3A_1864, %min3A_1866 : vector<16xi32>
      %shift_right_arithmetic3A_1868 = arith.constant 1 : i32
      %shift_right_arithmetic3A_1869 = vector.broadcast %shift_right_arithmetic3A_1868 : i32 to vector<16xi32>
      %shift_right_arithmetic3A_1870 = arith.shrsi %shift_right_arithmetic3A_1869, %min3A_1867 : vector<16xi32>
      %mul3A_1871 = arith.constant 1 : i32
      %mul3A_1872 = vector.broadcast %mul3A_1871 : i32 to vector<16xi32>
      %mul3A_1873 = arith.muli %shift_right_arithmetic3A_1870, %mul3A_1872 : vector<16xi32>
      %swap3A_1874 = arith.constant 3 : i32
      %swap3A_1875 = arith.constant 10 : i32
      %swap3A_1876 = arith.index_cast %swap3A_1874 : i32 to index
      %swap3A_1877 = arith.index_cast %swap3A_1875 : i32 to index
      %swap3A_1878 = arith.index_cast %multiple_of3A_1860 : i32 to index
      %swap3A_1879 = tpu.vector_load %arg6[%swap3A_1876, %swap3A_1877, %swap3A_1878] {strides = array<i32>} : memref<4x20x1000xi32, #tpu.memory_space<vmem>>, vector<1x1x16xi32>,
      %swap3A_1880 = vector.shape_cast %swap3A_1879 : vector<1x1x16xi32> to vector<16xi32>
      %swap3A_1881 = vector.shape_cast %mul3A_1873 : vector<16xi32> to vector<1x1x16xi32>
      tpu.vector_store %arg6[%swap3A_1876, %swap3A_1877, %swap3A_1878], %swap3A_1881 {strides = array<i32>} : memref<4x20x1000xi32, #tpu.memory_space<vmem>>, vector<1x1x16xi32>,
      %slice3A_1882 = vector.extract_strided_slice %get3A_1699 {offsets = [7], sizes = [1], strides = [1]} : vector<16xi32> to vector<1xi32>
      %squeeze3A_1883 = vector.extract %slice3A_1882[0] : i32 from vector<1xi32>
      %and3A_1884 = arith.constant -16 : i32
      %and3A_1885 = arith.andi %squeeze3A_1883, %and3A_1884 : i32
      %multiple_of3A_1886 = tpu.assume_multiple %and3A_1885, 16 : i32
      %sub3A_1887 = arith.subi %squeeze3A_1883, %multiple_of3A_1886 : i32
      %sub3A_1888 = vector.broadcast %sub3A_1887 : i32 to vector<16xi32>
      %sub3A_1889 = arith.subi %iota3A, %sub3A_1888 : vector<16xi32>
      %abs3A_1890 = math.absi %sub3A_1889 : vector<16xi32>
      %min3A_1891 = arith.constant 31 : i32
      %min3A_1892 = vector.broadcast %min3A_1891 : i32 to vector<16xi32>
      %min3A_1893 = arith.minsi %abs3A_1890, %min3A_1892 : vector<16xi32>
      %shift_right_arithmetic3A_1894 = arith.constant 1 : i32
      %shift_right_arithmetic3A_1895 = vector.broadcast %shift_right_arithmetic3A_1894 : i32 to vector<16xi32>
      %shift_right_arithmetic3A_1896 = arith.shrsi %shift_right_arithmetic3A_1895, %min3A_1893 : vector<16xi32>
      %mul3A_1897 = arith.constant 1 : i32
      %mul3A_1898 = vector.broadcast %mul3A_1897 : i32 to vector<16xi32>
      %mul3A_1899 = arith.muli %shift_right_arithmetic3A_1896, %mul3A_1898 : vector<16xi32>
      %swap3A_1900 = arith.constant 3 : i32
      %swap3A_1901 = arith.constant 11 : i32
      %swap3A_1902 = arith.index_cast %swap3A_1900 : i32 to index
      %swap3A_1903 = arith.index_cast %swap3A_1901 : i32 to index
      %swap3A_1904 = arith.index_cast %multiple_of3A_1886 : i32 to index
      %swap3A_1905 = tpu.vector_load %arg6[%swap3A_1902, %swap3A_1903, %swap3A_1904] {strides = array<i32>} : memref<4x20x1000xi32, #tpu.memory_space<vmem>>, vector<1x1x16xi32>,
      %swap3A_1906 = vector.shape_cast %swap3A_1905 : vector<1x1x16xi32> to vector<16xi32>
      %swap3A_1907 = vector.shape_cast %mul3A_1899 : vector<16xi32> to vector<1x1x16xi32>
      tpu.vector_store %arg6[%swap3A_1902, %swap3A_1903, %swap3A_1904], %swap3A_1907 {strides = array<i32>} : memref<4x20x1000xi32, #tpu.memory_space<vmem>>, vector<1x1x16xi32>,
      %slice3A_1908 = vector.extract_strided_slice %get3A_1699 {offsets = [8], sizes = [1], strides = [1]} : vector<16xi32> to vector<1xi32>
      %squeeze3A_1909 = vector.extract %slice3A_1908[0] : i32 from vector<1xi32>
      %and3A_1910 = arith.constant -16 : i32
      %and3A_1911 = arith.andi %squeeze3A_1909, %and3A_1910 : i32
      %multiple_of3A_1912 = tpu.assume_multiple %and3A_1911, 16 : i32
      %sub3A_1913 = arith.subi %squeeze3A_1909, %multiple_of3A_1912 : i32
      %sub3A_1914 = vector.broadcast %sub3A_1913 : i32 to vector<16xi32>
      %sub3A_1915 = arith.subi %iota3A, %sub3A_1914 : vector<16xi32>
      %abs3A_1916 = math.absi %sub3A_1915 : vector<16xi32>
      %min3A_1917 = arith.constant 31 : i32
      %min3A_1918 = vector.broadcast %min3A_1917 : i32 to vector<16xi32>
      %min3A_1919 = arith.minsi %abs3A_1916, %min3A_1918 : vector<16xi32>
      %shift_right_arithmetic3A_1920 = arith.constant 1 : i32
      %shift_right_arithmetic3A_1921 = vector.broadcast %shift_right_arithmetic3A_1920 : i32 to vector<16xi32>
      %shift_right_arithmetic3A_1922 = arith.shrsi %shift_right_arithmetic3A_1921, %min3A_1919 : vector<16xi32>
      %mul3A_1923 = arith.constant 1 : i32
      %mul3A_1924 = vector.broadcast %mul3A_1923 : i32 to vector<16xi32>
      %mul3A_1925 = arith.muli %shift_right_arithmetic3A_1922, %mul3A_1924 : vector<16xi32>
      %swap3A_1926 = arith.constant 3 : i32
      %swap3A_1927 = arith.constant 12 : i32
      %swap3A_1928 = arith.index_cast %swap3A_1926 : i32 to index
      %swap3A_1929 = arith.index_cast %swap3A_1927 : i32 to index
      %swap3A_1930 = arith.index_cast %multiple_of3A_1912 : i32 to index
      %swap3A_1931 = tpu.vector_load %arg6[%swap3A_1928, %swap3A_1929, %swap3A_1930] {strides = array<i32>} : memref<4x20x1000xi32, #tpu.memory_space<vmem>>, vector<1x1x16xi32>,
      %swap3A_1932 = vector.shape_cast %swap3A_1931 : vector<1x1x16xi32> to vector<16xi32>
      %swap3A_1933 = vector.shape_cast %mul3A_1925 : vector<16xi32> to vector<1x1x16xi32>
      tpu.vector_store %arg6[%swap3A_1928, %swap3A_1929, %swap3A_1930], %swap3A_1933 {strides = array<i32>} : memref<4x20x1000xi32, #tpu.memory_space<vmem>>, vector<1x1x16xi32>,
      %slice3A_1934 = vector.extract_strided_slice %get3A_1699 {offsets = [9], sizes = [1], strides = [1]} : vector<16xi32> to vector<1xi32>
      %squeeze3A_1935 = vector.extract %slice3A_1934[0] : i32 from vector<1xi32>
      %and3A_1936 = arith.constant -16 : i32
      %and3A_1937 = arith.andi %squeeze3A_1935, %and3A_1936 : i32
      %multiple_of3A_1938 = tpu.assume_multiple %and3A_1937, 16 : i32
      %sub3A_1939 = arith.subi %squeeze3A_1935, %multiple_of3A_1938 : i32
      %sub3A_1940 = vector.broadcast %sub3A_1939 : i32 to vector<16xi32>
      %sub3A_1941 = arith.subi %iota3A, %sub3A_1940 : vector<16xi32>
      %abs3A_1942 = math.absi %sub3A_1941 : vector<16xi32>
      %min3A_1943 = arith.constant 31 : i32
      %min3A_1944 = vector.broadcast %min3A_1943 : i32 to vector<16xi32>
      %min3A_1945 = arith.minsi %abs3A_1942, %min3A_1944 : vector<16xi32>
      %shift_right_arithmetic3A_1946 = arith.constant 1 : i32
      %shift_right_arithmetic3A_1947 = vector.broadcast %shift_right_arithmetic3A_1946 : i32 to vector<16xi32>
      %shift_right_arithmetic3A_1948 = arith.shrsi %shift_right_arithmetic3A_1947, %min3A_1945 : vector<16xi32>
      %mul3A_1949 = arith.constant 1 : i32
      %mul3A_1950 = vector.broadcast %mul3A_1949 : i32 to vector<16xi32>
      %mul3A_1951 = arith.muli %shift_right_arithmetic3A_1948, %mul3A_1950 : vector<16xi32>
      %swap3A_1952 = arith.constant 3 : i32
      %swap3A_1953 = arith.constant 13 : i32
      %swap3A_1954 = arith.index_cast %swap3A_1952 : i32 to index
      %swap3A_1955 = arith.index_cast %swap3A_1953 : i32 to index
      %swap3A_1956 = arith.index_cast %multiple_of3A_1938 : i32 to index
      %swap3A_1957 = tpu.vector_load %arg6[%swap3A_1954, %swap3A_1955, %swap3A_1956] {strides = array<i32>} : memref<4x20x1000xi32, #tpu.memory_space<vmem>>, vector<1x1x16xi32>,
      %swap3A_1958 = vector.shape_cast %swap3A_1957 : vector<1x1x16xi32> to vector<16xi32>
      %swap3A_1959 = vector.shape_cast %mul3A_1951 : vector<16xi32> to vector<1x1x16xi32>
      tpu.vector_store %arg6[%swap3A_1954, %swap3A_1955, %swap3A_1956], %swap3A_1959 {strides = array<i32>} : memref<4x20x1000xi32, #tpu.memory_space<vmem>>, vector<1x1x16xi32>,
      %slice3A_1960 = vector.extract_strided_slice %get3A_1699 {offsets = [10], sizes = [1], strides = [1]} : vector<16xi32> to vector<1xi32>
      %squeeze3A_1961 = vector.extract %slice3A_1960[0] : i32 from vector<1xi32>
      %and3A_1962 = arith.constant -16 : i32
      %and3A_1963 = arith.andi %squeeze3A_1961, %and3A_1962 : i32
      %multiple_of3A_1964 = tpu.assume_multiple %and3A_1963, 16 : i32
      %sub3A_1965 = arith.subi %squeeze3A_1961, %multiple_of3A_1964 : i32
      %sub3A_1966 = vector.broadcast %sub3A_1965 : i32 to vector<16xi32>
      %sub3A_1967 = arith.subi %iota3A, %sub3A_1966 : vector<16xi32>
      %abs3A_1968 = math.absi %sub3A_1967 : vector<16xi32>
      %min3A_1969 = arith.constant 31 : i32
      %min3A_1970 = vector.broadcast %min3A_1969 : i32 to vector<16xi32>
      %min3A_1971 = arith.minsi %abs3A_1968, %min3A_1970 : vector<16xi32>
      %shift_right_arithmetic3A_1972 = arith.constant 1 : i32
      %shift_right_arithmetic3A_1973 = vector.broadcast %shift_right_arithmetic3A_1972 : i32 to vector<16xi32>
      %shift_right_arithmetic3A_1974 = arith.shrsi %shift_right_arithmetic3A_1973, %min3A_1971 : vector<16xi32>
      %mul3A_1975 = arith.constant 1 : i32
      %mul3A_1976 = vector.broadcast %mul3A_1975 : i32 to vector<16xi32>
      %mul3A_1977 = arith.muli %shift_right_arithmetic3A_1974, %mul3A_1976 : vector<16xi32>
      %swap3A_1978 = arith.constant 3 : i32
      %swap3A_1979 = arith.constant 14 : i32
      %swap3A_1980 = arith.index_cast %swap3A_1978 : i32 to index
      %swap3A_1981 = arith.index_cast %swap3A_1979 : i32 to index
      %swap3A_1982 = arith.index_cast %multiple_of3A_1964 : i32 to index
      %swap3A_1983 = tpu.vector_load %arg6[%swap3A_1980, %swap3A_1981, %swap3A_1982] {strides = array<i32>} : memref<4x20x1000xi32, #tpu.memory_space<vmem>>, vector<1x1x16xi32>,
      %swap3A_1984 = vector.shape_cast %swap3A_1983 : vector<1x1x16xi32> to vector<16xi32>
      %swap3A_1985 = vector.shape_cast %mul3A_1977 : vector<16xi32> to vector<1x1x16xi32>
      tpu.vector_store %arg6[%swap3A_1980, %swap3A_1981, %swap3A_1982], %swap3A_1985 {strides = array<i32>} : memref<4x20x1000xi32, #tpu.memory_space<vmem>>, vector<1x1x16xi32>,
      %slice3A_1986 = vector.extract_strided_slice %get3A_1699 {offsets = [11], sizes = [1], strides = [1]} : vector<16xi32> to vector<1xi32>
      %squeeze3A_1987 = vector.extract %slice3A_1986[0] : i32 from vector<1xi32>
      %and3A_1988 = arith.constant -16 : i32
      %and3A_1989 = arith.andi %squeeze3A_1987, %and3A_1988 : i32
      %multiple_of3A_1990 = tpu.assume_multiple %and3A_1989, 16 : i32
      %sub3A_1991 = arith.subi %squeeze3A_1987, %multiple_of3A_1990 : i32
      %sub3A_1992 = vector.broadcast %sub3A_1991 : i32 to vector<16xi32>
      %sub3A_1993 = arith.subi %iota3A, %sub3A_1992 : vector<16xi32>
      %abs3A_1994 = math.absi %sub3A_1993 : vector<16xi32>
      %min3A_1995 = arith.constant 31 : i32
      %min3A_1996 = vector.broadcast %min3A_1995 : i32 to vector<16xi32>
      %min3A_1997 = arith.minsi %abs3A_1994, %min3A_1996 : vector<16xi32>
      %shift_right_arithmetic3A_1998 = arith.constant 1 : i32
      %shift_right_arithmetic3A_1999 = vector.broadcast %shift_right_arithmetic3A_1998 : i32 to vector<16xi32>
      %shift_right_arithmetic3A_2000 = arith.shrsi %shift_right_arithmetic3A_1999, %min3A_1997 : vector<16xi32>
      %mul3A_2001 = arith.constant 1 : i32
      %mul3A_2002 = vector.broadcast %mul3A_2001 : i32 to vector<16xi32>
      %mul3A_2003 = arith.muli %shift_right_arithmetic3A_2000, %mul3A_2002 : vector<16xi32>
      %swap3A_2004 = arith.constant 3 : i32
      %swap3A_2005 = arith.constant 15 : i32
      %swap3A_2006 = arith.index_cast %swap3A_2004 : i32 to index
      %swap3A_2007 = arith.index_cast %swap3A_2005 : i32 to index
      %swap3A_2008 = arith.index_cast %multiple_of3A_1990 : i32 to index
      %swap3A_2009 = tpu.vector_load %arg6[%swap3A_2006, %swap3A_2007, %swap3A_2008] {strides = array<i32>} : memref<4x20x1000xi32, #tpu.memory_space<vmem>>, vector<1x1x16xi32>,
      %swap3A_2010 = vector.shape_cast %swap3A_2009 : vector<1x1x16xi32> to vector<16xi32>
      %swap3A_2011 = vector.shape_cast %mul3A_2003 : vector<16xi32> to vector<1x1x16xi32>
      tpu.vector_store %arg6[%swap3A_2006, %swap3A_2007, %swap3A_2008], %swap3A_2011 {strides = array<i32>} : memref<4x20x1000xi32, #tpu.memory_space<vmem>>, vector<1x1x16xi32>,
      %slice3A_2012 = vector.extract_strided_slice %get3A_1699 {offsets = [12], sizes = [1], strides = [1]} : vector<16xi32> to vector<1xi32>
      %squeeze3A_2013 = vector.extract %slice3A_2012[0] : i32 from vector<1xi32>
      %and3A_2014 = arith.constant -16 : i32
      %and3A_2015 = arith.andi %squeeze3A_2013, %and3A_2014 : i32
      %multiple_of3A_2016 = tpu.assume_multiple %and3A_2015, 16 : i32
      %sub3A_2017 = arith.subi %squeeze3A_2013, %multiple_of3A_2016 : i32
      %sub3A_2018 = vector.broadcast %sub3A_2017 : i32 to vector<16xi32>
      %sub3A_2019 = arith.subi %iota3A, %sub3A_2018 : vector<16xi32>
      %abs3A_2020 = math.absi %sub3A_2019 : vector<16xi32>
      %min3A_2021 = arith.constant 31 : i32
      %min3A_2022 = vector.broadcast %min3A_2021 : i32 to vector<16xi32>
      %min3A_2023 = arith.minsi %abs3A_2020, %min3A_2022 : vector<16xi32>
      %shift_right_arithmetic3A_2024 = arith.constant 1 : i32
      %shift_right_arithmetic3A_2025 = vector.broadcast %shift_right_arithmetic3A_2024 : i32 to vector<16xi32>
      %shift_right_arithmetic3A_2026 = arith.shrsi %shift_right_arithmetic3A_2025, %min3A_2023 : vector<16xi32>
      %mul3A_2027 = arith.constant 1 : i32
      %mul3A_2028 = vector.broadcast %mul3A_2027 : i32 to vector<16xi32>
      %mul3A_2029 = arith.muli %shift_right_arithmetic3A_2026, %mul3A_2028 : vector<16xi32>
      %swap3A_2030 = arith.constant 3 : i32
      %swap3A_2031 = arith.constant 16 : i32
      %swap3A_2032 = arith.index_cast %swap3A_2030 : i32 to index
      %swap3A_2033 = arith.index_cast %swap3A_2031 : i32 to index
      %swap3A_2034 = arith.index_cast %multiple_of3A_2016 : i32 to index
      %swap3A_2035 = tpu.vector_load %arg6[%swap3A_2032, %swap3A_2033, %swap3A_2034] {strides = array<i32>} : memref<4x20x1000xi32, #tpu.memory_space<vmem>>, vector<1x1x16xi32>,
      %swap3A_2036 = vector.shape_cast %swap3A_2035 : vector<1x1x16xi32> to vector<16xi32>
      %swap3A_2037 = vector.shape_cast %mul3A_2029 : vector<16xi32> to vector<1x1x16xi32>
      tpu.vector_store %arg6[%swap3A_2032, %swap3A_2033, %swap3A_2034], %swap3A_2037 {strides = array<i32>} : memref<4x20x1000xi32, #tpu.memory_space<vmem>>, vector<1x1x16xi32>,
      %slice3A_2038 = vector.extract_strided_slice %get3A_1699 {offsets = [13], sizes = [1], strides = [1]} : vector<16xi32> to vector<1xi32>
      %squeeze3A_2039 = vector.extract %slice3A_2038[0] : i32 from vector<1xi32>
      %and3A_2040 = arith.constant -16 : i32
      %and3A_2041 = arith.andi %squeeze3A_2039, %and3A_2040 : i32
      %multiple_of3A_2042 = tpu.assume_multiple %and3A_2041, 16 : i32
      %sub3A_2043 = arith.subi %squeeze3A_2039, %multiple_of3A_2042 : i32
      %sub3A_2044 = vector.broadcast %sub3A_2043 : i32 to vector<16xi32>
      %sub3A_2045 = arith.subi %iota3A, %sub3A_2044 : vector<16xi32>
      %abs3A_2046 = math.absi %sub3A_2045 : vector<16xi32>
      %min3A_2047 = arith.constant 31 : i32
      %min3A_2048 = vector.broadcast %min3A_2047 : i32 to vector<16xi32>
      %min3A_2049 = arith.minsi %abs3A_2046, %min3A_2048 : vector<16xi32>
      %shift_right_arithmetic3A_2050 = arith.constant 1 : i32
      %shift_right_arithmetic3A_2051 = vector.broadcast %shift_right_arithmetic3A_2050 : i32 to vector<16xi32>
      %shift_right_arithmetic3A_2052 = arith.shrsi %shift_right_arithmetic3A_2051, %min3A_2049 : vector<16xi32>
      %mul3A_2053 = arith.constant 1 : i32
      %mul3A_2054 = vector.broadcast %mul3A_2053 : i32 to vector<16xi32>
      %mul3A_2055 = arith.muli %shift_right_arithmetic3A_2052, %mul3A_2054 : vector<16xi32>
      %swap3A_2056 = arith.constant 3 : i32
      %swap3A_2057 = arith.constant 17 : i32
      %swap3A_2058 = arith.index_cast %swap3A_2056 : i32 to index
      %swap3A_2059 = arith.index_cast %swap3A_2057 : i32 to index
      %swap3A_2060 = arith.index_cast %multiple_of3A_2042 : i32 to index
      %swap3A_2061 = tpu.vector_load %arg6[%swap3A_2058, %swap3A_2059, %swap3A_2060] {strides = array<i32>} : memref<4x20x1000xi32, #tpu.memory_space<vmem>>, vector<1x1x16xi32>,
      %swap3A_2062 = vector.shape_cast %swap3A_2061 : vector<1x1x16xi32> to vector<16xi32>
      %swap3A_2063 = vector.shape_cast %mul3A_2055 : vector<16xi32> to vector<1x1x16xi32>
      tpu.vector_store %arg6[%swap3A_2058, %swap3A_2059, %swap3A_2060], %swap3A_2063 {strides = array<i32>} : memref<4x20x1000xi32, #tpu.memory_space<vmem>>, vector<1x1x16xi32>,
      %slice3A_2064 = vector.extract_strided_slice %get3A_1699 {offsets = [14], sizes = [1], strides = [1]} : vector<16xi32> to vector<1xi32>
      %squeeze3A_2065 = vector.extract %slice3A_2064[0] : i32 from vector<1xi32>
      %and3A_2066 = arith.constant -16 : i32
      %and3A_2067 = arith.andi %squeeze3A_2065, %and3A_2066 : i32
      %multiple_of3A_2068 = tpu.assume_multiple %and3A_2067, 16 : i32
      %sub3A_2069 = arith.subi %squeeze3A_2065, %multiple_of3A_2068 : i32
      %sub3A_2070 = vector.broadcast %sub3A_2069 : i32 to vector<16xi32>
      %sub3A_2071 = arith.subi %iota3A, %sub3A_2070 : vector<16xi32>
      %abs3A_2072 = math.absi %sub3A_2071 : vector<16xi32>
      %min3A_2073 = arith.constant 31 : i32
      %min3A_2074 = vector.broadcast %min3A_2073 : i32 to vector<16xi32>
      %min3A_2075 = arith.minsi %abs3A_2072, %min3A_2074 : vector<16xi32>
      %shift_right_arithmetic3A_2076 = arith.constant 1 : i32
      %shift_right_arithmetic3A_2077 = vector.broadcast %shift_right_arithmetic3A_2076 : i32 to vector<16xi32>
      %shift_right_arithmetic3A_2078 = arith.shrsi %shift_right_arithmetic3A_2077, %min3A_2075 : vector<16xi32>
      %mul3A_2079 = arith.constant 1 : i32
      %mul3A_2080 = vector.broadcast %mul3A_2079 : i32 to vector<16xi32>
      %mul3A_2081 = arith.muli %shift_right_arithmetic3A_2078, %mul3A_2080 : vector<16xi32>
      %swap3A_2082 = arith.constant 3 : i32
      %swap3A_2083 = arith.constant 18 : i32
      %swap3A_2084 = arith.index_cast %swap3A_2082 : i32 to index
      %swap3A_2085 = arith.index_cast %swap3A_2083 : i32 to index
      %swap3A_2086 = arith.index_cast %multiple_of3A_2068 : i32 to index
      %swap3A_2087 = tpu.vector_load %arg6[%swap3A_2084, %swap3A_2085, %swap3A_2086] {strides = array<i32>} : memref<4x20x1000xi32, #tpu.memory_space<vmem>>, vector<1x1x16xi32>,
      %swap3A_2088 = vector.shape_cast %swap3A_2087 : vector<1x1x16xi32> to vector<16xi32>
      %swap3A_2089 = vector.shape_cast %mul3A_2081 : vector<16xi32> to vector<1x1x16xi32>
      tpu.vector_store %arg6[%swap3A_2084, %swap3A_2085, %swap3A_2086], %swap3A_2089 {strides = array<i32>} : memref<4x20x1000xi32, #tpu.memory_space<vmem>>, vector<1x1x16xi32>,
      %slice3A_2090 = vector.extract_strided_slice %get3A_1699 {offsets = [15], sizes = [1], strides = [1]} : vector<16xi32> to vector<1xi32>
      %squeeze3A_2091 = vector.extract %slice3A_2090[0] : i32 from vector<1xi32>
      %and3A_2092 = arith.constant -16 : i32
      %and3A_2093 = arith.andi %squeeze3A_2091, %and3A_2092 : i32
      %multiple_of3A_2094 = tpu.assume_multiple %and3A_2093, 16 : i32
      %sub3A_2095 = arith.subi %squeeze3A_2091, %multiple_of3A_2094 : i32
      %sub3A_2096 = vector.broadcast %sub3A_2095 : i32 to vector<16xi32>
      %sub3A_2097 = arith.subi %iota3A, %sub3A_2096 : vector<16xi32>
      %abs3A_2098 = math.absi %sub3A_2097 : vector<16xi32>
      %min3A_2099 = arith.constant 31 : i32
      %min3A_2100 = vector.broadcast %min3A_2099 : i32 to vector<16xi32>
      %min3A_2101 = arith.minsi %abs3A_2098, %min3A_2100 : vector<16xi32>
      %shift_right_arithmetic3A_2102 = arith.constant 1 : i32
      %shift_right_arithmetic3A_2103 = vector.broadcast %shift_right_arithmetic3A_2102 : i32 to vector<16xi32>
      %shift_right_arithmetic3A_2104 = arith.shrsi %shift_right_arithmetic3A_2103, %min3A_2101 : vector<16xi32>
      %mul3A_2105 = arith.constant 1 : i32
      %mul3A_2106 = vector.broadcast %mul3A_2105 : i32 to vector<16xi32>
      %mul3A_2107 = arith.muli %shift_right_arithmetic3A_2104, %mul3A_2106 : vector<16xi32>
      %swap3A_2108 = arith.constant 3 : i32
      %swap3A_2109 = arith.constant 19 : i32
      %swap3A_2110 = arith.index_cast %swap3A_2108 : i32 to index
      %swap3A_2111 = arith.index_cast %swap3A_2109 : i32 to index
      %swap3A_2112 = arith.index_cast %multiple_of3A_2094 : i32 to index
      %swap3A_2113 = tpu.vector_load %arg6[%swap3A_2110, %swap3A_2111, %swap3A_2112] {strides = array<i32>} : memref<4x20x1000xi32, #tpu.memory_space<vmem>>, vector<1x1x16xi32>,
      %swap3A_2114 = vector.shape_cast %swap3A_2113 : vector<1x1x16xi32> to vector<16xi32>
      %swap3A_2115 = vector.shape_cast %mul3A_2107 : vector<16xi32> to vector<1x1x16xi32>
      tpu.vector_store %arg6[%swap3A_2110, %swap3A_2111, %swap3A_2112], %swap3A_2115 {strides = array<i32>} : memref<4x20x1000xi32, #tpu.memory_space<vmem>>, vector<1x1x16xi32>,
      %mul3A_2116 = arith.constant 4 : i32
      %mul3A_2117 = arith.muli %scan3A_10, %mul3A_2116 : i32
      %add3A_2118 = arith.addi %mul3A_2, %mul3A_2117 : i32
      "tpu.region"() ({
        %run_scoped3A = tpu.sem_alloc : memref<!tpu.dma_semaphore, #tpu.memory_space<semaphore_mem>>
        %dma_start3A = arith.constant 0 : i32
        %dma_start3A_4235 = arith.constant 0 : i32
        %dma_start3A_4236 = tpu.memref_slice %arg4[%add3A_2118, %dma_start3A, %dma_start3A_4235] : memref<4096x20x1000xi32, #tpu.memory_space<hbm>> -> memref<4x20x1000xi32, #tpu.memory_space<hbm>>
        %dma_start3A_4237 = arith.constant 0 : i32
        %dma_start3A_4238 = arith.constant 0 : i32
        %dma_start3A_4239 = tpu.memref_slice %arg4[%add3A_2118, %dma_start3A_4237, %dma_start3A_4238] : memref<4096x20x1000xi32, #tpu.memory_space<hbm>> -> memref<4x20x1000xi32, #tpu.memory_space<hbm>>
        tpu.enqueue_dma source(%arg6 : memref<4x20x1000xi32, #tpu.memory_space<vmem>>) target(%dma_start3A_4239 : memref<4x20x1000xi32, #tpu.memory_space<hbm>>) target_semaphore(%run_scoped3A : memref<!tpu.dma_semaphore, #tpu.memory_space<semaphore_mem>>)
        %dma_wait3A = arith.constant 0 : i32
        %dma_wait3A_4240 = arith.constant 0 : i32
        %dma_wait3A_4241 = tpu.memref_slice %arg4[%add3A_2118, %dma_wait3A, %dma_wait3A_4240] : memref<4096x20x1000xi32, #tpu.memory_space<hbm>> -> memref<4x20x1000xi32, #tpu.memory_space<hbm>>
        %dma_wait3A_4242 = arith.constant 0 : i32
        %dma_wait3A_4243 = arith.constant 0 : i32
        %dma_wait3A_4244 = tpu.memref_slice %arg4[%add3A_2118, %dma_wait3A_4242, %dma_wait3A_4243] : memref<4096x20x1000xi32, #tpu.memory_space<hbm>> -> memref<4x20x1000xi32, #tpu.memory_space<hbm>>
        tpu.wait_dma2 semaphore(%run_scoped3A : memref<!tpu.dma_semaphore, #tpu.memory_space<semaphore_mem>>) src(%arg6 : memref<4x20x1000xi32, #tpu.memory_space<vmem>>) dst(%dma_wait3A_4244 : memref<4x20x1000xi32, #tpu.memory_space<hbm>>)
        tpu.yield
      }) : () -> ()
      %iota3A_2119 = tpu.iota {dimensions = array<i32: 0>} : vector<16xi32>
      %mul3A_2120 = arith.constant 80 : i32
      %mul3A_2121 = arith.muli %scan3A_10, %mul3A_2120 : i32
      %add3A_2122 = arith.constant 0 : i32
      %add3A_2123 = arith.addi %mul3A_2121, %add3A_2122 : i32
      %get3A_2124 = arith.index_cast %add3A_2123 : i32 to index
      %get3A_2125 = tpu.vector_load %arg5[%get3A_2124] {strides = array<i32>} : memref<2560xi32, #tpu.memory_space<vmem>>, vector<16xi32>,
      %get3A_2126 = vector.shape_cast %get3A_2125 : vector<16xi32> to vector<16xi32>
      %slice3A_2127 = vector.extract_strided_slice %get3A_2126 {offsets = [0], sizes = [1], strides = [1]} : vector<16xi32> to vector<1xi32>
      %squeeze3A_2128 = vector.extract %slice3A_2127[0] : i32 from vector<1xi32>
      %and3A_2129 = arith.constant -16 : i32
      %and3A_2130 = arith.andi %squeeze3A_2128, %and3A_2129 : i32
      %multiple_of3A_2131 = tpu.assume_multiple %and3A_2130, 16 : i32
      %sub3A_2132 = arith.subi %squeeze3A_2128, %multiple_of3A_2131 : i32
      %sub3A_2133 = vector.broadcast %sub3A_2132 : i32 to vector<16xi32>
      %sub3A_2134 = arith.subi %iota3A_2119, %sub3A_2133 : vector<16xi32>
      %abs3A_2135 = math.absi %sub3A_2134 : vector<16xi32>
      %min3A_2136 = arith.constant 31 : i32
      %min3A_2137 = vector.broadcast %min3A_2136 : i32 to vector<16xi32>
      %min3A_2138 = arith.minsi %abs3A_2135, %min3A_2137 : vector<16xi32>
      %shift_right_arithmetic3A_2139 = arith.constant 1 : i32
      %shift_right_arithmetic3A_2140 = vector.broadcast %shift_right_arithmetic3A_2139 : i32 to vector<16xi32>
      %shift_right_arithmetic3A_2141 = arith.shrsi %shift_right_arithmetic3A_2140, %min3A_2138 : vector<16xi32>
      %mul3A_2142 = arith.constant 0 : i32
      %mul3A_2143 = vector.broadcast %mul3A_2142 : i32 to vector<16xi32>
      %mul3A_2144 = arith.muli %shift_right_arithmetic3A_2141, %mul3A_2143 : vector<16xi32>
      %swap3A_2145 = arith.constant 0 : i32
      %swap3A_2146 = arith.constant 0 : i32
      %swap3A_2147 = arith.index_cast %swap3A_2145 : i32 to index
      %swap3A_2148 = arith.index_cast %swap3A_2146 : i32 to index
      %swap3A_2149 = arith.index_cast %multiple_of3A_2131 : i32 to index
      %swap3A_2150 = tpu.vector_load %arg6[%swap3A_2147, %swap3A_2148, %swap3A_2149] {strides = array<i32>} : memref<4x20x1000xi32, #tpu.memory_space<vmem>>, vector<1x1x16xi32>,
      %swap3A_2151 = vector.shape_cast %swap3A_2150 : vector<1x1x16xi32> to vector<16xi32>
      %swap3A_2152 = vector.shape_cast %mul3A_2144 : vector<16xi32> to vector<1x1x16xi32>
      tpu.vector_store %arg6[%swap3A_2147, %swap3A_2148, %swap3A_2149], %swap3A_2152 {strides = array<i32>} : memref<4x20x1000xi32, #tpu.memory_space<vmem>>, vector<1x1x16xi32>,
      %slice3A_2153 = vector.extract_strided_slice %get3A_2126 {offsets = [1], sizes = [1], strides = [1]} : vector<16xi32> to vector<1xi32>
      %squeeze3A_2154 = vector.extract %slice3A_2153[0] : i32 from vector<1xi32>
      %and3A_2155 = arith.constant -16 : i32
      %and3A_2156 = arith.andi %squeeze3A_2154, %and3A_2155 : i32
      %multiple_of3A_2157 = tpu.assume_multiple %and3A_2156, 16 : i32
      %sub3A_2158 = arith.subi %squeeze3A_2154, %multiple_of3A_2157 : i32
      %sub3A_2159 = vector.broadcast %sub3A_2158 : i32 to vector<16xi32>
      %sub3A_2160 = arith.subi %iota3A_2119, %sub3A_2159 : vector<16xi32>
      %abs3A_2161 = math.absi %sub3A_2160 : vector<16xi32>
      %min3A_2162 = arith.constant 31 : i32
      %min3A_2163 = vector.broadcast %min3A_2162 : i32 to vector<16xi32>
      %min3A_2164 = arith.minsi %abs3A_2161, %min3A_2163 : vector<16xi32>
      %shift_right_arithmetic3A_2165 = arith.constant 1 : i32
      %shift_right_arithmetic3A_2166 = vector.broadcast %shift_right_arithmetic3A_2165 : i32 to vector<16xi32>
      %shift_right_arithmetic3A_2167 = arith.shrsi %shift_right_arithmetic3A_2166, %min3A_2164 : vector<16xi32>
      %mul3A_2168 = arith.constant 0 : i32
      %mul3A_2169 = vector.broadcast %mul3A_2168 : i32 to vector<16xi32>
      %mul3A_2170 = arith.muli %shift_right_arithmetic3A_2167, %mul3A_2169 : vector<16xi32>
      %swap3A_2171 = arith.constant 0 : i32
      %swap3A_2172 = arith.constant 1 : i32
      %swap3A_2173 = arith.index_cast %swap3A_2171 : i32 to index
      %swap3A_2174 = arith.index_cast %swap3A_2172 : i32 to index
      %swap3A_2175 = arith.index_cast %multiple_of3A_2157 : i32 to index
      %swap3A_2176 = tpu.vector_load %arg6[%swap3A_2173, %swap3A_2174, %swap3A_2175] {strides = array<i32>} : memref<4x20x1000xi32, #tpu.memory_space<vmem>>, vector<1x1x16xi32>,
      %swap3A_2177 = vector.shape_cast %swap3A_2176 : vector<1x1x16xi32> to vector<16xi32>
      %swap3A_2178 = vector.shape_cast %mul3A_2170 : vector<16xi32> to vector<1x1x16xi32>
      tpu.vector_store %arg6[%swap3A_2173, %swap3A_2174, %swap3A_2175], %swap3A_2178 {strides = array<i32>} : memref<4x20x1000xi32, #tpu.memory_space<vmem>>, vector<1x1x16xi32>,
      %slice3A_2179 = vector.extract_strided_slice %get3A_2126 {offsets = [2], sizes = [1], strides = [1]} : vector<16xi32> to vector<1xi32>
      %squeeze3A_2180 = vector.extract %slice3A_2179[0] : i32 from vector<1xi32>
      %and3A_2181 = arith.constant -16 : i32
      %and3A_2182 = arith.andi %squeeze3A_2180, %and3A_2181 : i32
      %multiple_of3A_2183 = tpu.assume_multiple %and3A_2182, 16 : i32
      %sub3A_2184 = arith.subi %squeeze3A_2180, %multiple_of3A_2183 : i32
      %sub3A_2185 = vector.broadcast %sub3A_2184 : i32 to vector<16xi32>
      %sub3A_2186 = arith.subi %iota3A_2119, %sub3A_2185 : vector<16xi32>
      %abs3A_2187 = math.absi %sub3A_2186 : vector<16xi32>
      %min3A_2188 = arith.constant 31 : i32
      %min3A_2189 = vector.broadcast %min3A_2188 : i32 to vector<16xi32>
      %min3A_2190 = arith.minsi %abs3A_2187, %min3A_2189 : vector<16xi32>
      %shift_right_arithmetic3A_2191 = arith.constant 1 : i32
      %shift_right_arithmetic3A_2192 = vector.broadcast %shift_right_arithmetic3A_2191 : i32 to vector<16xi32>
      %shift_right_arithmetic3A_2193 = arith.shrsi %shift_right_arithmetic3A_2192, %min3A_2190 : vector<16xi32>
      %mul3A_2194 = arith.constant 0 : i32
      %mul3A_2195 = vector.broadcast %mul3A_2194 : i32 to vector<16xi32>
      %mul3A_2196 = arith.muli %shift_right_arithmetic3A_2193, %mul3A_2195 : vector<16xi32>
      %swap3A_2197 = arith.constant 0 : i32
      %swap3A_2198 = arith.constant 2 : i32
      %swap3A_2199 = arith.index_cast %swap3A_2197 : i32 to index
      %swap3A_2200 = arith.index_cast %swap3A_2198 : i32 to index
      %swap3A_2201 = arith.index_cast %multiple_of3A_2183 : i32 to index
      %swap3A_2202 = tpu.vector_load %arg6[%swap3A_2199, %swap3A_2200, %swap3A_2201] {strides = array<i32>} : memref<4x20x1000xi32, #tpu.memory_space<vmem>>, vector<1x1x16xi32>,
      %swap3A_2203 = vector.shape_cast %swap3A_2202 : vector<1x1x16xi32> to vector<16xi32>
      %swap3A_2204 = vector.shape_cast %mul3A_2196 : vector<16xi32> to vector<1x1x16xi32>
      tpu.vector_store %arg6[%swap3A_2199, %swap3A_2200, %swap3A_2201], %swap3A_2204 {strides = array<i32>} : memref<4x20x1000xi32, #tpu.memory_space<vmem>>, vector<1x1x16xi32>,
      %slice3A_2205 = vector.extract_strided_slice %get3A_2126 {offsets = [3], sizes = [1], strides = [1]} : vector<16xi32> to vector<1xi32>
      %squeeze3A_2206 = vector.extract %slice3A_2205[0] : i32 from vector<1xi32>
      %and3A_2207 = arith.constant -16 : i32
      %and3A_2208 = arith.andi %squeeze3A_2206, %and3A_2207 : i32
      %multiple_of3A_2209 = tpu.assume_multiple %and3A_2208, 16 : i32
      %sub3A_2210 = arith.subi %squeeze3A_2206, %multiple_of3A_2209 : i32
      %sub3A_2211 = vector.broadcast %sub3A_2210 : i32 to vector<16xi32>
      %sub3A_2212 = arith.subi %iota3A_2119, %sub3A_2211 : vector<16xi32>
      %abs3A_2213 = math.absi %sub3A_2212 : vector<16xi32>
      %min3A_2214 = arith.constant 31 : i32
      %min3A_2215 = vector.broadcast %min3A_2214 : i32 to vector<16xi32>
      %min3A_2216 = arith.minsi %abs3A_2213, %min3A_2215 : vector<16xi32>
      %shift_right_arithmetic3A_2217 = arith.constant 1 : i32
      %shift_right_arithmetic3A_2218 = vector.broadcast %shift_right_arithmetic3A_2217 : i32 to vector<16xi32>
      %shift_right_arithmetic3A_2219 = arith.shrsi %shift_right_arithmetic3A_2218, %min3A_2216 : vector<16xi32>
      %mul3A_2220 = arith.constant 0 : i32
      %mul3A_2221 = vector.broadcast %mul3A_2220 : i32 to vector<16xi32>
      %mul3A_2222 = arith.muli %shift_right_arithmetic3A_2219, %mul3A_2221 : vector<16xi32>
      %swap3A_2223 = arith.constant 0 : i32
      %swap3A_2224 = arith.constant 3 : i32
      %swap3A_2225 = arith.index_cast %swap3A_2223 : i32 to index
      %swap3A_2226 = arith.index_cast %swap3A_2224 : i32 to index
      %swap3A_2227 = arith.index_cast %multiple_of3A_2209 : i32 to index
      %swap3A_2228 = tpu.vector_load %arg6[%swap3A_2225, %swap3A_2226, %swap3A_2227] {strides = array<i32>} : memref<4x20x1000xi32, #tpu.memory_space<vmem>>, vector<1x1x16xi32>,
      %swap3A_2229 = vector.shape_cast %swap3A_2228 : vector<1x1x16xi32> to vector<16xi32>
      %swap3A_2230 = vector.shape_cast %mul3A_2222 : vector<16xi32> to vector<1x1x16xi32>
      tpu.vector_store %arg6[%swap3A_2225, %swap3A_2226, %swap3A_2227], %swap3A_2230 {strides = array<i32>} : memref<4x20x1000xi32, #tpu.memory_space<vmem>>, vector<1x1x16xi32>,
      %slice3A_2231 = vector.extract_strided_slice %get3A_2126 {offsets = [4], sizes = [1], strides = [1]} : vector<16xi32> to vector<1xi32>
      %squeeze3A_2232 = vector.extract %slice3A_2231[0] : i32 from vector<1xi32>
      %and3A_2233 = arith.constant -16 : i32
      %and3A_2234 = arith.andi %squeeze3A_2232, %and3A_2233 : i32
      %multiple_of3A_2235 = tpu.assume_multiple %and3A_2234, 16 : i32
      %sub3A_2236 = arith.subi %squeeze3A_2232, %multiple_of3A_2235 : i32
      %sub3A_2237 = vector.broadcast %sub3A_2236 : i32 to vector<16xi32>
      %sub3A_2238 = arith.subi %iota3A_2119, %sub3A_2237 : vector<16xi32>
      %abs3A_2239 = math.absi %sub3A_2238 : vector<16xi32>
      %min3A_2240 = arith.constant 31 : i32
      %min3A_2241 = vector.broadcast %min3A_2240 : i32 to vector<16xi32>
      %min3A_2242 = arith.minsi %abs3A_2239, %min3A_2241 : vector<16xi32>
      %shift_right_arithmetic3A_2243 = arith.constant 1 : i32
      %shift_right_arithmetic3A_2244 = vector.broadcast %shift_right_arithmetic3A_2243 : i32 to vector<16xi32>
      %shift_right_arithmetic3A_2245 = arith.shrsi %shift_right_arithmetic3A_2244, %min3A_2242 : vector<16xi32>
      %mul3A_2246 = arith.constant 0 : i32
      %mul3A_2247 = vector.broadcast %mul3A_2246 : i32 to vector<16xi32>
      %mul3A_2248 = arith.muli %shift_right_arithmetic3A_2245, %mul3A_2247 : vector<16xi32>
      %swap3A_2249 = arith.constant 0 : i32
      %swap3A_2250 = arith.constant 4 : i32
      %swap3A_2251 = arith.index_cast %swap3A_2249 : i32 to index
      %swap3A_2252 = arith.index_cast %swap3A_2250 : i32 to index
      %swap3A_2253 = arith.index_cast %multiple_of3A_2235 : i32 to index
      %swap3A_2254 = tpu.vector_load %arg6[%swap3A_2251, %swap3A_2252, %swap3A_2253] {strides = array<i32>} : memref<4x20x1000xi32, #tpu.memory_space<vmem>>, vector<1x1x16xi32>,
      %swap3A_2255 = vector.shape_cast %swap3A_2254 : vector<1x1x16xi32> to vector<16xi32>
      %swap3A_2256 = vector.shape_cast %mul3A_2248 : vector<16xi32> to vector<1x1x16xi32>
      tpu.vector_store %arg6[%swap3A_2251, %swap3A_2252, %swap3A_2253], %swap3A_2256 {strides = array<i32>} : memref<4x20x1000xi32, #tpu.memory_space<vmem>>, vector<1x1x16xi32>,
      %slice3A_2257 = vector.extract_strided_slice %get3A_2126 {offsets = [5], sizes = [1], strides = [1]} : vector<16xi32> to vector<1xi32>
      %squeeze3A_2258 = vector.extract %slice3A_2257[0] : i32 from vector<1xi32>
      %and3A_2259 = arith.constant -16 : i32
      %and3A_2260 = arith.andi %squeeze3A_2258, %and3A_2259 : i32
      %multiple_of3A_2261 = tpu.assume_multiple %and3A_2260, 16 : i32
      %sub3A_2262 = arith.subi %squeeze3A_2258, %multiple_of3A_2261 : i32
      %sub3A_2263 = vector.broadcast %sub3A_2262 : i32 to vector<16xi32>
      %sub3A_2264 = arith.subi %iota3A_2119, %sub3A_2263 : vector<16xi32>
      %abs3A_2265 = math.absi %sub3A_2264 : vector<16xi32>
      %min3A_2266 = arith.constant 31 : i32
      %min3A_2267 = vector.broadcast %min3A_2266 : i32 to vector<16xi32>
      %min3A_2268 = arith.minsi %abs3A_2265, %min3A_2267 : vector<16xi32>
      %shift_right_arithmetic3A_2269 = arith.constant 1 : i32
      %shift_right_arithmetic3A_2270 = vector.broadcast %shift_right_arithmetic3A_2269 : i32 to vector<16xi32>
      %shift_right_arithmetic3A_2271 = arith.shrsi %shift_right_arithmetic3A_2270, %min3A_2268 : vector<16xi32>
      %mul3A_2272 = arith.constant 0 : i32
      %mul3A_2273 = vector.broadcast %mul3A_2272 : i32 to vector<16xi32>
      %mul3A_2274 = arith.muli %shift_right_arithmetic3A_2271, %mul3A_2273 : vector<16xi32>
      %swap3A_2275 = arith.constant 0 : i32
      %swap3A_2276 = arith.constant 5 : i32
      %swap3A_2277 = arith.index_cast %swap3A_2275 : i32 to index
      %swap3A_2278 = arith.index_cast %swap3A_2276 : i32 to index
      %swap3A_2279 = arith.index_cast %multiple_of3A_2261 : i32 to index
      %swap3A_2280 = tpu.vector_load %arg6[%swap3A_2277, %swap3A_2278, %swap3A_2279] {strides = array<i32>} : memref<4x20x1000xi32, #tpu.memory_space<vmem>>, vector<1x1x16xi32>,
      %swap3A_2281 = vector.shape_cast %swap3A_2280 : vector<1x1x16xi32> to vector<16xi32>
      %swap3A_2282 = vector.shape_cast %mul3A_2274 : vector<16xi32> to vector<1x1x16xi32>
      tpu.vector_store %arg6[%swap3A_2277, %swap3A_2278, %swap3A_2279], %swap3A_2282 {strides = array<i32>} : memref<4x20x1000xi32, #tpu.memory_space<vmem>>, vector<1x1x16xi32>,
      %slice3A_2283 = vector.extract_strided_slice %get3A_2126 {offsets = [6], sizes = [1], strides = [1]} : vector<16xi32> to vector<1xi32>
      %squeeze3A_2284 = vector.extract %slice3A_2283[0] : i32 from vector<1xi32>
      %and3A_2285 = arith.constant -16 : i32
      %and3A_2286 = arith.andi %squeeze3A_2284, %and3A_2285 : i32
      %multiple_of3A_2287 = tpu.assume_multiple %and3A_2286, 16 : i32
      %sub3A_2288 = arith.subi %squeeze3A_2284, %multiple_of3A_2287 : i32
      %sub3A_2289 = vector.broadcast %sub3A_2288 : i32 to vector<16xi32>
      %sub3A_2290 = arith.subi %iota3A_2119, %sub3A_2289 : vector<16xi32>
      %abs3A_2291 = math.absi %sub3A_2290 : vector<16xi32>
      %min3A_2292 = arith.constant 31 : i32
      %min3A_2293 = vector.broadcast %min3A_2292 : i32 to vector<16xi32>
      %min3A_2294 = arith.minsi %abs3A_2291, %min3A_2293 : vector<16xi32>
      %shift_right_arithmetic3A_2295 = arith.constant 1 : i32
      %shift_right_arithmetic3A_2296 = vector.broadcast %shift_right_arithmetic3A_2295 : i32 to vector<16xi32>
      %shift_right_arithmetic3A_2297 = arith.shrsi %shift_right_arithmetic3A_2296, %min3A_2294 : vector<16xi32>
      %mul3A_2298 = arith.constant 0 : i32
      %mul3A_2299 = vector.broadcast %mul3A_2298 : i32 to vector<16xi32>
      %mul3A_2300 = arith.muli %shift_right_arithmetic3A_2297, %mul3A_2299 : vector<16xi32>
      %swap3A_2301 = arith.constant 0 : i32
      %swap3A_2302 = arith.constant 6 : i32
      %swap3A_2303 = arith.index_cast %swap3A_2301 : i32 to index
      %swap3A_2304 = arith.index_cast %swap3A_2302 : i32 to index
      %swap3A_2305 = arith.index_cast %multiple_of3A_2287 : i32 to index
      %swap3A_2306 = tpu.vector_load %arg6[%swap3A_2303, %swap3A_2304, %swap3A_2305] {strides = array<i32>} : memref<4x20x1000xi32, #tpu.memory_space<vmem>>, vector<1x1x16xi32>,
      %swap3A_2307 = vector.shape_cast %swap3A_2306 : vector<1x1x16xi32> to vector<16xi32>
      %swap3A_2308 = vector.shape_cast %mul3A_2300 : vector<16xi32> to vector<1x1x16xi32>
      tpu.vector_store %arg6[%swap3A_2303, %swap3A_2304, %swap3A_2305], %swap3A_2308 {strides = array<i32>} : memref<4x20x1000xi32, #tpu.memory_space<vmem>>, vector<1x1x16xi32>,
      %slice3A_2309 = vector.extract_strided_slice %get3A_2126 {offsets = [7], sizes = [1], strides = [1]} : vector<16xi32> to vector<1xi32>
      %squeeze3A_2310 = vector.extract %slice3A_2309[0] : i32 from vector<1xi32>
      %and3A_2311 = arith.constant -16 : i32
      %and3A_2312 = arith.andi %squeeze3A_2310, %and3A_2311 : i32
      %multiple_of3A_2313 = tpu.assume_multiple %and3A_2312, 16 : i32
      %sub3A_2314 = arith.subi %squeeze3A_2310, %multiple_of3A_2313 : i32
      %sub3A_2315 = vector.broadcast %sub3A_2314 : i32 to vector<16xi32>
      %sub3A_2316 = arith.subi %iota3A_2119, %sub3A_2315 : vector<16xi32>
      %abs3A_2317 = math.absi %sub3A_2316 : vector<16xi32>
      %min3A_2318 = arith.constant 31 : i32
      %min3A_2319 = vector.broadcast %min3A_2318 : i32 to vector<16xi32>
      %min3A_2320 = arith.minsi %abs3A_2317, %min3A_2319 : vector<16xi32>
      %shift_right_arithmetic3A_2321 = arith.constant 1 : i32
      %shift_right_arithmetic3A_2322 = vector.broadcast %shift_right_arithmetic3A_2321 : i32 to vector<16xi32>
      %shift_right_arithmetic3A_2323 = arith.shrsi %shift_right_arithmetic3A_2322, %min3A_2320 : vector<16xi32>
      %mul3A_2324 = arith.constant 0 : i32
      %mul3A_2325 = vector.broadcast %mul3A_2324 : i32 to vector<16xi32>
      %mul3A_2326 = arith.muli %shift_right_arithmetic3A_2323, %mul3A_2325 : vector<16xi32>
      %swap3A_2327 = arith.constant 0 : i32
      %swap3A_2328 = arith.constant 7 : i32
      %swap3A_2329 = arith.index_cast %swap3A_2327 : i32 to index
      %swap3A_2330 = arith.index_cast %swap3A_2328 : i32 to index
      %swap3A_2331 = arith.index_cast %multiple_of3A_2313 : i32 to index
      %swap3A_2332 = tpu.vector_load %arg6[%swap3A_2329, %swap3A_2330, %swap3A_2331] {strides = array<i32>} : memref<4x20x1000xi32, #tpu.memory_space<vmem>>, vector<1x1x16xi32>,
      %swap3A_2333 = vector.shape_cast %swap3A_2332 : vector<1x1x16xi32> to vector<16xi32>
      %swap3A_2334 = vector.shape_cast %mul3A_2326 : vector<16xi32> to vector<1x1x16xi32>
      tpu.vector_store %arg6[%swap3A_2329, %swap3A_2330, %swap3A_2331], %swap3A_2334 {strides = array<i32>} : memref<4x20x1000xi32, #tpu.memory_space<vmem>>, vector<1x1x16xi32>,
      %slice3A_2335 = vector.extract_strided_slice %get3A_2126 {offsets = [8], sizes = [1], strides = [1]} : vector<16xi32> to vector<1xi32>
      %squeeze3A_2336 = vector.extract %slice3A_2335[0] : i32 from vector<1xi32>
      %and3A_2337 = arith.constant -16 : i32
      %and3A_2338 = arith.andi %squeeze3A_2336, %and3A_2337 : i32
      %multiple_of3A_2339 = tpu.assume_multiple %and3A_2338, 16 : i32
      %sub3A_2340 = arith.subi %squeeze3A_2336, %multiple_of3A_2339 : i32
      %sub3A_2341 = vector.broadcast %sub3A_2340 : i32 to vector<16xi32>
      %sub3A_2342 = arith.subi %iota3A_2119, %sub3A_2341 : vector<16xi32>
      %abs3A_2343 = math.absi %sub3A_2342 : vector<16xi32>
      %min3A_2344 = arith.constant 31 : i32
      %min3A_2345 = vector.broadcast %min3A_2344 : i32 to vector<16xi32>
      %min3A_2346 = arith.minsi %abs3A_2343, %min3A_2345 : vector<16xi32>
      %shift_right_arithmetic3A_2347 = arith.constant 1 : i32
      %shift_right_arithmetic3A_2348 = vector.broadcast %shift_right_arithmetic3A_2347 : i32 to vector<16xi32>
      %shift_right_arithmetic3A_2349 = arith.shrsi %shift_right_arithmetic3A_2348, %min3A_2346 : vector<16xi32>
      %mul3A_2350 = arith.constant 0 : i32
      %mul3A_2351 = vector.broadcast %mul3A_2350 : i32 to vector<16xi32>
      %mul3A_2352 = arith.muli %shift_right_arithmetic3A_2349, %mul3A_2351 : vector<16xi32>
      %swap3A_2353 = arith.constant 0 : i32
      %swap3A_2354 = arith.constant 8 : i32
      %swap3A_2355 = arith.index_cast %swap3A_2353 : i32 to index
      %swap3A_2356 = arith.index_cast %swap3A_2354 : i32 to index
      %swap3A_2357 = arith.index_cast %multiple_of3A_2339 : i32 to index
      %swap3A_2358 = tpu.vector_load %arg6[%swap3A_2355, %swap3A_2356, %swap3A_2357] {strides = array<i32>} : memref<4x20x1000xi32, #tpu.memory_space<vmem>>, vector<1x1x16xi32>,
      %swap3A_2359 = vector.shape_cast %swap3A_2358 : vector<1x1x16xi32> to vector<16xi32>
      %swap3A_2360 = vector.shape_cast %mul3A_2352 : vector<16xi32> to vector<1x1x16xi32>
      tpu.vector_store %arg6[%swap3A_2355, %swap3A_2356, %swap3A_2357], %swap3A_2360 {strides = array<i32>} : memref<4x20x1000xi32, #tpu.memory_space<vmem>>, vector<1x1x16xi32>,
      %slice3A_2361 = vector.extract_strided_slice %get3A_2126 {offsets = [9], sizes = [1], strides = [1]} : vector<16xi32> to vector<1xi32>
      %squeeze3A_2362 = vector.extract %slice3A_2361[0] : i32 from vector<1xi32>
      %and3A_2363 = arith.constant -16 : i32
      %and3A_2364 = arith.andi %squeeze3A_2362, %and3A_2363 : i32
      %multiple_of3A_2365 = tpu.assume_multiple %and3A_2364, 16 : i32
      %sub3A_2366 = arith.subi %squeeze3A_2362, %multiple_of3A_2365 : i32
      %sub3A_2367 = vector.broadcast %sub3A_2366 : i32 to vector<16xi32>
      %sub3A_2368 = arith.subi %iota3A_2119, %sub3A_2367 : vector<16xi32>
      %abs3A_2369 = math.absi %sub3A_2368 : vector<16xi32>
      %min3A_2370 = arith.constant 31 : i32
      %min3A_2371 = vector.broadcast %min3A_2370 : i32 to vector<16xi32>
      %min3A_2372 = arith.minsi %abs3A_2369, %min3A_2371 : vector<16xi32>
      %shift_right_arithmetic3A_2373 = arith.constant 1 : i32
      %shift_right_arithmetic3A_2374 = vector.broadcast %shift_right_arithmetic3A_2373 : i32 to vector<16xi32>
      %shift_right_arithmetic3A_2375 = arith.shrsi %shift_right_arithmetic3A_2374, %min3A_2372 : vector<16xi32>
      %mul3A_2376 = arith.constant 0 : i32
      %mul3A_2377 = vector.broadcast %mul3A_2376 : i32 to vector<16xi32>
      %mul3A_2378 = arith.muli %shift_right_arithmetic3A_2375, %mul3A_2377 : vector<16xi32>
      %swap3A_2379 = arith.constant 0 : i32
      %swap3A_2380 = arith.constant 9 : i32
      %swap3A_2381 = arith.index_cast %swap3A_2379 : i32 to index
      %swap3A_2382 = arith.index_cast %swap3A_2380 : i32 to index
      %swap3A_2383 = arith.index_cast %multiple_of3A_2365 : i32 to index
      %swap3A_2384 = tpu.vector_load %arg6[%swap3A_2381, %swap3A_2382, %swap3A_2383] {strides = array<i32>} : memref<4x20x1000xi32, #tpu.memory_space<vmem>>, vector<1x1x16xi32>,
      %swap3A_2385 = vector.shape_cast %swap3A_2384 : vector<1x1x16xi32> to vector<16xi32>
      %swap3A_2386 = vector.shape_cast %mul3A_2378 : vector<16xi32> to vector<1x1x16xi32>
      tpu.vector_store %arg6[%swap3A_2381, %swap3A_2382, %swap3A_2383], %swap3A_2386 {strides = array<i32>} : memref<4x20x1000xi32, #tpu.memory_space<vmem>>, vector<1x1x16xi32>,
      %slice3A_2387 = vector.extract_strided_slice %get3A_2126 {offsets = [10], sizes = [1], strides = [1]} : vector<16xi32> to vector<1xi32>
      %squeeze3A_2388 = vector.extract %slice3A_2387[0] : i32 from vector<1xi32>
      %and3A_2389 = arith.constant -16 : i32
      %and3A_2390 = arith.andi %squeeze3A_2388, %and3A_2389 : i32
      %multiple_of3A_2391 = tpu.assume_multiple %and3A_2390, 16 : i32
      %sub3A_2392 = arith.subi %squeeze3A_2388, %multiple_of3A_2391 : i32
      %sub3A_2393 = vector.broadcast %sub3A_2392 : i32 to vector<16xi32>
      %sub3A_2394 = arith.subi %iota3A_2119, %sub3A_2393 : vector<16xi32>
      %abs3A_2395 = math.absi %sub3A_2394 : vector<16xi32>
      %min3A_2396 = arith.constant 31 : i32
      %min3A_2397 = vector.broadcast %min3A_2396 : i32 to vector<16xi32>
      %min3A_2398 = arith.minsi %abs3A_2395, %min3A_2397 : vector<16xi32>
      %shift_right_arithmetic3A_2399 = arith.constant 1 : i32
      %shift_right_arithmetic3A_2400 = vector.broadcast %shift_right_arithmetic3A_2399 : i32 to vector<16xi32>
      %shift_right_arithmetic3A_2401 = arith.shrsi %shift_right_arithmetic3A_2400, %min3A_2398 : vector<16xi32>
      %mul3A_2402 = arith.constant 0 : i32
      %mul3A_2403 = vector.broadcast %mul3A_2402 : i32 to vector<16xi32>
      %mul3A_2404 = arith.muli %shift_right_arithmetic3A_2401, %mul3A_2403 : vector<16xi32>
      %swap3A_2405 = arith.constant 0 : i32
      %swap3A_2406 = arith.constant 10 : i32
      %swap3A_2407 = arith.index_cast %swap3A_2405 : i32 to index
      %swap3A_2408 = arith.index_cast %swap3A_2406 : i32 to index
      %swap3A_2409 = arith.index_cast %multiple_of3A_2391 : i32 to index
      %swap3A_2410 = tpu.vector_load %arg6[%swap3A_2407, %swap3A_2408, %swap3A_2409] {strides = array<i32>} : memref<4x20x1000xi32, #tpu.memory_space<vmem>>, vector<1x1x16xi32>,
      %swap3A_2411 = vector.shape_cast %swap3A_2410 : vector<1x1x16xi32> to vector<16xi32>
      %swap3A_2412 = vector.shape_cast %mul3A_2404 : vector<16xi32> to vector<1x1x16xi32>
      tpu.vector_store %arg6[%swap3A_2407, %swap3A_2408, %swap3A_2409], %swap3A_2412 {strides = array<i32>} : memref<4x20x1000xi32, #tpu.memory_space<vmem>>, vector<1x1x16xi32>,
      %slice3A_2413 = vector.extract_strided_slice %get3A_2126 {offsets = [11], sizes = [1], strides = [1]} : vector<16xi32> to vector<1xi32>
      %squeeze3A_2414 = vector.extract %slice3A_2413[0] : i32 from vector<1xi32>
      %and3A_2415 = arith.constant -16 : i32
      %and3A_2416 = arith.andi %squeeze3A_2414, %and3A_2415 : i32
      %multiple_of3A_2417 = tpu.assume_multiple %and3A_2416, 16 : i32
      %sub3A_2418 = arith.subi %squeeze3A_2414, %multiple_of3A_2417 : i32
      %sub3A_2419 = vector.broadcast %sub3A_2418 : i32 to vector<16xi32>
      %sub3A_2420 = arith.subi %iota3A_2119, %sub3A_2419 : vector<16xi32>
      %abs3A_2421 = math.absi %sub3A_2420 : vector<16xi32>
      %min3A_2422 = arith.constant 31 : i32
      %min3A_2423 = vector.broadcast %min3A_2422 : i32 to vector<16xi32>
      %min3A_2424 = arith.minsi %abs3A_2421, %min3A_2423 : vector<16xi32>
      %shift_right_arithmetic3A_2425 = arith.constant 1 : i32
      %shift_right_arithmetic3A_2426 = vector.broadcast %shift_right_arithmetic3A_2425 : i32 to vector<16xi32>
      %shift_right_arithmetic3A_2427 = arith.shrsi %shift_right_arithmetic3A_2426, %min3A_2424 : vector<16xi32>
      %mul3A_2428 = arith.constant 0 : i32
      %mul3A_2429 = vector.broadcast %mul3A_2428 : i32 to vector<16xi32>
      %mul3A_2430 = arith.muli %shift_right_arithmetic3A_2427, %mul3A_2429 : vector<16xi32>
      %swap3A_2431 = arith.constant 0 : i32
      %swap3A_2432 = arith.constant 11 : i32
      %swap3A_2433 = arith.index_cast %swap3A_2431 : i32 to index
      %swap3A_2434 = arith.index_cast %swap3A_2432 : i32 to index
      %swap3A_2435 = arith.index_cast %multiple_of3A_2417 : i32 to index
      %swap3A_2436 = tpu.vector_load %arg6[%swap3A_2433, %swap3A_2434, %swap3A_2435] {strides = array<i32>} : memref<4x20x1000xi32, #tpu.memory_space<vmem>>, vector<1x1x16xi32>,
      %swap3A_2437 = vector.shape_cast %swap3A_2436 : vector<1x1x16xi32> to vector<16xi32>
      %swap3A_2438 = vector.shape_cast %mul3A_2430 : vector<16xi32> to vector<1x1x16xi32>
      tpu.vector_store %arg6[%swap3A_2433, %swap3A_2434, %swap3A_2435], %swap3A_2438 {strides = array<i32>} : memref<4x20x1000xi32, #tpu.memory_space<vmem>>, vector<1x1x16xi32>,
      %slice3A_2439 = vector.extract_strided_slice %get3A_2126 {offsets = [12], sizes = [1], strides = [1]} : vector<16xi32> to vector<1xi32>
      %squeeze3A_2440 = vector.extract %slice3A_2439[0] : i32 from vector<1xi32>
      %and3A_2441 = arith.constant -16 : i32
      %and3A_2442 = arith.andi %squeeze3A_2440, %and3A_2441 : i32
      %multiple_of3A_2443 = tpu.assume_multiple %and3A_2442, 16 : i32
      %sub3A_2444 = arith.subi %squeeze3A_2440, %multiple_of3A_2443 : i32
      %sub3A_2445 = vector.broadcast %sub3A_2444 : i32 to vector<16xi32>
      %sub3A_2446 = arith.subi %iota3A_2119, %sub3A_2445 : vector<16xi32>
      %abs3A_2447 = math.absi %sub3A_2446 : vector<16xi32>
      %min3A_2448 = arith.constant 31 : i32
      %min3A_2449 = vector.broadcast %min3A_2448 : i32 to vector<16xi32>
      %min3A_2450 = arith.minsi %abs3A_2447, %min3A_2449 : vector<16xi32>
      %shift_right_arithmetic3A_2451 = arith.constant 1 : i32
      %shift_right_arithmetic3A_2452 = vector.broadcast %shift_right_arithmetic3A_2451 : i32 to vector<16xi32>
      %shift_right_arithmetic3A_2453 = arith.shrsi %shift_right_arithmetic3A_2452, %min3A_2450 : vector<16xi32>
      %mul3A_2454 = arith.constant 0 : i32
      %mul3A_2455 = vector.broadcast %mul3A_2454 : i32 to vector<16xi32>
      %mul3A_2456 = arith.muli %shift_right_arithmetic3A_2453, %mul3A_2455 : vector<16xi32>
      %swap3A_2457 = arith.constant 0 : i32
      %swap3A_2458 = arith.constant 12 : i32
      %swap3A_2459 = arith.index_cast %swap3A_2457 : i32 to index
      %swap3A_2460 = arith.index_cast %swap3A_2458 : i32 to index
      %swap3A_2461 = arith.index_cast %multiple_of3A_2443 : i32 to index
      %swap3A_2462 = tpu.vector_load %arg6[%swap3A_2459, %swap3A_2460, %swap3A_2461] {strides = array<i32>} : memref<4x20x1000xi32, #tpu.memory_space<vmem>>, vector<1x1x16xi32>,
      %swap3A_2463 = vector.shape_cast %swap3A_2462 : vector<1x1x16xi32> to vector<16xi32>
      %swap3A_2464 = vector.shape_cast %mul3A_2456 : vector<16xi32> to vector<1x1x16xi32>
      tpu.vector_store %arg6[%swap3A_2459, %swap3A_2460, %swap3A_2461], %swap3A_2464 {strides = array<i32>} : memref<4x20x1000xi32, #tpu.memory_space<vmem>>, vector<1x1x16xi32>,
      %slice3A_2465 = vector.extract_strided_slice %get3A_2126 {offsets = [13], sizes = [1], strides = [1]} : vector<16xi32> to vector<1xi32>
      %squeeze3A_2466 = vector.extract %slice3A_2465[0] : i32 from vector<1xi32>
      %and3A_2467 = arith.constant -16 : i32
      %and3A_2468 = arith.andi %squeeze3A_2466, %and3A_2467 : i32
      %multiple_of3A_2469 = tpu.assume_multiple %and3A_2468, 16 : i32
      %sub3A_2470 = arith.subi %squeeze3A_2466, %multiple_of3A_2469 : i32
      %sub3A_2471 = vector.broadcast %sub3A_2470 : i32 to vector<16xi32>
      %sub3A_2472 = arith.subi %iota3A_2119, %sub3A_2471 : vector<16xi32>
      %abs3A_2473 = math.absi %sub3A_2472 : vector<16xi32>
      %min3A_2474 = arith.constant 31 : i32
      %min3A_2475 = vector.broadcast %min3A_2474 : i32 to vector<16xi32>
      %min3A_2476 = arith.minsi %abs3A_2473, %min3A_2475 : vector<16xi32>
      %shift_right_arithmetic3A_2477 = arith.constant 1 : i32
      %shift_right_arithmetic3A_2478 = vector.broadcast %shift_right_arithmetic3A_2477 : i32 to vector<16xi32>
      %shift_right_arithmetic3A_2479 = arith.shrsi %shift_right_arithmetic3A_2478, %min3A_2476 : vector<16xi32>
      %mul3A_2480 = arith.constant 0 : i32
      %mul3A_2481 = vector.broadcast %mul3A_2480 : i32 to vector<16xi32>
      %mul3A_2482 = arith.muli %shift_right_arithmetic3A_2479, %mul3A_2481 : vector<16xi32>
      %swap3A_2483 = arith.constant 0 : i32
      %swap3A_2484 = arith.constant 13 : i32
      %swap3A_2485 = arith.index_cast %swap3A_2483 : i32 to index
      %swap3A_2486 = arith.index_cast %swap3A_2484 : i32 to index
      %swap3A_2487 = arith.index_cast %multiple_of3A_2469 : i32 to index
      %swap3A_2488 = tpu.vector_load %arg6[%swap3A_2485, %swap3A_2486, %swap3A_2487] {strides = array<i32>} : memref<4x20x1000xi32, #tpu.memory_space<vmem>>, vector<1x1x16xi32>,
      %swap3A_2489 = vector.shape_cast %swap3A_2488 : vector<1x1x16xi32> to vector<16xi32>
      %swap3A_2490 = vector.shape_cast %mul3A_2482 : vector<16xi32> to vector<1x1x16xi32>
      tpu.vector_store %arg6[%swap3A_2485, %swap3A_2486, %swap3A_2487], %swap3A_2490 {strides = array<i32>} : memref<4x20x1000xi32, #tpu.memory_space<vmem>>, vector<1x1x16xi32>,
      %slice3A_2491 = vector.extract_strided_slice %get3A_2126 {offsets = [14], sizes = [1], strides = [1]} : vector<16xi32> to vector<1xi32>
      %squeeze3A_2492 = vector.extract %slice3A_2491[0] : i32 from vector<1xi32>
      %and3A_2493 = arith.constant -16 : i32
      %and3A_2494 = arith.andi %squeeze3A_2492, %and3A_2493 : i32
      %multiple_of3A_2495 = tpu.assume_multiple %and3A_2494, 16 : i32
      %sub3A_2496 = arith.subi %squeeze3A_2492, %multiple_of3A_2495 : i32
      %sub3A_2497 = vector.broadcast %sub3A_2496 : i32 to vector<16xi32>
      %sub3A_2498 = arith.subi %iota3A_2119, %sub3A_2497 : vector<16xi32>
      %abs3A_2499 = math.absi %sub3A_2498 : vector<16xi32>
      %min3A_2500 = arith.constant 31 : i32
      %min3A_2501 = vector.broadcast %min3A_2500 : i32 to vector<16xi32>
      %min3A_2502 = arith.minsi %abs3A_2499, %min3A_2501 : vector<16xi32>
      %shift_right_arithmetic3A_2503 = arith.constant 1 : i32
      %shift_right_arithmetic3A_2504 = vector.broadcast %shift_right_arithmetic3A_2503 : i32 to vector<16xi32>
      %shift_right_arithmetic3A_2505 = arith.shrsi %shift_right_arithmetic3A_2504, %min3A_2502 : vector<16xi32>
      %mul3A_2506 = arith.constant 0 : i32
      %mul3A_2507 = vector.broadcast %mul3A_2506 : i32 to vector<16xi32>
      %mul3A_2508 = arith.muli %shift_right_arithmetic3A_2505, %mul3A_2507 : vector<16xi32>
      %swap3A_2509 = arith.constant 0 : i32
      %swap3A_2510 = arith.constant 14 : i32
      %swap3A_2511 = arith.index_cast %swap3A_2509 : i32 to index
      %swap3A_2512 = arith.index_cast %swap3A_2510 : i32 to index
      %swap3A_2513 = arith.index_cast %multiple_of3A_2495 : i32 to index
      %swap3A_2514 = tpu.vector_load %arg6[%swap3A_2511, %swap3A_2512, %swap3A_2513] {strides = array<i32>} : memref<4x20x1000xi32, #tpu.memory_space<vmem>>, vector<1x1x16xi32>,
      %swap3A_2515 = vector.shape_cast %swap3A_2514 : vector<1x1x16xi32> to vector<16xi32>
      %swap3A_2516 = vector.shape_cast %mul3A_2508 : vector<16xi32> to vector<1x1x16xi32>
      tpu.vector_store %arg6[%swap3A_2511, %swap3A_2512, %swap3A_2513], %swap3A_2516 {strides = array<i32>} : memref<4x20x1000xi32, #tpu.memory_space<vmem>>, vector<1x1x16xi32>,
      %slice3A_2517 = vector.extract_strided_slice %get3A_2126 {offsets = [15], sizes = [1], strides = [1]} : vector<16xi32> to vector<1xi32>
      %squeeze3A_2518 = vector.extract %slice3A_2517[0] : i32 from vector<1xi32>
      %and3A_2519 = arith.constant -16 : i32
      %and3A_2520 = arith.andi %squeeze3A_2518, %and3A_2519 : i32
      %multiple_of3A_2521 = tpu.assume_multiple %and3A_2520, 16 : i32
      %sub3A_2522 = arith.subi %squeeze3A_2518, %multiple_of3A_2521 : i32
      %sub3A_2523 = vector.broadcast %sub3A_2522 : i32 to vector<16xi32>
      %sub3A_2524 = arith.subi %iota3A_2119, %sub3A_2523 : vector<16xi32>
      %abs3A_2525 = math.absi %sub3A_2524 : vector<16xi32>
      %min3A_2526 = arith.constant 31 : i32
      %min3A_2527 = vector.broadcast %min3A_2526 : i32 to vector<16xi32>
      %min3A_2528 = arith.minsi %abs3A_2525, %min3A_2527 : vector<16xi32>
      %shift_right_arithmetic3A_2529 = arith.constant 1 : i32
      %shift_right_arithmetic3A_2530 = vector.broadcast %shift_right_arithmetic3A_2529 : i32 to vector<16xi32>
      %shift_right_arithmetic3A_2531 = arith.shrsi %shift_right_arithmetic3A_2530, %min3A_2528 : vector<16xi32>
      %mul3A_2532 = arith.constant 0 : i32
      %mul3A_2533 = vector.broadcast %mul3A_2532 : i32 to vector<16xi32>
      %mul3A_2534 = arith.muli %shift_right_arithmetic3A_2531, %mul3A_2533 : vector<16xi32>
      %swap3A_2535 = arith.constant 0 : i32
      %swap3A_2536 = arith.constant 15 : i32
      %swap3A_2537 = arith.index_cast %swap3A_2535 : i32 to index
      %swap3A_2538 = arith.index_cast %swap3A_2536 : i32 to index
      %swap3A_2539 = arith.index_cast %multiple_of3A_2521 : i32 to index
      %swap3A_2540 = tpu.vector_load %arg6[%swap3A_2537, %swap3A_2538, %swap3A_2539] {strides = array<i32>} : memref<4x20x1000xi32, #tpu.memory_space<vmem>>, vector<1x1x16xi32>,
      %swap3A_2541 = vector.shape_cast %swap3A_2540 : vector<1x1x16xi32> to vector<16xi32>
      %swap3A_2542 = vector.shape_cast %mul3A_2534 : vector<16xi32> to vector<1x1x16xi32>
      tpu.vector_store %arg6[%swap3A_2537, %swap3A_2538, %swap3A_2539], %swap3A_2542 {strides = array<i32>} : memref<4x20x1000xi32, #tpu.memory_space<vmem>>, vector<1x1x16xi32>,
      %mul3A_2543 = arith.constant 80 : i32
      %mul3A_2544 = arith.muli %scan3A_10, %mul3A_2543 : i32
      %add3A_2545 = arith.constant 16 : i32
      %add3A_2546 = arith.addi %mul3A_2544, %add3A_2545 : i32
      %get3A_2547 = arith.index_cast %add3A_2546 : i32 to index
      %get3A_2548 = tpu.vector_load %arg5[%get3A_2547] {strides = array<i32>} : memref<2560xi32, #tpu.memory_space<vmem>>, vector<16xi32>,
      %get3A_2549 = vector.shape_cast %get3A_2548 : vector<16xi32> to vector<16xi32>
      %slice3A_2550 = vector.extract_strided_slice %get3A_2549 {offsets = [0], sizes = [1], strides = [1]} : vector<16xi32> to vector<1xi32>
      %squeeze3A_2551 = vector.extract %slice3A_2550[0] : i32 from vector<1xi32>
      %and3A_2552 = arith.constant -16 : i32
      %and3A_2553 = arith.andi %squeeze3A_2551, %and3A_2552 : i32
      %multiple_of3A_2554 = tpu.assume_multiple %and3A_2553, 16 : i32
      %sub3A_2555 = arith.subi %squeeze3A_2551, %multiple_of3A_2554 : i32
      %sub3A_2556 = vector.broadcast %sub3A_2555 : i32 to vector<16xi32>
      %sub3A_2557 = arith.subi %iota3A_2119, %sub3A_2556 : vector<16xi32>
      %abs3A_2558 = math.absi %sub3A_2557 : vector<16xi32>
      %min3A_2559 = arith.constant 31 : i32
      %min3A_2560 = vector.broadcast %min3A_2559 : i32 to vector<16xi32>
      %min3A_2561 = arith.minsi %abs3A_2558, %min3A_2560 : vector<16xi32>
      %shift_right_arithmetic3A_2562 = arith.constant 1 : i32
      %shift_right_arithmetic3A_2563 = vector.broadcast %shift_right_arithmetic3A_2562 : i32 to vector<16xi32>
      %shift_right_arithmetic3A_2564 = arith.shrsi %shift_right_arithmetic3A_2563, %min3A_2561 : vector<16xi32>
      %mul3A_2565 = arith.constant 0 : i32
      %mul3A_2566 = vector.broadcast %mul3A_2565 : i32 to vector<16xi32>
      %mul3A_2567 = arith.muli %shift_right_arithmetic3A_2564, %mul3A_2566 : vector<16xi32>
      %swap3A_2568 = arith.constant 0 : i32
      %swap3A_2569 = arith.constant 16 : i32
      %swap3A_2570 = arith.index_cast %swap3A_2568 : i32 to index
      %swap3A_2571 = arith.index_cast %swap3A_2569 : i32 to index
      %swap3A_2572 = arith.index_cast %multiple_of3A_2554 : i32 to index
      %swap3A_2573 = tpu.vector_load %arg6[%swap3A_2570, %swap3A_2571, %swap3A_2572] {strides = array<i32>} : memref<4x20x1000xi32, #tpu.memory_space<vmem>>, vector<1x1x16xi32>,
      %swap3A_2574 = vector.shape_cast %swap3A_2573 : vector<1x1x16xi32> to vector<16xi32>
      %swap3A_2575 = vector.shape_cast %mul3A_2567 : vector<16xi32> to vector<1x1x16xi32>
      tpu.vector_store %arg6[%swap3A_2570, %swap3A_2571, %swap3A_2572], %swap3A_2575 {strides = array<i32>} : memref<4x20x1000xi32, #tpu.memory_space<vmem>>, vector<1x1x16xi32>,
      %slice3A_2576 = vector.extract_strided_slice %get3A_2549 {offsets = [1], sizes = [1], strides = [1]} : vector<16xi32> to vector<1xi32>
      %squeeze3A_2577 = vector.extract %slice3A_2576[0] : i32 from vector<1xi32>
      %and3A_2578 = arith.constant -16 : i32
      %and3A_2579 = arith.andi %squeeze3A_2577, %and3A_2578 : i32
      %multiple_of3A_2580 = tpu.assume_multiple %and3A_2579, 16 : i32
      %sub3A_2581 = arith.subi %squeeze3A_2577, %multiple_of3A_2580 : i32
      %sub3A_2582 = vector.broadcast %sub3A_2581 : i32 to vector<16xi32>
      %sub3A_2583 = arith.subi %iota3A_2119, %sub3A_2582 : vector<16xi32>
      %abs3A_2584 = math.absi %sub3A_2583 : vector<16xi32>
      %min3A_2585 = arith.constant 31 : i32
      %min3A_2586 = vector.broadcast %min3A_2585 : i32 to vector<16xi32>
      %min3A_2587 = arith.minsi %abs3A_2584, %min3A_2586 : vector<16xi32>
      %shift_right_arithmetic3A_2588 = arith.constant 1 : i32
      %shift_right_arithmetic3A_2589 = vector.broadcast %shift_right_arithmetic3A_2588 : i32 to vector<16xi32>
      %shift_right_arithmetic3A_2590 = arith.shrsi %shift_right_arithmetic3A_2589, %min3A_2587 : vector<16xi32>
      %mul3A_2591 = arith.constant 0 : i32
      %mul3A_2592 = vector.broadcast %mul3A_2591 : i32 to vector<16xi32>
      %mul3A_2593 = arith.muli %shift_right_arithmetic3A_2590, %mul3A_2592 : vector<16xi32>
      %swap3A_2594 = arith.constant 0 : i32
      %swap3A_2595 = arith.constant 17 : i32
      %swap3A_2596 = arith.index_cast %swap3A_2594 : i32 to index
      %swap3A_2597 = arith.index_cast %swap3A_2595 : i32 to index
      %swap3A_2598 = arith.index_cast %multiple_of3A_2580 : i32 to index
      %swap3A_2599 = tpu.vector_load %arg6[%swap3A_2596, %swap3A_2597, %swap3A_2598] {strides = array<i32>} : memref<4x20x1000xi32, #tpu.memory_space<vmem>>, vector<1x1x16xi32>,
      %swap3A_2600 = vector.shape_cast %swap3A_2599 : vector<1x1x16xi32> to vector<16xi32>
      %swap3A_2601 = vector.shape_cast %mul3A_2593 : vector<16xi32> to vector<1x1x16xi32>
      tpu.vector_store %arg6[%swap3A_2596, %swap3A_2597, %swap3A_2598], %swap3A_2601 {strides = array<i32>} : memref<4x20x1000xi32, #tpu.memory_space<vmem>>, vector<1x1x16xi32>,
      %slice3A_2602 = vector.extract_strided_slice %get3A_2549 {offsets = [2], sizes = [1], strides = [1]} : vector<16xi32> to vector<1xi32>
      %squeeze3A_2603 = vector.extract %slice3A_2602[0] : i32 from vector<1xi32>
      %and3A_2604 = arith.constant -16 : i32
      %and3A_2605 = arith.andi %squeeze3A_2603, %and3A_2604 : i32
      %multiple_of3A_2606 = tpu.assume_multiple %and3A_2605, 16 : i32
      %sub3A_2607 = arith.subi %squeeze3A_2603, %multiple_of3A_2606 : i32
      %sub3A_2608 = vector.broadcast %sub3A_2607 : i32 to vector<16xi32>
      %sub3A_2609 = arith.subi %iota3A_2119, %sub3A_2608 : vector<16xi32>
      %abs3A_2610 = math.absi %sub3A_2609 : vector<16xi32>
      %min3A_2611 = arith.constant 31 : i32
      %min3A_2612 = vector.broadcast %min3A_2611 : i32 to vector<16xi32>
      %min3A_2613 = arith.minsi %abs3A_2610, %min3A_2612 : vector<16xi32>
      %shift_right_arithmetic3A_2614 = arith.constant 1 : i32
      %shift_right_arithmetic3A_2615 = vector.broadcast %shift_right_arithmetic3A_2614 : i32 to vector<16xi32>
      %shift_right_arithmetic3A_2616 = arith.shrsi %shift_right_arithmetic3A_2615, %min3A_2613 : vector<16xi32>
      %mul3A_2617 = arith.constant 0 : i32
      %mul3A_2618 = vector.broadcast %mul3A_2617 : i32 to vector<16xi32>
      %mul3A_2619 = arith.muli %shift_right_arithmetic3A_2616, %mul3A_2618 : vector<16xi32>
      %swap3A_2620 = arith.constant 0 : i32
      %swap3A_2621 = arith.constant 18 : i32
      %swap3A_2622 = arith.index_cast %swap3A_2620 : i32 to index
      %swap3A_2623 = arith.index_cast %swap3A_2621 : i32 to index
      %swap3A_2624 = arith.index_cast %multiple_of3A_2606 : i32 to index
      %swap3A_2625 = tpu.vector_load %arg6[%swap3A_2622, %swap3A_2623, %swap3A_2624] {strides = array<i32>} : memref<4x20x1000xi32, #tpu.memory_space<vmem>>, vector<1x1x16xi32>,
      %swap3A_2626 = vector.shape_cast %swap3A_2625 : vector<1x1x16xi32> to vector<16xi32>
      %swap3A_2627 = vector.shape_cast %mul3A_2619 : vector<16xi32> to vector<1x1x16xi32>
      tpu.vector_store %arg6[%swap3A_2622, %swap3A_2623, %swap3A_2624], %swap3A_2627 {strides = array<i32>} : memref<4x20x1000xi32, #tpu.memory_space<vmem>>, vector<1x1x16xi32>,
      %slice3A_2628 = vector.extract_strided_slice %get3A_2549 {offsets = [3], sizes = [1], strides = [1]} : vector<16xi32> to vector<1xi32>
      %squeeze3A_2629 = vector.extract %slice3A_2628[0] : i32 from vector<1xi32>
      %and3A_2630 = arith.constant -16 : i32
      %and3A_2631 = arith.andi %squeeze3A_2629, %and3A_2630 : i32
      %multiple_of3A_2632 = tpu.assume_multiple %and3A_2631, 16 : i32
      %sub3A_2633 = arith.subi %squeeze3A_2629, %multiple_of3A_2632 : i32
      %sub3A_2634 = vector.broadcast %sub3A_2633 : i32 to vector<16xi32>
      %sub3A_2635 = arith.subi %iota3A_2119, %sub3A_2634 : vector<16xi32>
      %abs3A_2636 = math.absi %sub3A_2635 : vector<16xi32>
      %min3A_2637 = arith.constant 31 : i32
      %min3A_2638 = vector.broadcast %min3A_2637 : i32 to vector<16xi32>
      %min3A_2639 = arith.minsi %abs3A_2636, %min3A_2638 : vector<16xi32>
      %shift_right_arithmetic3A_2640 = arith.constant 1 : i32
      %shift_right_arithmetic3A_2641 = vector.broadcast %shift_right_arithmetic3A_2640 : i32 to vector<16xi32>
      %shift_right_arithmetic3A_2642 = arith.shrsi %shift_right_arithmetic3A_2641, %min3A_2639 : vector<16xi32>
      %mul3A_2643 = arith.constant 0 : i32
      %mul3A_2644 = vector.broadcast %mul3A_2643 : i32 to vector<16xi32>
      %mul3A_2645 = arith.muli %shift_right_arithmetic3A_2642, %mul3A_2644 : vector<16xi32>
      %swap3A_2646 = arith.constant 0 : i32
      %swap3A_2647 = arith.constant 19 : i32
      %swap3A_2648 = arith.index_cast %swap3A_2646 : i32 to index
      %swap3A_2649 = arith.index_cast %swap3A_2647 : i32 to index
      %swap3A_2650 = arith.index_cast %multiple_of3A_2632 : i32 to index
      %swap3A_2651 = tpu.vector_load %arg6[%swap3A_2648, %swap3A_2649, %swap3A_2650] {strides = array<i32>} : memref<4x20x1000xi32, #tpu.memory_space<vmem>>, vector<1x1x16xi32>,
      %swap3A_2652 = vector.shape_cast %swap3A_2651 : vector<1x1x16xi32> to vector<16xi32>
      %swap3A_2653 = vector.shape_cast %mul3A_2645 : vector<16xi32> to vector<1x1x16xi32>
      tpu.vector_store %arg6[%swap3A_2648, %swap3A_2649, %swap3A_2650], %swap3A_2653 {strides = array<i32>} : memref<4x20x1000xi32, #tpu.memory_space<vmem>>, vector<1x1x16xi32>,
      %slice3A_2654 = vector.extract_strided_slice %get3A_2549 {offsets = [4], sizes = [1], strides = [1]} : vector<16xi32> to vector<1xi32>
      %squeeze3A_2655 = vector.extract %slice3A_2654[0] : i32 from vector<1xi32>
      %and3A_2656 = arith.constant -16 : i32
      %and3A_2657 = arith.andi %squeeze3A_2655, %and3A_2656 : i32
      %multiple_of3A_2658 = tpu.assume_multiple %and3A_2657, 16 : i32
      %sub3A_2659 = arith.subi %squeeze3A_2655, %multiple_of3A_2658 : i32
      %sub3A_2660 = vector.broadcast %sub3A_2659 : i32 to vector<16xi32>
      %sub3A_2661 = arith.subi %iota3A_2119, %sub3A_2660 : vector<16xi32>
      %abs3A_2662 = math.absi %sub3A_2661 : vector<16xi32>
      %min3A_2663 = arith.constant 31 : i32
      %min3A_2664 = vector.broadcast %min3A_2663 : i32 to vector<16xi32>
      %min3A_2665 = arith.minsi %abs3A_2662, %min3A_2664 : vector<16xi32>
      %shift_right_arithmetic3A_2666 = arith.constant 1 : i32
      %shift_right_arithmetic3A_2667 = vector.broadcast %shift_right_arithmetic3A_2666 : i32 to vector<16xi32>
      %shift_right_arithmetic3A_2668 = arith.shrsi %shift_right_arithmetic3A_2667, %min3A_2665 : vector<16xi32>
      %mul3A_2669 = arith.constant 0 : i32
      %mul3A_2670 = vector.broadcast %mul3A_2669 : i32 to vector<16xi32>
      %mul3A_2671 = arith.muli %shift_right_arithmetic3A_2668, %mul3A_2670 : vector<16xi32>
      %swap3A_2672 = arith.constant 1 : i32
      %swap3A_2673 = arith.constant 0 : i32
      %swap3A_2674 = arith.index_cast %swap3A_2672 : i32 to index
      %swap3A_2675 = arith.index_cast %swap3A_2673 : i32 to index
      %swap3A_2676 = arith.index_cast %multiple_of3A_2658 : i32 to index
      %swap3A_2677 = tpu.vector_load %arg6[%swap3A_2674, %swap3A_2675, %swap3A_2676] {strides = array<i32>} : memref<4x20x1000xi32, #tpu.memory_space<vmem>>, vector<1x1x16xi32>,
      %swap3A_2678 = vector.shape_cast %swap3A_2677 : vector<1x1x16xi32> to vector<16xi32>
      %swap3A_2679 = vector.shape_cast %mul3A_2671 : vector<16xi32> to vector<1x1x16xi32>
      tpu.vector_store %arg6[%swap3A_2674, %swap3A_2675, %swap3A_2676], %swap3A_2679 {strides = array<i32>} : memref<4x20x1000xi32, #tpu.memory_space<vmem>>, vector<1x1x16xi32>,
      %slice3A_2680 = vector.extract_strided_slice %get3A_2549 {offsets = [5], sizes = [1], strides = [1]} : vector<16xi32> to vector<1xi32>
      %squeeze3A_2681 = vector.extract %slice3A_2680[0] : i32 from vector<1xi32>
      %and3A_2682 = arith.constant -16 : i32
      %and3A_2683 = arith.andi %squeeze3A_2681, %and3A_2682 : i32
      %multiple_of3A_2684 = tpu.assume_multiple %and3A_2683, 16 : i32
      %sub3A_2685 = arith.subi %squeeze3A_2681, %multiple_of3A_2684 : i32
      %sub3A_2686 = vector.broadcast %sub3A_2685 : i32 to vector<16xi32>
      %sub3A_2687 = arith.subi %iota3A_2119, %sub3A_2686 : vector<16xi32>
      %abs3A_2688 = math.absi %sub3A_2687 : vector<16xi32>
      %min3A_2689 = arith.constant 31 : i32
      %min3A_2690 = vector.broadcast %min3A_2689 : i32 to vector<16xi32>
      %min3A_2691 = arith.minsi %abs3A_2688, %min3A_2690 : vector<16xi32>
      %shift_right_arithmetic3A_2692 = arith.constant 1 : i32
      %shift_right_arithmetic3A_2693 = vector.broadcast %shift_right_arithmetic3A_2692 : i32 to vector<16xi32>
      %shift_right_arithmetic3A_2694 = arith.shrsi %shift_right_arithmetic3A_2693, %min3A_2691 : vector<16xi32>
      %mul3A_2695 = arith.constant 0 : i32
      %mul3A_2696 = vector.broadcast %mul3A_2695 : i32 to vector<16xi32>
      %mul3A_2697 = arith.muli %shift_right_arithmetic3A_2694, %mul3A_2696 : vector<16xi32>
      %swap3A_2698 = arith.constant 1 : i32
      %swap3A_2699 = arith.constant 1 : i32
      %swap3A_2700 = arith.index_cast %swap3A_2698 : i32 to index
      %swap3A_2701 = arith.index_cast %swap3A_2699 : i32 to index
      %swap3A_2702 = arith.index_cast %multiple_of3A_2684 : i32 to index
      %swap3A_2703 = tpu.vector_load %arg6[%swap3A_2700, %swap3A_2701, %swap3A_2702] {strides = array<i32>} : memref<4x20x1000xi32, #tpu.memory_space<vmem>>, vector<1x1x16xi32>,
      %swap3A_2704 = vector.shape_cast %swap3A_2703 : vector<1x1x16xi32> to vector<16xi32>
      %swap3A_2705 = vector.shape_cast %mul3A_2697 : vector<16xi32> to vector<1x1x16xi32>
      tpu.vector_store %arg6[%swap3A_2700, %swap3A_2701, %swap3A_2702], %swap3A_2705 {strides = array<i32>} : memref<4x20x1000xi32, #tpu.memory_space<vmem>>, vector<1x1x16xi32>,
      %slice3A_2706 = vector.extract_strided_slice %get3A_2549 {offsets = [6], sizes = [1], strides = [1]} : vector<16xi32> to vector<1xi32>
      %squeeze3A_2707 = vector.extract %slice3A_2706[0] : i32 from vector<1xi32>
      %and3A_2708 = arith.constant -16 : i32
      %and3A_2709 = arith.andi %squeeze3A_2707, %and3A_2708 : i32
      %multiple_of3A_2710 = tpu.assume_multiple %and3A_2709, 16 : i32
      %sub3A_2711 = arith.subi %squeeze3A_2707, %multiple_of3A_2710 : i32
      %sub3A_2712 = vector.broadcast %sub3A_2711 : i32 to vector<16xi32>
      %sub3A_2713 = arith.subi %iota3A_2119, %sub3A_2712 : vector<16xi32>
      %abs3A_2714 = math.absi %sub3A_2713 : vector<16xi32>
      %min3A_2715 = arith.constant 31 : i32
      %min3A_2716 = vector.broadcast %min3A_2715 : i32 to vector<16xi32>
      %min3A_2717 = arith.minsi %abs3A_2714, %min3A_2716 : vector<16xi32>
      %shift_right_arithmetic3A_2718 = arith.constant 1 : i32
      %shift_right_arithmetic3A_2719 = vector.broadcast %shift_right_arithmetic3A_2718 : i32 to vector<16xi32>
      %shift_right_arithmetic3A_2720 = arith.shrsi %shift_right_arithmetic3A_2719, %min3A_2717 : vector<16xi32>
      %mul3A_2721 = arith.constant 0 : i32
      %mul3A_2722 = vector.broadcast %mul3A_2721 : i32 to vector<16xi32>
      %mul3A_2723 = arith.muli %shift_right_arithmetic3A_2720, %mul3A_2722 : vector<16xi32>
      %swap3A_2724 = arith.constant 1 : i32
      %swap3A_2725 = arith.constant 2 : i32
      %swap3A_2726 = arith.index_cast %swap3A_2724 : i32 to index
      %swap3A_2727 = arith.index_cast %swap3A_2725 : i32 to index
      %swap3A_2728 = arith.index_cast %multiple_of3A_2710 : i32 to index
      %swap3A_2729 = tpu.vector_load %arg6[%swap3A_2726, %swap3A_2727, %swap3A_2728] {strides = array<i32>} : memref<4x20x1000xi32, #tpu.memory_space<vmem>>, vector<1x1x16xi32>,
      %swap3A_2730 = vector.shape_cast %swap3A_2729 : vector<1x1x16xi32> to vector<16xi32>
      %swap3A_2731 = vector.shape_cast %mul3A_2723 : vector<16xi32> to vector<1x1x16xi32>
      tpu.vector_store %arg6[%swap3A_2726, %swap3A_2727, %swap3A_2728], %swap3A_2731 {strides = array<i32>} : memref<4x20x1000xi32, #tpu.memory_space<vmem>>, vector<1x1x16xi32>,
      %slice3A_2732 = vector.extract_strided_slice %get3A_2549 {offsets = [7], sizes = [1], strides = [1]} : vector<16xi32> to vector<1xi32>
      %squeeze3A_2733 = vector.extract %slice3A_2732[0] : i32 from vector<1xi32>
      %and3A_2734 = arith.constant -16 : i32
      %and3A_2735 = arith.andi %squeeze3A_2733, %and3A_2734 : i32
      %multiple_of3A_2736 = tpu.assume_multiple %and3A_2735, 16 : i32
      %sub3A_2737 = arith.subi %squeeze3A_2733, %multiple_of3A_2736 : i32
      %sub3A_2738 = vector.broadcast %sub3A_2737 : i32 to vector<16xi32>
      %sub3A_2739 = arith.subi %iota3A_2119, %sub3A_2738 : vector<16xi32>
      %abs3A_2740 = math.absi %sub3A_2739 : vector<16xi32>
      %min3A_2741 = arith.constant 31 : i32
      %min3A_2742 = vector.broadcast %min3A_2741 : i32 to vector<16xi32>
      %min3A_2743 = arith.minsi %abs3A_2740, %min3A_2742 : vector<16xi32>
      %shift_right_arithmetic3A_2744 = arith.constant 1 : i32
      %shift_right_arithmetic3A_2745 = vector.broadcast %shift_right_arithmetic3A_2744 : i32 to vector<16xi32>
      %shift_right_arithmetic3A_2746 = arith.shrsi %shift_right_arithmetic3A_2745, %min3A_2743 : vector<16xi32>
      %mul3A_2747 = arith.constant 0 : i32
      %mul3A_2748 = vector.broadcast %mul3A_2747 : i32 to vector<16xi32>
      %mul3A_2749 = arith.muli %shift_right_arithmetic3A_2746, %mul3A_2748 : vector<16xi32>
      %swap3A_2750 = arith.constant 1 : i32
      %swap3A_2751 = arith.constant 3 : i32
      %swap3A_2752 = arith.index_cast %swap3A_2750 : i32 to index
      %swap3A_2753 = arith.index_cast %swap3A_2751 : i32 to index
      %swap3A_2754 = arith.index_cast %multiple_of3A_2736 : i32 to index
      %swap3A_2755 = tpu.vector_load %arg6[%swap3A_2752, %swap3A_2753, %swap3A_2754] {strides = array<i32>} : memref<4x20x1000xi32, #tpu.memory_space<vmem>>, vector<1x1x16xi32>,
      %swap3A_2756 = vector.shape_cast %swap3A_2755 : vector<1x1x16xi32> to vector<16xi32>
      %swap3A_2757 = vector.shape_cast %mul3A_2749 : vector<16xi32> to vector<1x1x16xi32>
      tpu.vector_store %arg6[%swap3A_2752, %swap3A_2753, %swap3A_2754], %swap3A_2757 {strides = array<i32>} : memref<4x20x1000xi32, #tpu.memory_space<vmem>>, vector<1x1x16xi32>,
      %slice3A_2758 = vector.extract_strided_slice %get3A_2549 {offsets = [8], sizes = [1], strides = [1]} : vector<16xi32> to vector<1xi32>
      %squeeze3A_2759 = vector.extract %slice3A_2758[0] : i32 from vector<1xi32>
      %and3A_2760 = arith.constant -16 : i32
      %and3A_2761 = arith.andi %squeeze3A_2759, %and3A_2760 : i32
      %multiple_of3A_2762 = tpu.assume_multiple %and3A_2761, 16 : i32
      %sub3A_2763 = arith.subi %squeeze3A_2759, %multiple_of3A_2762 : i32
      %sub3A_2764 = vector.broadcast %sub3A_2763 : i32 to vector<16xi32>
      %sub3A_2765 = arith.subi %iota3A_2119, %sub3A_2764 : vector<16xi32>
      %abs3A_2766 = math.absi %sub3A_2765 : vector<16xi32>
      %min3A_2767 = arith.constant 31 : i32
      %min3A_2768 = vector.broadcast %min3A_2767 : i32 to vector<16xi32>
      %min3A_2769 = arith.minsi %abs3A_2766, %min3A_2768 : vector<16xi32>
      %shift_right_arithmetic3A_2770 = arith.constant 1 : i32
      %shift_right_arithmetic3A_2771 = vector.broadcast %shift_right_arithmetic3A_2770 : i32 to vector<16xi32>
      %shift_right_arithmetic3A_2772 = arith.shrsi %shift_right_arithmetic3A_2771, %min3A_2769 : vector<16xi32>
      %mul3A_2773 = arith.constant 0 : i32
      %mul3A_2774 = vector.broadcast %mul3A_2773 : i32 to vector<16xi32>
      %mul3A_2775 = arith.muli %shift_right_arithmetic3A_2772, %mul3A_2774 : vector<16xi32>
      %swap3A_2776 = arith.constant 1 : i32
      %swap3A_2777 = arith.constant 4 : i32
      %swap3A_2778 = arith.index_cast %swap3A_2776 : i32 to index
      %swap3A_2779 = arith.index_cast %swap3A_2777 : i32 to index
      %swap3A_2780 = arith.index_cast %multiple_of3A_2762 : i32 to index
      %swap3A_2781 = tpu.vector_load %arg6[%swap3A_2778, %swap3A_2779, %swap3A_2780] {strides = array<i32>} : memref<4x20x1000xi32, #tpu.memory_space<vmem>>, vector<1x1x16xi32>,
      %swap3A_2782 = vector.shape_cast %swap3A_2781 : vector<1x1x16xi32> to vector<16xi32>
      %swap3A_2783 = vector.shape_cast %mul3A_2775 : vector<16xi32> to vector<1x1x16xi32>
      tpu.vector_store %arg6[%swap3A_2778, %swap3A_2779, %swap3A_2780], %swap3A_2783 {strides = array<i32>} : memref<4x20x1000xi32, #tpu.memory_space<vmem>>, vector<1x1x16xi32>,
      %slice3A_2784 = vector.extract_strided_slice %get3A_2549 {offsets = [9], sizes = [1], strides = [1]} : vector<16xi32> to vector<1xi32>
      %squeeze3A_2785 = vector.extract %slice3A_2784[0] : i32 from vector<1xi32>
      %and3A_2786 = arith.constant -16 : i32
      %and3A_2787 = arith.andi %squeeze3A_2785, %and3A_2786 : i32
      %multiple_of3A_2788 = tpu.assume_multiple %and3A_2787, 16 : i32
      %sub3A_2789 = arith.subi %squeeze3A_2785, %multiple_of3A_2788 : i32
      %sub3A_2790 = vector.broadcast %sub3A_2789 : i32 to vector<16xi32>
      %sub3A_2791 = arith.subi %iota3A_2119, %sub3A_2790 : vector<16xi32>
      %abs3A_2792 = math.absi %sub3A_2791 : vector<16xi32>
      %min3A_2793 = arith.constant 31 : i32
      %min3A_2794 = vector.broadcast %min3A_2793 : i32 to vector<16xi32>
      %min3A_2795 = arith.minsi %abs3A_2792, %min3A_2794 : vector<16xi32>
      %shift_right_arithmetic3A_2796 = arith.constant 1 : i32
      %shift_right_arithmetic3A_2797 = vector.broadcast %shift_right_arithmetic3A_2796 : i32 to vector<16xi32>
      %shift_right_arithmetic3A_2798 = arith.shrsi %shift_right_arithmetic3A_2797, %min3A_2795 : vector<16xi32>
      %mul3A_2799 = arith.constant 0 : i32
      %mul3A_2800 = vector.broadcast %mul3A_2799 : i32 to vector<16xi32>
      %mul3A_2801 = arith.muli %shift_right_arithmetic3A_2798, %mul3A_2800 : vector<16xi32>
      %swap3A_2802 = arith.constant 1 : i32
      %swap3A_2803 = arith.constant 5 : i32
      %swap3A_2804 = arith.index_cast %swap3A_2802 : i32 to index
      %swap3A_2805 = arith.index_cast %swap3A_2803 : i32 to index
      %swap3A_2806 = arith.index_cast %multiple_of3A_2788 : i32 to index
      %swap3A_2807 = tpu.vector_load %arg6[%swap3A_2804, %swap3A_2805, %swap3A_2806] {strides = array<i32>} : memref<4x20x1000xi32, #tpu.memory_space<vmem>>, vector<1x1x16xi32>,
      %swap3A_2808 = vector.shape_cast %swap3A_2807 : vector<1x1x16xi32> to vector<16xi32>
      %swap3A_2809 = vector.shape_cast %mul3A_2801 : vector<16xi32> to vector<1x1x16xi32>
      tpu.vector_store %arg6[%swap3A_2804, %swap3A_2805, %swap3A_2806], %swap3A_2809 {strides = array<i32>} : memref<4x20x1000xi32, #tpu.memory_space<vmem>>, vector<1x1x16xi32>,
      %slice3A_2810 = vector.extract_strided_slice %get3A_2549 {offsets = [10], sizes = [1], strides = [1]} : vector<16xi32> to vector<1xi32>
      %squeeze3A_2811 = vector.extract %slice3A_2810[0] : i32 from vector<1xi32>
      %and3A_2812 = arith.constant -16 : i32
      %and3A_2813 = arith.andi %squeeze3A_2811, %and3A_2812 : i32
      %multiple_of3A_2814 = tpu.assume_multiple %and3A_2813, 16 : i32
      %sub3A_2815 = arith.subi %squeeze3A_2811, %multiple_of3A_2814 : i32
      %sub3A_2816 = vector.broadcast %sub3A_2815 : i32 to vector<16xi32>
      %sub3A_2817 = arith.subi %iota3A_2119, %sub3A_2816 : vector<16xi32>
      %abs3A_2818 = math.absi %sub3A_2817 : vector<16xi32>
      %min3A_2819 = arith.constant 31 : i32
      %min3A_2820 = vector.broadcast %min3A_2819 : i32 to vector<16xi32>
      %min3A_2821 = arith.minsi %abs3A_2818, %min3A_2820 : vector<16xi32>
      %shift_right_arithmetic3A_2822 = arith.constant 1 : i32
      %shift_right_arithmetic3A_2823 = vector.broadcast %shift_right_arithmetic3A_2822 : i32 to vector<16xi32>
      %shift_right_arithmetic3A_2824 = arith.shrsi %shift_right_arithmetic3A_2823, %min3A_2821 : vector<16xi32>
      %mul3A_2825 = arith.constant 0 : i32
      %mul3A_2826 = vector.broadcast %mul3A_2825 : i32 to vector<16xi32>
      %mul3A_2827 = arith.muli %shift_right_arithmetic3A_2824, %mul3A_2826 : vector<16xi32>
      %swap3A_2828 = arith.constant 1 : i32
      %swap3A_2829 = arith.constant 6 : i32
      %swap3A_2830 = arith.index_cast %swap3A_2828 : i32 to index
      %swap3A_2831 = arith.index_cast %swap3A_2829 : i32 to index
      %swap3A_2832 = arith.index_cast %multiple_of3A_2814 : i32 to index
      %swap3A_2833 = tpu.vector_load %arg6[%swap3A_2830, %swap3A_2831, %swap3A_2832] {strides = array<i32>} : memref<4x20x1000xi32, #tpu.memory_space<vmem>>, vector<1x1x16xi32>,
      %swap3A_2834 = vector.shape_cast %swap3A_2833 : vector<1x1x16xi32> to vector<16xi32>
      %swap3A_2835 = vector.shape_cast %mul3A_2827 : vector<16xi32> to vector<1x1x16xi32>
      tpu.vector_store %arg6[%swap3A_2830, %swap3A_2831, %swap3A_2832], %swap3A_2835 {strides = array<i32>} : memref<4x20x1000xi32, #tpu.memory_space<vmem>>, vector<1x1x16xi32>,
      %slice3A_2836 = vector.extract_strided_slice %get3A_2549 {offsets = [11], sizes = [1], strides = [1]} : vector<16xi32> to vector<1xi32>
      %squeeze3A_2837 = vector.extract %slice3A_2836[0] : i32 from vector<1xi32>
      %and3A_2838 = arith.constant -16 : i32
      %and3A_2839 = arith.andi %squeeze3A_2837, %and3A_2838 : i32
      %multiple_of3A_2840 = tpu.assume_multiple %and3A_2839, 16 : i32
      %sub3A_2841 = arith.subi %squeeze3A_2837, %multiple_of3A_2840 : i32
      %sub3A_2842 = vector.broadcast %sub3A_2841 : i32 to vector<16xi32>
      %sub3A_2843 = arith.subi %iota3A_2119, %sub3A_2842 : vector<16xi32>
      %abs3A_2844 = math.absi %sub3A_2843 : vector<16xi32>
      %min3A_2845 = arith.constant 31 : i32
      %min3A_2846 = vector.broadcast %min3A_2845 : i32 to vector<16xi32>
      %min3A_2847 = arith.minsi %abs3A_2844, %min3A_2846 : vector<16xi32>
      %shift_right_arithmetic3A_2848 = arith.constant 1 : i32
      %shift_right_arithmetic3A_2849 = vector.broadcast %shift_right_arithmetic3A_2848 : i32 to vector<16xi32>
      %shift_right_arithmetic3A_2850 = arith.shrsi %shift_right_arithmetic3A_2849, %min3A_2847 : vector<16xi32>
      %mul3A_2851 = arith.constant 0 : i32
      %mul3A_2852 = vector.broadcast %mul3A_2851 : i32 to vector<16xi32>
      %mul3A_2853 = arith.muli %shift_right_arithmetic3A_2850, %mul3A_2852 : vector<16xi32>
      %swap3A_2854 = arith.constant 1 : i32
      %swap3A_2855 = arith.constant 7 : i32
      %swap3A_2856 = arith.index_cast %swap3A_2854 : i32 to index
      %swap3A_2857 = arith.index_cast %swap3A_2855 : i32 to index
      %swap3A_2858 = arith.index_cast %multiple_of3A_2840 : i32 to index
      %swap3A_2859 = tpu.vector_load %arg6[%swap3A_2856, %swap3A_2857, %swap3A_2858] {strides = array<i32>} : memref<4x20x1000xi32, #tpu.memory_space<vmem>>, vector<1x1x16xi32>,
      %swap3A_2860 = vector.shape_cast %swap3A_2859 : vector<1x1x16xi32> to vector<16xi32>
      %swap3A_2861 = vector.shape_cast %mul3A_2853 : vector<16xi32> to vector<1x1x16xi32>
      tpu.vector_store %arg6[%swap3A_2856, %swap3A_2857, %swap3A_2858], %swap3A_2861 {strides = array<i32>} : memref<4x20x1000xi32, #tpu.memory_space<vmem>>, vector<1x1x16xi32>,
      %slice3A_2862 = vector.extract_strided_slice %get3A_2549 {offsets = [12], sizes = [1], strides = [1]} : vector<16xi32> to vector<1xi32>
      %squeeze3A_2863 = vector.extract %slice3A_2862[0] : i32 from vector<1xi32>
      %and3A_2864 = arith.constant -16 : i32
      %and3A_2865 = arith.andi %squeeze3A_2863, %and3A_2864 : i32
      %multiple_of3A_2866 = tpu.assume_multiple %and3A_2865, 16 : i32
      %sub3A_2867 = arith.subi %squeeze3A_2863, %multiple_of3A_2866 : i32
      %sub3A_2868 = vector.broadcast %sub3A_2867 : i32 to vector<16xi32>
      %sub3A_2869 = arith.subi %iota3A_2119, %sub3A_2868 : vector<16xi32>
      %abs3A_2870 = math.absi %sub3A_2869 : vector<16xi32>
      %min3A_2871 = arith.constant 31 : i32
      %min3A_2872 = vector.broadcast %min3A_2871 : i32 to vector<16xi32>
      %min3A_2873 = arith.minsi %abs3A_2870, %min3A_2872 : vector<16xi32>
      %shift_right_arithmetic3A_2874 = arith.constant 1 : i32
      %shift_right_arithmetic3A_2875 = vector.broadcast %shift_right_arithmetic3A_2874 : i32 to vector<16xi32>
      %shift_right_arithmetic3A_2876 = arith.shrsi %shift_right_arithmetic3A_2875, %min3A_2873 : vector<16xi32>
      %mul3A_2877 = arith.constant 0 : i32
      %mul3A_2878 = vector.broadcast %mul3A_2877 : i32 to vector<16xi32>
      %mul3A_2879 = arith.muli %shift_right_arithmetic3A_2876, %mul3A_2878 : vector<16xi32>
      %swap3A_2880 = arith.constant 1 : i32
      %swap3A_2881 = arith.constant 8 : i32
      %swap3A_2882 = arith.index_cast %swap3A_2880 : i32 to index
      %swap3A_2883 = arith.index_cast %swap3A_2881 : i32 to index
      %swap3A_2884 = arith.index_cast %multiple_of3A_2866 : i32 to index
      %swap3A_2885 = tpu.vector_load %arg6[%swap3A_2882, %swap3A_2883, %swap3A_2884] {strides = array<i32>} : memref<4x20x1000xi32, #tpu.memory_space<vmem>>, vector<1x1x16xi32>,
      %swap3A_2886 = vector.shape_cast %swap3A_2885 : vector<1x1x16xi32> to vector<16xi32>
      %swap3A_2887 = vector.shape_cast %mul3A_2879 : vector<16xi32> to vector<1x1x16xi32>
      tpu.vector_store %arg6[%swap3A_2882, %swap3A_2883, %swap3A_2884], %swap3A_2887 {strides = array<i32>} : memref<4x20x1000xi32, #tpu.memory_space<vmem>>, vector<1x1x16xi32>,
      %slice3A_2888 = vector.extract_strided_slice %get3A_2549 {offsets = [13], sizes = [1], strides = [1]} : vector<16xi32> to vector<1xi32>
      %squeeze3A_2889 = vector.extract %slice3A_2888[0] : i32 from vector<1xi32>
      %and3A_2890 = arith.constant -16 : i32
      %and3A_2891 = arith.andi %squeeze3A_2889, %and3A_2890 : i32
      %multiple_of3A_2892 = tpu.assume_multiple %and3A_2891, 16 : i32
      %sub3A_2893 = arith.subi %squeeze3A_2889, %multiple_of3A_2892 : i32
      %sub3A_2894 = vector.broadcast %sub3A_2893 : i32 to vector<16xi32>
      %sub3A_2895 = arith.subi %iota3A_2119, %sub3A_2894 : vector<16xi32>
      %abs3A_2896 = math.absi %sub3A_2895 : vector<16xi32>
      %min3A_2897 = arith.constant 31 : i32
      %min3A_2898 = vector.broadcast %min3A_2897 : i32 to vector<16xi32>
      %min3A_2899 = arith.minsi %abs3A_2896, %min3A_2898 : vector<16xi32>
      %shift_right_arithmetic3A_2900 = arith.constant 1 : i32
      %shift_right_arithmetic3A_2901 = vector.broadcast %shift_right_arithmetic3A_2900 : i32 to vector<16xi32>
      %shift_right_arithmetic3A_2902 = arith.shrsi %shift_right_arithmetic3A_2901, %min3A_2899 : vector<16xi32>
      %mul3A_2903 = arith.constant 0 : i32
      %mul3A_2904 = vector.broadcast %mul3A_2903 : i32 to vector<16xi32>
      %mul3A_2905 = arith.muli %shift_right_arithmetic3A_2902, %mul3A_2904 : vector<16xi32>
      %swap3A_2906 = arith.constant 1 : i32
      %swap3A_2907 = arith.constant 9 : i32
      %swap3A_2908 = arith.index_cast %swap3A_2906 : i32 to index
      %swap3A_2909 = arith.index_cast %swap3A_2907 : i32 to index
      %swap3A_2910 = arith.index_cast %multiple_of3A_2892 : i32 to index
      %swap3A_2911 = tpu.vector_load %arg6[%swap3A_2908, %swap3A_2909, %swap3A_2910] {strides = array<i32>} : memref<4x20x1000xi32, #tpu.memory_space<vmem>>, vector<1x1x16xi32>,
      %swap3A_2912 = vector.shape_cast %swap3A_2911 : vector<1x1x16xi32> to vector<16xi32>
      %swap3A_2913 = vector.shape_cast %mul3A_2905 : vector<16xi32> to vector<1x1x16xi32>
      tpu.vector_store %arg6[%swap3A_2908, %swap3A_2909, %swap3A_2910], %swap3A_2913 {strides = array<i32>} : memref<4x20x1000xi32, #tpu.memory_space<vmem>>, vector<1x1x16xi32>,
      %slice3A_2914 = vector.extract_strided_slice %get3A_2549 {offsets = [14], sizes = [1], strides = [1]} : vector<16xi32> to vector<1xi32>
      %squeeze3A_2915 = vector.extract %slice3A_2914[0] : i32 from vector<1xi32>
      %and3A_2916 = arith.constant -16 : i32
      %and3A_2917 = arith.andi %squeeze3A_2915, %and3A_2916 : i32
      %multiple_of3A_2918 = tpu.assume_multiple %and3A_2917, 16 : i32
      %sub3A_2919 = arith.subi %squeeze3A_2915, %multiple_of3A_2918 : i32
      %sub3A_2920 = vector.broadcast %sub3A_2919 : i32 to vector<16xi32>
      %sub3A_2921 = arith.subi %iota3A_2119, %sub3A_2920 : vector<16xi32>
      %abs3A_2922 = math.absi %sub3A_2921 : vector<16xi32>
      %min3A_2923 = arith.constant 31 : i32
      %min3A_2924 = vector.broadcast %min3A_2923 : i32 to vector<16xi32>
      %min3A_2925 = arith.minsi %abs3A_2922, %min3A_2924 : vector<16xi32>
      %shift_right_arithmetic3A_2926 = arith.constant 1 : i32
      %shift_right_arithmetic3A_2927 = vector.broadcast %shift_right_arithmetic3A_2926 : i32 to vector<16xi32>
      %shift_right_arithmetic3A_2928 = arith.shrsi %shift_right_arithmetic3A_2927, %min3A_2925 : vector<16xi32>
      %mul3A_2929 = arith.constant 0 : i32
      %mul3A_2930 = vector.broadcast %mul3A_2929 : i32 to vector<16xi32>
      %mul3A_2931 = arith.muli %shift_right_arithmetic3A_2928, %mul3A_2930 : vector<16xi32>
      %swap3A_2932 = arith.constant 1 : i32
      %swap3A_2933 = arith.constant 10 : i32
      %swap3A_2934 = arith.index_cast %swap3A_2932 : i32 to index
      %swap3A_2935 = arith.index_cast %swap3A_2933 : i32 to index
      %swap3A_2936 = arith.index_cast %multiple_of3A_2918 : i32 to index
      %swap3A_2937 = tpu.vector_load %arg6[%swap3A_2934, %swap3A_2935, %swap3A_2936] {strides = array<i32>} : memref<4x20x1000xi32, #tpu.memory_space<vmem>>, vector<1x1x16xi32>,
      %swap3A_2938 = vector.shape_cast %swap3A_2937 : vector<1x1x16xi32> to vector<16xi32>
      %swap3A_2939 = vector.shape_cast %mul3A_2931 : vector<16xi32> to vector<1x1x16xi32>
      tpu.vector_store %arg6[%swap3A_2934, %swap3A_2935, %swap3A_2936], %swap3A_2939 {strides = array<i32>} : memref<4x20x1000xi32, #tpu.memory_space<vmem>>, vector<1x1x16xi32>,
      %slice3A_2940 = vector.extract_strided_slice %get3A_2549 {offsets = [15], sizes = [1], strides = [1]} : vector<16xi32> to vector<1xi32>
      %squeeze3A_2941 = vector.extract %slice3A_2940[0] : i32 from vector<1xi32>
      %and3A_2942 = arith.constant -16 : i32
      %and3A_2943 = arith.andi %squeeze3A_2941, %and3A_2942 : i32
      %multiple_of3A_2944 = tpu.assume_multiple %and3A_2943, 16 : i32
      %sub3A_2945 = arith.subi %squeeze3A_2941, %multiple_of3A_2944 : i32
      %sub3A_2946 = vector.broadcast %sub3A_2945 : i32 to vector<16xi32>
      %sub3A_2947 = arith.subi %iota3A_2119, %sub3A_2946 : vector<16xi32>
      %abs3A_2948 = math.absi %sub3A_2947 : vector<16xi32>
      %min3A_2949 = arith.constant 31 : i32
      %min3A_2950 = vector.broadcast %min3A_2949 : i32 to vector<16xi32>
      %min3A_2951 = arith.minsi %abs3A_2948, %min3A_2950 : vector<16xi32>
      %shift_right_arithmetic3A_2952 = arith.constant 1 : i32
      %shift_right_arithmetic3A_2953 = vector.broadcast %shift_right_arithmetic3A_2952 : i32 to vector<16xi32>
      %shift_right_arithmetic3A_2954 = arith.shrsi %shift_right_arithmetic3A_2953, %min3A_2951 : vector<16xi32>
      %mul3A_2955 = arith.constant 0 : i32
      %mul3A_2956 = vector.broadcast %mul3A_2955 : i32 to vector<16xi32>
      %mul3A_2957 = arith.muli %shift_right_arithmetic3A_2954, %mul3A_2956 : vector<16xi32>
      %swap3A_2958 = arith.constant 1 : i32
      %swap3A_2959 = arith.constant 11 : i32
      %swap3A_2960 = arith.index_cast %swap3A_2958 : i32 to index
      %swap3A_2961 = arith.index_cast %swap3A_2959 : i32 to index
      %swap3A_2962 = arith.index_cast %multiple_of3A_2944 : i32 to index
      %swap3A_2963 = tpu.vector_load %arg6[%swap3A_2960, %swap3A_2961, %swap3A_2962] {strides = array<i32>} : memref<4x20x1000xi32, #tpu.memory_space<vmem>>, vector<1x1x16xi32>,
      %swap3A_2964 = vector.shape_cast %swap3A_2963 : vector<1x1x16xi32> to vector<16xi32>
      %swap3A_2965 = vector.shape_cast %mul3A_2957 : vector<16xi32> to vector<1x1x16xi32>
      tpu.vector_store %arg6[%swap3A_2960, %swap3A_2961, %swap3A_2962], %swap3A_2965 {strides = array<i32>} : memref<4x20x1000xi32, #tpu.memory_space<vmem>>, vector<1x1x16xi32>,
      %mul3A_2966 = arith.constant 80 : i32
      %mul3A_2967 = arith.muli %scan3A_10, %mul3A_2966 : i32
      %add3A_2968 = arith.constant 32 : i32
      %add3A_2969 = arith.addi %mul3A_2967, %add3A_2968 : i32
      %get3A_2970 = arith.index_cast %add3A_2969 : i32 to index
      %get3A_2971 = tpu.vector_load %arg5[%get3A_2970] {strides = array<i32>} : memref<2560xi32, #tpu.memory_space<vmem>>, vector<16xi32>,
      %get3A_2972 = vector.shape_cast %get3A_2971 : vector<16xi32> to vector<16xi32>
      %slice3A_2973 = vector.extract_strided_slice %get3A_2972 {offsets = [0], sizes = [1], strides = [1]} : vector<16xi32> to vector<1xi32>
      %squeeze3A_2974 = vector.extract %slice3A_2973[0] : i32 from vector<1xi32>
      %and3A_2975 = arith.constant -16 : i32
      %and3A_2976 = arith.andi %squeeze3A_2974, %and3A_2975 : i32
      %multiple_of3A_2977 = tpu.assume_multiple %and3A_2976, 16 : i32
      %sub3A_2978 = arith.subi %squeeze3A_2974, %multiple_of3A_2977 : i32
      %sub3A_2979 = vector.broadcast %sub3A_2978 : i32 to vector<16xi32>
      %sub3A_2980 = arith.subi %iota3A_2119, %sub3A_2979 : vector<16xi32>
      %abs3A_2981 = math.absi %sub3A_2980 : vector<16xi32>
      %min3A_2982 = arith.constant 31 : i32
      %min3A_2983 = vector.broadcast %min3A_2982 : i32 to vector<16xi32>
      %min3A_2984 = arith.minsi %abs3A_2981, %min3A_2983 : vector<16xi32>
      %shift_right_arithmetic3A_2985 = arith.constant 1 : i32
      %shift_right_arithmetic3A_2986 = vector.broadcast %shift_right_arithmetic3A_2985 : i32 to vector<16xi32>
      %shift_right_arithmetic3A_2987 = arith.shrsi %shift_right_arithmetic3A_2986, %min3A_2984 : vector<16xi32>
      %mul3A_2988 = arith.constant 0 : i32
      %mul3A_2989 = vector.broadcast %mul3A_2988 : i32 to vector<16xi32>
      %mul3A_2990 = arith.muli %shift_right_arithmetic3A_2987, %mul3A_2989 : vector<16xi32>
      %swap3A_2991 = arith.constant 1 : i32
      %swap3A_2992 = arith.constant 12 : i32
      %swap3A_2993 = arith.index_cast %swap3A_2991 : i32 to index
      %swap3A_2994 = arith.index_cast %swap3A_2992 : i32 to index
      %swap3A_2995 = arith.index_cast %multiple_of3A_2977 : i32 to index
      %swap3A_2996 = tpu.vector_load %arg6[%swap3A_2993, %swap3A_2994, %swap3A_2995] {strides = array<i32>} : memref<4x20x1000xi32, #tpu.memory_space<vmem>>, vector<1x1x16xi32>,
      %swap3A_2997 = vector.shape_cast %swap3A_2996 : vector<1x1x16xi32> to vector<16xi32>
      %swap3A_2998 = vector.shape_cast %mul3A_2990 : vector<16xi32> to vector<1x1x16xi32>
      tpu.vector_store %arg6[%swap3A_2993, %swap3A_2994, %swap3A_2995], %swap3A_2998 {strides = array<i32>} : memref<4x20x1000xi32, #tpu.memory_space<vmem>>, vector<1x1x16xi32>,
      %slice3A_2999 = vector.extract_strided_slice %get3A_2972 {offsets = [1], sizes = [1], strides = [1]} : vector<16xi32> to vector<1xi32>
      %squeeze3A_3000 = vector.extract %slice3A_2999[0] : i32 from vector<1xi32>
      %and3A_3001 = arith.constant -16 : i32
      %and3A_3002 = arith.andi %squeeze3A_3000, %and3A_3001 : i32
      %multiple_of3A_3003 = tpu.assume_multiple %and3A_3002, 16 : i32
      %sub3A_3004 = arith.subi %squeeze3A_3000, %multiple_of3A_3003 : i32
      %sub3A_3005 = vector.broadcast %sub3A_3004 : i32 to vector<16xi32>
      %sub3A_3006 = arith.subi %iota3A_2119, %sub3A_3005 : vector<16xi32>
      %abs3A_3007 = math.absi %sub3A_3006 : vector<16xi32>
      %min3A_3008 = arith.constant 31 : i32
      %min3A_3009 = vector.broadcast %min3A_3008 : i32 to vector<16xi32>
      %min3A_3010 = arith.minsi %abs3A_3007, %min3A_3009 : vector<16xi32>
      %shift_right_arithmetic3A_3011 = arith.constant 1 : i32
      %shift_right_arithmetic3A_3012 = vector.broadcast %shift_right_arithmetic3A_3011 : i32 to vector<16xi32>
      %shift_right_arithmetic3A_3013 = arith.shrsi %shift_right_arithmetic3A_3012, %min3A_3010 : vector<16xi32>
      %mul3A_3014 = arith.constant 0 : i32
      %mul3A_3015 = vector.broadcast %mul3A_3014 : i32 to vector<16xi32>
      %mul3A_3016 = arith.muli %shift_right_arithmetic3A_3013, %mul3A_3015 : vector<16xi32>
      %swap3A_3017 = arith.constant 1 : i32
      %swap3A_3018 = arith.constant 13 : i32
      %swap3A_3019 = arith.index_cast %swap3A_3017 : i32 to index
      %swap3A_3020 = arith.index_cast %swap3A_3018 : i32 to index
      %swap3A_3021 = arith.index_cast %multiple_of3A_3003 : i32 to index
      %swap3A_3022 = tpu.vector_load %arg6[%swap3A_3019, %swap3A_3020, %swap3A_3021] {strides = array<i32>} : memref<4x20x1000xi32, #tpu.memory_space<vmem>>, vector<1x1x16xi32>,
      %swap3A_3023 = vector.shape_cast %swap3A_3022 : vector<1x1x16xi32> to vector<16xi32>
      %swap3A_3024 = vector.shape_cast %mul3A_3016 : vector<16xi32> to vector<1x1x16xi32>
      tpu.vector_store %arg6[%swap3A_3019, %swap3A_3020, %swap3A_3021], %swap3A_3024 {strides = array<i32>} : memref<4x20x1000xi32, #tpu.memory_space<vmem>>, vector<1x1x16xi32>,
      %slice3A_3025 = vector.extract_strided_slice %get3A_2972 {offsets = [2], sizes = [1], strides = [1]} : vector<16xi32> to vector<1xi32>
      %squeeze3A_3026 = vector.extract %slice3A_3025[0] : i32 from vector<1xi32>
      %and3A_3027 = arith.constant -16 : i32
      %and3A_3028 = arith.andi %squeeze3A_3026, %and3A_3027 : i32
      %multiple_of3A_3029 = tpu.assume_multiple %and3A_3028, 16 : i32
      %sub3A_3030 = arith.subi %squeeze3A_3026, %multiple_of3A_3029 : i32
      %sub3A_3031 = vector.broadcast %sub3A_3030 : i32 to vector<16xi32>
      %sub3A_3032 = arith.subi %iota3A_2119, %sub3A_3031 : vector<16xi32>
      %abs3A_3033 = math.absi %sub3A_3032 : vector<16xi32>
      %min3A_3034 = arith.constant 31 : i32
      %min3A_3035 = vector.broadcast %min3A_3034 : i32 to vector<16xi32>
      %min3A_3036 = arith.minsi %abs3A_3033, %min3A_3035 : vector<16xi32>
      %shift_right_arithmetic3A_3037 = arith.constant 1 : i32
      %shift_right_arithmetic3A_3038 = vector.broadcast %shift_right_arithmetic3A_3037 : i32 to vector<16xi32>
      %shift_right_arithmetic3A_3039 = arith.shrsi %shift_right_arithmetic3A_3038, %min3A_3036 : vector<16xi32>
      %mul3A_3040 = arith.constant 0 : i32
      %mul3A_3041 = vector.broadcast %mul3A_3040 : i32 to vector<16xi32>
      %mul3A_3042 = arith.muli %shift_right_arithmetic3A_3039, %mul3A_3041 : vector<16xi32>
      %swap3A_3043 = arith.constant 1 : i32
      %swap3A_3044 = arith.constant 14 : i32
      %swap3A_3045 = arith.index_cast %swap3A_3043 : i32 to index
      %swap3A_3046 = arith.index_cast %swap3A_3044 : i32 to index
      %swap3A_3047 = arith.index_cast %multiple_of3A_3029 : i32 to index
      %swap3A_3048 = tpu.vector_load %arg6[%swap3A_3045, %swap3A_3046, %swap3A_3047] {strides = array<i32>} : memref<4x20x1000xi32, #tpu.memory_space<vmem>>, vector<1x1x16xi32>,
      %swap3A_3049 = vector.shape_cast %swap3A_3048 : vector<1x1x16xi32> to vector<16xi32>
      %swap3A_3050 = vector.shape_cast %mul3A_3042 : vector<16xi32> to vector<1x1x16xi32>
      tpu.vector_store %arg6[%swap3A_3045, %swap3A_3046, %swap3A_3047], %swap3A_3050 {strides = array<i32>} : memref<4x20x1000xi32, #tpu.memory_space<vmem>>, vector<1x1x16xi32>,
      %slice3A_3051 = vector.extract_strided_slice %get3A_2972 {offsets = [3], sizes = [1], strides = [1]} : vector<16xi32> to vector<1xi32>
      %squeeze3A_3052 = vector.extract %slice3A_3051[0] : i32 from vector<1xi32>
      %and3A_3053 = arith.constant -16 : i32
      %and3A_3054 = arith.andi %squeeze3A_3052, %and3A_3053 : i32
      %multiple_of3A_3055 = tpu.assume_multiple %and3A_3054, 16 : i32
      %sub3A_3056 = arith.subi %squeeze3A_3052, %multiple_of3A_3055 : i32
      %sub3A_3057 = vector.broadcast %sub3A_3056 : i32 to vector<16xi32>
      %sub3A_3058 = arith.subi %iota3A_2119, %sub3A_3057 : vector<16xi32>
      %abs3A_3059 = math.absi %sub3A_3058 : vector<16xi32>
      %min3A_3060 = arith.constant 31 : i32
      %min3A_3061 = vector.broadcast %min3A_3060 : i32 to vector<16xi32>
      %min3A_3062 = arith.minsi %abs3A_3059, %min3A_3061 : vector<16xi32>
      %shift_right_arithmetic3A_3063 = arith.constant 1 : i32
      %shift_right_arithmetic3A_3064 = vector.broadcast %shift_right_arithmetic3A_3063 : i32 to vector<16xi32>
      %shift_right_arithmetic3A_3065 = arith.shrsi %shift_right_arithmetic3A_3064, %min3A_3062 : vector<16xi32>
      %mul3A_3066 = arith.constant 0 : i32
      %mul3A_3067 = vector.broadcast %mul3A_3066 : i32 to vector<16xi32>
      %mul3A_3068 = arith.muli %shift_right_arithmetic3A_3065, %mul3A_3067 : vector<16xi32>
      %swap3A_3069 = arith.constant 1 : i32
      %swap3A_3070 = arith.constant 15 : i32
      %swap3A_3071 = arith.index_cast %swap3A_3069 : i32 to index
      %swap3A_3072 = arith.index_cast %swap3A_3070 : i32 to index
      %swap3A_3073 = arith.index_cast %multiple_of3A_3055 : i32 to index
      %swap3A_3074 = tpu.vector_load %arg6[%swap3A_3071, %swap3A_3072, %swap3A_3073] {strides = array<i32>} : memref<4x20x1000xi32, #tpu.memory_space<vmem>>, vector<1x1x16xi32>,
      %swap3A_3075 = vector.shape_cast %swap3A_3074 : vector<1x1x16xi32> to vector<16xi32>
      %swap3A_3076 = vector.shape_cast %mul3A_3068 : vector<16xi32> to vector<1x1x16xi32>
      tpu.vector_store %arg6[%swap3A_3071, %swap3A_3072, %swap3A_3073], %swap3A_3076 {strides = array<i32>} : memref<4x20x1000xi32, #tpu.memory_space<vmem>>, vector<1x1x16xi32>,
      %slice3A_3077 = vector.extract_strided_slice %get3A_2972 {offsets = [4], sizes = [1], strides = [1]} : vector<16xi32> to vector<1xi32>
      %squeeze3A_3078 = vector.extract %slice3A_3077[0] : i32 from vector<1xi32>
      %and3A_3079 = arith.constant -16 : i32
      %and3A_3080 = arith.andi %squeeze3A_3078, %and3A_3079 : i32
      %multiple_of3A_3081 = tpu.assume_multiple %and3A_3080, 16 : i32
      %sub3A_3082 = arith.subi %squeeze3A_3078, %multiple_of3A_3081 : i32
      %sub3A_3083 = vector.broadcast %sub3A_3082 : i32 to vector<16xi32>
      %sub3A_3084 = arith.subi %iota3A_2119, %sub3A_3083 : vector<16xi32>
      %abs3A_3085 = math.absi %sub3A_3084 : vector<16xi32>
      %min3A_3086 = arith.constant 31 : i32
      %min3A_3087 = vector.broadcast %min3A_3086 : i32 to vector<16xi32>
      %min3A_3088 = arith.minsi %abs3A_3085, %min3A_3087 : vector<16xi32>
      %shift_right_arithmetic3A_3089 = arith.constant 1 : i32
      %shift_right_arithmetic3A_3090 = vector.broadcast %shift_right_arithmetic3A_3089 : i32 to vector<16xi32>
      %shift_right_arithmetic3A_3091 = arith.shrsi %shift_right_arithmetic3A_3090, %min3A_3088 : vector<16xi32>
      %mul3A_3092 = arith.constant 0 : i32
      %mul3A_3093 = vector.broadcast %mul3A_3092 : i32 to vector<16xi32>
      %mul3A_3094 = arith.muli %shift_right_arithmetic3A_3091, %mul3A_3093 : vector<16xi32>
      %swap3A_3095 = arith.constant 1 : i32
      %swap3A_3096 = arith.constant 16 : i32
      %swap3A_3097 = arith.index_cast %swap3A_3095 : i32 to index
      %swap3A_3098 = arith.index_cast %swap3A_3096 : i32 to index
      %swap3A_3099 = arith.index_cast %multiple_of3A_3081 : i32 to index
      %swap3A_3100 = tpu.vector_load %arg6[%swap3A_3097, %swap3A_3098, %swap3A_3099] {strides = array<i32>} : memref<4x20x1000xi32, #tpu.memory_space<vmem>>, vector<1x1x16xi32>,
      %swap3A_3101 = vector.shape_cast %swap3A_3100 : vector<1x1x16xi32> to vector<16xi32>
      %swap3A_3102 = vector.shape_cast %mul3A_3094 : vector<16xi32> to vector<1x1x16xi32>
      tpu.vector_store %arg6[%swap3A_3097, %swap3A_3098, %swap3A_3099], %swap3A_3102 {strides = array<i32>} : memref<4x20x1000xi32, #tpu.memory_space<vmem>>, vector<1x1x16xi32>,
      %slice3A_3103 = vector.extract_strided_slice %get3A_2972 {offsets = [5], sizes = [1], strides = [1]} : vector<16xi32> to vector<1xi32>
      %squeeze3A_3104 = vector.extract %slice3A_3103[0] : i32 from vector<1xi32>
      %and3A_3105 = arith.constant -16 : i32
      %and3A_3106 = arith.andi %squeeze3A_3104, %and3A_3105 : i32
      %multiple_of3A_3107 = tpu.assume_multiple %and3A_3106, 16 : i32
      %sub3A_3108 = arith.subi %squeeze3A_3104, %multiple_of3A_3107 : i32
      %sub3A_3109 = vector.broadcast %sub3A_3108 : i32 to vector<16xi32>
      %sub3A_3110 = arith.subi %iota3A_2119, %sub3A_3109 : vector<16xi32>
      %abs3A_3111 = math.absi %sub3A_3110 : vector<16xi32>
      %min3A_3112 = arith.constant 31 : i32
      %min3A_3113 = vector.broadcast %min3A_3112 : i32 to vector<16xi32>
      %min3A_3114 = arith.minsi %abs3A_3111, %min3A_3113 : vector<16xi32>
      %shift_right_arithmetic3A_3115 = arith.constant 1 : i32
      %shift_right_arithmetic3A_3116 = vector.broadcast %shift_right_arithmetic3A_3115 : i32 to vector<16xi32>
      %shift_right_arithmetic3A_3117 = arith.shrsi %shift_right_arithmetic3A_3116, %min3A_3114 : vector<16xi32>
      %mul3A_3118 = arith.constant 0 : i32
      %mul3A_3119 = vector.broadcast %mul3A_3118 : i32 to vector<16xi32>
      %mul3A_3120 = arith.muli %shift_right_arithmetic3A_3117, %mul3A_3119 : vector<16xi32>
      %swap3A_3121 = arith.constant 1 : i32
      %swap3A_3122 = arith.constant 17 : i32
      %swap3A_3123 = arith.index_cast %swap3A_3121 : i32 to index
      %swap3A_3124 = arith.index_cast %swap3A_3122 : i32 to index
      %swap3A_3125 = arith.index_cast %multiple_of3A_3107 : i32 to index
      %swap3A_3126 = tpu.vector_load %arg6[%swap3A_3123, %swap3A_3124, %swap3A_3125] {strides = array<i32>} : memref<4x20x1000xi32, #tpu.memory_space<vmem>>, vector<1x1x16xi32>,
      %swap3A_3127 = vector.shape_cast %swap3A_3126 : vector<1x1x16xi32> to vector<16xi32>
      %swap3A_3128 = vector.shape_cast %mul3A_3120 : vector<16xi32> to vector<1x1x16xi32>
      tpu.vector_store %arg6[%swap3A_3123, %swap3A_3124, %swap3A_3125], %swap3A_3128 {strides = array<i32>} : memref<4x20x1000xi32, #tpu.memory_space<vmem>>, vector<1x1x16xi32>,
      %slice3A_3129 = vector.extract_strided_slice %get3A_2972 {offsets = [6], sizes = [1], strides = [1]} : vector<16xi32> to vector<1xi32>
      %squeeze3A_3130 = vector.extract %slice3A_3129[0] : i32 from vector<1xi32>
      %and3A_3131 = arith.constant -16 : i32
      %and3A_3132 = arith.andi %squeeze3A_3130, %and3A_3131 : i32
      %multiple_of3A_3133 = tpu.assume_multiple %and3A_3132, 16 : i32
      %sub3A_3134 = arith.subi %squeeze3A_3130, %multiple_of3A_3133 : i32
      %sub3A_3135 = vector.broadcast %sub3A_3134 : i32 to vector<16xi32>
      %sub3A_3136 = arith.subi %iota3A_2119, %sub3A_3135 : vector<16xi32>
      %abs3A_3137 = math.absi %sub3A_3136 : vector<16xi32>
      %min3A_3138 = arith.constant 31 : i32
      %min3A_3139 = vector.broadcast %min3A_3138 : i32 to vector<16xi32>
      %min3A_3140 = arith.minsi %abs3A_3137, %min3A_3139 : vector<16xi32>
      %shift_right_arithmetic3A_3141 = arith.constant 1 : i32
      %shift_right_arithmetic3A_3142 = vector.broadcast %shift_right_arithmetic3A_3141 : i32 to vector<16xi32>
      %shift_right_arithmetic3A_3143 = arith.shrsi %shift_right_arithmetic3A_3142, %min3A_3140 : vector<16xi32>
      %mul3A_3144 = arith.constant 0 : i32
      %mul3A_3145 = vector.broadcast %mul3A_3144 : i32 to vector<16xi32>
      %mul3A_3146 = arith.muli %shift_right_arithmetic3A_3143, %mul3A_3145 : vector<16xi32>
      %swap3A_3147 = arith.constant 1 : i32
      %swap3A_3148 = arith.constant 18 : i32
      %swap3A_3149 = arith.index_cast %swap3A_3147 : i32 to index
      %swap3A_3150 = arith.index_cast %swap3A_3148 : i32 to index
      %swap3A_3151 = arith.index_cast %multiple_of3A_3133 : i32 to index
      %swap3A_3152 = tpu.vector_load %arg6[%swap3A_3149, %swap3A_3150, %swap3A_3151] {strides = array<i32>} : memref<4x20x1000xi32, #tpu.memory_space<vmem>>, vector<1x1x16xi32>,
      %swap3A_3153 = vector.shape_cast %swap3A_3152 : vector<1x1x16xi32> to vector<16xi32>
      %swap3A_3154 = vector.shape_cast %mul3A_3146 : vector<16xi32> to vector<1x1x16xi32>
      tpu.vector_store %arg6[%swap3A_3149, %swap3A_3150, %swap3A_3151], %swap3A_3154 {strides = array<i32>} : memref<4x20x1000xi32, #tpu.memory_space<vmem>>, vector<1x1x16xi32>,
      %slice3A_3155 = vector.extract_strided_slice %get3A_2972 {offsets = [7], sizes = [1], strides = [1]} : vector<16xi32> to vector<1xi32>
      %squeeze3A_3156 = vector.extract %slice3A_3155[0] : i32 from vector<1xi32>
      %and3A_3157 = arith.constant -16 : i32
      %and3A_3158 = arith.andi %squeeze3A_3156, %and3A_3157 : i32
      %multiple_of3A_3159 = tpu.assume_multiple %and3A_3158, 16 : i32
      %sub3A_3160 = arith.subi %squeeze3A_3156, %multiple_of3A_3159 : i32
      %sub3A_3161 = vector.broadcast %sub3A_3160 : i32 to vector<16xi32>
      %sub3A_3162 = arith.subi %iota3A_2119, %sub3A_3161 : vector<16xi32>
      %abs3A_3163 = math.absi %sub3A_3162 : vector<16xi32>
      %min3A_3164 = arith.constant 31 : i32
      %min3A_3165 = vector.broadcast %min3A_3164 : i32 to vector<16xi32>
      %min3A_3166 = arith.minsi %abs3A_3163, %min3A_3165 : vector<16xi32>
      %shift_right_arithmetic3A_3167 = arith.constant 1 : i32
      %shift_right_arithmetic3A_3168 = vector.broadcast %shift_right_arithmetic3A_3167 : i32 to vector<16xi32>
      %shift_right_arithmetic3A_3169 = arith.shrsi %shift_right_arithmetic3A_3168, %min3A_3166 : vector<16xi32>
      %mul3A_3170 = arith.constant 0 : i32
      %mul3A_3171 = vector.broadcast %mul3A_3170 : i32 to vector<16xi32>
      %mul3A_3172 = arith.muli %shift_right_arithmetic3A_3169, %mul3A_3171 : vector<16xi32>
      %swap3A_3173 = arith.constant 1 : i32
      %swap3A_3174 = arith.constant 19 : i32
      %swap3A_3175 = arith.index_cast %swap3A_3173 : i32 to index
      %swap3A_3176 = arith.index_cast %swap3A_3174 : i32 to index
      %swap3A_3177 = arith.index_cast %multiple_of3A_3159 : i32 to index
      %swap3A_3178 = tpu.vector_load %arg6[%swap3A_3175, %swap3A_3176, %swap3A_3177] {strides = array<i32>} : memref<4x20x1000xi32, #tpu.memory_space<vmem>>, vector<1x1x16xi32>,
      %swap3A_3179 = vector.shape_cast %swap3A_3178 : vector<1x1x16xi32> to vector<16xi32>
      %swap3A_3180 = vector.shape_cast %mul3A_3172 : vector<16xi32> to vector<1x1x16xi32>
      tpu.vector_store %arg6[%swap3A_3175, %swap3A_3176, %swap3A_3177], %swap3A_3180 {strides = array<i32>} : memref<4x20x1000xi32, #tpu.memory_space<vmem>>, vector<1x1x16xi32>,
      %slice3A_3181 = vector.extract_strided_slice %get3A_2972 {offsets = [8], sizes = [1], strides = [1]} : vector<16xi32> to vector<1xi32>
      %squeeze3A_3182 = vector.extract %slice3A_3181[0] : i32 from vector<1xi32>
      %and3A_3183 = arith.constant -16 : i32
      %and3A_3184 = arith.andi %squeeze3A_3182, %and3A_3183 : i32
      %multiple_of3A_3185 = tpu.assume_multiple %and3A_3184, 16 : i32
      %sub3A_3186 = arith.subi %squeeze3A_3182, %multiple_of3A_3185 : i32
      %sub3A_3187 = vector.broadcast %sub3A_3186 : i32 to vector<16xi32>
      %sub3A_3188 = arith.subi %iota3A_2119, %sub3A_3187 : vector<16xi32>
      %abs3A_3189 = math.absi %sub3A_3188 : vector<16xi32>
      %min3A_3190 = arith.constant 31 : i32
      %min3A_3191 = vector.broadcast %min3A_3190 : i32 to vector<16xi32>
      %min3A_3192 = arith.minsi %abs3A_3189, %min3A_3191 : vector<16xi32>
      %shift_right_arithmetic3A_3193 = arith.constant 1 : i32
      %shift_right_arithmetic3A_3194 = vector.broadcast %shift_right_arithmetic3A_3193 : i32 to vector<16xi32>
      %shift_right_arithmetic3A_3195 = arith.shrsi %shift_right_arithmetic3A_3194, %min3A_3192 : vector<16xi32>
      %mul3A_3196 = arith.constant 0 : i32
      %mul3A_3197 = vector.broadcast %mul3A_3196 : i32 to vector<16xi32>
      %mul3A_3198 = arith.muli %shift_right_arithmetic3A_3195, %mul3A_3197 : vector<16xi32>
      %swap3A_3199 = arith.constant 2 : i32
      %swap3A_3200 = arith.constant 0 : i32
      %swap3A_3201 = arith.index_cast %swap3A_3199 : i32 to index
      %swap3A_3202 = arith.index_cast %swap3A_3200 : i32 to index
      %swap3A_3203 = arith.index_cast %multiple_of3A_3185 : i32 to index
      %swap3A_3204 = tpu.vector_load %arg6[%swap3A_3201, %swap3A_3202, %swap3A_3203] {strides = array<i32>} : memref<4x20x1000xi32, #tpu.memory_space<vmem>>, vector<1x1x16xi32>,
      %swap3A_3205 = vector.shape_cast %swap3A_3204 : vector<1x1x16xi32> to vector<16xi32>
      %swap3A_3206 = vector.shape_cast %mul3A_3198 : vector<16xi32> to vector<1x1x16xi32>
      tpu.vector_store %arg6[%swap3A_3201, %swap3A_3202, %swap3A_3203], %swap3A_3206 {strides = array<i32>} : memref<4x20x1000xi32, #tpu.memory_space<vmem>>, vector<1x1x16xi32>,
      %slice3A_3207 = vector.extract_strided_slice %get3A_2972 {offsets = [9], sizes = [1], strides = [1]} : vector<16xi32> to vector<1xi32>
      %squeeze3A_3208 = vector.extract %slice3A_3207[0] : i32 from vector<1xi32>
      %and3A_3209 = arith.constant -16 : i32
      %and3A_3210 = arith.andi %squeeze3A_3208, %and3A_3209 : i32
      %multiple_of3A_3211 = tpu.assume_multiple %and3A_3210, 16 : i32
      %sub3A_3212 = arith.subi %squeeze3A_3208, %multiple_of3A_3211 : i32
      %sub3A_3213 = vector.broadcast %sub3A_3212 : i32 to vector<16xi32>
      %sub3A_3214 = arith.subi %iota3A_2119, %sub3A_3213 : vector<16xi32>
      %abs3A_3215 = math.absi %sub3A_3214 : vector<16xi32>
      %min3A_3216 = arith.constant 31 : i32
      %min3A_3217 = vector.broadcast %min3A_3216 : i32 to vector<16xi32>
      %min3A_3218 = arith.minsi %abs3A_3215, %min3A_3217 : vector<16xi32>
      %shift_right_arithmetic3A_3219 = arith.constant 1 : i32
      %shift_right_arithmetic3A_3220 = vector.broadcast %shift_right_arithmetic3A_3219 : i32 to vector<16xi32>
      %shift_right_arithmetic3A_3221 = arith.shrsi %shift_right_arithmetic3A_3220, %min3A_3218 : vector<16xi32>
      %mul3A_3222 = arith.constant 0 : i32
      %mul3A_3223 = vector.broadcast %mul3A_3222 : i32 to vector<16xi32>
      %mul3A_3224 = arith.muli %shift_right_arithmetic3A_3221, %mul3A_3223 : vector<16xi32>
      %swap3A_3225 = arith.constant 2 : i32
      %swap3A_3226 = arith.constant 1 : i32
      %swap3A_3227 = arith.index_cast %swap3A_3225 : i32 to index
      %swap3A_3228 = arith.index_cast %swap3A_3226 : i32 to index
      %swap3A_3229 = arith.index_cast %multiple_of3A_3211 : i32 to index
      %swap3A_3230 = tpu.vector_load %arg6[%swap3A_3227, %swap3A_3228, %swap3A_3229] {strides = array<i32>} : memref<4x20x1000xi32, #tpu.memory_space<vmem>>, vector<1x1x16xi32>,
      %swap3A_3231 = vector.shape_cast %swap3A_3230 : vector<1x1x16xi32> to vector<16xi32>
      %swap3A_3232 = vector.shape_cast %mul3A_3224 : vector<16xi32> to vector<1x1x16xi32>
      tpu.vector_store %arg6[%swap3A_3227, %swap3A_3228, %swap3A_3229], %swap3A_3232 {strides = array<i32>} : memref<4x20x1000xi32, #tpu.memory_space<vmem>>, vector<1x1x16xi32>,
      %slice3A_3233 = vector.extract_strided_slice %get3A_2972 {offsets = [10], sizes = [1], strides = [1]} : vector<16xi32> to vector<1xi32>
      %squeeze3A_3234 = vector.extract %slice3A_3233[0] : i32 from vector<1xi32>
      %and3A_3235 = arith.constant -16 : i32
      %and3A_3236 = arith.andi %squeeze3A_3234, %and3A_3235 : i32
      %multiple_of3A_3237 = tpu.assume_multiple %and3A_3236, 16 : i32
      %sub3A_3238 = arith.subi %squeeze3A_3234, %multiple_of3A_3237 : i32
      %sub3A_3239 = vector.broadcast %sub3A_3238 : i32 to vector<16xi32>
      %sub3A_3240 = arith.subi %iota3A_2119, %sub3A_3239 : vector<16xi32>
      %abs3A_3241 = math.absi %sub3A_3240 : vector<16xi32>
      %min3A_3242 = arith.constant 31 : i32
      %min3A_3243 = vector.broadcast %min3A_3242 : i32 to vector<16xi32>
      %min3A_3244 = arith.minsi %abs3A_3241, %min3A_3243 : vector<16xi32>
      %shift_right_arithmetic3A_3245 = arith.constant 1 : i32
      %shift_right_arithmetic3A_3246 = vector.broadcast %shift_right_arithmetic3A_3245 : i32 to vector<16xi32>
      %shift_right_arithmetic3A_3247 = arith.shrsi %shift_right_arithmetic3A_3246, %min3A_3244 : vector<16xi32>
      %mul3A_3248 = arith.constant 0 : i32
      %mul3A_3249 = vector.broadcast %mul3A_3248 : i32 to vector<16xi32>
      %mul3A_3250 = arith.muli %shift_right_arithmetic3A_3247, %mul3A_3249 : vector<16xi32>
      %swap3A_3251 = arith.constant 2 : i32
      %swap3A_3252 = arith.constant 2 : i32
      %swap3A_3253 = arith.index_cast %swap3A_3251 : i32 to index
      %swap3A_3254 = arith.index_cast %swap3A_3252 : i32 to index
      %swap3A_3255 = arith.index_cast %multiple_of3A_3237 : i32 to index
      %swap3A_3256 = tpu.vector_load %arg6[%swap3A_3253, %swap3A_3254, %swap3A_3255] {strides = array<i32>} : memref<4x20x1000xi32, #tpu.memory_space<vmem>>, vector<1x1x16xi32>,
      %swap3A_3257 = vector.shape_cast %swap3A_3256 : vector<1x1x16xi32> to vector<16xi32>
      %swap3A_3258 = vector.shape_cast %mul3A_3250 : vector<16xi32> to vector<1x1x16xi32>
      tpu.vector_store %arg6[%swap3A_3253, %swap3A_3254, %swap3A_3255], %swap3A_3258 {strides = array<i32>} : memref<4x20x1000xi32, #tpu.memory_space<vmem>>, vector<1x1x16xi32>,
      %slice3A_3259 = vector.extract_strided_slice %get3A_2972 {offsets = [11], sizes = [1], strides = [1]} : vector<16xi32> to vector<1xi32>
      %squeeze3A_3260 = vector.extract %slice3A_3259[0] : i32 from vector<1xi32>
      %and3A_3261 = arith.constant -16 : i32
      %and3A_3262 = arith.andi %squeeze3A_3260, %and3A_3261 : i32
      %multiple_of3A_3263 = tpu.assume_multiple %and3A_3262, 16 : i32
      %sub3A_3264 = arith.subi %squeeze3A_3260, %multiple_of3A_3263 : i32
      %sub3A_3265 = vector.broadcast %sub3A_3264 : i32 to vector<16xi32>
      %sub3A_3266 = arith.subi %iota3A_2119, %sub3A_3265 : vector<16xi32>
      %abs3A_3267 = math.absi %sub3A_3266 : vector<16xi32>
      %min3A_3268 = arith.constant 31 : i32
      %min3A_3269 = vector.broadcast %min3A_3268 : i32 to vector<16xi32>
      %min3A_3270 = arith.minsi %abs3A_3267, %min3A_3269 : vector<16xi32>
      %shift_right_arithmetic3A_3271 = arith.constant 1 : i32
      %shift_right_arithmetic3A_3272 = vector.broadcast %shift_right_arithmetic3A_3271 : i32 to vector<16xi32>
      %shift_right_arithmetic3A_3273 = arith.shrsi %shift_right_arithmetic3A_3272, %min3A_3270 : vector<16xi32>
      %mul3A_3274 = arith.constant 0 : i32
      %mul3A_3275 = vector.broadcast %mul3A_3274 : i32 to vector<16xi32>
      %mul3A_3276 = arith.muli %shift_right_arithmetic3A_3273, %mul3A_3275 : vector<16xi32>
      %swap3A_3277 = arith.constant 2 : i32
      %swap3A_3278 = arith.constant 3 : i32
      %swap3A_3279 = arith.index_cast %swap3A_3277 : i32 to index
      %swap3A_3280 = arith.index_cast %swap3A_3278 : i32 to index
      %swap3A_3281 = arith.index_cast %multiple_of3A_3263 : i32 to index
      %swap3A_3282 = tpu.vector_load %arg6[%swap3A_3279, %swap3A_3280, %swap3A_3281] {strides = array<i32>} : memref<4x20x1000xi32, #tpu.memory_space<vmem>>, vector<1x1x16xi32>,
      %swap3A_3283 = vector.shape_cast %swap3A_3282 : vector<1x1x16xi32> to vector<16xi32>
      %swap3A_3284 = vector.shape_cast %mul3A_3276 : vector<16xi32> to vector<1x1x16xi32>
      tpu.vector_store %arg6[%swap3A_3279, %swap3A_3280, %swap3A_3281], %swap3A_3284 {strides = array<i32>} : memref<4x20x1000xi32, #tpu.memory_space<vmem>>, vector<1x1x16xi32>,
      %slice3A_3285 = vector.extract_strided_slice %get3A_2972 {offsets = [12], sizes = [1], strides = [1]} : vector<16xi32> to vector<1xi32>
      %squeeze3A_3286 = vector.extract %slice3A_3285[0] : i32 from vector<1xi32>
      %and3A_3287 = arith.constant -16 : i32
      %and3A_3288 = arith.andi %squeeze3A_3286, %and3A_3287 : i32
      %multiple_of3A_3289 = tpu.assume_multiple %and3A_3288, 16 : i32
      %sub3A_3290 = arith.subi %squeeze3A_3286, %multiple_of3A_3289 : i32
      %sub3A_3291 = vector.broadcast %sub3A_3290 : i32 to vector<16xi32>
      %sub3A_3292 = arith.subi %iota3A_2119, %sub3A_3291 : vector<16xi32>
      %abs3A_3293 = math.absi %sub3A_3292 : vector<16xi32>
      %min3A_3294 = arith.constant 31 : i32
      %min3A_3295 = vector.broadcast %min3A_3294 : i32 to vector<16xi32>
      %min3A_3296 = arith.minsi %abs3A_3293, %min3A_3295 : vector<16xi32>
      %shift_right_arithmetic3A_3297 = arith.constant 1 : i32
      %shift_right_arithmetic3A_3298 = vector.broadcast %shift_right_arithmetic3A_3297 : i32 to vector<16xi32>
      %shift_right_arithmetic3A_3299 = arith.shrsi %shift_right_arithmetic3A_3298, %min3A_3296 : vector<16xi32>
      %mul3A_3300 = arith.constant 0 : i32
      %mul3A_3301 = vector.broadcast %mul3A_3300 : i32 to vector<16xi32>
      %mul3A_3302 = arith.muli %shift_right_arithmetic3A_3299, %mul3A_3301 : vector<16xi32>
      %swap3A_3303 = arith.constant 2 : i32
      %swap3A_3304 = arith.constant 4 : i32
      %swap3A_3305 = arith.index_cast %swap3A_3303 : i32 to index
      %swap3A_3306 = arith.index_cast %swap3A_3304 : i32 to index
      %swap3A_3307 = arith.index_cast %multiple_of3A_3289 : i32 to index
      %swap3A_3308 = tpu.vector_load %arg6[%swap3A_3305, %swap3A_3306, %swap3A_3307] {strides = array<i32>} : memref<4x20x1000xi32, #tpu.memory_space<vmem>>, vector<1x1x16xi32>,
      %swap3A_3309 = vector.shape_cast %swap3A_3308 : vector<1x1x16xi32> to vector<16xi32>
      %swap3A_3310 = vector.shape_cast %mul3A_3302 : vector<16xi32> to vector<1x1x16xi32>
      tpu.vector_store %arg6[%swap3A_3305, %swap3A_3306, %swap3A_3307], %swap3A_3310 {strides = array<i32>} : memref<4x20x1000xi32, #tpu.memory_space<vmem>>, vector<1x1x16xi32>,
      %slice3A_3311 = vector.extract_strided_slice %get3A_2972 {offsets = [13], sizes = [1], strides = [1]} : vector<16xi32> to vector<1xi32>
      %squeeze3A_3312 = vector.extract %slice3A_3311[0] : i32 from vector<1xi32>
      %and3A_3313 = arith.constant -16 : i32
      %and3A_3314 = arith.andi %squeeze3A_3312, %and3A_3313 : i32
      %multiple_of3A_3315 = tpu.assume_multiple %and3A_3314, 16 : i32
      %sub3A_3316 = arith.subi %squeeze3A_3312, %multiple_of3A_3315 : i32
      %sub3A_3317 = vector.broadcast %sub3A_3316 : i32 to vector<16xi32>
      %sub3A_3318 = arith.subi %iota3A_2119, %sub3A_3317 : vector<16xi32>
      %abs3A_3319 = math.absi %sub3A_3318 : vector<16xi32>
      %min3A_3320 = arith.constant 31 : i32
      %min3A_3321 = vector.broadcast %min3A_3320 : i32 to vector<16xi32>
      %min3A_3322 = arith.minsi %abs3A_3319, %min3A_3321 : vector<16xi32>
      %shift_right_arithmetic3A_3323 = arith.constant 1 : i32
      %shift_right_arithmetic3A_3324 = vector.broadcast %shift_right_arithmetic3A_3323 : i32 to vector<16xi32>
      %shift_right_arithmetic3A_3325 = arith.shrsi %shift_right_arithmetic3A_3324, %min3A_3322 : vector<16xi32>
      %mul3A_3326 = arith.constant 0 : i32
      %mul3A_3327 = vector.broadcast %mul3A_3326 : i32 to vector<16xi32>
      %mul3A_3328 = arith.muli %shift_right_arithmetic3A_3325, %mul3A_3327 : vector<16xi32>
      %swap3A_3329 = arith.constant 2 : i32
      %swap3A_3330 = arith.constant 5 : i32
      %swap3A_3331 = arith.index_cast %swap3A_3329 : i32 to index
      %swap3A_3332 = arith.index_cast %swap3A_3330 : i32 to index
      %swap3A_3333 = arith.index_cast %multiple_of3A_3315 : i32 to index
      %swap3A_3334 = tpu.vector_load %arg6[%swap3A_3331, %swap3A_3332, %swap3A_3333] {strides = array<i32>} : memref<4x20x1000xi32, #tpu.memory_space<vmem>>, vector<1x1x16xi32>,
      %swap3A_3335 = vector.shape_cast %swap3A_3334 : vector<1x1x16xi32> to vector<16xi32>
      %swap3A_3336 = vector.shape_cast %mul3A_3328 : vector<16xi32> to vector<1x1x16xi32>
      tpu.vector_store %arg6[%swap3A_3331, %swap3A_3332, %swap3A_3333], %swap3A_3336 {strides = array<i32>} : memref<4x20x1000xi32, #tpu.memory_space<vmem>>, vector<1x1x16xi32>,
      %slice3A_3337 = vector.extract_strided_slice %get3A_2972 {offsets = [14], sizes = [1], strides = [1]} : vector<16xi32> to vector<1xi32>
      %squeeze3A_3338 = vector.extract %slice3A_3337[0] : i32 from vector<1xi32>
      %and3A_3339 = arith.constant -16 : i32
      %and3A_3340 = arith.andi %squeeze3A_3338, %and3A_3339 : i32
      %multiple_of3A_3341 = tpu.assume_multiple %and3A_3340, 16 : i32
      %sub3A_3342 = arith.subi %squeeze3A_3338, %multiple_of3A_3341 : i32
      %sub3A_3343 = vector.broadcast %sub3A_3342 : i32 to vector<16xi32>
      %sub3A_3344 = arith.subi %iota3A_2119, %sub3A_3343 : vector<16xi32>
      %abs3A_3345 = math.absi %sub3A_3344 : vector<16xi32>
      %min3A_3346 = arith.constant 31 : i32
      %min3A_3347 = vector.broadcast %min3A_3346 : i32 to vector<16xi32>
      %min3A_3348 = arith.minsi %abs3A_3345, %min3A_3347 : vector<16xi32>
      %shift_right_arithmetic3A_3349 = arith.constant 1 : i32
      %shift_right_arithmetic3A_3350 = vector.broadcast %shift_right_arithmetic3A_3349 : i32 to vector<16xi32>
      %shift_right_arithmetic3A_3351 = arith.shrsi %shift_right_arithmetic3A_3350, %min3A_3348 : vector<16xi32>
      %mul3A_3352 = arith.constant 0 : i32
      %mul3A_3353 = vector.broadcast %mul3A_3352 : i32 to vector<16xi32>
      %mul3A_3354 = arith.muli %shift_right_arithmetic3A_3351, %mul3A_3353 : vector<16xi32>
      %swap3A_3355 = arith.constant 2 : i32
      %swap3A_3356 = arith.constant 6 : i32
      %swap3A_3357 = arith.index_cast %swap3A_3355 : i32 to index
      %swap3A_3358 = arith.index_cast %swap3A_3356 : i32 to index
      %swap3A_3359 = arith.index_cast %multiple_of3A_3341 : i32 to index
      %swap3A_3360 = tpu.vector_load %arg6[%swap3A_3357, %swap3A_3358, %swap3A_3359] {strides = array<i32>} : memref<4x20x1000xi32, #tpu.memory_space<vmem>>, vector<1x1x16xi32>,
      %swap3A_3361 = vector.shape_cast %swap3A_3360 : vector<1x1x16xi32> to vector<16xi32>
      %swap3A_3362 = vector.shape_cast %mul3A_3354 : vector<16xi32> to vector<1x1x16xi32>
      tpu.vector_store %arg6[%swap3A_3357, %swap3A_3358, %swap3A_3359], %swap3A_3362 {strides = array<i32>} : memref<4x20x1000xi32, #tpu.memory_space<vmem>>, vector<1x1x16xi32>,
      %slice3A_3363 = vector.extract_strided_slice %get3A_2972 {offsets = [15], sizes = [1], strides = [1]} : vector<16xi32> to vector<1xi32>
      %squeeze3A_3364 = vector.extract %slice3A_3363[0] : i32 from vector<1xi32>
      %and3A_3365 = arith.constant -16 : i32
      %and3A_3366 = arith.andi %squeeze3A_3364, %and3A_3365 : i32
      %multiple_of3A_3367 = tpu.assume_multiple %and3A_3366, 16 : i32
      %sub3A_3368 = arith.subi %squeeze3A_3364, %multiple_of3A_3367 : i32
      %sub3A_3369 = vector.broadcast %sub3A_3368 : i32 to vector<16xi32>
      %sub3A_3370 = arith.subi %iota3A_2119, %sub3A_3369 : vector<16xi32>
      %abs3A_3371 = math.absi %sub3A_3370 : vector<16xi32>
      %min3A_3372 = arith.constant 31 : i32
      %min3A_3373 = vector.broadcast %min3A_3372 : i32 to vector<16xi32>
      %min3A_3374 = arith.minsi %abs3A_3371, %min3A_3373 : vector<16xi32>
      %shift_right_arithmetic3A_3375 = arith.constant 1 : i32
      %shift_right_arithmetic3A_3376 = vector.broadcast %shift_right_arithmetic3A_3375 : i32 to vector<16xi32>
      %shift_right_arithmetic3A_3377 = arith.shrsi %shift_right_arithmetic3A_3376, %min3A_3374 : vector<16xi32>
      %mul3A_3378 = arith.constant 0 : i32
      %mul3A_3379 = vector.broadcast %mul3A_3378 : i32 to vector<16xi32>
      %mul3A_3380 = arith.muli %shift_right_arithmetic3A_3377, %mul3A_3379 : vector<16xi32>
      %swap3A_3381 = arith.constant 2 : i32
      %swap3A_3382 = arith.constant 7 : i32
      %swap3A_3383 = arith.index_cast %swap3A_3381 : i32 to index
      %swap3A_3384 = arith.index_cast %swap3A_3382 : i32 to index
      %swap3A_3385 = arith.index_cast %multiple_of3A_3367 : i32 to index
      %swap3A_3386 = tpu.vector_load %arg6[%swap3A_3383, %swap3A_3384, %swap3A_3385] {strides = array<i32>} : memref<4x20x1000xi32, #tpu.memory_space<vmem>>, vector<1x1x16xi32>,
      %swap3A_3387 = vector.shape_cast %swap3A_3386 : vector<1x1x16xi32> to vector<16xi32>
      %swap3A_3388 = vector.shape_cast %mul3A_3380 : vector<16xi32> to vector<1x1x16xi32>
      tpu.vector_store %arg6[%swap3A_3383, %swap3A_3384, %swap3A_3385], %swap3A_3388 {strides = array<i32>} : memref<4x20x1000xi32, #tpu.memory_space<vmem>>, vector<1x1x16xi32>,
      %mul3A_3389 = arith.constant 80 : i32
      %mul3A_3390 = arith.muli %scan3A_10, %mul3A_3389 : i32
      %add3A_3391 = arith.constant 48 : i32
      %add3A_3392 = arith.addi %mul3A_3390, %add3A_3391 : i32
      %get3A_3393 = arith.index_cast %add3A_3392 : i32 to index
      %get3A_3394 = tpu.vector_load %arg5[%get3A_3393] {strides = array<i32>} : memref<2560xi32, #tpu.memory_space<vmem>>, vector<16xi32>,
      %get3A_3395 = vector.shape_cast %get3A_3394 : vector<16xi32> to vector<16xi32>
      %slice3A_3396 = vector.extract_strided_slice %get3A_3395 {offsets = [0], sizes = [1], strides = [1]} : vector<16xi32> to vector<1xi32>
      %squeeze3A_3397 = vector.extract %slice3A_3396[0] : i32 from vector<1xi32>
      %and3A_3398 = arith.constant -16 : i32
      %and3A_3399 = arith.andi %squeeze3A_3397, %and3A_3398 : i32
      %multiple_of3A_3400 = tpu.assume_multiple %and3A_3399, 16 : i32
      %sub3A_3401 = arith.subi %squeeze3A_3397, %multiple_of3A_3400 : i32
      %sub3A_3402 = vector.broadcast %sub3A_3401 : i32 to vector<16xi32>
      %sub3A_3403 = arith.subi %iota3A_2119, %sub3A_3402 : vector<16xi32>
      %abs3A_3404 = math.absi %sub3A_3403 : vector<16xi32>
      %min3A_3405 = arith.constant 31 : i32
      %min3A_3406 = vector.broadcast %min3A_3405 : i32 to vector<16xi32>
      %min3A_3407 = arith.minsi %abs3A_3404, %min3A_3406 : vector<16xi32>
      %shift_right_arithmetic3A_3408 = arith.constant 1 : i32
      %shift_right_arithmetic3A_3409 = vector.broadcast %shift_right_arithmetic3A_3408 : i32 to vector<16xi32>
      %shift_right_arithmetic3A_3410 = arith.shrsi %shift_right_arithmetic3A_3409, %min3A_3407 : vector<16xi32>
      %mul3A_3411 = arith.constant 0 : i32
      %mul3A_3412 = vector.broadcast %mul3A_3411 : i32 to vector<16xi32>
      %mul3A_3413 = arith.muli %shift_right_arithmetic3A_3410, %mul3A_3412 : vector<16xi32>
      %swap3A_3414 = arith.constant 2 : i32
      %swap3A_3415 = arith.constant 8 : i32
      %swap3A_3416 = arith.index_cast %swap3A_3414 : i32 to index
      %swap3A_3417 = arith.index_cast %swap3A_3415 : i32 to index
      %swap3A_3418 = arith.index_cast %multiple_of3A_3400 : i32 to index
      %swap3A_3419 = tpu.vector_load %arg6[%swap3A_3416, %swap3A_3417, %swap3A_3418] {strides = array<i32>} : memref<4x20x1000xi32, #tpu.memory_space<vmem>>, vector<1x1x16xi32>,
      %swap3A_3420 = vector.shape_cast %swap3A_3419 : vector<1x1x16xi32> to vector<16xi32>
      %swap3A_3421 = vector.shape_cast %mul3A_3413 : vector<16xi32> to vector<1x1x16xi32>
      tpu.vector_store %arg6[%swap3A_3416, %swap3A_3417, %swap3A_3418], %swap3A_3421 {strides = array<i32>} : memref<4x20x1000xi32, #tpu.memory_space<vmem>>, vector<1x1x16xi32>,
      %slice3A_3422 = vector.extract_strided_slice %get3A_3395 {offsets = [1], sizes = [1], strides = [1]} : vector<16xi32> to vector<1xi32>
      %squeeze3A_3423 = vector.extract %slice3A_3422[0] : i32 from vector<1xi32>
      %and3A_3424 = arith.constant -16 : i32
      %and3A_3425 = arith.andi %squeeze3A_3423, %and3A_3424 : i32
      %multiple_of3A_3426 = tpu.assume_multiple %and3A_3425, 16 : i32
      %sub3A_3427 = arith.subi %squeeze3A_3423, %multiple_of3A_3426 : i32
      %sub3A_3428 = vector.broadcast %sub3A_3427 : i32 to vector<16xi32>
      %sub3A_3429 = arith.subi %iota3A_2119, %sub3A_3428 : vector<16xi32>
      %abs3A_3430 = math.absi %sub3A_3429 : vector<16xi32>
      %min3A_3431 = arith.constant 31 : i32
      %min3A_3432 = vector.broadcast %min3A_3431 : i32 to vector<16xi32>
      %min3A_3433 = arith.minsi %abs3A_3430, %min3A_3432 : vector<16xi32>
      %shift_right_arithmetic3A_3434 = arith.constant 1 : i32
      %shift_right_arithmetic3A_3435 = vector.broadcast %shift_right_arithmetic3A_3434 : i32 to vector<16xi32>
      %shift_right_arithmetic3A_3436 = arith.shrsi %shift_right_arithmetic3A_3435, %min3A_3433 : vector<16xi32>
      %mul3A_3437 = arith.constant 0 : i32
      %mul3A_3438 = vector.broadcast %mul3A_3437 : i32 to vector<16xi32>
      %mul3A_3439 = arith.muli %shift_right_arithmetic3A_3436, %mul3A_3438 : vector<16xi32>
      %swap3A_3440 = arith.constant 2 : i32
      %swap3A_3441 = arith.constant 9 : i32
      %swap3A_3442 = arith.index_cast %swap3A_3440 : i32 to index
      %swap3A_3443 = arith.index_cast %swap3A_3441 : i32 to index
      %swap3A_3444 = arith.index_cast %multiple_of3A_3426 : i32 to index
      %swap3A_3445 = tpu.vector_load %arg6[%swap3A_3442, %swap3A_3443, %swap3A_3444] {strides = array<i32>} : memref<4x20x1000xi32, #tpu.memory_space<vmem>>, vector<1x1x16xi32>,
      %swap3A_3446 = vector.shape_cast %swap3A_3445 : vector<1x1x16xi32> to vector<16xi32>
      %swap3A_3447 = vector.shape_cast %mul3A_3439 : vector<16xi32> to vector<1x1x16xi32>
      tpu.vector_store %arg6[%swap3A_3442, %swap3A_3443, %swap3A_3444], %swap3A_3447 {strides = array<i32>} : memref<4x20x1000xi32, #tpu.memory_space<vmem>>, vector<1x1x16xi32>,
      %slice3A_3448 = vector.extract_strided_slice %get3A_3395 {offsets = [2], sizes = [1], strides = [1]} : vector<16xi32> to vector<1xi32>
      %squeeze3A_3449 = vector.extract %slice3A_3448[0] : i32 from vector<1xi32>
      %and3A_3450 = arith.constant -16 : i32
      %and3A_3451 = arith.andi %squeeze3A_3449, %and3A_3450 : i32
      %multiple_of3A_3452 = tpu.assume_multiple %and3A_3451, 16 : i32
      %sub3A_3453 = arith.subi %squeeze3A_3449, %multiple_of3A_3452 : i32
      %sub3A_3454 = vector.broadcast %sub3A_3453 : i32 to vector<16xi32>
      %sub3A_3455 = arith.subi %iota3A_2119, %sub3A_3454 : vector<16xi32>
      %abs3A_3456 = math.absi %sub3A_3455 : vector<16xi32>
      %min3A_3457 = arith.constant 31 : i32
      %min3A_3458 = vector.broadcast %min3A_3457 : i32 to vector<16xi32>
      %min3A_3459 = arith.minsi %abs3A_3456, %min3A_3458 : vector<16xi32>
      %shift_right_arithmetic3A_3460 = arith.constant 1 : i32
      %shift_right_arithmetic3A_3461 = vector.broadcast %shift_right_arithmetic3A_3460 : i32 to vector<16xi32>
      %shift_right_arithmetic3A_3462 = arith.shrsi %shift_right_arithmetic3A_3461, %min3A_3459 : vector<16xi32>
      %mul3A_3463 = arith.constant 0 : i32
      %mul3A_3464 = vector.broadcast %mul3A_3463 : i32 to vector<16xi32>
      %mul3A_3465 = arith.muli %shift_right_arithmetic3A_3462, %mul3A_3464 : vector<16xi32>
      %swap3A_3466 = arith.constant 2 : i32
      %swap3A_3467 = arith.constant 10 : i32
      %swap3A_3468 = arith.index_cast %swap3A_3466 : i32 to index
      %swap3A_3469 = arith.index_cast %swap3A_3467 : i32 to index
      %swap3A_3470 = arith.index_cast %multiple_of3A_3452 : i32 to index
      %swap3A_3471 = tpu.vector_load %arg6[%swap3A_3468, %swap3A_3469, %swap3A_3470] {strides = array<i32>} : memref<4x20x1000xi32, #tpu.memory_space<vmem>>, vector<1x1x16xi32>,
      %swap3A_3472 = vector.shape_cast %swap3A_3471 : vector<1x1x16xi32> to vector<16xi32>
      %swap3A_3473 = vector.shape_cast %mul3A_3465 : vector<16xi32> to vector<1x1x16xi32>
      tpu.vector_store %arg6[%swap3A_3468, %swap3A_3469, %swap3A_3470], %swap3A_3473 {strides = array<i32>} : memref<4x20x1000xi32, #tpu.memory_space<vmem>>, vector<1x1x16xi32>,
      %slice3A_3474 = vector.extract_strided_slice %get3A_3395 {offsets = [3], sizes = [1], strides = [1]} : vector<16xi32> to vector<1xi32>
      %squeeze3A_3475 = vector.extract %slice3A_3474[0] : i32 from vector<1xi32>
      %and3A_3476 = arith.constant -16 : i32
      %and3A_3477 = arith.andi %squeeze3A_3475, %and3A_3476 : i32
      %multiple_of3A_3478 = tpu.assume_multiple %and3A_3477, 16 : i32
      %sub3A_3479 = arith.subi %squeeze3A_3475, %multiple_of3A_3478 : i32
      %sub3A_3480 = vector.broadcast %sub3A_3479 : i32 to vector<16xi32>
      %sub3A_3481 = arith.subi %iota3A_2119, %sub3A_3480 : vector<16xi32>
      %abs3A_3482 = math.absi %sub3A_3481 : vector<16xi32>
      %min3A_3483 = arith.constant 31 : i32
      %min3A_3484 = vector.broadcast %min3A_3483 : i32 to vector<16xi32>
      %min3A_3485 = arith.minsi %abs3A_3482, %min3A_3484 : vector<16xi32>
      %shift_right_arithmetic3A_3486 = arith.constant 1 : i32
      %shift_right_arithmetic3A_3487 = vector.broadcast %shift_right_arithmetic3A_3486 : i32 to vector<16xi32>
      %shift_right_arithmetic3A_3488 = arith.shrsi %shift_right_arithmetic3A_3487, %min3A_3485 : vector<16xi32>
      %mul3A_3489 = arith.constant 0 : i32
      %mul3A_3490 = vector.broadcast %mul3A_3489 : i32 to vector<16xi32>
      %mul3A_3491 = arith.muli %shift_right_arithmetic3A_3488, %mul3A_3490 : vector<16xi32>
      %swap3A_3492 = arith.constant 2 : i32
      %swap3A_3493 = arith.constant 11 : i32
      %swap3A_3494 = arith.index_cast %swap3A_3492 : i32 to index
      %swap3A_3495 = arith.index_cast %swap3A_3493 : i32 to index
      %swap3A_3496 = arith.index_cast %multiple_of3A_3478 : i32 to index
      %swap3A_3497 = tpu.vector_load %arg6[%swap3A_3494, %swap3A_3495, %swap3A_3496] {strides = array<i32>} : memref<4x20x1000xi32, #tpu.memory_space<vmem>>, vector<1x1x16xi32>,
      %swap3A_3498 = vector.shape_cast %swap3A_3497 : vector<1x1x16xi32> to vector<16xi32>
      %swap3A_3499 = vector.shape_cast %mul3A_3491 : vector<16xi32> to vector<1x1x16xi32>
      tpu.vector_store %arg6[%swap3A_3494, %swap3A_3495, %swap3A_3496], %swap3A_3499 {strides = array<i32>} : memref<4x20x1000xi32, #tpu.memory_space<vmem>>, vector<1x1x16xi32>,
      %slice3A_3500 = vector.extract_strided_slice %get3A_3395 {offsets = [4], sizes = [1], strides = [1]} : vector<16xi32> to vector<1xi32>
      %squeeze3A_3501 = vector.extract %slice3A_3500[0] : i32 from vector<1xi32>
      %and3A_3502 = arith.constant -16 : i32
      %and3A_3503 = arith.andi %squeeze3A_3501, %and3A_3502 : i32
      %multiple_of3A_3504 = tpu.assume_multiple %and3A_3503, 16 : i32
      %sub3A_3505 = arith.subi %squeeze3A_3501, %multiple_of3A_3504 : i32
      %sub3A_3506 = vector.broadcast %sub3A_3505 : i32 to vector<16xi32>
      %sub3A_3507 = arith.subi %iota3A_2119, %sub3A_3506 : vector<16xi32>
      %abs3A_3508 = math.absi %sub3A_3507 : vector<16xi32>
      %min3A_3509 = arith.constant 31 : i32
      %min3A_3510 = vector.broadcast %min3A_3509 : i32 to vector<16xi32>
      %min3A_3511 = arith.minsi %abs3A_3508, %min3A_3510 : vector<16xi32>
      %shift_right_arithmetic3A_3512 = arith.constant 1 : i32
      %shift_right_arithmetic3A_3513 = vector.broadcast %shift_right_arithmetic3A_3512 : i32 to vector<16xi32>
      %shift_right_arithmetic3A_3514 = arith.shrsi %shift_right_arithmetic3A_3513, %min3A_3511 : vector<16xi32>
      %mul3A_3515 = arith.constant 0 : i32
      %mul3A_3516 = vector.broadcast %mul3A_3515 : i32 to vector<16xi32>
      %mul3A_3517 = arith.muli %shift_right_arithmetic3A_3514, %mul3A_3516 : vector<16xi32>
      %swap3A_3518 = arith.constant 2 : i32
      %swap3A_3519 = arith.constant 12 : i32
      %swap3A_3520 = arith.index_cast %swap3A_3518 : i32 to index
      %swap3A_3521 = arith.index_cast %swap3A_3519 : i32 to index
      %swap3A_3522 = arith.index_cast %multiple_of3A_3504 : i32 to index
      %swap3A_3523 = tpu.vector_load %arg6[%swap3A_3520, %swap3A_3521, %swap3A_3522] {strides = array<i32>} : memref<4x20x1000xi32, #tpu.memory_space<vmem>>, vector<1x1x16xi32>,
      %swap3A_3524 = vector.shape_cast %swap3A_3523 : vector<1x1x16xi32> to vector<16xi32>
      %swap3A_3525 = vector.shape_cast %mul3A_3517 : vector<16xi32> to vector<1x1x16xi32>
      tpu.vector_store %arg6[%swap3A_3520, %swap3A_3521, %swap3A_3522], %swap3A_3525 {strides = array<i32>} : memref<4x20x1000xi32, #tpu.memory_space<vmem>>, vector<1x1x16xi32>,
      %slice3A_3526 = vector.extract_strided_slice %get3A_3395 {offsets = [5], sizes = [1], strides = [1]} : vector<16xi32> to vector<1xi32>
      %squeeze3A_3527 = vector.extract %slice3A_3526[0] : i32 from vector<1xi32>
      %and3A_3528 = arith.constant -16 : i32
      %and3A_3529 = arith.andi %squeeze3A_3527, %and3A_3528 : i32
      %multiple_of3A_3530 = tpu.assume_multiple %and3A_3529, 16 : i32
      %sub3A_3531 = arith.subi %squeeze3A_3527, %multiple_of3A_3530 : i32
      %sub3A_3532 = vector.broadcast %sub3A_3531 : i32 to vector<16xi32>
      %sub3A_3533 = arith.subi %iota3A_2119, %sub3A_3532 : vector<16xi32>
      %abs3A_3534 = math.absi %sub3A_3533 : vector<16xi32>
      %min3A_3535 = arith.constant 31 : i32
      %min3A_3536 = vector.broadcast %min3A_3535 : i32 to vector<16xi32>
      %min3A_3537 = arith.minsi %abs3A_3534, %min3A_3536 : vector<16xi32>
      %shift_right_arithmetic3A_3538 = arith.constant 1 : i32
      %shift_right_arithmetic3A_3539 = vector.broadcast %shift_right_arithmetic3A_3538 : i32 to vector<16xi32>
      %shift_right_arithmetic3A_3540 = arith.shrsi %shift_right_arithmetic3A_3539, %min3A_3537 : vector<16xi32>
      %mul3A_3541 = arith.constant 0 : i32
      %mul3A_3542 = vector.broadcast %mul3A_3541 : i32 to vector<16xi32>
      %mul3A_3543 = arith.muli %shift_right_arithmetic3A_3540, %mul3A_3542 : vector<16xi32>
      %swap3A_3544 = arith.constant 2 : i32
      %swap3A_3545 = arith.constant 13 : i32
      %swap3A_3546 = arith.index_cast %swap3A_3544 : i32 to index
      %swap3A_3547 = arith.index_cast %swap3A_3545 : i32 to index
      %swap3A_3548 = arith.index_cast %multiple_of3A_3530 : i32 to index
      %swap3A_3549 = tpu.vector_load %arg6[%swap3A_3546, %swap3A_3547, %swap3A_3548] {strides = array<i32>} : memref<4x20x1000xi32, #tpu.memory_space<vmem>>, vector<1x1x16xi32>,
      %swap3A_3550 = vector.shape_cast %swap3A_3549 : vector<1x1x16xi32> to vector<16xi32>
      %swap3A_3551 = vector.shape_cast %mul3A_3543 : vector<16xi32> to vector<1x1x16xi32>
      tpu.vector_store %arg6[%swap3A_3546, %swap3A_3547, %swap3A_3548], %swap3A_3551 {strides = array<i32>} : memref<4x20x1000xi32, #tpu.memory_space<vmem>>, vector<1x1x16xi32>,
      %slice3A_3552 = vector.extract_strided_slice %get3A_3395 {offsets = [6], sizes = [1], strides = [1]} : vector<16xi32> to vector<1xi32>
      %squeeze3A_3553 = vector.extract %slice3A_3552[0] : i32 from vector<1xi32>
      %and3A_3554 = arith.constant -16 : i32
      %and3A_3555 = arith.andi %squeeze3A_3553, %and3A_3554 : i32
      %multiple_of3A_3556 = tpu.assume_multiple %and3A_3555, 16 : i32
      %sub3A_3557 = arith.subi %squeeze3A_3553, %multiple_of3A_3556 : i32
      %sub3A_3558 = vector.broadcast %sub3A_3557 : i32 to vector<16xi32>
      %sub3A_3559 = arith.subi %iota3A_2119, %sub3A_3558 : vector<16xi32>
      %abs3A_3560 = math.absi %sub3A_3559 : vector<16xi32>
      %min3A_3561 = arith.constant 31 : i32
      %min3A_3562 = vector.broadcast %min3A_3561 : i32 to vector<16xi32>
      %min3A_3563 = arith.minsi %abs3A_3560, %min3A_3562 : vector<16xi32>
      %shift_right_arithmetic3A_3564 = arith.constant 1 : i32
      %shift_right_arithmetic3A_3565 = vector.broadcast %shift_right_arithmetic3A_3564 : i32 to vector<16xi32>
      %shift_right_arithmetic3A_3566 = arith.shrsi %shift_right_arithmetic3A_3565, %min3A_3563 : vector<16xi32>
      %mul3A_3567 = arith.constant 0 : i32
      %mul3A_3568 = vector.broadcast %mul3A_3567 : i32 to vector<16xi32>
      %mul3A_3569 = arith.muli %shift_right_arithmetic3A_3566, %mul3A_3568 : vector<16xi32>
      %swap3A_3570 = arith.constant 2 : i32
      %swap3A_3571 = arith.constant 14 : i32
      %swap3A_3572 = arith.index_cast %swap3A_3570 : i32 to index
      %swap3A_3573 = arith.index_cast %swap3A_3571 : i32 to index
      %swap3A_3574 = arith.index_cast %multiple_of3A_3556 : i32 to index
      %swap3A_3575 = tpu.vector_load %arg6[%swap3A_3572, %swap3A_3573, %swap3A_3574] {strides = array<i32>} : memref<4x20x1000xi32, #tpu.memory_space<vmem>>, vector<1x1x16xi32>,
      %swap3A_3576 = vector.shape_cast %swap3A_3575 : vector<1x1x16xi32> to vector<16xi32>
      %swap3A_3577 = vector.shape_cast %mul3A_3569 : vector<16xi32> to vector<1x1x16xi32>
      tpu.vector_store %arg6[%swap3A_3572, %swap3A_3573, %swap3A_3574], %swap3A_3577 {strides = array<i32>} : memref<4x20x1000xi32, #tpu.memory_space<vmem>>, vector<1x1x16xi32>,
      %slice3A_3578 = vector.extract_strided_slice %get3A_3395 {offsets = [7], sizes = [1], strides = [1]} : vector<16xi32> to vector<1xi32>
      %squeeze3A_3579 = vector.extract %slice3A_3578[0] : i32 from vector<1xi32>
      %and3A_3580 = arith.constant -16 : i32
      %and3A_3581 = arith.andi %squeeze3A_3579, %and3A_3580 : i32
      %multiple_of3A_3582 = tpu.assume_multiple %and3A_3581, 16 : i32
      %sub3A_3583 = arith.subi %squeeze3A_3579, %multiple_of3A_3582 : i32
      %sub3A_3584 = vector.broadcast %sub3A_3583 : i32 to vector<16xi32>
      %sub3A_3585 = arith.subi %iota3A_2119, %sub3A_3584 : vector<16xi32>
      %abs3A_3586 = math.absi %sub3A_3585 : vector<16xi32>
      %min3A_3587 = arith.constant 31 : i32
      %min3A_3588 = vector.broadcast %min3A_3587 : i32 to vector<16xi32>
      %min3A_3589 = arith.minsi %abs3A_3586, %min3A_3588 : vector<16xi32>
      %shift_right_arithmetic3A_3590 = arith.constant 1 : i32
      %shift_right_arithmetic3A_3591 = vector.broadcast %shift_right_arithmetic3A_3590 : i32 to vector<16xi32>
      %shift_right_arithmetic3A_3592 = arith.shrsi %shift_right_arithmetic3A_3591, %min3A_3589 : vector<16xi32>
      %mul3A_3593 = arith.constant 0 : i32
      %mul3A_3594 = vector.broadcast %mul3A_3593 : i32 to vector<16xi32>
      %mul3A_3595 = arith.muli %shift_right_arithmetic3A_3592, %mul3A_3594 : vector<16xi32>
      %swap3A_3596 = arith.constant 2 : i32
      %swap3A_3597 = arith.constant 15 : i32
      %swap3A_3598 = arith.index_cast %swap3A_3596 : i32 to index
      %swap3A_3599 = arith.index_cast %swap3A_3597 : i32 to index
      %swap3A_3600 = arith.index_cast %multiple_of3A_3582 : i32 to index
      %swap3A_3601 = tpu.vector_load %arg6[%swap3A_3598, %swap3A_3599, %swap3A_3600] {strides = array<i32>} : memref<4x20x1000xi32, #tpu.memory_space<vmem>>, vector<1x1x16xi32>,
      %swap3A_3602 = vector.shape_cast %swap3A_3601 : vector<1x1x16xi32> to vector<16xi32>
      %swap3A_3603 = vector.shape_cast %mul3A_3595 : vector<16xi32> to vector<1x1x16xi32>
      tpu.vector_store %arg6[%swap3A_3598, %swap3A_3599, %swap3A_3600], %swap3A_3603 {strides = array<i32>} : memref<4x20x1000xi32, #tpu.memory_space<vmem>>, vector<1x1x16xi32>,
      %slice3A_3604 = vector.extract_strided_slice %get3A_3395 {offsets = [8], sizes = [1], strides = [1]} : vector<16xi32> to vector<1xi32>
      %squeeze3A_3605 = vector.extract %slice3A_3604[0] : i32 from vector<1xi32>
      %and3A_3606 = arith.constant -16 : i32
      %and3A_3607 = arith.andi %squeeze3A_3605, %and3A_3606 : i32
      %multiple_of3A_3608 = tpu.assume_multiple %and3A_3607, 16 : i32
      %sub3A_3609 = arith.subi %squeeze3A_3605, %multiple_of3A_3608 : i32
      %sub3A_3610 = vector.broadcast %sub3A_3609 : i32 to vector<16xi32>
      %sub3A_3611 = arith.subi %iota3A_2119, %sub3A_3610 : vector<16xi32>
      %abs3A_3612 = math.absi %sub3A_3611 : vector<16xi32>
      %min3A_3613 = arith.constant 31 : i32
      %min3A_3614 = vector.broadcast %min3A_3613 : i32 to vector<16xi32>
      %min3A_3615 = arith.minsi %abs3A_3612, %min3A_3614 : vector<16xi32>
      %shift_right_arithmetic3A_3616 = arith.constant 1 : i32
      %shift_right_arithmetic3A_3617 = vector.broadcast %shift_right_arithmetic3A_3616 : i32 to vector<16xi32>
      %shift_right_arithmetic3A_3618 = arith.shrsi %shift_right_arithmetic3A_3617, %min3A_3615 : vector<16xi32>
      %mul3A_3619 = arith.constant 0 : i32
      %mul3A_3620 = vector.broadcast %mul3A_3619 : i32 to vector<16xi32>
      %mul3A_3621 = arith.muli %shift_right_arithmetic3A_3618, %mul3A_3620 : vector<16xi32>
      %swap3A_3622 = arith.constant 2 : i32
      %swap3A_3623 = arith.constant 16 : i32
      %swap3A_3624 = arith.index_cast %swap3A_3622 : i32 to index
      %swap3A_3625 = arith.index_cast %swap3A_3623 : i32 to index
      %swap3A_3626 = arith.index_cast %multiple_of3A_3608 : i32 to index
      %swap3A_3627 = tpu.vector_load %arg6[%swap3A_3624, %swap3A_3625, %swap3A_3626] {strides = array<i32>} : memref<4x20x1000xi32, #tpu.memory_space<vmem>>, vector<1x1x16xi32>,
      %swap3A_3628 = vector.shape_cast %swap3A_3627 : vector<1x1x16xi32> to vector<16xi32>
      %swap3A_3629 = vector.shape_cast %mul3A_3621 : vector<16xi32> to vector<1x1x16xi32>
      tpu.vector_store %arg6[%swap3A_3624, %swap3A_3625, %swap3A_3626], %swap3A_3629 {strides = array<i32>} : memref<4x20x1000xi32, #tpu.memory_space<vmem>>, vector<1x1x16xi32>,
      %slice3A_3630 = vector.extract_strided_slice %get3A_3395 {offsets = [9], sizes = [1], strides = [1]} : vector<16xi32> to vector<1xi32>
      %squeeze3A_3631 = vector.extract %slice3A_3630[0] : i32 from vector<1xi32>
      %and3A_3632 = arith.constant -16 : i32
      %and3A_3633 = arith.andi %squeeze3A_3631, %and3A_3632 : i32
      %multiple_of3A_3634 = tpu.assume_multiple %and3A_3633, 16 : i32
      %sub3A_3635 = arith.subi %squeeze3A_3631, %multiple_of3A_3634 : i32
      %sub3A_3636 = vector.broadcast %sub3A_3635 : i32 to vector<16xi32>
      %sub3A_3637 = arith.subi %iota3A_2119, %sub3A_3636 : vector<16xi32>
      %abs3A_3638 = math.absi %sub3A_3637 : vector<16xi32>
      %min3A_3639 = arith.constant 31 : i32
      %min3A_3640 = vector.broadcast %min3A_3639 : i32 to vector<16xi32>
      %min3A_3641 = arith.minsi %abs3A_3638, %min3A_3640 : vector<16xi32>
      %shift_right_arithmetic3A_3642 = arith.constant 1 : i32
      %shift_right_arithmetic3A_3643 = vector.broadcast %shift_right_arithmetic3A_3642 : i32 to vector<16xi32>
      %shift_right_arithmetic3A_3644 = arith.shrsi %shift_right_arithmetic3A_3643, %min3A_3641 : vector<16xi32>
      %mul3A_3645 = arith.constant 0 : i32
      %mul3A_3646 = vector.broadcast %mul3A_3645 : i32 to vector<16xi32>
      %mul3A_3647 = arith.muli %shift_right_arithmetic3A_3644, %mul3A_3646 : vector<16xi32>
      %swap3A_3648 = arith.constant 2 : i32
      %swap3A_3649 = arith.constant 17 : i32
      %swap3A_3650 = arith.index_cast %swap3A_3648 : i32 to index
      %swap3A_3651 = arith.index_cast %swap3A_3649 : i32 to index
      %swap3A_3652 = arith.index_cast %multiple_of3A_3634 : i32 to index
      %swap3A_3653 = tpu.vector_load %arg6[%swap3A_3650, %swap3A_3651, %swap3A_3652] {strides = array<i32>} : memref<4x20x1000xi32, #tpu.memory_space<vmem>>, vector<1x1x16xi32>,
      %swap3A_3654 = vector.shape_cast %swap3A_3653 : vector<1x1x16xi32> to vector<16xi32>
      %swap3A_3655 = vector.shape_cast %mul3A_3647 : vector<16xi32> to vector<1x1x16xi32>
      tpu.vector_store %arg6[%swap3A_3650, %swap3A_3651, %swap3A_3652], %swap3A_3655 {strides = array<i32>} : memref<4x20x1000xi32, #tpu.memory_space<vmem>>, vector<1x1x16xi32>,
      %slice3A_3656 = vector.extract_strided_slice %get3A_3395 {offsets = [10], sizes = [1], strides = [1]} : vector<16xi32> to vector<1xi32>
      %squeeze3A_3657 = vector.extract %slice3A_3656[0] : i32 from vector<1xi32>
      %and3A_3658 = arith.constant -16 : i32
      %and3A_3659 = arith.andi %squeeze3A_3657, %and3A_3658 : i32
      %multiple_of3A_3660 = tpu.assume_multiple %and3A_3659, 16 : i32
      %sub3A_3661 = arith.subi %squeeze3A_3657, %multiple_of3A_3660 : i32
      %sub3A_3662 = vector.broadcast %sub3A_3661 : i32 to vector<16xi32>
      %sub3A_3663 = arith.subi %iota3A_2119, %sub3A_3662 : vector<16xi32>
      %abs3A_3664 = math.absi %sub3A_3663 : vector<16xi32>
      %min3A_3665 = arith.constant 31 : i32
      %min3A_3666 = vector.broadcast %min3A_3665 : i32 to vector<16xi32>
      %min3A_3667 = arith.minsi %abs3A_3664, %min3A_3666 : vector<16xi32>
      %shift_right_arithmetic3A_3668 = arith.constant 1 : i32
      %shift_right_arithmetic3A_3669 = vector.broadcast %shift_right_arithmetic3A_3668 : i32 to vector<16xi32>
      %shift_right_arithmetic3A_3670 = arith.shrsi %shift_right_arithmetic3A_3669, %min3A_3667 : vector<16xi32>
      %mul3A_3671 = arith.constant 0 : i32
      %mul3A_3672 = vector.broadcast %mul3A_3671 : i32 to vector<16xi32>
      %mul3A_3673 = arith.muli %shift_right_arithmetic3A_3670, %mul3A_3672 : vector<16xi32>
      %swap3A_3674 = arith.constant 2 : i32
      %swap3A_3675 = arith.constant 18 : i32
      %swap3A_3676 = arith.index_cast %swap3A_3674 : i32 to index
      %swap3A_3677 = arith.index_cast %swap3A_3675 : i32 to index
      %swap3A_3678 = arith.index_cast %multiple_of3A_3660 : i32 to index
      %swap3A_3679 = tpu.vector_load %arg6[%swap3A_3676, %swap3A_3677, %swap3A_3678] {strides = array<i32>} : memref<4x20x1000xi32, #tpu.memory_space<vmem>>, vector<1x1x16xi32>,
      %swap3A_3680 = vector.shape_cast %swap3A_3679 : vector<1x1x16xi32> to vector<16xi32>
      %swap3A_3681 = vector.shape_cast %mul3A_3673 : vector<16xi32> to vector<1x1x16xi32>
      tpu.vector_store %arg6[%swap3A_3676, %swap3A_3677, %swap3A_3678], %swap3A_3681 {strides = array<i32>} : memref<4x20x1000xi32, #tpu.memory_space<vmem>>, vector<1x1x16xi32>,
      %slice3A_3682 = vector.extract_strided_slice %get3A_3395 {offsets = [11], sizes = [1], strides = [1]} : vector<16xi32> to vector<1xi32>
      %squeeze3A_3683 = vector.extract %slice3A_3682[0] : i32 from vector<1xi32>
      %and3A_3684 = arith.constant -16 : i32
      %and3A_3685 = arith.andi %squeeze3A_3683, %and3A_3684 : i32
      %multiple_of3A_3686 = tpu.assume_multiple %and3A_3685, 16 : i32
      %sub3A_3687 = arith.subi %squeeze3A_3683, %multiple_of3A_3686 : i32
      %sub3A_3688 = vector.broadcast %sub3A_3687 : i32 to vector<16xi32>
      %sub3A_3689 = arith.subi %iota3A_2119, %sub3A_3688 : vector<16xi32>
      %abs3A_3690 = math.absi %sub3A_3689 : vector<16xi32>
      %min3A_3691 = arith.constant 31 : i32
      %min3A_3692 = vector.broadcast %min3A_3691 : i32 to vector<16xi32>
      %min3A_3693 = arith.minsi %abs3A_3690, %min3A_3692 : vector<16xi32>
      %shift_right_arithmetic3A_3694 = arith.constant 1 : i32
      %shift_right_arithmetic3A_3695 = vector.broadcast %shift_right_arithmetic3A_3694 : i32 to vector<16xi32>
      %shift_right_arithmetic3A_3696 = arith.shrsi %shift_right_arithmetic3A_3695, %min3A_3693 : vector<16xi32>
      %mul3A_3697 = arith.constant 0 : i32
      %mul3A_3698 = vector.broadcast %mul3A_3697 : i32 to vector<16xi32>
      %mul3A_3699 = arith.muli %shift_right_arithmetic3A_3696, %mul3A_3698 : vector<16xi32>
      %swap3A_3700 = arith.constant 2 : i32
      %swap3A_3701 = arith.constant 19 : i32
      %swap3A_3702 = arith.index_cast %swap3A_3700 : i32 to index
      %swap3A_3703 = arith.index_cast %swap3A_3701 : i32 to index
      %swap3A_3704 = arith.index_cast %multiple_of3A_3686 : i32 to index
      %swap3A_3705 = tpu.vector_load %arg6[%swap3A_3702, %swap3A_3703, %swap3A_3704] {strides = array<i32>} : memref<4x20x1000xi32, #tpu.memory_space<vmem>>, vector<1x1x16xi32>,
      %swap3A_3706 = vector.shape_cast %swap3A_3705 : vector<1x1x16xi32> to vector<16xi32>
      %swap3A_3707 = vector.shape_cast %mul3A_3699 : vector<16xi32> to vector<1x1x16xi32>
      tpu.vector_store %arg6[%swap3A_3702, %swap3A_3703, %swap3A_3704], %swap3A_3707 {strides = array<i32>} : memref<4x20x1000xi32, #tpu.memory_space<vmem>>, vector<1x1x16xi32>,
      %slice3A_3708 = vector.extract_strided_slice %get3A_3395 {offsets = [12], sizes = [1], strides = [1]} : vector<16xi32> to vector<1xi32>
      %squeeze3A_3709 = vector.extract %slice3A_3708[0] : i32 from vector<1xi32>
      %and3A_3710 = arith.constant -16 : i32
      %and3A_3711 = arith.andi %squeeze3A_3709, %and3A_3710 : i32
      %multiple_of3A_3712 = tpu.assume_multiple %and3A_3711, 16 : i32
      %sub3A_3713 = arith.subi %squeeze3A_3709, %multiple_of3A_3712 : i32
      %sub3A_3714 = vector.broadcast %sub3A_3713 : i32 to vector<16xi32>
      %sub3A_3715 = arith.subi %iota3A_2119, %sub3A_3714 : vector<16xi32>
      %abs3A_3716 = math.absi %sub3A_3715 : vector<16xi32>
      %min3A_3717 = arith.constant 31 : i32
      %min3A_3718 = vector.broadcast %min3A_3717 : i32 to vector<16xi32>
      %min3A_3719 = arith.minsi %abs3A_3716, %min3A_3718 : vector<16xi32>
      %shift_right_arithmetic3A_3720 = arith.constant 1 : i32
      %shift_right_arithmetic3A_3721 = vector.broadcast %shift_right_arithmetic3A_3720 : i32 to vector<16xi32>
      %shift_right_arithmetic3A_3722 = arith.shrsi %shift_right_arithmetic3A_3721, %min3A_3719 : vector<16xi32>
      %mul3A_3723 = arith.constant 0 : i32
      %mul3A_3724 = vector.broadcast %mul3A_3723 : i32 to vector<16xi32>
      %mul3A_3725 = arith.muli %shift_right_arithmetic3A_3722, %mul3A_3724 : vector<16xi32>
      %swap3A_3726 = arith.constant 3 : i32
      %swap3A_3727 = arith.constant 0 : i32
      %swap3A_3728 = arith.index_cast %swap3A_3726 : i32 to index
      %swap3A_3729 = arith.index_cast %swap3A_3727 : i32 to index
      %swap3A_3730 = arith.index_cast %multiple_of3A_3712 : i32 to index
      %swap3A_3731 = tpu.vector_load %arg6[%swap3A_3728, %swap3A_3729, %swap3A_3730] {strides = array<i32>} : memref<4x20x1000xi32, #tpu.memory_space<vmem>>, vector<1x1x16xi32>,
      %swap3A_3732 = vector.shape_cast %swap3A_3731 : vector<1x1x16xi32> to vector<16xi32>
      %swap3A_3733 = vector.shape_cast %mul3A_3725 : vector<16xi32> to vector<1x1x16xi32>
      tpu.vector_store %arg6[%swap3A_3728, %swap3A_3729, %swap3A_3730], %swap3A_3733 {strides = array<i32>} : memref<4x20x1000xi32, #tpu.memory_space<vmem>>, vector<1x1x16xi32>,
      %slice3A_3734 = vector.extract_strided_slice %get3A_3395 {offsets = [13], sizes = [1], strides = [1]} : vector<16xi32> to vector<1xi32>
      %squeeze3A_3735 = vector.extract %slice3A_3734[0] : i32 from vector<1xi32>
      %and3A_3736 = arith.constant -16 : i32
      %and3A_3737 = arith.andi %squeeze3A_3735, %and3A_3736 : i32
      %multiple_of3A_3738 = tpu.assume_multiple %and3A_3737, 16 : i32
      %sub3A_3739 = arith.subi %squeeze3A_3735, %multiple_of3A_3738 : i32
      %sub3A_3740 = vector.broadcast %sub3A_3739 : i32 to vector<16xi32>
      %sub3A_3741 = arith.subi %iota3A_2119, %sub3A_3740 : vector<16xi32>
      %abs3A_3742 = math.absi %sub3A_3741 : vector<16xi32>
      %min3A_3743 = arith.constant 31 : i32
      %min3A_3744 = vector.broadcast %min3A_3743 : i32 to vector<16xi32>
      %min3A_3745 = arith.minsi %abs3A_3742, %min3A_3744 : vector<16xi32>
      %shift_right_arithmetic3A_3746 = arith.constant 1 : i32
      %shift_right_arithmetic3A_3747 = vector.broadcast %shift_right_arithmetic3A_3746 : i32 to vector<16xi32>
      %shift_right_arithmetic3A_3748 = arith.shrsi %shift_right_arithmetic3A_3747, %min3A_3745 : vector<16xi32>
      %mul3A_3749 = arith.constant 0 : i32
      %mul3A_3750 = vector.broadcast %mul3A_3749 : i32 to vector<16xi32>
      %mul3A_3751 = arith.muli %shift_right_arithmetic3A_3748, %mul3A_3750 : vector<16xi32>
      %swap3A_3752 = arith.constant 3 : i32
      %swap3A_3753 = arith.constant 1 : i32
      %swap3A_3754 = arith.index_cast %swap3A_3752 : i32 to index
      %swap3A_3755 = arith.index_cast %swap3A_3753 : i32 to index
      %swap3A_3756 = arith.index_cast %multiple_of3A_3738 : i32 to index
      %swap3A_3757 = tpu.vector_load %arg6[%swap3A_3754, %swap3A_3755, %swap3A_3756] {strides = array<i32>} : memref<4x20x1000xi32, #tpu.memory_space<vmem>>, vector<1x1x16xi32>,
      %swap3A_3758 = vector.shape_cast %swap3A_3757 : vector<1x1x16xi32> to vector<16xi32>
      %swap3A_3759 = vector.shape_cast %mul3A_3751 : vector<16xi32> to vector<1x1x16xi32>
      tpu.vector_store %arg6[%swap3A_3754, %swap3A_3755, %swap3A_3756], %swap3A_3759 {strides = array<i32>} : memref<4x20x1000xi32, #tpu.memory_space<vmem>>, vector<1x1x16xi32>,
      %slice3A_3760 = vector.extract_strided_slice %get3A_3395 {offsets = [14], sizes = [1], strides = [1]} : vector<16xi32> to vector<1xi32>
      %squeeze3A_3761 = vector.extract %slice3A_3760[0] : i32 from vector<1xi32>
      %and3A_3762 = arith.constant -16 : i32
      %and3A_3763 = arith.andi %squeeze3A_3761, %and3A_3762 : i32
      %multiple_of3A_3764 = tpu.assume_multiple %and3A_3763, 16 : i32
      %sub3A_3765 = arith.subi %squeeze3A_3761, %multiple_of3A_3764 : i32
      %sub3A_3766 = vector.broadcast %sub3A_3765 : i32 to vector<16xi32>
      %sub3A_3767 = arith.subi %iota3A_2119, %sub3A_3766 : vector<16xi32>
      %abs3A_3768 = math.absi %sub3A_3767 : vector<16xi32>
      %min3A_3769 = arith.constant 31 : i32
      %min3A_3770 = vector.broadcast %min3A_3769 : i32 to vector<16xi32>
      %min3A_3771 = arith.minsi %abs3A_3768, %min3A_3770 : vector<16xi32>
      %shift_right_arithmetic3A_3772 = arith.constant 1 : i32
      %shift_right_arithmetic3A_3773 = vector.broadcast %shift_right_arithmetic3A_3772 : i32 to vector<16xi32>
      %shift_right_arithmetic3A_3774 = arith.shrsi %shift_right_arithmetic3A_3773, %min3A_3771 : vector<16xi32>
      %mul3A_3775 = arith.constant 0 : i32
      %mul3A_3776 = vector.broadcast %mul3A_3775 : i32 to vector<16xi32>
      %mul3A_3777 = arith.muli %shift_right_arithmetic3A_3774, %mul3A_3776 : vector<16xi32>
      %swap3A_3778 = arith.constant 3 : i32
      %swap3A_3779 = arith.constant 2 : i32
      %swap3A_3780 = arith.index_cast %swap3A_3778 : i32 to index
      %swap3A_3781 = arith.index_cast %swap3A_3779 : i32 to index
      %swap3A_3782 = arith.index_cast %multiple_of3A_3764 : i32 to index
      %swap3A_3783 = tpu.vector_load %arg6[%swap3A_3780, %swap3A_3781, %swap3A_3782] {strides = array<i32>} : memref<4x20x1000xi32, #tpu.memory_space<vmem>>, vector<1x1x16xi32>,
      %swap3A_3784 = vector.shape_cast %swap3A_3783 : vector<1x1x16xi32> to vector<16xi32>
      %swap3A_3785 = vector.shape_cast %mul3A_3777 : vector<16xi32> to vector<1x1x16xi32>
      tpu.vector_store %arg6[%swap3A_3780, %swap3A_3781, %swap3A_3782], %swap3A_3785 {strides = array<i32>} : memref<4x20x1000xi32, #tpu.memory_space<vmem>>, vector<1x1x16xi32>,
      %slice3A_3786 = vector.extract_strided_slice %get3A_3395 {offsets = [15], sizes = [1], strides = [1]} : vector<16xi32> to vector<1xi32>
      %squeeze3A_3787 = vector.extract %slice3A_3786[0] : i32 from vector<1xi32>
      %and3A_3788 = arith.constant -16 : i32
      %and3A_3789 = arith.andi %squeeze3A_3787, %and3A_3788 : i32
      %multiple_of3A_3790 = tpu.assume_multiple %and3A_3789, 16 : i32
      %sub3A_3791 = arith.subi %squeeze3A_3787, %multiple_of3A_3790 : i32
      %sub3A_3792 = vector.broadcast %sub3A_3791 : i32 to vector<16xi32>
      %sub3A_3793 = arith.subi %iota3A_2119, %sub3A_3792 : vector<16xi32>
      %abs3A_3794 = math.absi %sub3A_3793 : vector<16xi32>
      %min3A_3795 = arith.constant 31 : i32
      %min3A_3796 = vector.broadcast %min3A_3795 : i32 to vector<16xi32>
      %min3A_3797 = arith.minsi %abs3A_3794, %min3A_3796 : vector<16xi32>
      %shift_right_arithmetic3A_3798 = arith.constant 1 : i32
      %shift_right_arithmetic3A_3799 = vector.broadcast %shift_right_arithmetic3A_3798 : i32 to vector<16xi32>
      %shift_right_arithmetic3A_3800 = arith.shrsi %shift_right_arithmetic3A_3799, %min3A_3797 : vector<16xi32>
      %mul3A_3801 = arith.constant 0 : i32
      %mul3A_3802 = vector.broadcast %mul3A_3801 : i32 to vector<16xi32>
      %mul3A_3803 = arith.muli %shift_right_arithmetic3A_3800, %mul3A_3802 : vector<16xi32>
      %swap3A_3804 = arith.constant 3 : i32
      %swap3A_3805 = arith.constant 3 : i32
      %swap3A_3806 = arith.index_cast %swap3A_3804 : i32 to index
      %swap3A_3807 = arith.index_cast %swap3A_3805 : i32 to index
      %swap3A_3808 = arith.index_cast %multiple_of3A_3790 : i32 to index
      %swap3A_3809 = tpu.vector_load %arg6[%swap3A_3806, %swap3A_3807, %swap3A_3808] {strides = array<i32>} : memref<4x20x1000xi32, #tpu.memory_space<vmem>>, vector<1x1x16xi32>,
      %swap3A_3810 = vector.shape_cast %swap3A_3809 : vector<1x1x16xi32> to vector<16xi32>
      %swap3A_3811 = vector.shape_cast %mul3A_3803 : vector<16xi32> to vector<1x1x16xi32>
      tpu.vector_store %arg6[%swap3A_3806, %swap3A_3807, %swap3A_3808], %swap3A_3811 {strides = array<i32>} : memref<4x20x1000xi32, #tpu.memory_space<vmem>>, vector<1x1x16xi32>,
      %mul3A_3812 = arith.constant 80 : i32
      %mul3A_3813 = arith.muli %scan3A_10, %mul3A_3812 : i32
      %add3A_3814 = arith.constant 64 : i32
      %add3A_3815 = arith.addi %mul3A_3813, %add3A_3814 : i32
      %get3A_3816 = arith.index_cast %add3A_3815 : i32 to index
      %get3A_3817 = tpu.vector_load %arg5[%get3A_3816] {strides = array<i32>} : memref<2560xi32, #tpu.memory_space<vmem>>, vector<16xi32>,
      %get3A_3818 = vector.shape_cast %get3A_3817 : vector<16xi32> to vector<16xi32>
      %slice3A_3819 = vector.extract_strided_slice %get3A_3818 {offsets = [0], sizes = [1], strides = [1]} : vector<16xi32> to vector<1xi32>
      %squeeze3A_3820 = vector.extract %slice3A_3819[0] : i32 from vector<1xi32>
      %and3A_3821 = arith.constant -16 : i32
      %and3A_3822 = arith.andi %squeeze3A_3820, %and3A_3821 : i32
      %multiple_of3A_3823 = tpu.assume_multiple %and3A_3822, 16 : i32
      %sub3A_3824 = arith.subi %squeeze3A_3820, %multiple_of3A_3823 : i32
      %sub3A_3825 = vector.broadcast %sub3A_3824 : i32 to vector<16xi32>
      %sub3A_3826 = arith.subi %iota3A_2119, %sub3A_3825 : vector<16xi32>
      %abs3A_3827 = math.absi %sub3A_3826 : vector<16xi32>
      %min3A_3828 = arith.constant 31 : i32
      %min3A_3829 = vector.broadcast %min3A_3828 : i32 to vector<16xi32>
      %min3A_3830 = arith.minsi %abs3A_3827, %min3A_3829 : vector<16xi32>
      %shift_right_arithmetic3A_3831 = arith.constant 1 : i32
      %shift_right_arithmetic3A_3832 = vector.broadcast %shift_right_arithmetic3A_3831 : i32 to vector<16xi32>
      %shift_right_arithmetic3A_3833 = arith.shrsi %shift_right_arithmetic3A_3832, %min3A_3830 : vector<16xi32>
      %mul3A_3834 = arith.constant 0 : i32
      %mul3A_3835 = vector.broadcast %mul3A_3834 : i32 to vector<16xi32>
      %mul3A_3836 = arith.muli %shift_right_arithmetic3A_3833, %mul3A_3835 : vector<16xi32>
      %swap3A_3837 = arith.constant 3 : i32
      %swap3A_3838 = arith.constant 4 : i32
      %swap3A_3839 = arith.index_cast %swap3A_3837 : i32 to index
      %swap3A_3840 = arith.index_cast %swap3A_3838 : i32 to index
      %swap3A_3841 = arith.index_cast %multiple_of3A_3823 : i32 to index
      %swap3A_3842 = tpu.vector_load %arg6[%swap3A_3839, %swap3A_3840, %swap3A_3841] {strides = array<i32>} : memref<4x20x1000xi32, #tpu.memory_space<vmem>>, vector<1x1x16xi32>,
      %swap3A_3843 = vector.shape_cast %swap3A_3842 : vector<1x1x16xi32> to vector<16xi32>
      %swap3A_3844 = vector.shape_cast %mul3A_3836 : vector<16xi32> to vector<1x1x16xi32>
      tpu.vector_store %arg6[%swap3A_3839, %swap3A_3840, %swap3A_3841], %swap3A_3844 {strides = array<i32>} : memref<4x20x1000xi32, #tpu.memory_space<vmem>>, vector<1x1x16xi32>,
      %slice3A_3845 = vector.extract_strided_slice %get3A_3818 {offsets = [1], sizes = [1], strides = [1]} : vector<16xi32> to vector<1xi32>
      %squeeze3A_3846 = vector.extract %slice3A_3845[0] : i32 from vector<1xi32>
      %and3A_3847 = arith.constant -16 : i32
      %and3A_3848 = arith.andi %squeeze3A_3846, %and3A_3847 : i32
      %multiple_of3A_3849 = tpu.assume_multiple %and3A_3848, 16 : i32
      %sub3A_3850 = arith.subi %squeeze3A_3846, %multiple_of3A_3849 : i32
      %sub3A_3851 = vector.broadcast %sub3A_3850 : i32 to vector<16xi32>
      %sub3A_3852 = arith.subi %iota3A_2119, %sub3A_3851 : vector<16xi32>
      %abs3A_3853 = math.absi %sub3A_3852 : vector<16xi32>
      %min3A_3854 = arith.constant 31 : i32
      %min3A_3855 = vector.broadcast %min3A_3854 : i32 to vector<16xi32>
      %min3A_3856 = arith.minsi %abs3A_3853, %min3A_3855 : vector<16xi32>
      %shift_right_arithmetic3A_3857 = arith.constant 1 : i32
      %shift_right_arithmetic3A_3858 = vector.broadcast %shift_right_arithmetic3A_3857 : i32 to vector<16xi32>
      %shift_right_arithmetic3A_3859 = arith.shrsi %shift_right_arithmetic3A_3858, %min3A_3856 : vector<16xi32>
      %mul3A_3860 = arith.constant 0 : i32
      %mul3A_3861 = vector.broadcast %mul3A_3860 : i32 to vector<16xi32>
      %mul3A_3862 = arith.muli %shift_right_arithmetic3A_3859, %mul3A_3861 : vector<16xi32>
      %swap3A_3863 = arith.constant 3 : i32
      %swap3A_3864 = arith.constant 5 : i32
      %swap3A_3865 = arith.index_cast %swap3A_3863 : i32 to index
      %swap3A_3866 = arith.index_cast %swap3A_3864 : i32 to index
      %swap3A_3867 = arith.index_cast %multiple_of3A_3849 : i32 to index
      %swap3A_3868 = tpu.vector_load %arg6[%swap3A_3865, %swap3A_3866, %swap3A_3867] {strides = array<i32>} : memref<4x20x1000xi32, #tpu.memory_space<vmem>>, vector<1x1x16xi32>,
      %swap3A_3869 = vector.shape_cast %swap3A_3868 : vector<1x1x16xi32> to vector<16xi32>
      %swap3A_3870 = vector.shape_cast %mul3A_3862 : vector<16xi32> to vector<1x1x16xi32>
      tpu.vector_store %arg6[%swap3A_3865, %swap3A_3866, %swap3A_3867], %swap3A_3870 {strides = array<i32>} : memref<4x20x1000xi32, #tpu.memory_space<vmem>>, vector<1x1x16xi32>,
      %slice3A_3871 = vector.extract_strided_slice %get3A_3818 {offsets = [2], sizes = [1], strides = [1]} : vector<16xi32> to vector<1xi32>
      %squeeze3A_3872 = vector.extract %slice3A_3871[0] : i32 from vector<1xi32>
      %and3A_3873 = arith.constant -16 : i32
      %and3A_3874 = arith.andi %squeeze3A_3872, %and3A_3873 : i32
      %multiple_of3A_3875 = tpu.assume_multiple %and3A_3874, 16 : i32
      %sub3A_3876 = arith.subi %squeeze3A_3872, %multiple_of3A_3875 : i32
      %sub3A_3877 = vector.broadcast %sub3A_3876 : i32 to vector<16xi32>
      %sub3A_3878 = arith.subi %iota3A_2119, %sub3A_3877 : vector<16xi32>
      %abs3A_3879 = math.absi %sub3A_3878 : vector<16xi32>
      %min3A_3880 = arith.constant 31 : i32
      %min3A_3881 = vector.broadcast %min3A_3880 : i32 to vector<16xi32>
      %min3A_3882 = arith.minsi %abs3A_3879, %min3A_3881 : vector<16xi32>
      %shift_right_arithmetic3A_3883 = arith.constant 1 : i32
      %shift_right_arithmetic3A_3884 = vector.broadcast %shift_right_arithmetic3A_3883 : i32 to vector<16xi32>
      %shift_right_arithmetic3A_3885 = arith.shrsi %shift_right_arithmetic3A_3884, %min3A_3882 : vector<16xi32>
      %mul3A_3886 = arith.constant 0 : i32
      %mul3A_3887 = vector.broadcast %mul3A_3886 : i32 to vector<16xi32>
      %mul3A_3888 = arith.muli %shift_right_arithmetic3A_3885, %mul3A_3887 : vector<16xi32>
      %swap3A_3889 = arith.constant 3 : i32
      %swap3A_3890 = arith.constant 6 : i32
      %swap3A_3891 = arith.index_cast %swap3A_3889 : i32 to index
      %swap3A_3892 = arith.index_cast %swap3A_3890 : i32 to index
      %swap3A_3893 = arith.index_cast %multiple_of3A_3875 : i32 to index
      %swap3A_3894 = tpu.vector_load %arg6[%swap3A_3891, %swap3A_3892, %swap3A_3893] {strides = array<i32>} : memref<4x20x1000xi32, #tpu.memory_space<vmem>>, vector<1x1x16xi32>,
      %swap3A_3895 = vector.shape_cast %swap3A_3894 : vector<1x1x16xi32> to vector<16xi32>
      %swap3A_3896 = vector.shape_cast %mul3A_3888 : vector<16xi32> to vector<1x1x16xi32>
      tpu.vector_store %arg6[%swap3A_3891, %swap3A_3892, %swap3A_3893], %swap3A_3896 {strides = array<i32>} : memref<4x20x1000xi32, #tpu.memory_space<vmem>>, vector<1x1x16xi32>,
      %slice3A_3897 = vector.extract_strided_slice %get3A_3818 {offsets = [3], sizes = [1], strides = [1]} : vector<16xi32> to vector<1xi32>
      %squeeze3A_3898 = vector.extract %slice3A_3897[0] : i32 from vector<1xi32>
      %and3A_3899 = arith.constant -16 : i32
      %and3A_3900 = arith.andi %squeeze3A_3898, %and3A_3899 : i32
      %multiple_of3A_3901 = tpu.assume_multiple %and3A_3900, 16 : i32
      %sub3A_3902 = arith.subi %squeeze3A_3898, %multiple_of3A_3901 : i32
      %sub3A_3903 = vector.broadcast %sub3A_3902 : i32 to vector<16xi32>
      %sub3A_3904 = arith.subi %iota3A_2119, %sub3A_3903 : vector<16xi32>
      %abs3A_3905 = math.absi %sub3A_3904 : vector<16xi32>
      %min3A_3906 = arith.constant 31 : i32
      %min3A_3907 = vector.broadcast %min3A_3906 : i32 to vector<16xi32>
      %min3A_3908 = arith.minsi %abs3A_3905, %min3A_3907 : vector<16xi32>
      %shift_right_arithmetic3A_3909 = arith.constant 1 : i32
      %shift_right_arithmetic3A_3910 = vector.broadcast %shift_right_arithmetic3A_3909 : i32 to vector<16xi32>
      %shift_right_arithmetic3A_3911 = arith.shrsi %shift_right_arithmetic3A_3910, %min3A_3908 : vector<16xi32>
      %mul3A_3912 = arith.constant 0 : i32
      %mul3A_3913 = vector.broadcast %mul3A_3912 : i32 to vector<16xi32>
      %mul3A_3914 = arith.muli %shift_right_arithmetic3A_3911, %mul3A_3913 : vector<16xi32>
      %swap3A_3915 = arith.constant 3 : i32
      %swap3A_3916 = arith.constant 7 : i32
      %swap3A_3917 = arith.index_cast %swap3A_3915 : i32 to index
      %swap3A_3918 = arith.index_cast %swap3A_3916 : i32 to index
      %swap3A_3919 = arith.index_cast %multiple_of3A_3901 : i32 to index
      %swap3A_3920 = tpu.vector_load %arg6[%swap3A_3917, %swap3A_3918, %swap3A_3919] {strides = array<i32>} : memref<4x20x1000xi32, #tpu.memory_space<vmem>>, vector<1x1x16xi32>,
      %swap3A_3921 = vector.shape_cast %swap3A_3920 : vector<1x1x16xi32> to vector<16xi32>
      %swap3A_3922 = vector.shape_cast %mul3A_3914 : vector<16xi32> to vector<1x1x16xi32>
      tpu.vector_store %arg6[%swap3A_3917, %swap3A_3918, %swap3A_3919], %swap3A_3922 {strides = array<i32>} : memref<4x20x1000xi32, #tpu.memory_space<vmem>>, vector<1x1x16xi32>,
      %slice3A_3923 = vector.extract_strided_slice %get3A_3818 {offsets = [4], sizes = [1], strides = [1]} : vector<16xi32> to vector<1xi32>
      %squeeze3A_3924 = vector.extract %slice3A_3923[0] : i32 from vector<1xi32>
      %and3A_3925 = arith.constant -16 : i32
      %and3A_3926 = arith.andi %squeeze3A_3924, %and3A_3925 : i32
      %multiple_of3A_3927 = tpu.assume_multiple %and3A_3926, 16 : i32
      %sub3A_3928 = arith.subi %squeeze3A_3924, %multiple_of3A_3927 : i32
      %sub3A_3929 = vector.broadcast %sub3A_3928 : i32 to vector<16xi32>
      %sub3A_3930 = arith.subi %iota3A_2119, %sub3A_3929 : vector<16xi32>
      %abs3A_3931 = math.absi %sub3A_3930 : vector<16xi32>
      %min3A_3932 = arith.constant 31 : i32
      %min3A_3933 = vector.broadcast %min3A_3932 : i32 to vector<16xi32>
      %min3A_3934 = arith.minsi %abs3A_3931, %min3A_3933 : vector<16xi32>
      %shift_right_arithmetic3A_3935 = arith.constant 1 : i32
      %shift_right_arithmetic3A_3936 = vector.broadcast %shift_right_arithmetic3A_3935 : i32 to vector<16xi32>
      %shift_right_arithmetic3A_3937 = arith.shrsi %shift_right_arithmetic3A_3936, %min3A_3934 : vector<16xi32>
      %mul3A_3938 = arith.constant 0 : i32
      %mul3A_3939 = vector.broadcast %mul3A_3938 : i32 to vector<16xi32>
      %mul3A_3940 = arith.muli %shift_right_arithmetic3A_3937, %mul3A_3939 : vector<16xi32>
      %swap3A_3941 = arith.constant 3 : i32
      %swap3A_3942 = arith.constant 8 : i32
      %swap3A_3943 = arith.index_cast %swap3A_3941 : i32 to index
      %swap3A_3944 = arith.index_cast %swap3A_3942 : i32 to index
      %swap3A_3945 = arith.index_cast %multiple_of3A_3927 : i32 to index
      %swap3A_3946 = tpu.vector_load %arg6[%swap3A_3943, %swap3A_3944, %swap3A_3945] {strides = array<i32>} : memref<4x20x1000xi32, #tpu.memory_space<vmem>>, vector<1x1x16xi32>,
      %swap3A_3947 = vector.shape_cast %swap3A_3946 : vector<1x1x16xi32> to vector<16xi32>
      %swap3A_3948 = vector.shape_cast %mul3A_3940 : vector<16xi32> to vector<1x1x16xi32>
      tpu.vector_store %arg6[%swap3A_3943, %swap3A_3944, %swap3A_3945], %swap3A_3948 {strides = array<i32>} : memref<4x20x1000xi32, #tpu.memory_space<vmem>>, vector<1x1x16xi32>,
      %slice3A_3949 = vector.extract_strided_slice %get3A_3818 {offsets = [5], sizes = [1], strides = [1]} : vector<16xi32> to vector<1xi32>
      %squeeze3A_3950 = vector.extract %slice3A_3949[0] : i32 from vector<1xi32>
      %and3A_3951 = arith.constant -16 : i32
      %and3A_3952 = arith.andi %squeeze3A_3950, %and3A_3951 : i32
      %multiple_of3A_3953 = tpu.assume_multiple %and3A_3952, 16 : i32
      %sub3A_3954 = arith.subi %squeeze3A_3950, %multiple_of3A_3953 : i32
      %sub3A_3955 = vector.broadcast %sub3A_3954 : i32 to vector<16xi32>
      %sub3A_3956 = arith.subi %iota3A_2119, %sub3A_3955 : vector<16xi32>
      %abs3A_3957 = math.absi %sub3A_3956 : vector<16xi32>
      %min3A_3958 = arith.constant 31 : i32
      %min3A_3959 = vector.broadcast %min3A_3958 : i32 to vector<16xi32>
      %min3A_3960 = arith.minsi %abs3A_3957, %min3A_3959 : vector<16xi32>
      %shift_right_arithmetic3A_3961 = arith.constant 1 : i32
      %shift_right_arithmetic3A_3962 = vector.broadcast %shift_right_arithmetic3A_3961 : i32 to vector<16xi32>
      %shift_right_arithmetic3A_3963 = arith.shrsi %shift_right_arithmetic3A_3962, %min3A_3960 : vector<16xi32>
      %mul3A_3964 = arith.constant 0 : i32
      %mul3A_3965 = vector.broadcast %mul3A_3964 : i32 to vector<16xi32>
      %mul3A_3966 = arith.muli %shift_right_arithmetic3A_3963, %mul3A_3965 : vector<16xi32>
      %swap3A_3967 = arith.constant 3 : i32
      %swap3A_3968 = arith.constant 9 : i32
      %swap3A_3969 = arith.index_cast %swap3A_3967 : i32 to index
      %swap3A_3970 = arith.index_cast %swap3A_3968 : i32 to index
      %swap3A_3971 = arith.index_cast %multiple_of3A_3953 : i32 to index
      %swap3A_3972 = tpu.vector_load %arg6[%swap3A_3969, %swap3A_3970, %swap3A_3971] {strides = array<i32>} : memref<4x20x1000xi32, #tpu.memory_space<vmem>>, vector<1x1x16xi32>,
      %swap3A_3973 = vector.shape_cast %swap3A_3972 : vector<1x1x16xi32> to vector<16xi32>
      %swap3A_3974 = vector.shape_cast %mul3A_3966 : vector<16xi32> to vector<1x1x16xi32>
      tpu.vector_store %arg6[%swap3A_3969, %swap3A_3970, %swap3A_3971], %swap3A_3974 {strides = array<i32>} : memref<4x20x1000xi32, #tpu.memory_space<vmem>>, vector<1x1x16xi32>,
      %slice3A_3975 = vector.extract_strided_slice %get3A_3818 {offsets = [6], sizes = [1], strides = [1]} : vector<16xi32> to vector<1xi32>
      %squeeze3A_3976 = vector.extract %slice3A_3975[0] : i32 from vector<1xi32>
      %and3A_3977 = arith.constant -16 : i32
      %and3A_3978 = arith.andi %squeeze3A_3976, %and3A_3977 : i32
      %multiple_of3A_3979 = tpu.assume_multiple %and3A_3978, 16 : i32
      %sub3A_3980 = arith.subi %squeeze3A_3976, %multiple_of3A_3979 : i32
      %sub3A_3981 = vector.broadcast %sub3A_3980 : i32 to vector<16xi32>
      %sub3A_3982 = arith.subi %iota3A_2119, %sub3A_3981 : vector<16xi32>
      %abs3A_3983 = math.absi %sub3A_3982 : vector<16xi32>
      %min3A_3984 = arith.constant 31 : i32
      %min3A_3985 = vector.broadcast %min3A_3984 : i32 to vector<16xi32>
      %min3A_3986 = arith.minsi %abs3A_3983, %min3A_3985 : vector<16xi32>
      %shift_right_arithmetic3A_3987 = arith.constant 1 : i32
      %shift_right_arithmetic3A_3988 = vector.broadcast %shift_right_arithmetic3A_3987 : i32 to vector<16xi32>
      %shift_right_arithmetic3A_3989 = arith.shrsi %shift_right_arithmetic3A_3988, %min3A_3986 : vector<16xi32>
      %mul3A_3990 = arith.constant 0 : i32
      %mul3A_3991 = vector.broadcast %mul3A_3990 : i32 to vector<16xi32>
      %mul3A_3992 = arith.muli %shift_right_arithmetic3A_3989, %mul3A_3991 : vector<16xi32>
      %swap3A_3993 = arith.constant 3 : i32
      %swap3A_3994 = arith.constant 10 : i32
      %swap3A_3995 = arith.index_cast %swap3A_3993 : i32 to index
      %swap3A_3996 = arith.index_cast %swap3A_3994 : i32 to index
      %swap3A_3997 = arith.index_cast %multiple_of3A_3979 : i32 to index
      %swap3A_3998 = tpu.vector_load %arg6[%swap3A_3995, %swap3A_3996, %swap3A_3997] {strides = array<i32>} : memref<4x20x1000xi32, #tpu.memory_space<vmem>>, vector<1x1x16xi32>,
      %swap3A_3999 = vector.shape_cast %swap3A_3998 : vector<1x1x16xi32> to vector<16xi32>
      %swap3A_4000 = vector.shape_cast %mul3A_3992 : vector<16xi32> to vector<1x1x16xi32>
      tpu.vector_store %arg6[%swap3A_3995, %swap3A_3996, %swap3A_3997], %swap3A_4000 {strides = array<i32>} : memref<4x20x1000xi32, #tpu.memory_space<vmem>>, vector<1x1x16xi32>,
      %slice3A_4001 = vector.extract_strided_slice %get3A_3818 {offsets = [7], sizes = [1], strides = [1]} : vector<16xi32> to vector<1xi32>
      %squeeze3A_4002 = vector.extract %slice3A_4001[0] : i32 from vector<1xi32>
      %and3A_4003 = arith.constant -16 : i32
      %and3A_4004 = arith.andi %squeeze3A_4002, %and3A_4003 : i32
      %multiple_of3A_4005 = tpu.assume_multiple %and3A_4004, 16 : i32
      %sub3A_4006 = arith.subi %squeeze3A_4002, %multiple_of3A_4005 : i32
      %sub3A_4007 = vector.broadcast %sub3A_4006 : i32 to vector<16xi32>
      %sub3A_4008 = arith.subi %iota3A_2119, %sub3A_4007 : vector<16xi32>
      %abs3A_4009 = math.absi %sub3A_4008 : vector<16xi32>
      %min3A_4010 = arith.constant 31 : i32
      %min3A_4011 = vector.broadcast %min3A_4010 : i32 to vector<16xi32>
      %min3A_4012 = arith.minsi %abs3A_4009, %min3A_4011 : vector<16xi32>
      %shift_right_arithmetic3A_4013 = arith.constant 1 : i32
      %shift_right_arithmetic3A_4014 = vector.broadcast %shift_right_arithmetic3A_4013 : i32 to vector<16xi32>
      %shift_right_arithmetic3A_4015 = arith.shrsi %shift_right_arithmetic3A_4014, %min3A_4012 : vector<16xi32>
      %mul3A_4016 = arith.constant 0 : i32
      %mul3A_4017 = vector.broadcast %mul3A_4016 : i32 to vector<16xi32>
      %mul3A_4018 = arith.muli %shift_right_arithmetic3A_4015, %mul3A_4017 : vector<16xi32>
      %swap3A_4019 = arith.constant 3 : i32
      %swap3A_4020 = arith.constant 11 : i32
      %swap3A_4021 = arith.index_cast %swap3A_4019 : i32 to index
      %swap3A_4022 = arith.index_cast %swap3A_4020 : i32 to index
      %swap3A_4023 = arith.index_cast %multiple_of3A_4005 : i32 to index
      %swap3A_4024 = tpu.vector_load %arg6[%swap3A_4021, %swap3A_4022, %swap3A_4023] {strides = array<i32>} : memref<4x20x1000xi32, #tpu.memory_space<vmem>>, vector<1x1x16xi32>,
      %swap3A_4025 = vector.shape_cast %swap3A_4024 : vector<1x1x16xi32> to vector<16xi32>
      %swap3A_4026 = vector.shape_cast %mul3A_4018 : vector<16xi32> to vector<1x1x16xi32>
      tpu.vector_store %arg6[%swap3A_4021, %swap3A_4022, %swap3A_4023], %swap3A_4026 {strides = array<i32>} : memref<4x20x1000xi32, #tpu.memory_space<vmem>>, vector<1x1x16xi32>,
      %slice3A_4027 = vector.extract_strided_slice %get3A_3818 {offsets = [8], sizes = [1], strides = [1]} : vector<16xi32> to vector<1xi32>
      %squeeze3A_4028 = vector.extract %slice3A_4027[0] : i32 from vector<1xi32>
      %and3A_4029 = arith.constant -16 : i32
      %and3A_4030 = arith.andi %squeeze3A_4028, %and3A_4029 : i32
      %multiple_of3A_4031 = tpu.assume_multiple %and3A_4030, 16 : i32
      %sub3A_4032 = arith.subi %squeeze3A_4028, %multiple_of3A_4031 : i32
      %sub3A_4033 = vector.broadcast %sub3A_4032 : i32 to vector<16xi32>
      %sub3A_4034 = arith.subi %iota3A_2119, %sub3A_4033 : vector<16xi32>
      %abs3A_4035 = math.absi %sub3A_4034 : vector<16xi32>
      %min3A_4036 = arith.constant 31 : i32
      %min3A_4037 = vector.broadcast %min3A_4036 : i32 to vector<16xi32>
      %min3A_4038 = arith.minsi %abs3A_4035, %min3A_4037 : vector<16xi32>
      %shift_right_arithmetic3A_4039 = arith.constant 1 : i32
      %shift_right_arithmetic3A_4040 = vector.broadcast %shift_right_arithmetic3A_4039 : i32 to vector<16xi32>
      %shift_right_arithmetic3A_4041 = arith.shrsi %shift_right_arithmetic3A_4040, %min3A_4038 : vector<16xi32>
      %mul3A_4042 = arith.constant 0 : i32
      %mul3A_4043 = vector.broadcast %mul3A_4042 : i32 to vector<16xi32>
      %mul3A_4044 = arith.muli %shift_right_arithmetic3A_4041, %mul3A_4043 : vector<16xi32>
      %swap3A_4045 = arith.constant 3 : i32
      %swap3A_4046 = arith.constant 12 : i32
      %swap3A_4047 = arith.index_cast %swap3A_4045 : i32 to index
      %swap3A_4048 = arith.index_cast %swap3A_4046 : i32 to index
      %swap3A_4049 = arith.index_cast %multiple_of3A_4031 : i32 to index
      %swap3A_4050 = tpu.vector_load %arg6[%swap3A_4047, %swap3A_4048, %swap3A_4049] {strides = array<i32>} : memref<4x20x1000xi32, #tpu.memory_space<vmem>>, vector<1x1x16xi32>,
      %swap3A_4051 = vector.shape_cast %swap3A_4050 : vector<1x1x16xi32> to vector<16xi32>
      %swap3A_4052 = vector.shape_cast %mul3A_4044 : vector<16xi32> to vector<1x1x16xi32>
      tpu.vector_store %arg6[%swap3A_4047, %swap3A_4048, %swap3A_4049], %swap3A_4052 {strides = array<i32>} : memref<4x20x1000xi32, #tpu.memory_space<vmem>>, vector<1x1x16xi32>,
      %slice3A_4053 = vector.extract_strided_slice %get3A_3818 {offsets = [9], sizes = [1], strides = [1]} : vector<16xi32> to vector<1xi32>
      %squeeze3A_4054 = vector.extract %slice3A_4053[0] : i32 from vector<1xi32>
      %and3A_4055 = arith.constant -16 : i32
      %and3A_4056 = arith.andi %squeeze3A_4054, %and3A_4055 : i32
      %multiple_of3A_4057 = tpu.assume_multiple %and3A_4056, 16 : i32
      %sub3A_4058 = arith.subi %squeeze3A_4054, %multiple_of3A_4057 : i32
      %sub3A_4059 = vector.broadcast %sub3A_4058 : i32 to vector<16xi32>
      %sub3A_4060 = arith.subi %iota3A_2119, %sub3A_4059 : vector<16xi32>
      %abs3A_4061 = math.absi %sub3A_4060 : vector<16xi32>
      %min3A_4062 = arith.constant 31 : i32
      %min3A_4063 = vector.broadcast %min3A_4062 : i32 to vector<16xi32>
      %min3A_4064 = arith.minsi %abs3A_4061, %min3A_4063 : vector<16xi32>
      %shift_right_arithmetic3A_4065 = arith.constant 1 : i32
      %shift_right_arithmetic3A_4066 = vector.broadcast %shift_right_arithmetic3A_4065 : i32 to vector<16xi32>
      %shift_right_arithmetic3A_4067 = arith.shrsi %shift_right_arithmetic3A_4066, %min3A_4064 : vector<16xi32>
      %mul3A_4068 = arith.constant 0 : i32
      %mul3A_4069 = vector.broadcast %mul3A_4068 : i32 to vector<16xi32>
      %mul3A_4070 = arith.muli %shift_right_arithmetic3A_4067, %mul3A_4069 : vector<16xi32>
      %swap3A_4071 = arith.constant 3 : i32
      %swap3A_4072 = arith.constant 13 : i32
      %swap3A_4073 = arith.index_cast %swap3A_4071 : i32 to index
      %swap3A_4074 = arith.index_cast %swap3A_4072 : i32 to index
      %swap3A_4075 = arith.index_cast %multiple_of3A_4057 : i32 to index
      %swap3A_4076 = tpu.vector_load %arg6[%swap3A_4073, %swap3A_4074, %swap3A_4075] {strides = array<i32>} : memref<4x20x1000xi32, #tpu.memory_space<vmem>>, vector<1x1x16xi32>,
      %swap3A_4077 = vector.shape_cast %swap3A_4076 : vector<1x1x16xi32> to vector<16xi32>
      %swap3A_4078 = vector.shape_cast %mul3A_4070 : vector<16xi32> to vector<1x1x16xi32>
      tpu.vector_store %arg6[%swap3A_4073, %swap3A_4074, %swap3A_4075], %swap3A_4078 {strides = array<i32>} : memref<4x20x1000xi32, #tpu.memory_space<vmem>>, vector<1x1x16xi32>,
      %slice3A_4079 = vector.extract_strided_slice %get3A_3818 {offsets = [10], sizes = [1], strides = [1]} : vector<16xi32> to vector<1xi32>
      %squeeze3A_4080 = vector.extract %slice3A_4079[0] : i32 from vector<1xi32>
      %and3A_4081 = arith.constant -16 : i32
      %and3A_4082 = arith.andi %squeeze3A_4080, %and3A_4081 : i32
      %multiple_of3A_4083 = tpu.assume_multiple %and3A_4082, 16 : i32
      %sub3A_4084 = arith.subi %squeeze3A_4080, %multiple_of3A_4083 : i32
      %sub3A_4085 = vector.broadcast %sub3A_4084 : i32 to vector<16xi32>
      %sub3A_4086 = arith.subi %iota3A_2119, %sub3A_4085 : vector<16xi32>
      %abs3A_4087 = math.absi %sub3A_4086 : vector<16xi32>
      %min3A_4088 = arith.constant 31 : i32
      %min3A_4089 = vector.broadcast %min3A_4088 : i32 to vector<16xi32>
      %min3A_4090 = arith.minsi %abs3A_4087, %min3A_4089 : vector<16xi32>
      %shift_right_arithmetic3A_4091 = arith.constant 1 : i32
      %shift_right_arithmetic3A_4092 = vector.broadcast %shift_right_arithmetic3A_4091 : i32 to vector<16xi32>
      %shift_right_arithmetic3A_4093 = arith.shrsi %shift_right_arithmetic3A_4092, %min3A_4090 : vector<16xi32>
      %mul3A_4094 = arith.constant 0 : i32
      %mul3A_4095 = vector.broadcast %mul3A_4094 : i32 to vector<16xi32>
      %mul3A_4096 = arith.muli %shift_right_arithmetic3A_4093, %mul3A_4095 : vector<16xi32>
      %swap3A_4097 = arith.constant 3 : i32
      %swap3A_4098 = arith.constant 14 : i32
      %swap3A_4099 = arith.index_cast %swap3A_4097 : i32 to index
      %swap3A_4100 = arith.index_cast %swap3A_4098 : i32 to index
      %swap3A_4101 = arith.index_cast %multiple_of3A_4083 : i32 to index
      %swap3A_4102 = tpu.vector_load %arg6[%swap3A_4099, %swap3A_4100, %swap3A_4101] {strides = array<i32>} : memref<4x20x1000xi32, #tpu.memory_space<vmem>>, vector<1x1x16xi32>,
      %swap3A_4103 = vector.shape_cast %swap3A_4102 : vector<1x1x16xi32> to vector<16xi32>
      %swap3A_4104 = vector.shape_cast %mul3A_4096 : vector<16xi32> to vector<1x1x16xi32>
      tpu.vector_store %arg6[%swap3A_4099, %swap3A_4100, %swap3A_4101], %swap3A_4104 {strides = array<i32>} : memref<4x20x1000xi32, #tpu.memory_space<vmem>>, vector<1x1x16xi32>,
      %slice3A_4105 = vector.extract_strided_slice %get3A_3818 {offsets = [11], sizes = [1], strides = [1]} : vector<16xi32> to vector<1xi32>
      %squeeze3A_4106 = vector.extract %slice3A_4105[0] : i32 from vector<1xi32>
      %and3A_4107 = arith.constant -16 : i32
      %and3A_4108 = arith.andi %squeeze3A_4106, %and3A_4107 : i32
      %multiple_of3A_4109 = tpu.assume_multiple %and3A_4108, 16 : i32
      %sub3A_4110 = arith.subi %squeeze3A_4106, %multiple_of3A_4109 : i32
      %sub3A_4111 = vector.broadcast %sub3A_4110 : i32 to vector<16xi32>
      %sub3A_4112 = arith.subi %iota3A_2119, %sub3A_4111 : vector<16xi32>
      %abs3A_4113 = math.absi %sub3A_4112 : vector<16xi32>
      %min3A_4114 = arith.constant 31 : i32
      %min3A_4115 = vector.broadcast %min3A_4114 : i32 to vector<16xi32>
      %min3A_4116 = arith.minsi %abs3A_4113, %min3A_4115 : vector<16xi32>
      %shift_right_arithmetic3A_4117 = arith.constant 1 : i32
      %shift_right_arithmetic3A_4118 = vector.broadcast %shift_right_arithmetic3A_4117 : i32 to vector<16xi32>
      %shift_right_arithmetic3A_4119 = arith.shrsi %shift_right_arithmetic3A_4118, %min3A_4116 : vector<16xi32>
      %mul3A_4120 = arith.constant 0 : i32
      %mul3A_4121 = vector.broadcast %mul3A_4120 : i32 to vector<16xi32>
      %mul3A_4122 = arith.muli %shift_right_arithmetic3A_4119, %mul3A_4121 : vector<16xi32>
      %swap3A_4123 = arith.constant 3 : i32
      %swap3A_4124 = arith.constant 15 : i32
      %swap3A_4125 = arith.index_cast %swap3A_4123 : i32 to index
      %swap3A_4126 = arith.index_cast %swap3A_4124 : i32 to index
      %swap3A_4127 = arith.index_cast %multiple_of3A_4109 : i32 to index
      %swap3A_4128 = tpu.vector_load %arg6[%swap3A_4125, %swap3A_4126, %swap3A_4127] {strides = array<i32>} : memref<4x20x1000xi32, #tpu.memory_space<vmem>>, vector<1x1x16xi32>,
      %swap3A_4129 = vector.shape_cast %swap3A_4128 : vector<1x1x16xi32> to vector<16xi32>
      %swap3A_4130 = vector.shape_cast %mul3A_4122 : vector<16xi32> to vector<1x1x16xi32>
      tpu.vector_store %arg6[%swap3A_4125, %swap3A_4126, %swap3A_4127], %swap3A_4130 {strides = array<i32>} : memref<4x20x1000xi32, #tpu.memory_space<vmem>>, vector<1x1x16xi32>,
      %slice3A_4131 = vector.extract_strided_slice %get3A_3818 {offsets = [12], sizes = [1], strides = [1]} : vector<16xi32> to vector<1xi32>
      %squeeze3A_4132 = vector.extract %slice3A_4131[0] : i32 from vector<1xi32>
      %and3A_4133 = arith.constant -16 : i32
      %and3A_4134 = arith.andi %squeeze3A_4132, %and3A_4133 : i32
      %multiple_of3A_4135 = tpu.assume_multiple %and3A_4134, 16 : i32
      %sub3A_4136 = arith.subi %squeeze3A_4132, %multiple_of3A_4135 : i32
      %sub3A_4137 = vector.broadcast %sub3A_4136 : i32 to vector<16xi32>
      %sub3A_4138 = arith.subi %iota3A_2119, %sub3A_4137 : vector<16xi32>
      %abs3A_4139 = math.absi %sub3A_4138 : vector<16xi32>
      %min3A_4140 = arith.constant 31 : i32
      %min3A_4141 = vector.broadcast %min3A_4140 : i32 to vector<16xi32>
      %min3A_4142 = arith.minsi %abs3A_4139, %min3A_4141 : vector<16xi32>
      %shift_right_arithmetic3A_4143 = arith.constant 1 : i32
      %shift_right_arithmetic3A_4144 = vector.broadcast %shift_right_arithmetic3A_4143 : i32 to vector<16xi32>
      %shift_right_arithmetic3A_4145 = arith.shrsi %shift_right_arithmetic3A_4144, %min3A_4142 : vector<16xi32>
      %mul3A_4146 = arith.constant 0 : i32
      %mul3A_4147 = vector.broadcast %mul3A_4146 : i32 to vector<16xi32>
      %mul3A_4148 = arith.muli %shift_right_arithmetic3A_4145, %mul3A_4147 : vector<16xi32>
      %swap3A_4149 = arith.constant 3 : i32
      %swap3A_4150 = arith.constant 16 : i32
      %swap3A_4151 = arith.index_cast %swap3A_4149 : i32 to index
      %swap3A_4152 = arith.index_cast %swap3A_4150 : i32 to index
      %swap3A_4153 = arith.index_cast %multiple_of3A_4135 : i32 to index
      %swap3A_4154 = tpu.vector_load %arg6[%swap3A_4151, %swap3A_4152, %swap3A_4153] {strides = array<i32>} : memref<4x20x1000xi32, #tpu.memory_space<vmem>>, vector<1x1x16xi32>,
      %swap3A_4155 = vector.shape_cast %swap3A_4154 : vector<1x1x16xi32> to vector<16xi32>
      %swap3A_4156 = vector.shape_cast %mul3A_4148 : vector<16xi32> to vector<1x1x16xi32>
      tpu.vector_store %arg6[%swap3A_4151, %swap3A_4152, %swap3A_4153], %swap3A_4156 {strides = array<i32>} : memref<4x20x1000xi32, #tpu.memory_space<vmem>>, vector<1x1x16xi32>,
      %slice3A_4157 = vector.extract_strided_slice %get3A_3818 {offsets = [13], sizes = [1], strides = [1]} : vector<16xi32> to vector<1xi32>
      %squeeze3A_4158 = vector.extract %slice3A_4157[0] : i32 from vector<1xi32>
      %and3A_4159 = arith.constant -16 : i32
      %and3A_4160 = arith.andi %squeeze3A_4158, %and3A_4159 : i32
      %multiple_of3A_4161 = tpu.assume_multiple %and3A_4160, 16 : i32
      %sub3A_4162 = arith.subi %squeeze3A_4158, %multiple_of3A_4161 : i32
      %sub3A_4163 = vector.broadcast %sub3A_4162 : i32 to vector<16xi32>
      %sub3A_4164 = arith.subi %iota3A_2119, %sub3A_4163 : vector<16xi32>
      %abs3A_4165 = math.absi %sub3A_4164 : vector<16xi32>
      %min3A_4166 = arith.constant 31 : i32
      %min3A_4167 = vector.broadcast %min3A_4166 : i32 to vector<16xi32>
      %min3A_4168 = arith.minsi %abs3A_4165, %min3A_4167 : vector<16xi32>
      %shift_right_arithmetic3A_4169 = arith.constant 1 : i32
      %shift_right_arithmetic3A_4170 = vector.broadcast %shift_right_arithmetic3A_4169 : i32 to vector<16xi32>
      %shift_right_arithmetic3A_4171 = arith.shrsi %shift_right_arithmetic3A_4170, %min3A_4168 : vector<16xi32>
      %mul3A_4172 = arith.constant 0 : i32
      %mul3A_4173 = vector.broadcast %mul3A_4172 : i32 to vector<16xi32>
      %mul3A_4174 = arith.muli %shift_right_arithmetic3A_4171, %mul3A_4173 : vector<16xi32>
      %swap3A_4175 = arith.constant 3 : i32
      %swap3A_4176 = arith.constant 17 : i32
      %swap3A_4177 = arith.index_cast %swap3A_4175 : i32 to index
      %swap3A_4178 = arith.index_cast %swap3A_4176 : i32 to index
      %swap3A_4179 = arith.index_cast %multiple_of3A_4161 : i32 to index
      %swap3A_4180 = tpu.vector_load %arg6[%swap3A_4177, %swap3A_4178, %swap3A_4179] {strides = array<i32>} : memref<4x20x1000xi32, #tpu.memory_space<vmem>>, vector<1x1x16xi32>,
      %swap3A_4181 = vector.shape_cast %swap3A_4180 : vector<1x1x16xi32> to vector<16xi32>
      %swap3A_4182 = vector.shape_cast %mul3A_4174 : vector<16xi32> to vector<1x1x16xi32>
      tpu.vector_store %arg6[%swap3A_4177, %swap3A_4178, %swap3A_4179], %swap3A_4182 {strides = array<i32>} : memref<4x20x1000xi32, #tpu.memory_space<vmem>>, vector<1x1x16xi32>,
      %slice3A_4183 = vector.extract_strided_slice %get3A_3818 {offsets = [14], sizes = [1], strides = [1]} : vector<16xi32> to vector<1xi32>
      %squeeze3A_4184 = vector.extract %slice3A_4183[0] : i32 from vector<1xi32>
      %and3A_4185 = arith.constant -16 : i32
      %and3A_4186 = arith.andi %squeeze3A_4184, %and3A_4185 : i32
      %multiple_of3A_4187 = tpu.assume_multiple %and3A_4186, 16 : i32
      %sub3A_4188 = arith.subi %squeeze3A_4184, %multiple_of3A_4187 : i32
      %sub3A_4189 = vector.broadcast %sub3A_4188 : i32 to vector<16xi32>
      %sub3A_4190 = arith.subi %iota3A_2119, %sub3A_4189 : vector<16xi32>
      %abs3A_4191 = math.absi %sub3A_4190 : vector<16xi32>
      %min3A_4192 = arith.constant 31 : i32
      %min3A_4193 = vector.broadcast %min3A_4192 : i32 to vector<16xi32>
      %min3A_4194 = arith.minsi %abs3A_4191, %min3A_4193 : vector<16xi32>
      %shift_right_arithmetic3A_4195 = arith.constant 1 : i32
      %shift_right_arithmetic3A_4196 = vector.broadcast %shift_right_arithmetic3A_4195 : i32 to vector<16xi32>
      %shift_right_arithmetic3A_4197 = arith.shrsi %shift_right_arithmetic3A_4196, %min3A_4194 : vector<16xi32>
      %mul3A_4198 = arith.constant 0 : i32
      %mul3A_4199 = vector.broadcast %mul3A_4198 : i32 to vector<16xi32>
      %mul3A_4200 = arith.muli %shift_right_arithmetic3A_4197, %mul3A_4199 : vector<16xi32>
      %swap3A_4201 = arith.constant 3 : i32
      %swap3A_4202 = arith.constant 18 : i32
      %swap3A_4203 = arith.index_cast %swap3A_4201 : i32 to index
      %swap3A_4204 = arith.index_cast %swap3A_4202 : i32 to index
      %swap3A_4205 = arith.index_cast %multiple_of3A_4187 : i32 to index
      %swap3A_4206 = tpu.vector_load %arg6[%swap3A_4203, %swap3A_4204, %swap3A_4205] {strides = array<i32>} : memref<4x20x1000xi32, #tpu.memory_space<vmem>>, vector<1x1x16xi32>,
      %swap3A_4207 = vector.shape_cast %swap3A_4206 : vector<1x1x16xi32> to vector<16xi32>
      %swap3A_4208 = vector.shape_cast %mul3A_4200 : vector<16xi32> to vector<1x1x16xi32>
      tpu.vector_store %arg6[%swap3A_4203, %swap3A_4204, %swap3A_4205], %swap3A_4208 {strides = array<i32>} : memref<4x20x1000xi32, #tpu.memory_space<vmem>>, vector<1x1x16xi32>,
      %slice3A_4209 = vector.extract_strided_slice %get3A_3818 {offsets = [15], sizes = [1], strides = [1]} : vector<16xi32> to vector<1xi32>
      %squeeze3A_4210 = vector.extract %slice3A_4209[0] : i32 from vector<1xi32>
      %and3A_4211 = arith.constant -16 : i32
      %and3A_4212 = arith.andi %squeeze3A_4210, %and3A_4211 : i32
      %multiple_of3A_4213 = tpu.assume_multiple %and3A_4212, 16 : i32
      %sub3A_4214 = arith.subi %squeeze3A_4210, %multiple_of3A_4213 : i32
      %sub3A_4215 = vector.broadcast %sub3A_4214 : i32 to vector<16xi32>
      %sub3A_4216 = arith.subi %iota3A_2119, %sub3A_4215 : vector<16xi32>
      %abs3A_4217 = math.absi %sub3A_4216 : vector<16xi32>
      %min3A_4218 = arith.constant 31 : i32
      %min3A_4219 = vector.broadcast %min3A_4218 : i32 to vector<16xi32>
      %min3A_4220 = arith.minsi %abs3A_4217, %min3A_4219 : vector<16xi32>
      %shift_right_arithmetic3A_4221 = arith.constant 1 : i32
      %shift_right_arithmetic3A_4222 = vector.broadcast %shift_right_arithmetic3A_4221 : i32 to vector<16xi32>
      %shift_right_arithmetic3A_4223 = arith.shrsi %shift_right_arithmetic3A_4222, %min3A_4220 : vector<16xi32>
      %mul3A_4224 = arith.constant 0 : i32
      %mul3A_4225 = vector.broadcast %mul3A_4224 : i32 to vector<16xi32>
      %mul3A_4226 = arith.muli %shift_right_arithmetic3A_4223, %mul3A_4225 : vector<16xi32>
      %swap3A_4227 = arith.constant 3 : i32
      %swap3A_4228 = arith.constant 19 : i32
      %swap3A_4229 = arith.index_cast %swap3A_4227 : i32 to index
      %swap3A_4230 = arith.index_cast %swap3A_4228 : i32 to index
      %swap3A_4231 = arith.index_cast %multiple_of3A_4213 : i32 to index
      %swap3A_4232 = tpu.vector_load %arg6[%swap3A_4229, %swap3A_4230, %swap3A_4231] {strides = array<i32>} : memref<4x20x1000xi32, #tpu.memory_space<vmem>>, vector<1x1x16xi32>,
      %swap3A_4233 = vector.shape_cast %swap3A_4232 : vector<1x1x16xi32> to vector<16xi32>
      %swap3A_4234 = vector.shape_cast %mul3A_4226 : vector<16xi32> to vector<1x1x16xi32>
      tpu.vector_store %arg6[%swap3A_4229, %swap3A_4230, %swap3A_4231], %swap3A_4234 {strides = array<i32>} : memref<4x20x1000xi32, #tpu.memory_space<vmem>>, vector<1x1x16xi32>,
    }
    %scan3A_9 = arith.constant 32 : i32
    return
  }
}

</mosaic_0001>

<sc_bundles>
// kernel: kernel.3.cloned.1.call-start
scs
__scs_entry_jumppad:
0x0: {  	(pc) =	sbr.rel $0x88, $3  }
0x1: {  	(tag) =	ssettag $0x0;
	lr =	simm.s32 $0x1  }
0x2: {  	[smem:$0x3FA0] =	sst lr;
	_ =	strace $0xD0000000  }
0x3: {  	_ = 	snop  }
0x4: {  	_ = 	snop  }
0x5: {  	_ = 	snop  }
0x6: {  	_ = 	snop  }
0x7: {  	_ = 	snop  }
__scs_overlays_trampoline_lowered:
0x8: {  	[smem:$0x3FAF] =	sst s0  }
0x9: {  	[smem:$0x3FB0] =	sst s1  }
0xa: {  	[smem:$0x3FB1] =	sst s2  }
0xb: {  	[smem:$0x3FB2] =	sst s3  }
0xc: {  	[smem:$0x3FB3] =	sst s4  }
0xd: {  	[smem:$0x3FB4] =	sst s5  }
0xe: {  	[smem:$0x3FB5] =	sst s6  }
0xf: {  	[smem:$0x3FB6] =	sst s7  }
0x10: {  	[smem:$0x3FB7] =	sst s8  }
0x11: {  	[smem:$0x3FB8] =	sst s9;
	s0 =	simm.s32 @!p0 $0x0  }
0x12: {  	s1 =	sld [smem:$0x3F9E];
	s0 =	simm.s32 @p0 $0x1  }
0x13: {  	[smem:$0x3FB9] =	sst s0;
	s0 =	simm.s32 @!p1 $0x0  }
0x14: {  	s2 =	sld [smem:$0x3F9D];
	s0 =	simm.s32 @p1 $0x1  }
0x15: {  	[smem:$0x3FBA] =	sst s0;
	s0 =	simm.s32 @!p2 $0x0  }
0x16: {  	s3 =	sld [smem:$0x3FDB];
	s0 =	simm.s32 @p2 $0x1  }
0x17: {  	s4 =	simm.s32 $0x1BF5;
	[smem:$0x3FBC] =	sst s0  }
0x18: {  	s0 =	sld [smem:$0x3F9F];
	_ =	swait.ge [sflag:s4], $0x0  }
0x19: {  	s7 =	sld [smem:$0x3FA0]  }
0x1a: {  	s8 =	sadd.s32 $0xFFFFE003, lr  }
0x1b: {  	s9 =	sadd.s32 $0xFFFFFEF7, lr;
	s5 =	simm.s32 $0xFFFFFFFF;
	p2 =	slt.u32 s8, $0xFFFFF086  }
0x1c: {  	p1 =	slt.u32 s9, $0xF7A;
	s5 =	simm.s32 @!p2 $0x0  }
0x1d: {  	s5 =	simm.s32 @p1 $0x1;
	p0 =	seq.s32 s7, s2  }
0x1e: {  	s7 =	smul.u32 @!p0 $0xF7A, s2;
	p2 =	seq.s32 @!p0 s5, $0x0  }
0x1f: {  	s9 =	smul.u32 $0xF7A, s1;
	s8 =	simm.s32 @!p0 $0x1BF5;
	p2 =	por !p2, p0  }
0x20: {  	[sflag:s8] =	ssyncset.s32 @!p0 $0xFFFFF086;
	s6 =	sadd.s32 @!p0 s3, s7;
	s7 =	simm.s32 @!p0 $0x108  }
0x21: {  	s3 =	sadd.s32 s3, s9;
	s6 =	sadd.s32 @!p0 $0x88, s6;
	s7 =	simm.s32 @p2 $0x1082  }
0x22: {  	[simem:s7], [sflag:s8] =	dma.local @!p0 [hbm:s6], $0xF7A  }
0x23: {  	s9 =	sor.u32 $0xD0000000, s2;
	s6 =	simm.s32 $0x108;
	_ =	swait.ge @!p0 [sflag:s8], $0x0  }
0x24: {  	s3 =	sadd.s32 $0x88, s3;
	s6 =	simm.s32 @!p1 $0x1082;
	[sflag:s4] =	ssyncset.s32 $0xFFFFF086  }
0x25: {  	[simem:s6], [sflag:s4] =	dma.local [hbm:s3], $0xF7A  }
0x26: {  	[smem:$0x3FA0] =	sst s1;
	(tag) =	ssettag s2;
	_ =	strace s9  }
0x27: {  	s1 =	sld [smem:$0x3FB0]  }
0x28: {  	s2 =	sld [smem:$0x3FB1]  }
0x29: {  	s4 =	sld [smem:$0x3FB3]  }
0x2a: {  	p0 =	seq.s32 s5, $0x0;
	s5 =	sld [smem:$0x3FB4]  }
0x2b: {  	s6 =	sld [smem:$0x3FB5]  }
0x2c: {  	s7 =	sld [smem:$0x3FB6]  }
0x2d: {  	s3 =	simm.s32 $0x108;
	s8 =	sld [smem:$0x3FB7]  }
0x2e: {  	s3 =	simm.s32 @!p0 $0x1082;
	s9 =	sld [smem:$0x3FB8]  }
0x2f: {  	lr =	sadd.s32 s0, s3;
	s0 =	sld [smem:$0x3FAF]  }
0x30: {  	s3 =	sld [smem:$0x3FB2]  }
0x31: {  	[smem:$0x3FBB] =	sst s10  }
0x32: {  	s10 =	sld [smem:$0x3FB9];
	_ =	sdelay $0x3  }
0x33: {  	p0 =	seq.s32 s10, $0x1;
	s10 =	sld [smem:$0x3FBB];
	_ =	sdelay $0x3  }
0x34: {  	[smem:$0x3FBB] =	sst s10  }
0x35: {  	s10 =	sld [smem:$0x3FBA];
	_ =	sdelay $0x3  }
0x36: {  	p1 =	seq.s32 s10, $0x1;
	s10 =	sld [smem:$0x3FBB];
	_ =	sdelay $0x3  }
0x37: {  	[smem:$0x3FBB] =	sst s10  }
0x38: {  	s10 =	sld [smem:$0x3FBC]  }
0x39: {  	_ = 	snop;
	(pc) =	sbr.ind lr, $3  }
0x3a: {  	_ = 	snop  }
0x3b: {  	_ = 	snop  }
0x3c: {  	p2 =	seq.s32 s10, $0x1;
	s10 =	sld [smem:$0x3FBB]  }
0x3d: {  	_ =	shalt  }
0x3e: {  	_ =	shalt  }
0x3f: {  	_ =	shalt  }
0x40: {  	_ =	shalt  }
0x41: {  	_ =	shalt  }
0x42: {  	_ =	shalt  }
0x43: {  	_ =	shalt  }
0x44: {  	_ =	shalt  }
0x45: {  	_ =	shalt  }
0x46: {  	_ =	shalt  }
0x47: {  	_ =	shalt  }
0x48: {  	_ =	shalt  }
0x49: {  	_ =	shalt  }
0x4a: {  	_ =	shalt  }
0x4b: {  	_ =	shalt  }
0x4c: {  	_ =	shalt  }
0x4d: {  	_ =	shalt  }
0x4e: {  	_ =	shalt  }
0x4f: {  	_ =	shalt  }
0x50: {  	_ =	shalt  }
0x51: {  	_ =	shalt  }
0x52: {  	_ =	shalt  }
0x53: {  	_ =	shalt  }
0x54: {  	_ =	shalt  }
0x55: {  	_ =	shalt  }
0x56: {  	_ =	shalt  }
0x57: {  	_ =	shalt  }
0x58: {  	_ =	shalt  }
0x59: {  	_ =	shalt  }
0x5a: {  	_ =	shalt  }
0x5b: {  	_ =	shalt  }
0x5c: {  	_ =	shalt  }
0x5d: {  	_ =	shalt  }
0x5e: {  	_ =	shalt  }
0x5f: {  	_ =	shalt  }
0x60: {  	_ =	shalt  }
0x61: {  	_ =	shalt  }
0x62: {  	_ =	shalt  }
0x63: {  	_ =	shalt  }
0x64: {  	_ =	shalt  }
0x65: {  	_ =	shalt  }
0x66: {  	_ =	shalt  }
0x67: {  	_ =	shalt  }
0x68: {  	_ =	shalt  }
0x69: {  	_ =	shalt  }
0x6a: {  	_ =	shalt  }
0x6b: {  	_ =	shalt  }
0x6c: {  	_ =	shalt  }
0x6d: {  	_ =	shalt  }
0x6e: {  	_ =	shalt  }
0x6f: {  	_ =	shalt  }
0x70: {  	_ =	shalt  }
0x71: {  	_ =	shalt  }
0x72: {  	_ =	shalt  }
0x73: {  	_ =	shalt  }
0x74: {  	_ =	shalt  }
0x75: {  	_ =	shalt  }
0x76: {  	_ =	shalt  }
0x77: {  	_ =	shalt  }
0x78: {  	_ =	shalt  }
0x79: {  	_ =	shalt  }
0x7a: {  	_ =	shalt  }
0x7b: {  	_ =	shalt  }
0x7c: {  	_ =	shalt  }
0x7d: {  	_ =	shalt  }
0x7e: {  	_ =	shalt  }
0x7f: {  	_ =	shalt  }
0x80: {  	_ =	shalt  }
0x81: {  	_ =	shalt  }
0x82: {  	_ =	shalt  }
0x83: {  	_ =	shalt  }
0x84: {  	_ =	shalt  }
0x85: {  	_ =	shalt  }
0x86: {  	_ =	shalt  }
0x87: {  	_ =	shalt  }
.Lfunc_end0:
.L_simem_size_0:
called_computation_lowered:
.L_overlay_start_0:
0x88: {  	s2 =	sld [smem:$0x3FD9]  }
0x89: {  	s3 =	sld [smem:$0x3FFE];
	_ =	sdelay $0x1  }
0x8a: {  	s1 =	srdreg.scid  }
0x8b: {  	s0 =	sand.u32 $0x1, s1  }
0x8c: {  	s17 =	sshll.u32 s0, $0xA;
	s2 =	sadd.s32 s3, s2  }
0x8d: {  	s2 =	sadd.s32 s2, s17  }
0x8e: {  	[smem:$0x3FC7] =	sst s2  }
0x8f: {  	_ = 	snop  }
0x90: {  	s2 =	sld [smem:$0x3FD0];
	(tm) =	ssettm $0x1  }
0x91: {  	s18 =	sld [smem:$0x3FFB];
	_ =	sdelay $0x3  }
0x92: {  	_ =	strace s18  }
0x93: {  	s3 =	sld [smem:$0x3FFC];
	_ =	sdelay $0x3  }
0x94: {  	_ =	strace s3  }
0x95: {  	s3 =	sld [smem:$0x3FFD];
	_ =	sdelay $0x3  }
0x96: {  	_ =	strace s3  }
0x97: {  	_ =	strace $0x8FFFFFFF  }
0x98: {  	s19 =	sld [smem:$0x3FDB];
	_ =	sdelay $0x1  }
0x99: {  	s4 =	simm.s32 $_scs_section_size  }
0x9a: {  	s5 =	simm.s32 $_size__tile_overlayer_lowered;
	s6 =	simm.s32 $_tile_overlayer_lowered  }
0x9b: {  	s22 =	simm.s32 $0x1BFF;
	s21 =	sshll.u32 s6, $0x1;
	s3 =	sadd.s32 s4, s19  }
0x9c: {  	s7 =	simm.s32 $0x0;
	s20 =	sshll.u32 s5, $0x1;
	s5 =	sadd.s32 s21, s3  }
0x9d: {  	[timem:s7], [sflag:s22] =	dma.local [hbm:s5], s20  }
0x9e: {  	_ =	swait.ge [sflag:s22], s20  }
0x9f: {  	s4 =	ssub.s32 $0x0, s20;
	[sflag:s22] =	ssyncset.done $0x0  }
0xa0: {  	[sflag:s22] =	ssyncadd.s32 s4;
	_ =	sdelay $0x1  }
0xa1: {  	s23 =	simm.s32 $0x1B8B  }
0xa2: {  	_ =	swait.ge [sflag:s23], $0x1  }
0xa3: {  	[sflag:s23] =	ssyncset.done $0x0  }
0xa4: {  	s25 =	simm.s32 $0x1B8E;
	s24 =	sld [smem:$0x3FFE];
	[sflag:s23] =	ssyncadd.s32 $0xFFFFFFFF  }
0xa5: {  	s26 =	simm.s32 $execute0_lowered;
	[smem:$0x3FD2] =	sst s25  }
0xa6: {  	s5 =	sshll.u32 s26, $0x1;
	_ =	strace $0x80000046;
	[dreg:$0x1] =	wrdreg $0xFFFFFFFF  }
0xa7: {  	s28 =	simm.s32 $_size_execute0_lowered;
	s3 =	sadd.s32 s3, s5;
	[dreg:$0x0] =	wrdreg $0x0  }
0xa8: {  	s5 =	sshll.u32 s28, $0x1;
	[dreg:$0x2] =	wrdreg s3  }
0xa9: {  	[dreg:$0x3] =	wrdreg s5  }
0xaa: {  	[dreg:$0x4] =	wrdreg $0xC0  }
0xab: {  	_ =	task [dreg:s7], $0x5FFFF  }
0xac: {  	[dreg:$0x1] =	wrdreg $0xFFFFFFFF  }
0xad: {  	[dreg:$0x0] =	wrdreg $0x60  }
0xae: {  	[dreg:$0x2] =	wrdreg s24  }
0xaf: {  	[dreg:$0x3] =	wrdreg s2  }
0xb0: {  	[dreg:$0x4] =	wrdreg $0x9  }
0xb1: {  	_ =	task.clear_ibuf [dreg:s7], $0x5FFFF;
	_ =	strace $0x90000046  }
0xb2: {  	s29 =	simm.s32 $0x9;
	_ =	strace $0x80000048  }
0xb3: {  	_ =	swait.ge [sflag:s29], $0x1  }
0xb4: {  	[sflag:s29] =	ssyncadd.s32 $0xFFFFFFFF  }
0xb5: {  	_ =	strace $0x90000048  }
0xb6: {  	_ =	sfence  }
0xb7: {  	s30 =	sld [smem:$0x0];
	_ =	sdelay $0x2  }
0xb8: {  	s31 =	sshll.u32 s1, $0xD;
	s1 =	sshrl.u32 s1, $0x2  }
0xb9: {  	s3 =	sand.u32 $0x4000, s31;
	s1 =	sadd.s32 s1, s30  }
0xba: {  	s0 =	sor.u32 s3, s0;
	s1 =	sshll.u32 s1, $0x11  }
0xbb: {  	s0 =	sor.u32 s1, s0  }
0xbc: {  	s0 =	sadd.s32 $0x8F2B, s0  }
0xbd: {  	[sflag:s0] =	ssyncadd.remote.s32 $0x1  }
0xbe: {  	_ =	sfence.sel $0xFFFF  }
0xbf: {  	[dreg:$0x0] =	wrdreg $0xFFFFFFFF;
	(pc) =	sbr.abs _section_cstart, $3  }
0xc0: {  	[dreg:$0x1] =	wrdreg $0xFFFFFFFF  }
0xc1: {  	_ =	task.clear_ibuf [dreg:s7], $0x2FFFF;
	_ =	strace $0x9FFFFFFF  }
0xc2: {  	(tm) =	ssettm $0x7FFFFFFF  }
0xc3: {  	_ =	shalt  }
tec
execute0_lowered:
.L_overlay_start_1:
0x0: {  	(tag) =	ssettag $0x1  }
0x1: {  	s4 =	rddreg [dreg:$0x0]  }
0x2: {  	s2 =	rddreg [dreg:$0x1]  }
0x3: {  	s0 =	rddreg [dreg:$0x2]  }
0x4: {  	s3 =	simm.s32 $0x0;
	s5 =	srdreg.scid;
	s1 =	stileid.u32  }
0x5: {  	s5 =	sand.u32 $0x1, s5;
	s6 =	sshll.u32 s1, $0x1;
	s7 =	smul.u32 $0xC0000, s1  }
0x6: {  	[smem:$0x7FF] =	sst s3;
	s6 =	sor.u32 s5, s6;
	s8 =	smul.u32 $0x60000, s5  }
0x7: {  	s5 =	ssub.s32 $0x2, s5;
	s6 =	smul.u32 $0x140, s6;
	s7 =	sadd.s32 s7, s4  }
0x8: {  	_ =	strace $0x80000047;
	s30 =	sshrl.u32 s5, $0x1;
	s7 =	sadd.s32 s8, s7  }
0x9: {  	s5 =	ssub.s32 s5, s30;
	s8 =	simm.s32 $0x0;
	s4 =	sadd.s32 s6, s4  }
0xa: {  	s31 =	sadd.s32 $0x2C00, s7;
	s5 =	smax.u32 s5, $0x1;
	s6 =	simm.s32 $0x1  }
0xb: {  	v0 =	vlaneseq.u32;
	v1 =	vimm.s32 $0x0;
	s7 =	simm.s32 $0xA00;
	s4 =	sadd.s32 $0x400, s4;
	[dreg:$0x3] =	wrdreg s31  }
.LBB2_1:
0xc: {  	[tilespmem:s3], [sflag:$0x1] =	stream.linear.gather [hbm4b:s4+s3], $0xA00, $0x38;
	[tilespmem:$0x18A00] =	vst v63  }
0xd: {  	_ =	swait.ge [sflag:s6], $0xA00  }
0xe: {  	[sflag:s6] =	ssyncset.done $0x0  }
0xf: {  	[sflag:s6] =	ssyncadd.s32 $0xFFFFF600  }
0x10: {  	[tilespmem:s7], [sflag:$0x1] =	stream.linear.gather [hbm4b:s2+s3], $0x18000, $0x38;
	[tilespmem:$0x18A00] =	vst v63  }
0x11: {  	_ =	swait.ge [sflag:s6], $0x18000  }
0x12: {  	[sflag:s6] =	ssyncset.done $0x0  }
0x13: {  	s9 =	simm.s32 $0x20;
	s10 =	simm.s32 $0x0;
	[sflag:s6] =	ssyncadd.s32 $0xFFFE8000  }
.LBB2_2:
0x14: {  	v2 =	vld [tilespmem:s9+$0xFFFFFFE0];
	_ =	sdelay $0x4  }
0x15: {  	(v2sf) =	vpush v2, $0x0;
	_ =	sdelay $0x1  }
0x16: {  	(v2sf) =	vpush v2, $0x1;
	_ =	sdelay $0x1  }
0x17: {  	(v2sf) =	vpush v2, $0x2;
	_ =	sdelay $0x1  }
0x18: {  	(v2sf) =	vpush v2, $0x3;
	_ =	sdelay $0x1  }
0x19: {  	(v2sf) =	vpush v2, $0x4;
	_ =	sdelay $0x1  }
0x1a: {  	(v2sf) =	vpush v2, $0x5;
	_ =	sdelay $0x1  }
0x1b: {  	(v2sf) =	vpush v2, $0x6;
	_ =	sdelay $0x1  }
0x1c: {  	(v2sf) =	vpush v2, $0x7  }
0x1d: {  	s11 =	spop (v2sf)  }
0x1e: {  	(v2sf) =	vpush v2, $0x8;
	s12 =	sshll.u32 s11, $0x3  }
0x1f: {  	s13 =	sand.u32 $0x70, s11;
	s14 =	spop (v2sf);
	s11 =	sand.u32 $0xF, s11  }
0x20: {  	(v2sf) =	vpush v2, $0x9;
	s12 =	sand.u32 $0xFFFFFC00, s12;
	s23 =	sshll.u32 s14, $0x3;
	s15 =	sand.u32 $0x70, s14  }
0x21: {  	s16 =	spop (v2sf);
	s14 =	sand.u32 $0xF, s14;
	s12 =	sor.u32 s13, s12  }
0x22: {  	(v2sf) =	vpush v2, $0xA;
	s13 =	sand.u32 $0xFFFFFC00, s23;
	s24 =	sshll.u32 s16, $0x3;
	s17 =	sand.u32 $0x70, s16  }
0x23: {  	s18 =	spop (v2sf);
	s16 =	sand.u32 $0xF, s16;
	s13 =	sor.u32 s15, s13  }
0x24: {  	(v2sf) =	vpush v2, $0xB;
	s15 =	sand.u32 $0xFFFFFC00, s24;
	s25 =	sshll.u32 s18, $0x3;
	s19 =	sand.u32 $0x70, s18  }
0x25: {  	s20 =	spop (v2sf);
	s18 =	sand.u32 $0xF, s18;
	s15 =	sor.u32 s17, s15  }
0x26: {  	(v2sf) =	vpush v2, $0xC;
	s17 =	sand.u32 $0xFFFFFC00, s25;
	s26 =	sshll.u32 s20, $0x3;
	s21 =	sand.u32 $0x70, s20  }
0x27: {  	s22 =	spop (v2sf);
	s20 =	sand.u32 $0xF, s20;
	s17 =	sor.u32 s19, s17  }
0x28: {  	(v2sf) =	vpush v2, $0xD;
	s19 =	sand.u32 $0xFFFFFC00, s26;
	s28 =	sshll.u32 s22, $0x3;
	s23 =	sand.u32 $0x70, s22  }
0x29: {  	s24 =	spop (v2sf);
	s22 =	sand.u32 $0xF, s22;
	s19 =	sor.u32 s21, s19  }
0x2a: {  	(v2sf) =	vpush v2, $0xE;
	s21 =	sand.u32 $0xFFFFFC00, s28;
	s29 =	sshll.u32 s24, $0x3;
	s25 =	sand.u32 $0x70, s24  }
0x2b: {  	s26 =	spop (v2sf);
	(v2sf) =	vpush v2, $0xF;
	s24 =	sand.u32 $0xF, s24;
	s21 =	sor.u32 s23, s21  }
0x2c: {  	v2 =	vmov s11;
	s23 =	sand.u32 $0xFFFFFC00, s29;
	s30 =	sshll.u32 s26, $0x3;
	s31 =	sand.u32 $0x70, s26  }
0x2d: {  	s28 =	spop (v2sf);
	vm0 =	veq.s32 v2, v0;
	v2 =	vmov s14;
	s14 =	sand.u32 $0xF, s26;
	s23 =	sor.u32 s25, s23  }
0x2e: {  	s25 =	sand.u32 $0xFFFFFC00, s30;
	s26 =	sshll.u32 s28, $0x3;
	s29 =	sand.u32 $0x70, s28  }
0x2f: {  	v3 =	vsel vm0, $0x1, v1;
	vm9 =	veq.s32 v2, v0;
	v2 =	vmov s16;
	s30 =	spop (v2sf);
	s11 =	sor.u32 s31, s25;
	s25 =	sand.u32 $0xFFFFFC00, s26  }
0x30: {  	[tilespmem:s12+$0xA00] =	vst v3;
	v3 =	vsel vm9, $0x1, v1;
	vm10 =	veq.s32 v2, v0;
	v2 =	vmov s18;
	s12 =	sand.u32 $0xF, s28;
	s31 =	sshll.u32 s30, $0x3;
	s16 =	sor.u32 s29, s25  }
0x31: {  	[tilespmem:s13+$0xA80] =	vst v3;
	v3 =	vsel vm10, $0x1, v1;
	vm11 =	veq.s32 v2, v0;
	v2 =	vmov s20;
	s20 =	sand.u32 $0x70, s30;
	s18 =	sand.u32 $0xFFFFFC00, s31;
	s25 =	spop (v2sf)  }
0x32: {  	s26 =	sand.u32 $0xF, s30;
	[tilespmem:s15+$0xB00] =	vst v3;
	v3 =	vsel vm11, $0x1, v1;
	vm12 =	veq.s32 v2, v0;
	v2 =	vmov s22;
	s13 =	sor.u32 s20, s18;
	s28 =	sshll.u32 s25, $0x3  }
0x33: {  	s29 =	sand.u32 $0x70, s25;
	[tilespmem:s17+$0xB80] =	vst v3;
	v3 =	vsel vm12, $0x1, v1;
	vm13 =	veq.s32 v2, v0;
	v2 =	vmov s24;
	s18 =	sand.u32 $0xFFFFFC00, s28;
	s30 =	spop (v2sf)  }
0x34: {  	s31 =	sand.u32 $0xF, s25;
	[tilespmem:s19+$0xC00] =	vst v3;
	v3 =	vsel vm13, $0x1, v1;
	vm14 =	veq.s32 v2, v0;
	v2 =	vmov s14;
	s17 =	sor.u32 s29, s18;
	s19 =	sshll.u32 s30, $0x3  }
0x35: {  	[tilespmem:s21+$0xC80] =	vst v3;
	v3 =	vsel vm14, $0x1, v1;
	vm15 =	veq.s32 v2, v0;
	v2 =	vmov s12;
	s20 =	sand.u32 $0x70, s30;
	s21 =	spop (v2sf);
	s24 =	sand.u32 $0xF, s30  }
0x36: {  	[tilespmem:s23+$0xD00] =	vst v3;
	v3 =	vsel vm15, $0x1, v1;
	vm4 =	veq.s32 v2, v0;
	v2 =	vmov s26;
	s18 =	sand.u32 $0xFFFFFC00, s19;
	s25 =	sshll.u32 s21, $0x3;
	s26 =	sand.u32 $0x70, s21  }
0x37: {  	[tilespmem:s11+$0xD80] =	vst v3;
	v3 =	vsel vm4, $0x1, v1;
	vm5 =	veq.s32 v2, v0;
	v2 =	vmov s31;
	s30 =	sand.u32 $0xF, s21;
	s28 =	sand.u32 $0xFFFFFC00, s25;
	s29 =	spop (v2sf)  }
0x38: {  	[tilespmem:s16+$0x2A00] =	vst v3;
	v3 =	vsel vm5, $0x1, v1;
	vm6 =	veq.s32 v2, v0;
	v2 =	vmov s24;
	s12 =	sor.u32 s20, s18;
	s11 =	sor.u32 s26, s28;
	s31 =	sand.u32 $0xF, s29  }
0x39: {  	[tilespmem:s13+$0x2A80] =	vst v3;
	v3 =	vsel vm6, $0x1, v1;
	vm7 =	veq.s32 v2, v0;
	v2 =	vmov s30;
	s16 =	sand.u32 $0x70, s29;
	s19 =	sshll.u32 s29, $0x3;
	s20 =	spop (v2sf)  }
0x3a: {  	[tilespmem:s17+$0x2B00] =	vst v3;
	v3 =	vsel vm7, $0x1, v1;
	vm8 =	veq.s32 v2, v0;
	v2 =	vmov s31;
	s21 =	sand.u32 $0xFFFFFC00, s19;
	s22 =	sand.u32 $0xF, s20;
	s23 =	spop (v2sf)  }
0x3b: {  	[tilespmem:s12+$0x2B80] =	vst v3;
	v3 =	vsel vm8, $0x1, v1;
	s25 =	sshll.u32 s20, $0x3;
	s28 =	sand.u32 $0x70, s20;
	vm9 =	veq.s32 v2, v0;
	v2 =	vmov s22;
	s26 =	sand.u32 $0xF, s23  }
0x3c: {  	[tilespmem:s11+$0x2C00] =	vst v3;
	s24 =	sor.u32 s16, s21;
	s13 =	sand.u32 $0xFFFFFC00, s25;
	s29 =	sshll.u32 s23, $0x3;
	v3 =	vsel vm9, $0x1, v1;
	vm10 =	veq.s32 v2, v0;
	v2 =	vmov s26  }
0x3d: {  	s30 =	sand.u32 $0x70, s23;
	s11 =	sor.u32 s28, s13;
	s31 =	sand.u32 $0xFFFFFC00, s29;
	[tilespmem:s24+$0x2C80] =	vst v3;
	v3 =	vsel vm10, $0x1, v1;
	vm11 =	veq.s32 v2, v0  }
0x3e: {  	s14 =	sor.u32 s30, s31;
	[tilespmem:s11+$0x2D00] =	vst v3;
	v2 =	vsel vm11, $0x1, v1  }
0x3f: {  	[tilespmem:s14+$0x2D80] =	vst v2  }
0x40: {  	v2 =	vld [tilespmem:s9+$0xFFFFFFF0];
	_ =	sdelay $0x4  }
0x41: {  	(v2sf) =	vpush v2, $0x0;
	_ =	sdelay $0x1  }
0x42: {  	(v2sf) =	vpush v2, $0x1;
	_ =	sdelay $0x1  }
0x43: {  	(v2sf) =	vpush v2, $0x2;
	_ =	sdelay $0x1  }
0x44: {  	(v2sf) =	vpush v2, $0x3;
	_ =	sdelay $0x1  }
0x45: {  	(v2sf) =	vpush v2, $0x4;
	_ =	sdelay $0x1  }
0x46: {  	(v2sf) =	vpush v2, $0x5;
	_ =	sdelay $0x1  }
0x47: {  	(v2sf) =	vpush v2, $0x6;
	_ =	sdelay $0x1  }
0x48: {  	(v2sf) =	vpush v2, $0x7  }
0x49: {  	s15 =	spop (v2sf)  }
0x4a: {  	(v2sf) =	vpush v2, $0x8;
	s16 =	sshll.u32 s15, $0x3  }
0x4b: {  	s17 =	sand.u32 $0x70, s15;
	s18 =	spop (v2sf);
	s11 =	sand.u32 $0xF, s15  }
0x4c: {  	(v2sf) =	vpush v2, $0x9;
	s12 =	sand.u32 $0xFFFFFC00, s16;
	s19 =	sshll.u32 s18, $0x3;
	s20 =	sand.u32 $0x70, s18  }
0x4d: {  	s21 =	spop (v2sf);
	s14 =	sand.u32 $0xF, s18;
	s12 =	sor.u32 s17, s12  }
0x4e: {  	(v2sf) =	vpush v2, $0xA;
	s13 =	sand.u32 $0xFFFFFC00, s19;
	s22 =	sshll.u32 s21, $0x3;
	s23 =	sand.u32 $0x70, s21  }
0x4f: {  	s24 =	spop (v2sf);
	s16 =	sand.u32 $0xF, s21;
	s13 =	sor.u32 s20, s13  }
0x50: {  	(v2sf) =	vpush v2, $0xB;
	s15 =	sand.u32 $0xFFFFFC00, s22;
	s25 =	sshll.u32 s24, $0x3;
	s26 =	sand.u32 $0x70, s24  }
0x51: {  	s28 =	spop (v2sf);
	s18 =	sand.u32 $0xF, s24;
	s15 =	sor.u32 s23, s15  }
0x52: {  	(v2sf) =	vpush v2, $0xC;
	s17 =	sand.u32 $0xFFFFFC00, s25;
	s29 =	sshll.u32 s28, $0x3;
	s30 =	sand.u32 $0x70, s28  }
0x53: {  	s31 =	spop (v2sf);
	s20 =	sand.u32 $0xF, s28;
	s17 =	sor.u32 s26, s17  }
0x54: {  	(v2sf) =	vpush v2, $0xD;
	s19 =	sand.u32 $0xFFFFFC00, s29;
	s23 =	sshll.u32 s31, $0x3;
	s24 =	sand.u32 $0x70, s31  }
0x55: {  	s25 =	spop (v2sf);
	s22 =	sand.u32 $0xF, s31;
	s19 =	sor.u32 s30, s19  }
0x56: {  	(v2sf) =	vpush v2, $0xE;
	s21 =	sand.u32 $0xFFFFFC00, s23;
	s26 =	sshll.u32 s25, $0x3;
	s28 =	sand.u32 $0x70, s25  }
0x57: {  	(v2sf) =	vpush v2, $0xF;
	s21 =	sor.u32 s24, s21;
	s23 =	sand.u32 $0xFFFFFC00, s26;
	s26 =	spop (v2sf)  }
0x58: {  	v2 =	vmov s11;
	s24 =	sand.u32 $0xF, s25;
	s23 =	sor.u32 s28, s23;
	s29 =	sshll.u32 s26, $0x3  }
0x59: {  	vm12 =	veq.s32 v2, v0;
	v2 =	vmov s14;
	s30 =	sand.u32 $0x70, s26;
	s31 =	spop (v2sf);
	s14 =	sand.u32 $0xF, s26  }
0x5a: {  	s25 =	sand.u32 $0xFFFFFC00, s29;
	s26 =	sshll.u32 s31, $0x3;
	s29 =	sand.u32 $0x70, s31  }
0x5b: {  	v3 =	vsel vm12, $0x1, v1;
	vm13 =	veq.s32 v2, v0;
	v2 =	vmov s16;
	s11 =	sor.u32 s30, s25;
	s25 =	sand.u32 $0xFFFFFC00, s26;
	s30 =	spop (v2sf)  }
0x5c: {  	[tilespmem:s12+$0x4A00] =	vst v3;
	v3 =	vsel vm13, $0x1, v1;
	vm14 =	veq.s32 v2, v0;
	v2 =	vmov s18;
	s12 =	sand.u32 $0xF, s31;
	s16 =	sor.u32 s29, s25;
	s31 =	sshll.u32 s30, $0x3  }
0x5d: {  	[tilespmem:s13+$0x4A80] =	vst v3;
	v3 =	vsel vm14, $0x1, v1;
	vm15 =	veq.s32 v2, v0;
	v2 =	vmov s20;
	s20 =	sand.u32 $0x70, s30;
	s25 =	spop (v2sf);
	s26 =	sand.u32 $0xF, s30  }
0x5e: {  	[tilespmem:s15+$0x4B00] =	vst v3;
	v3 =	vsel vm15, $0x1, v1;
	vm4 =	veq.s32 v2, v0;
	v2 =	vmov s22;
	s18 =	sand.u32 $0xFFFFFC00, s31;
	s28 =	sshll.u32 s25, $0x3;
	s29 =	sand.u32 $0x70, s25  }
0x5f: {  	[tilespmem:s17+$0x4B80] =	vst v3;
	v3 =	vsel vm4, $0x1, v1;
	vm5 =	veq.s32 v2, v0;
	v2 =	vmov s24;
	s13 =	sor.u32 s20, s18;
	s18 =	sand.u32 $0xFFFFFC00, s28;
	s30 =	spop (v2sf)  }
0x60: {  	[tilespmem:s19+$0x6A00] =	vst v3;
	v3 =	vsel vm5, $0x1, v1;
	vm6 =	veq.s32 v2, v0;
	v2 =	vmov s14;
	s31 =	sand.u32 $0xF, s25;
	s17 =	sor.u32 s29, s18;
	s19 =	sshll.u32 s30, $0x3  }
0x61: {  	[tilespmem:s21+$0x6A80] =	vst v3;
	v3 =	vsel vm6, $0x1, v1;
	vm7 =	veq.s32 v2, v0;
	v2 =	vmov s12;
	s20 =	sand.u32 $0x70, s30;
	s21 =	spop (v2sf);
	s24 =	sand.u32 $0xF, s30  }
0x62: {  	[tilespmem:s23+$0x6B00] =	vst v3;
	v3 =	vsel vm7, $0x1, v1;
	vm8 =	veq.s32 v2, v0;
	v2 =	vmov s26;
	s18 =	sand.u32 $0xFFFFFC00, s19;
	s25 =	sshll.u32 s21, $0x3;
	s26 =	sand.u32 $0x70, s21  }
0x63: {  	[tilespmem:s11+$0x6B80] =	vst v3;
	v3 =	vsel vm8, $0x1, v1;
	vm9 =	veq.s32 v2, v0;
	v2 =	vmov s31;
	s30 =	sand.u32 $0xF, s21;
	s28 =	sand.u32 $0xFFFFFC00, s25;
	s29 =	spop (v2sf)  }
0x64: {  	[tilespmem:s16+$0x6C00] =	vst v3;
	v3 =	vsel vm9, $0x1, v1;
	vm10 =	veq.s32 v2, v0;
	v2 =	vmov s24;
	s12 =	sor.u32 s20, s18;
	s11 =	sor.u32 s26, s28;
	s31 =	sand.u32 $0xF, s29  }
0x65: {  	[tilespmem:s13+$0x6C80] =	vst v3;
	v3 =	vsel vm10, $0x1, v1;
	vm11 =	veq.s32 v2, v0;
	v2 =	vmov s30;
	s16 =	sand.u32 $0x70, s29;
	s19 =	sshll.u32 s29, $0x3;
	s20 =	spop (v2sf)  }
0x66: {  	[tilespmem:s17+$0x6D00] =	vst v3;
	v3 =	vsel vm11, $0x1, v1;
	vm12 =	veq.s32 v2, v0;
	v2 =	vmov s31;
	s21 =	sand.u32 $0xFFFFFC00, s19;
	s22 =	sand.u32 $0xF, s20;
	s23 =	spop (v2sf)  }
0x67: {  	[tilespmem:s12+$0x6D80] =	vst v3;
	v3 =	vsel vm12, $0x1, v1;
	s25 =	sshll.u32 s20, $0x3;
	s28 =	sand.u32 $0x70, s20;
	vm13 =	veq.s32 v2, v0;
	v2 =	vmov s22;
	s26 =	sand.u32 $0xF, s23  }
0x68: {  	[tilespmem:s11+$0x8A00] =	vst v3;
	s24 =	sor.u32 s16, s21;
	s13 =	sand.u32 $0xFFFFFC00, s25;
	s29 =	sshll.u32 s23, $0x3;
	v3 =	vsel vm13, $0x1, v1;
	vm14 =	veq.s32 v2, v0;
	v2 =	vmov s26  }
0x69: {  	s30 =	sand.u32 $0x70, s23;
	s11 =	sor.u32 s28, s13;
	s31 =	sand.u32 $0xFFFFFC00, s29;
	[tilespmem:s24+$0x8A80] =	vst v3;
	v3 =	vsel vm14, $0x1, v1;
	vm15 =	veq.s32 v2, v0  }
0x6a: {  	s14 =	sor.u32 s30, s31;
	[tilespmem:s11+$0x8B00] =	vst v3;
	v2 =	vsel vm15, $0x1, v1  }
0x6b: {  	[tilespmem:s14+$0x8B80] =	vst v2  }
0x6c: {  	v2 =	vld [tilespmem:s9+$0x0];
	_ =	sdelay $0x4  }
0x6d: {  	(v2sf) =	vpush v2, $0x0;
	_ =	sdelay $0x1  }
0x6e: {  	(v2sf) =	vpush v2, $0x1;
	_ =	sdelay $0x1  }
0x6f: {  	(v2sf) =	vpush v2, $0x2;
	_ =	sdelay $0x1  }
0x70: {  	(v2sf) =	vpush v2, $0x3;
	_ =	sdelay $0x1  }
0x71: {  	(v2sf) =	vpush v2, $0x4;
	_ =	sdelay $0x1  }
0x72: {  	(v2sf) =	vpush v2, $0x5;
	_ =	sdelay $0x1  }
0x73: {  	(v2sf) =	vpush v2, $0x6;
	_ =	sdelay $0x1  }
0x74: {  	(v2sf) =	vpush v2, $0x7  }
0x75: {  	s15 =	spop (v2sf)  }
0x76: {  	(v2sf) =	vpush v2, $0x8;
	s16 =	sshll.u32 s15, $0x3  }
0x77: {  	s17 =	sand.u32 $0x70, s15;
	s18 =	spop (v2sf);
	s11 =	sand.u32 $0xF, s15  }
0x78: {  	(v2sf) =	vpush v2, $0x9;
	s12 =	sand.u32 $0xFFFFFC00, s16;
	s19 =	sshll.u32 s18, $0x3;
	s20 =	sand.u32 $0x70, s18  }
0x79: {  	s21 =	spop (v2sf);
	s14 =	sand.u32 $0xF, s18;
	s12 =	sor.u32 s17, s12  }
0x7a: {  	(v2sf) =	vpush v2, $0xA;
	s13 =	sand.u32 $0xFFFFFC00, s19;
	s22 =	sshll.u32 s21, $0x3;
	s23 =	sand.u32 $0x70, s21  }
0x7b: {  	s24 =	spop (v2sf);
	s16 =	sand.u32 $0xF, s21;
	s13 =	sor.u32 s20, s13  }
0x7c: {  	(v2sf) =	vpush v2, $0xB;
	s15 =	sand.u32 $0xFFFFFC00, s22;
	s25 =	sshll.u32 s24, $0x3;
	s26 =	sand.u32 $0x70, s24  }
0x7d: {  	s28 =	spop (v2sf);
	s18 =	sand.u32 $0xF, s24;
	s15 =	sor.u32 s23, s15  }
0x7e: {  	(v2sf) =	vpush v2, $0xC;
	s17 =	sand.u32 $0xFFFFFC00, s25;
	s29 =	sshll.u32 s28, $0x3;
	s30 =	sand.u32 $0x70, s28  }
0x7f: {  	s31 =	spop (v2sf);
	s20 =	sand.u32 $0xF, s28;
	s17 =	sor.u32 s26, s17  }
0x80: {  	(v2sf) =	vpush v2, $0xD;
	s19 =	sand.u32 $0xFFFFFC00, s29;
	s23 =	sshll.u32 s31, $0x3;
	s24 =	sand.u32 $0x70, s31  }
0x81: {  	s25 =	spop (v2sf);
	s22 =	sand.u32 $0xF, s31;
	s19 =	sor.u32 s30, s19  }
0x82: {  	(v2sf) =	vpush v2, $0xE;
	s21 =	sand.u32 $0xFFFFFC00, s23;
	s26 =	sshll.u32 s25, $0x3;
	s28 =	sand.u32 $0x70, s25  }
0x83: {  	(v2sf) =	vpush v2, $0xF;
	s21 =	sor.u32 s24, s21;
	s23 =	sand.u32 $0xFFFFFC00, s26;
	s26 =	spop (v2sf)  }
0x84: {  	v2 =	vmov s11;
	s24 =	sand.u32 $0xF, s25;
	s23 =	sor.u32 s28, s23;
	s29 =	sshll.u32 s26, $0x3  }
0x85: {  	vm4 =	veq.s32 v2, v0;
	v2 =	vmov s14;
	s30 =	sand.u32 $0x70, s26;
	s31 =	spop (v2sf);
	s14 =	sand.u32 $0xF, s26  }
0x86: {  	s25 =	sand.u32 $0xFFFFFC00, s29;
	s26 =	sshll.u32 s31, $0x3;
	s29 =	sand.u32 $0x70, s31  }
0x87: {  	v3 =	vsel vm4, $0x1, v1;
	vm5 =	veq.s32 v2, v0;
	v2 =	vmov s16;
	s11 =	sor.u32 s30, s25;
	s25 =	sand.u32 $0xFFFFFC00, s26;
	s30 =	spop (v2sf)  }
0x88: {  	[tilespmem:s12+$0x8C00] =	vst v3;
	v3 =	vsel vm5, $0x1, v1;
	vm6 =	veq.s32 v2, v0;
	v2 =	vmov s18;
	s12 =	sand.u32 $0xF, s31;
	s16 =	sor.u32 s29, s25;
	s31 =	sshll.u32 s30, $0x3  }
0x89: {  	[tilespmem:s13+$0x8C80] =	vst v3;
	v3 =	vsel vm6, $0x1, v1;
	vm7 =	veq.s32 v2, v0;
	v2 =	vmov s20;
	s20 =	sand.u32 $0x70, s30;
	s25 =	spop (v2sf);
	s26 =	sand.u32 $0xF, s30  }
0x8a: {  	[tilespmem:s15+$0x8D00] =	vst v3;
	v3 =	vsel vm7, $0x1, v1;
	vm8 =	veq.s32 v2, v0;
	v2 =	vmov s22;
	s18 =	sand.u32 $0xFFFFFC00, s31;
	s28 =	sshll.u32 s25, $0x3;
	s29 =	sand.u32 $0x70, s25  }
0x8b: {  	[tilespmem:s17+$0x8D80] =	vst v3;
	v3 =	vsel vm8, $0x1, v1;
	vm9 =	veq.s32 v2, v0;
	v2 =	vmov s24;
	s13 =	sor.u32 s20, s18;
	s18 =	sand.u32 $0xFFFFFC00, s28;
	s30 =	spop (v2sf)  }
0x8c: {  	[tilespmem:s19+$0xAA00] =	vst v3;
	v3 =	vsel vm9, $0x1, v1;
	vm10 =	veq.s32 v2, v0;
	v2 =	vmov s14;
	s31 =	sand.u32 $0xF, s25;
	s17 =	sor.u32 s29, s18;
	s19 =	sshll.u32 s30, $0x3  }
0x8d: {  	[tilespmem:s21+$0xAA80] =	vst v3;
	v3 =	vsel vm10, $0x1, v1;
	vm11 =	veq.s32 v2, v0;
	v2 =	vmov s12;
	s20 =	sand.u32 $0x70, s30;
	s21 =	spop (v2sf);
	s24 =	sand.u32 $0xF, s30  }
0x8e: {  	[tilespmem:s23+$0xAB00] =	vst v3;
	v3 =	vsel vm11, $0x1, v1;
	vm12 =	veq.s32 v2, v0;
	v2 =	vmov s26;
	s18 =	sand.u32 $0xFFFFFC00, s19;
	s25 =	sshll.u32 s21, $0x3;
	s26 =	sand.u32 $0x70, s21  }
0x8f: {  	[tilespmem:s11+$0xAB80] =	vst v3;
	v3 =	vsel vm12, $0x1, v1;
	vm13 =	veq.s32 v2, v0;
	v2 =	vmov s31;
	s30 =	sand.u32 $0xF, s21;
	s28 =	sand.u32 $0xFFFFFC00, s25;
	s29 =	spop (v2sf)  }
0x90: {  	[tilespmem:s16+$0xCA00] =	vst v3;
	v3 =	vsel vm13, $0x1, v1;
	vm14 =	veq.s32 v2, v0;
	v2 =	vmov s24;
	s12 =	sor.u32 s20, s18;
	s11 =	sor.u32 s26, s28;
	s31 =	sand.u32 $0xF, s29  }
0x91: {  	[tilespmem:s13+$0xCA80] =	vst v3;
	v3 =	vsel vm14, $0x1, v1;
	vm15 =	veq.s32 v2, v0;
	v2 =	vmov s30;
	s16 =	sand.u32 $0x70, s29;
	s19 =	sshll.u32 s29, $0x3;
	s20 =	spop (v2sf)  }
0x92: {  	[tilespmem:s17+$0xCB00] =	vst v3;
	v3 =	vsel vm15, $0x1, v1;
	vm4 =	veq.s32 v2, v0;
	v2 =	vmov s31;
	s21 =	sand.u32 $0xFFFFFC00, s19;
	s22 =	sand.u32 $0xF, s20;
	s23 =	spop (v2sf)  }
0x93: {  	[tilespmem:s12+$0xCB80] =	vst v3;
	v3 =	vsel vm4, $0x1, v1;
	s25 =	sshll.u32 s20, $0x3;
	s28 =	sand.u32 $0x70, s20;
	vm5 =	veq.s32 v2, v0;
	v2 =	vmov s22;
	s26 =	sand.u32 $0xF, s23  }
0x94: {  	[tilespmem:s11+$0xCC00] =	vst v3;
	s24 =	sor.u32 s16, s21;
	s13 =	sand.u32 $0xFFFFFC00, s25;
	s29 =	sshll.u32 s23, $0x3;
	v3 =	vsel vm5, $0x1, v1;
	vm6 =	veq.s32 v2, v0;
	v2 =	vmov s26  }
0x95: {  	s30 =	sand.u32 $0x70, s23;
	s11 =	sor.u32 s28, s13;
	s31 =	sand.u32 $0xFFFFFC00, s29;
	[tilespmem:s24+$0xCC80] =	vst v3;
	v3 =	vsel vm6, $0x1, v1;
	vm7 =	veq.s32 v2, v0  }
0x96: {  	s14 =	sor.u32 s30, s31;
	[tilespmem:s11+$0xCD00] =	vst v3;
	v2 =	vsel vm7, $0x1, v1  }
0x97: {  	[tilespmem:s14+$0xCD80] =	vst v2  }
0x98: {  	v2 =	vld [tilespmem:s9+$0x10];
	_ =	sdelay $0x4  }
0x99: {  	(v2sf) =	vpush v2, $0x0;
	_ =	sdelay $0x1  }
0x9a: {  	(v2sf) =	vpush v2, $0x1;
	_ =	sdelay $0x1  }
0x9b: {  	(v2sf) =	vpush v2, $0x2;
	_ =	sdelay $0x1  }
0x9c: {  	(v2sf) =	vpush v2, $0x3;
	_ =	sdelay $0x1  }
0x9d: {  	(v2sf) =	vpush v2, $0x4;
	_ =	sdelay $0x1  }
0x9e: {  	(v2sf) =	vpush v2, $0x5;
	_ =	sdelay $0x1  }
0x9f: {  	(v2sf) =	vpush v2, $0x6;
	_ =	sdelay $0x1  }
0xa0: {  	(v2sf) =	vpush v2, $0x7  }
0xa1: {  	s15 =	spop (v2sf)  }
0xa2: {  	(v2sf) =	vpush v2, $0x8;
	s16 =	sshll.u32 s15, $0x3  }
0xa3: {  	s17 =	sand.u32 $0x70, s15;
	s18 =	spop (v2sf);
	s11 =	sand.u32 $0xF, s15  }
0xa4: {  	(v2sf) =	vpush v2, $0x9;
	s12 =	sand.u32 $0xFFFFFC00, s16;
	s19 =	sshll.u32 s18, $0x3;
	s20 =	sand.u32 $0x70, s18  }
0xa5: {  	s21 =	spop (v2sf);
	s14 =	sand.u32 $0xF, s18;
	s12 =	sor.u32 s17, s12  }
0xa6: {  	(v2sf) =	vpush v2, $0xA;
	s13 =	sand.u32 $0xFFFFFC00, s19;
	s22 =	sshll.u32 s21, $0x3;
	s23 =	sand.u32 $0x70, s21  }
0xa7: {  	s24 =	spop (v2sf);
	s16 =	sand.u32 $0xF, s21;
	s13 =	sor.u32 s20, s13  }
0xa8: {  	(v2sf) =	vpush v2, $0xB;
	s15 =	sand.u32 $0xFFFFFC00, s22;
	s25 =	sshll.u32 s24, $0x3;
	s26 =	sand.u32 $0x70, s24  }
0xa9: {  	s28 =	spop (v2sf);
	s18 =	sand.u32 $0xF, s24;
	s15 =	sor.u32 s23, s15  }
0xaa: {  	(v2sf) =	vpush v2, $0xC;
	s17 =	sand.u32 $0xFFFFFC00, s25;
	s29 =	sshll.u32 s28, $0x3;
	s30 =	sand.u32 $0x70, s28  }
0xab: {  	s31 =	spop (v2sf);
	s20 =	sand.u32 $0xF, s28;
	s17 =	sor.u32 s26, s17  }
0xac: {  	(v2sf) =	vpush v2, $0xD;
	s19 =	sand.u32 $0xFFFFFC00, s29;
	s23 =	sshll.u32 s31, $0x3;
	s24 =	sand.u32 $0x70, s31  }
0xad: {  	s25 =	spop (v2sf);
	s22 =	sand.u32 $0xF, s31;
	s19 =	sor.u32 s30, s19  }
0xae: {  	(v2sf) =	vpush v2, $0xE;
	s21 =	sand.u32 $0xFFFFFC00, s23;
	s26 =	sshll.u32 s25, $0x3;
	s28 =	sand.u32 $0x70, s25  }
0xaf: {  	(v2sf) =	vpush v2, $0xF;
	s21 =	sor.u32 s24, s21;
	s23 =	sand.u32 $0xFFFFFC00, s26;
	s26 =	spop (v2sf)  }
0xb0: {  	v2 =	vmov s11;
	s24 =	sand.u32 $0xF, s25;
	s23 =	sor.u32 s28, s23;
	s29 =	sshll.u32 s26, $0x3  }
0xb1: {  	vm8 =	veq.s32 v2, v0;
	v2 =	vmov s14;
	s30 =	sand.u32 $0x70, s26;
	s31 =	spop (v2sf);
	s14 =	sand.u32 $0xF, s26  }
0xb2: {  	s25 =	sand.u32 $0xFFFFFC00, s29;
	s26 =	sshll.u32 s31, $0x3;
	s29 =	sand.u32 $0x70, s31  }
0xb3: {  	v3 =	vsel vm8, $0x1, v1;
	vm9 =	veq.s32 v2, v0;
	v2 =	vmov s16;
	s11 =	sor.u32 s30, s25;
	s25 =	sand.u32 $0xFFFFFC00, s26;
	s30 =	spop (v2sf)  }
0xb4: {  	[tilespmem:s12+$0xEA00] =	vst v3;
	v3 =	vsel vm9, $0x1, v1;
	vm10 =	veq.s32 v2, v0;
	v2 =	vmov s18;
	s12 =	sand.u32 $0xF, s31;
	s16 =	sor.u32 s29, s25;
	s31 =	sshll.u32 s30, $0x3  }
0xb5: {  	[tilespmem:s13+$0xEA80] =	vst v3;
	v3 =	vsel vm10, $0x1, v1;
	vm11 =	veq.s32 v2, v0;
	v2 =	vmov s20;
	s20 =	sand.u32 $0x70, s30;
	s25 =	spop (v2sf);
	s26 =	sand.u32 $0xF, s30  }
0xb6: {  	[tilespmem:s15+$0xEB00] =	vst v3;
	v3 =	vsel vm11, $0x1, v1;
	vm12 =	veq.s32 v2, v0;
	v2 =	vmov s22;
	s18 =	sand.u32 $0xFFFFFC00, s31;
	s28 =	sshll.u32 s25, $0x3;
	s29 =	sand.u32 $0x70, s25  }
0xb7: {  	[tilespmem:s17+$0xEB80] =	vst v3;
	v3 =	vsel vm12, $0x1, v1;
	vm13 =	veq.s32 v2, v0;
	v2 =	vmov s24;
	s13 =	sor.u32 s20, s18;
	s18 =	sand.u32 $0xFFFFFC00, s28;
	s30 =	spop (v2sf)  }
0xb8: {  	[tilespmem:s19+$0xEC00] =	vst v3;
	v3 =	vsel vm13, $0x1, v1;
	vm14 =	veq.s32 v2, v0;
	v2 =	vmov s14;
	s31 =	sand.u32 $0xF, s25;
	s17 =	sor.u32 s29, s18;
	s19 =	sshll.u32 s30, $0x3  }
0xb9: {  	[tilespmem:s21+$0xEC80] =	vst v3;
	v3 =	vsel vm14, $0x1, v1;
	vm15 =	veq.s32 v2, v0;
	v2 =	vmov s12;
	s20 =	sand.u32 $0x70, s30;
	s21 =	spop (v2sf);
	s24 =	sand.u32 $0xF, s30  }
0xba: {  	[tilespmem:s23+$0xED00] =	vst v3;
	v3 =	vsel vm15, $0x1, v1;
	vm4 =	veq.s32 v2, v0;
	v2 =	vmov s26;
	s18 =	sand.u32 $0xFFFFFC00, s19;
	s25 =	sshll.u32 s21, $0x3;
	s26 =	sand.u32 $0x70, s21  }
0xbb: {  	[tilespmem:s11+$0xED80] =	vst v3;
	v3 =	vsel vm4, $0x1, v1;
	vm5 =	veq.s32 v2, v0;
	v2 =	vmov s31;
	s30 =	sand.u32 $0xF, s21;
	s28 =	sand.u32 $0xFFFFFC00, s25;
	s29 =	spop (v2sf)  }
0xbc: {  	[tilespmem:s16+$0x10A00] =	vst v3;
	v3 =	vsel vm5, $0x1, v1;
	vm6 =	veq.s32 v2, v0;
	v2 =	vmov s24;
	s12 =	sor.u32 s20, s18;
	s11 =	sor.u32 s26, s28;
	s31 =	sand.u32 $0xF, s29  }
0xbd: {  	[tilespmem:s13+$0x10A80] =	vst v3;
	v3 =	vsel vm6, $0x1, v1;
	vm7 =	veq.s32 v2, v0;
	v2 =	vmov s30;
	s16 =	sand.u32 $0x70, s29;
	s19 =	sshll.u32 s29, $0x3;
	s20 =	spop (v2sf)  }
0xbe: {  	[tilespmem:s17+$0x10B00] =	vst v3;
	v3 =	vsel vm7, $0x1, v1;
	vm8 =	veq.s32 v2, v0;
	v2 =	vmov s31;
	s21 =	sand.u32 $0xFFFFFC00, s19;
	s22 =	sand.u32 $0xF, s20;
	s23 =	spop (v2sf)  }
0xbf: {  	[tilespmem:s12+$0x10B80] =	vst v3;
	v3 =	vsel vm8, $0x1, v1;
	s25 =	sshll.u32 s20, $0x3;
	s28 =	sand.u32 $0x70, s20;
	vm9 =	veq.s32 v2, v0;
	v2 =	vmov s22;
	s26 =	sand.u32 $0xF, s23  }
0xc0: {  	[tilespmem:s11+$0x12A00] =	vst v3;
	s24 =	sor.u32 s16, s21;
	s13 =	sand.u32 $0xFFFFFC00, s25;
	s29 =	sshll.u32 s23, $0x3;
	v3 =	vsel vm9, $0x1, v1;
	vm10 =	veq.s32 v2, v0;
	v2 =	vmov s26  }
0xc1: {  	s30 =	sand.u32 $0x70, s23;
	s11 =	sor.u32 s28, s13;
	s31 =	sand.u32 $0xFFFFFC00, s29;
	[tilespmem:s24+$0x12A80] =	vst v3;
	v3 =	vsel vm10, $0x1, v1;
	vm11 =	veq.s32 v2, v0  }
0xc2: {  	s14 =	sor.u32 s30, s31;
	[tilespmem:s11+$0x12B00] =	vst v3;
	v2 =	vsel vm11, $0x1, v1  }
0xc3: {  	[tilespmem:s14+$0x12B80] =	vst v2  }
0xc4: {  	v2 =	vld [tilespmem:s9+$0x20];
	_ =	sdelay $0x4  }
0xc5: {  	(v2sf) =	vpush v2, $0x0;
	_ =	sdelay $0x1  }
0xc6: {  	(v2sf) =	vpush v2, $0x1;
	_ =	sdelay $0x1  }
0xc7: {  	(v2sf) =	vpush v2, $0x2;
	_ =	sdelay $0x1  }
0xc8: {  	(v2sf) =	vpush v2, $0x3;
	_ =	sdelay $0x1  }
0xc9: {  	(v2sf) =	vpush v2, $0x4;
	_ =	sdelay $0x1  }
0xca: {  	(v2sf) =	vpush v2, $0x5;
	_ =	sdelay $0x1  }
0xcb: {  	(v2sf) =	vpush v2, $0x6;
	_ =	sdelay $0x1  }
0xcc: {  	(v2sf) =	vpush v2, $0x7  }
0xcd: {  	s15 =	spop (v2sf)  }
0xce: {  	(v2sf) =	vpush v2, $0x8;
	s12 =	sand.u32 $0xF, s15  }
0xcf: {  	s16 =	sshll.u32 s15, $0x3;
	s11 =	sand.u32 $0x70, s15;
	s17 =	spop (v2sf)  }
0xd0: {  	(v2sf) =	vpush v2, $0x9;
	s13 =	sand.u32 $0xFFFFFC00, s16;
	s18 =	sshll.u32 s17, $0x3;
	s14 =	sand.u32 $0x70, s17  }
0xd1: {  	s19 =	spop (v2sf);
	s11 =	sor.u32 s11, s13;
	s13 =	sand.u32 $0xF, s17  }
0xd2: {  	(v2sf) =	vpush v2, $0xA;
	s15 =	sand.u32 $0xFFFFFC00, s18;
	s20 =	sshll.u32 s19, $0x3;
	s16 =	sand.u32 $0x70, s19  }
0xd3: {  	s21 =	spop (v2sf);
	s14 =	sor.u32 s14, s15;
	s15 =	sand.u32 $0xF, s19  }
0xd4: {  	(v2sf) =	vpush v2, $0xB;
	s17 =	sand.u32 $0xFFFFFC00, s20;
	s22 =	sshll.u32 s21, $0x3;
	s18 =	sand.u32 $0x70, s21  }
0xd5: {  	s23 =	spop (v2sf);
	s16 =	sor.u32 s16, s17;
	s17 =	sand.u32 $0xF, s21  }
0xd6: {  	(v2sf) =	vpush v2, $0xC;
	s19 =	sand.u32 $0xFFFFFC00, s22;
	s24 =	sshll.u32 s23, $0x3;
	s20 =	sand.u32 $0x70, s23  }
0xd7: {  	s25 =	spop (v2sf);
	s18 =	sor.u32 s18, s19;
	s19 =	sand.u32 $0xF, s23  }
0xd8: {  	(v2sf) =	vpush v2, $0xD;
	s21 =	sand.u32 $0xFFFFFC00, s24;
	s26 =	sshll.u32 s25, $0x3;
	s22 =	sand.u32 $0x70, s25  }
0xd9: {  	s28 =	spop (v2sf);
	s20 =	sor.u32 s20, s21;
	s21 =	sand.u32 $0xF, s25  }
0xda: {  	(v2sf) =	vpush v2, $0xE;
	s23 =	sand.u32 $0xFFFFFC00, s26;
	s29 =	sshll.u32 s28, $0x3;
	s24 =	sand.u32 $0x70, s28  }
0xdb: {  	(v2sf) =	vpush v2, $0xF;
	s30 =	spop (v2sf);
	s22 =	sor.u32 s22, s23;
	s25 =	sand.u32 $0xFFFFFC00, s29  }
0xdc: {  	s31 =	sshll.u32 s30, $0x3;
	s26 =	sand.u32 $0x70, s30;
	s24 =	sor.u32 s24, s25  }
0xdd: {  	v2 =	vmov s12;
	s25 =	sand.u32 $0xF, s30;
	s29 =	sand.u32 $0xFFFFFC00, s31;
	s30 =	spop (v2sf)  }
0xde: {  	vm12 =	veq.s32 v2, v0;
	v2 =	vmov s13;
	s23 =	sand.u32 $0xF, s28;
	s12 =	sor.u32 s26, s29;
	s13 =	sand.u32 $0xF, s30  }
0xdf: {  	v3 =	vsel vm12, $0x1, v1;
	vm13 =	veq.s32 v2, v0;
	v2 =	vmov s15;
	s31 =	sshll.u32 s30, $0x3;
	s29 =	sand.u32 $0x70, s30;
	s30 =	spop (v2sf)  }
0xe0: {  	[tilespmem:s11+$0x12C00] =	vst v3;
	v3 =	vsel vm13, $0x1, v1;
	vm14 =	veq.s32 v2, v0;
	v2 =	vmov s17;
	s26 =	sand.u32 $0xFFFFFC00, s31;
	s15 =	sand.u32 $0xF, s30;
	s31 =	sshll.u32 s30, $0x3  }
0xe1: {  	[tilespmem:s14+$0x12C80] =	vst v3;
	v3 =	vsel vm14, $0x1, v1;
	vm15 =	veq.s32 v2, v0;
	v2 =	vmov s19;
	s28 =	spop (v2sf);
	s11 =	sor.u32 s29, s26;
	s26 =	sand.u32 $0x70, s30  }
0xe2: {  	[tilespmem:s16+$0x12D00] =	vst v3;
	v3 =	vsel vm15, $0x1, v1;
	vm4 =	veq.s32 v2, v0;
	v2 =	vmov s21;
	s17 =	sand.u32 $0xFFFFFC00, s31;
	s29 =	sshll.u32 s28, $0x3;
	s30 =	sand.u32 $0x70, s28  }
0xe3: {  	[tilespmem:s18+$0x12D80] =	vst v3;
	v3 =	vsel vm4, $0x1, v1;
	vm5 =	veq.s32 v2, v0;
	v2 =	vmov s23;
	s14 =	sor.u32 s26, s17;
	s17 =	sand.u32 $0xFFFFFC00, s29;
	s31 =	spop (v2sf)  }
0xe4: {  	s16 =	sand.u32 $0xF, s28;
	[tilespmem:s20+$0x14A00] =	vst v3;
	v3 =	vsel vm5, $0x1, v1;
	vm6 =	veq.s32 v2, v0;
	v2 =	vmov s25;
	s17 =	sor.u32 s30, s17;
	s18 =	sand.u32 $0xF, s31  }
0xe5: {  	[tilespmem:s22+$0x14A80] =	vst v3;
	v3 =	vsel vm6, $0x1, v1;
	vm7 =	veq.s32 v2, v0;
	v2 =	vmov s13;
	s21 =	sshll.u32 s31, $0x3;
	s22 =	sand.u32 $0x70, s31;
	s25 =	spop (v2sf)  }
0xe6: {  	[tilespmem:s24+$0x14B00] =	vst v3;
	v3 =	vsel vm7, $0x1, v1;
	vm8 =	veq.s32 v2, v0;
	v2 =	vmov s15;
	s23 =	sand.u32 $0xFFFFFC00, s21;
	s26 =	sand.u32 $0xF, s25;
	s28 =	sshll.u32 s25, $0x3  }
0xe7: {  	[tilespmem:s12+$0x14B80] =	vst v3;
	v3 =	vsel vm8, $0x1, v1;
	vm9 =	veq.s32 v2, v0;
	v2 =	vmov s16;
	s29 =	sand.u32 $0x70, s25;
	s30 =	sand.u32 $0xFFFFFC00, s28;
	s31 =	spop (v2sf)  }
0xe8: {  	[tilespmem:s11+$0x14C00] =	vst v3;
	v3 =	vsel vm9, $0x1, v1;
	vm10 =	veq.s32 v2, v0;
	v2 =	vmov s18;
	s13 =	sor.u32 s22, s23;
	s18 =	sor.u32 s29, s30;
	s20 =	sand.u32 $0xF, s31  }
0xe9: {  	[tilespmem:s14+$0x14C80] =	vst v3;
	v3 =	vsel vm10, $0x1, v1;
	vm11 =	veq.s32 v2, v0;
	v2 =	vmov s26;
	s21 =	sshll.u32 s31, $0x3;
	s22 =	sand.u32 $0x70, s31;
	s24 =	spop (v2sf)  }
0xea: {  	[tilespmem:s17+$0x14D00] =	vst v3;
	v3 =	vsel vm11, $0x1, v1;
	vm12 =	veq.s32 v2, v0;
	s23 =	sand.u32 $0xFFFFFC00, s21;
	v2 =	vmov s20;
	s26 =	sand.u32 $0xF, s24;
	s28 =	spop (v2sf)  }
0xeb: {  	[tilespmem:s13+$0x14D80] =	vst v3;
	v3 =	vsel vm12, $0x1, v1;
	s29 =	sand.u32 $0x70, s24;
	s30 =	sshll.u32 s24, $0x3;
	vm13 =	veq.s32 v2, v0;
	v2 =	vmov s26;
	s31 =	sand.u32 $0xF, s28  }
0xec: {  	[tilespmem:s18+$0x16A00] =	vst v3;
	s25 =	sor.u32 s22, s23;
	s14 =	sand.u32 $0xFFFFFC00, s30;
	s16 =	sshll.u32 s28, $0x3;
	v3 =	vsel vm13, $0x1, v1;
	vm14 =	veq.s32 v2, v0;
	v2 =	vmov s31  }
0xed: {  	s18 =	sand.u32 $0x70, s28;
	s11 =	sor.u32 s29, s14;
	s19 =	sand.u32 $0xFFFFFC00, s16;
	[tilespmem:s25+$0x16A80] =	vst v3;
	v3 =	vsel vm14, $0x1, v1;
	vm15 =	veq.s32 v2, v0  }
0xee: {  	s17 =	rddreg [dreg:$0x3];
	s20 =	sor.u32 s18, s19;
	[tilespmem:s11+$0x16B00] =	vst v3;
	v2 =	vsel vm15, $0x1, v1  }
0xef: {  	s21 =	sadd.s32 s10, s17;
	[tilespmem:s20+$0x16B80] =	vst v2  }
0xf0: {  	[hbm4b:s21+s3] =	stream.linear.scatter [tilespmem:s7], [sflag:$0x1], $0x18000, $0x38;
	[tilespmem:$0x18A00] =	vst v63  }
0xf1: {  	_ =	swait.ge [sflag:s6], $0x18000  }
0xf2: {  	[sflag:s6] =	ssyncset.done $0x0  }
0xf3: {  	[sflag:s6] =	ssyncadd.s32 $0xFFFE8000  }
0xf4: {  	v2 =	vld [tilespmem:s9+$0xFFFFFFE0];
	_ =	sdelay $0x4  }
0xf5: {  	(v2sf) =	vpush v2, $0x0  }
0xf6: {  	(v2sf) =	vpush v2, $0x1;
	_ =	sdelay $0x1  }
0xf7: {  	(v2sf) =	vpush v2, $0x2  }
0xf8: {  	(v2sf) =	vpush v2, $0x3;
	_ =	sdelay $0x1  }
0xf9: {  	(v2sf) =	vpush v2, $0x4  }
0xfa: {  	(v2sf) =	vpush v2, $0x5;
	_ =	sdelay $0x1  }
0xfb: {  	(v2sf) =	vpush v2, $0x6  }
0xfc: {  	(v2sf) =	vpush v2, $0x7;
	_ =	sdelay $0x2  }
0xfd: {  	(v2sf) =	vpush v2, $0x8  }
0xfe: {  	(v2sf) =	vpush v2, $0x9  }
0xff: {  	s22 =	spop (v2sf)  }
0x100: {  	(v2sf) =	vpush v2, $0xA;
	s23 =	sshll.u32 s22, $0x3;
	s11 =	sand.u32 $0x70, s22;
	s24 =	spop (v2sf)  }
0x101: {  	s12 =	sand.u32 $0xFFFFFC00, s23;
	s25 =	sshll.u32 s24, $0x3;
	s13 =	sand.u32 $0x70, s24  }
0x102: {  	(v2sf) =	vpush v2, $0xB;
	s26 =	spop (v2sf);
	s11 =	sor.u32 s11, s12;
	s12 =	sand.u32 $0xFFFFFC00, s25  }
0x103: {  	(v2sf) =	vpush v2, $0xC;
	s28 =	sshll.u32 s26, $0x3;
	s29 =	spop (v2sf);
	s14 =	sand.u32 $0x70, s26  }
0x104: {  	s12 =	sor.u32 s13, s12;
	s13 =	sand.u32 $0xFFFFFC00, s28;
	s30 =	sshll.u32 s29, $0x3  }
0x105: {  	(v2sf) =	vpush v2, $0xD;
	s15 =	sand.u32 $0x70, s29;
	s31 =	spop (v2sf);
	s16 =	sand.u32 $0xFFFFFC00, s30  }
0x106: {  	s13 =	sor.u32 s14, s13;
	s18 =	sand.u32 $0x70, s31;
	s19 =	spop (v2sf)  }
0x107: {  	(v2sf) =	vpush v2, $0xE;
	s14 =	sor.u32 s15, s16;
	s16 =	sshll.u32 s31, $0x3;
	s20 =	sshll.u32 s19, $0x3  }
0x108: {  	s21 =	spop (v2sf);
	(v2sf) =	vpush v2, $0xF;
	s17 =	sand.u32 $0x70, s19;
	s15 =	sand.u32 $0xFFFFFC00, s16  }
0x109: {  	s16 =	sand.u32 $0xFFFFFC00, s20;
	s22 =	sshll.u32 s21, $0x3;
	s23 =	spop (v2sf)  }
0x10a: {  	s15 =	sor.u32 s18, s15;
	s18 =	sand.u32 $0x70, s21;
	s19 =	sand.u32 $0xFFFFFC00, s22  }
0x10b: {  	s16 =	sor.u32 s17, s16;
	s24 =	sshll.u32 s23, $0x3;
	s25 =	sand.u32 $0x70, s23  }
0x10c: {  	[tilespmem:s11+$0xA00] =	vst v1;
	s26 =	spop (v2sf);
	s17 =	sor.u32 s18, s19;
	s18 =	sand.u32 $0xFFFFFC00, s24  }
0x10d: {  	[tilespmem:s12+$0xA80] =	vst v1;
	s28 =	sshll.u32 s26, $0x3;
	s29 =	spop (v2sf);
	s30 =	sand.u32 $0x70, s26  }
0x10e: {  	[tilespmem:s13+$0xB00] =	vst v1;
	s11 =	sor.u32 s25, s18;
	s12 =	sand.u32 $0xFFFFFC00, s28;
	s31 =	sshll.u32 s29, $0x3  }
0x10f: {  	[tilespmem:s14+$0xB80] =	vst v1;
	s20 =	sand.u32 $0x70, s29;
	s22 =	spop (v2sf);
	s21 =	sand.u32 $0xFFFFFC00, s31  }
0x110: {  	[tilespmem:s15+$0xC00] =	vst v1;
	s12 =	sor.u32 s30, s12;
	s24 =	sshll.u32 s22, $0x3;
	s25 =	sand.u32 $0x70, s22  }
0x111: {  	[tilespmem:s16+$0xC80] =	vst v1;
	s23 =	sor.u32 s20, s21;
	s14 =	sand.u32 $0xFFFFFC00, s24;
	s26 =	spop (v2sf)  }
0x112: {  	[tilespmem:s17+$0xD00] =	vst v1;
	s14 =	sor.u32 s25, s14;
	s28 =	sshll.u32 s26, $0x3;
	s29 =	spop (v2sf)  }
0x113: {  	[tilespmem:s11+$0xD80] =	vst v1;
	s30 =	sand.u32 $0x70, s26;
	s15 =	sand.u32 $0xFFFFFC00, s28;
	s31 =	sshll.u32 s29, $0x3  }
0x114: {  	[tilespmem:s12+$0x2A00] =	vst v1;
	s18 =	sand.u32 $0x70, s29;
	s19 =	spop (v2sf);
	s16 =	sand.u32 $0xFFFFFC00, s31  }
0x115: {  	[tilespmem:s23+$0x2A80] =	vst v1;
	s11 =	sor.u32 s30, s15;
	s20 =	sshll.u32 s19, $0x3;
	s21 =	sand.u32 $0x70, s19  }
0x116: {  	[tilespmem:s14+$0x2B00] =	vst v1;
	s12 =	sor.u32 s18, s16;
	s13 =	sand.u32 $0xFFFFFC00, s20;
	s22 =	spop (v2sf)  }
0x117: {  	[tilespmem:s11+$0x2B80] =	vst v1;
	s23 =	sor.u32 s21, s13;
	s24 =	sshll.u32 s22, $0x3;
	s25 =	spop (v2sf)  }
0x118: {  	[tilespmem:s12+$0x2C00] =	vst v1;
	s26 =	sand.u32 $0x70, s22;
	s13 =	sand.u32 $0xFFFFFC00, s24;
	s28 =	sshll.u32 s25, $0x3  }
0x119: {  	[tilespmem:s23+$0x2C80] =	vst v1;
	s30 =	sand.u32 $0x70, s25;
	s29 =	sor.u32 s26, s13;
	s31 =	sand.u32 $0xFFFFFC00, s28  }
0x11a: {  	[tilespmem:s29+$0x2D00] =	vst v1;
	s14 =	sor.u32 s30, s31  }
0x11b: {  	[tilespmem:s14+$0x2D80] =	vst v1  }
0x11c: {  	v2 =	vld [tilespmem:s9+$0xFFFFFFF0];
	_ =	sdelay $0x4  }
0x11d: {  	(v2sf) =	vpush v2, $0x0  }
0x11e: {  	(v2sf) =	vpush v2, $0x1;
	_ =	sdelay $0x1  }
0x11f: {  	(v2sf) =	vpush v2, $0x2  }
0x120: {  	(v2sf) =	vpush v2, $0x3;
	_ =	sdelay $0x1  }
0x121: {  	(v2sf) =	vpush v2, $0x4;
	_ =	sdelay $0x1  }
0x122: {  	(v2sf) =	vpush v2, $0x5  }
0x123: {  	(v2sf) =	vpush v2, $0x6;
	_ =	sdelay $0x1  }
0x124: {  	(v2sf) =	vpush v2, $0x7  }
0x125: {  	(v2sf) =	vpush v2, $0x8;
	_ =	sdelay $0x1  }
0x126: {  	(v2sf) =	vpush v2, $0x9  }
0x127: {  	s15 =	spop (v2sf)  }
0x128: {  	(v2sf) =	vpush v2, $0xA;
	s16 =	sshll.u32 s15, $0x3;
	s11 =	sand.u32 $0x70, s15;
	s17 =	spop (v2sf)  }
0x129: {  	s12 =	sand.u32 $0xFFFFFC00, s16;
	s18 =	sshll.u32 s17, $0x3;
	s13 =	sand.u32 $0x70, s17  }
0x12a: {  	(v2sf) =	vpush v2, $0xB;
	s19 =	spop (v2sf);
	s11 =	sor.u32 s11, s12;
	s12 =	sand.u32 $0xFFFFFC00, s18  }
0x12b: {  	(v2sf) =	vpush v2, $0xC;
	s20 =	sshll.u32 s19, $0x3;
	s21 =	spop (v2sf);
	s14 =	sand.u32 $0x70, s19  }
0x12c: {  	s12 =	sor.u32 s13, s12;
	s13 =	sand.u32 $0xFFFFFC00, s20;
	s22 =	sshll.u32 s21, $0x3  }
0x12d: {  	(v2sf) =	vpush v2, $0xD;
	s15 =	sand.u32 $0x70, s21;
	s23 =	spop (v2sf);
	s16 =	sand.u32 $0xFFFFFC00, s22  }
0x12e: {  	s13 =	sor.u32 s14, s13;
	s24 =	sshll.u32 s23, $0x3;
	s25 =	sand.u32 $0x70, s23  }
0x12f: {  	s26 =	spop (v2sf);
	(v2sf) =	vpush v2, $0xE;
	s14 =	sor.u32 s15, s16;
	s15 =	sand.u32 $0xFFFFFC00, s24  }
0x130: {  	s28 =	sshll.u32 s26, $0x3;
	s29 =	spop (v2sf);
	(v2sf) =	vpush v2, $0xF;
	s17 =	sand.u32 $0x70, s26  }
0x131: {  	s15 =	sor.u32 s25, s15;
	s16 =	sand.u32 $0xFFFFFC00, s28;
	s30 =	sshll.u32 s29, $0x3  }
0x132: {  	s18 =	sand.u32 $0x70, s29;
	s31 =	spop (v2sf);
	s19 =	sand.u32 $0xFFFFFC00, s30  }
0x133: {  	[tilespmem:s11+$0x4A00] =	vst v1;
	s16 =	sor.u32 s17, s16;
	s21 =	sand.u32 $0x70, s31;
	s22 =	spop (v2sf)  }
0x134: {  	[tilespmem:s12+$0x4A80] =	vst v1;
	s17 =	sor.u32 s18, s19;
	s19 =	sshll.u32 s31, $0x3;
	s23 =	sshll.u32 s22, $0x3  }
0x135: {  	[tilespmem:s13+$0x4B00] =	vst v1;
	s24 =	spop (v2sf);
	s25 =	sand.u32 $0x70, s22;
	s18 =	sand.u32 $0xFFFFFC00, s19  }
0x136: {  	[tilespmem:s14+$0x4B80] =	vst v1;
	s12 =	sand.u32 $0xFFFFFC00, s23;
	s26 =	sshll.u32 s24, $0x3;
	s28 =	sand.u32 $0x70, s24  }
0x137: {  	[tilespmem:s15+$0x6A00] =	vst v1;
	s30 =	spop (v2sf);
	s11 =	sor.u32 s21, s18;
	s29 =	sand.u32 $0xFFFFFC00, s26  }
0x138: {  	[tilespmem:s16+$0x6A80] =	vst v1;
	s12 =	sor.u32 s25, s12;
	s15 =	sshll.u32 s30, $0x3;
	s16 =	sand.u32 $0x70, s30  }
0x139: {  	s31 =	sor.u32 s28, s29;
	s14 =	sand.u32 $0xFFFFFC00, s15;
	s18 =	spop (v2sf)  }
0x13a: {  	[tilespmem:s17+$0x6B00] =	vst v1;
	s14 =	sor.u32 s16, s14;
	s19 =	sshll.u32 s18, $0x3;
	s20 =	spop (v2sf)  }
0x13b: {  	[tilespmem:s11+$0x6B80] =	vst v1;
	s21 =	sand.u32 $0x70, s18;
	s15 =	sand.u32 $0xFFFFFC00, s19;
	s22 =	sshll.u32 s20, $0x3  }
0x13c: {  	[tilespmem:s12+$0x6C00] =	vst v1;
	s23 =	sand.u32 $0x70, s20;
	s24 =	spop (v2sf);
	s16 =	sand.u32 $0xFFFFFC00, s22  }
0x13d: {  	[tilespmem:s31+$0x6C80] =	vst v1;
	s11 =	sor.u32 s21, s15;
	s25 =	sshll.u32 s24, $0x3;
	s26 =	sand.u32 $0x70, s24  }
0x13e: {  	[tilespmem:s14+$0x6D00] =	vst v1;
	s12 =	sor.u32 s23, s16;
	s13 =	sand.u32 $0xFFFFFC00, s25;
	s28 =	spop (v2sf)  }
0x13f: {  	[tilespmem:s11+$0x6D80] =	vst v1;
	s29 =	sor.u32 s26, s13;
	s30 =	sshll.u32 s28, $0x3;
	s31 =	spop (v2sf)  }
0x140: {  	[tilespmem:s12+$0x8A00] =	vst v1;
	s16 =	sand.u32 $0x70, s28;
	s13 =	sand.u32 $0xFFFFFC00, s30;
	s17 =	sshll.u32 s31, $0x3  }
0x141: {  	[tilespmem:s29+$0x8A80] =	vst v1;
	s19 =	sand.u32 $0x70, s31;
	s18 =	sor.u32 s16, s13;
	s20 =	sand.u32 $0xFFFFFC00, s17  }
0x142: {  	[tilespmem:s18+$0x8B00] =	vst v1;
	s21 =	sor.u32 s19, s20  }
0x143: {  	[tilespmem:s21+$0x8B80] =	vst v1  }
0x144: {  	v2 =	vld [tilespmem:s9+$0x0];
	_ =	sdelay $0x4  }
0x145: {  	(v2sf) =	vpush v2, $0x0  }
0x146: {  	(v2sf) =	vpush v2, $0x1;
	_ =	sdelay $0x1  }
0x147: {  	(v2sf) =	vpush v2, $0x2  }
0x148: {  	(v2sf) =	vpush v2, $0x3;
	_ =	sdelay $0x1  }
0x149: {  	(v2sf) =	vpush v2, $0x4  }
0x14a: {  	(v2sf) =	vpush v2, $0x5;
	_ =	sdelay $0x1  }
0x14b: {  	(v2sf) =	vpush v2, $0x6  }
0x14c: {  	(v2sf) =	vpush v2, $0x7;
	_ =	sdelay $0x2  }
0x14d: {  	(v2sf) =	vpush v2, $0x8  }
0x14e: {  	(v2sf) =	vpush v2, $0x9  }
0x14f: {  	s22 =	spop (v2sf)  }
0x150: {  	(v2sf) =	vpush v2, $0xA;
	s23 =	sshll.u32 s22, $0x3;
	s11 =	sand.u32 $0x70, s22;
	s24 =	spop (v2sf)  }
0x151: {  	s12 =	sand.u32 $0xFFFFFC00, s23;
	s25 =	sshll.u32 s24, $0x3;
	s13 =	sand.u32 $0x70, s24  }
0x152: {  	(v2sf) =	vpush v2, $0xB;
	s26 =	spop (v2sf);
	s11 =	sor.u32 s11, s12;
	s12 =	sand.u32 $0xFFFFFC00, s25  }
0x153: {  	(v2sf) =	vpush v2, $0xC;
	s28 =	sshll.u32 s26, $0x3;
	s29 =	spop (v2sf);
	s14 =	sand.u32 $0x70, s26  }
0x154: {  	s12 =	sor.u32 s13, s12;
	s13 =	sand.u32 $0xFFFFFC00, s28;
	s30 =	sshll.u32 s29, $0x3  }
0x155: {  	(v2sf) =	vpush v2, $0xD;
	s15 =	sand.u32 $0x70, s29;
	s31 =	spop (v2sf);
	s16 =	sand.u32 $0xFFFFFC00, s30  }
0x156: {  	s13 =	sor.u32 s14, s13;
	s18 =	sand.u32 $0x70, s31;
	s19 =	spop (v2sf)  }
0x157: {  	(v2sf) =	vpush v2, $0xE;
	s14 =	sor.u32 s15, s16;
	s16 =	sshll.u32 s31, $0x3;
	s20 =	sshll.u32 s19, $0x3  }
0x158: {  	s21 =	spop (v2sf);
	(v2sf) =	vpush v2, $0xF;
	s17 =	sand.u32 $0x70, s19;
	s15 =	sand.u32 $0xFFFFFC00, s16  }
0x159: {  	s16 =	sand.u32 $0xFFFFFC00, s20;
	s22 =	sshll.u32 s21, $0x3;
	s23 =	spop (v2sf)  }
0x15a: {  	s15 =	sor.u32 s18, s15;
	s18 =	sand.u32 $0x70, s21;
	s19 =	sand.u32 $0xFFFFFC00, s22  }
0x15b: {  	s16 =	sor.u32 s17, s16;
	s24 =	sshll.u32 s23, $0x3;
	s25 =	sand.u32 $0x70, s23  }
0x15c: {  	[tilespmem:s11+$0x8C00] =	vst v1;
	s26 =	spop (v2sf);
	s17 =	sor.u32 s18, s19;
	s18 =	sand.u32 $0xFFFFFC00, s24  }
0x15d: {  	[tilespmem:s12+$0x8C80] =	vst v1;
	s28 =	sshll.u32 s26, $0x3;
	s29 =	spop (v2sf);
	s30 =	sand.u32 $0x70, s26  }
0x15e: {  	[tilespmem:s13+$0x8D00] =	vst v1;
	s11 =	sor.u32 s25, s18;
	s12 =	sand.u32 $0xFFFFFC00, s28;
	s31 =	sshll.u32 s29, $0x3  }
0x15f: {  	[tilespmem:s14+$0x8D80] =	vst v1;
	s20 =	sand.u32 $0x70, s29;
	s22 =	spop (v2sf);
	s21 =	sand.u32 $0xFFFFFC00, s31  }
0x160: {  	[tilespmem:s15+$0xAA00] =	vst v1;
	s12 =	sor.u32 s30, s12;
	s24 =	sshll.u32 s22, $0x3;
	s25 =	sand.u32 $0x70, s22  }
0x161: {  	[tilespmem:s16+$0xAA80] =	vst v1;
	s23 =	sor.u32 s20, s21;
	s14 =	sand.u32 $0xFFFFFC00, s24;
	s26 =	spop (v2sf)  }
0x162: {  	[tilespmem:s17+$0xAB00] =	vst v1;
	s14 =	sor.u32 s25, s14;
	s28 =	sshll.u32 s26, $0x3;
	s29 =	spop (v2sf)  }
0x163: {  	[tilespmem:s11+$0xAB80] =	vst v1;
	s30 =	sand.u32 $0x70, s26;
	s15 =	sand.u32 $0xFFFFFC00, s28;
	s31 =	sshll.u32 s29, $0x3  }
0x164: {  	[tilespmem:s12+$0xCA00] =	vst v1;
	s18 =	sand.u32 $0x70, s29;
	s19 =	spop (v2sf);
	s16 =	sand.u32 $0xFFFFFC00, s31  }
0x165: {  	[tilespmem:s23+$0xCA80] =	vst v1;
	s11 =	sor.u32 s30, s15;
	s20 =	sshll.u32 s19, $0x3;
	s21 =	sand.u32 $0x70, s19  }
0x166: {  	[tilespmem:s14+$0xCB00] =	vst v1;
	s12 =	sor.u32 s18, s16;
	s13 =	sand.u32 $0xFFFFFC00, s20;
	s22 =	spop (v2sf)  }
0x167: {  	[tilespmem:s11+$0xCB80] =	vst v1;
	s23 =	sor.u32 s21, s13;
	s24 =	sshll.u32 s22, $0x3;
	s25 =	spop (v2sf)  }
0x168: {  	[tilespmem:s12+$0xCC00] =	vst v1;
	s26 =	sand.u32 $0x70, s22;
	s13 =	sand.u32 $0xFFFFFC00, s24;
	s28 =	sshll.u32 s25, $0x3  }
0x169: {  	[tilespmem:s23+$0xCC80] =	vst v1;
	s30 =	sand.u32 $0x70, s25;
	s29 =	sor.u32 s26, s13;
	s31 =	sand.u32 $0xFFFFFC00, s28  }
0x16a: {  	[tilespmem:s29+$0xCD00] =	vst v1;
	s14 =	sor.u32 s30, s31  }
0x16b: {  	[tilespmem:s14+$0xCD80] =	vst v1  }
0x16c: {  	v2 =	vld [tilespmem:s9+$0x10];
	_ =	sdelay $0x4  }
0x16d: {  	(v2sf) =	vpush v2, $0x0  }
0x16e: {  	(v2sf) =	vpush v2, $0x1;
	_ =	sdelay $0x1  }
0x16f: {  	(v2sf) =	vpush v2, $0x2  }
0x170: {  	(v2sf) =	vpush v2, $0x3;
	_ =	sdelay $0x1  }
0x171: {  	(v2sf) =	vpush v2, $0x4;
	_ =	sdelay $0x1  }
0x172: {  	(v2sf) =	vpush v2, $0x5  }
0x173: {  	(v2sf) =	vpush v2, $0x6;
	_ =	sdelay $0x1  }
0x174: {  	(v2sf) =	vpush v2, $0x7  }
0x175: {  	(v2sf) =	vpush v2, $0x8;
	_ =	sdelay $0x1  }
0x176: {  	(v2sf) =	vpush v2, $0x9  }
0x177: {  	s15 =	spop (v2sf)  }
0x178: {  	(v2sf) =	vpush v2, $0xA;
	s16 =	sshll.u32 s15, $0x3;
	s11 =	sand.u32 $0x70, s15;
	s17 =	spop (v2sf)  }
0x179: {  	s12 =	sand.u32 $0xFFFFFC00, s16;
	s18 =	sshll.u32 s17, $0x3;
	s13 =	sand.u32 $0x70, s17  }
0x17a: {  	(v2sf) =	vpush v2, $0xB;
	s19 =	spop (v2sf);
	s11 =	sor.u32 s11, s12;
	s12 =	sand.u32 $0xFFFFFC00, s18  }
0x17b: {  	(v2sf) =	vpush v2, $0xC;
	s20 =	sshll.u32 s19, $0x3;
	s21 =	spop (v2sf);
	s14 =	sand.u32 $0x70, s19  }
0x17c: {  	s12 =	sor.u32 s13, s12;
	s13 =	sand.u32 $0xFFFFFC00, s20;
	s22 =	sshll.u32 s21, $0x3  }
0x17d: {  	(v2sf) =	vpush v2, $0xD;
	s15 =	sand.u32 $0x70, s21;
	s23 =	spop (v2sf);
	s16 =	sand.u32 $0xFFFFFC00, s22  }
0x17e: {  	s13 =	sor.u32 s14, s13;
	s24 =	sshll.u32 s23, $0x3;
	s25 =	sand.u32 $0x70, s23  }
0x17f: {  	s26 =	spop (v2sf);
	(v2sf) =	vpush v2, $0xE;
	s14 =	sor.u32 s15, s16;
	s15 =	sand.u32 $0xFFFFFC00, s24  }
0x180: {  	s28 =	sshll.u32 s26, $0x3;
	s29 =	spop (v2sf);
	(v2sf) =	vpush v2, $0xF;
	s17 =	sand.u32 $0x70, s26  }
0x181: {  	s15 =	sor.u32 s25, s15;
	s16 =	sand.u32 $0xFFFFFC00, s28;
	s30 =	sshll.u32 s29, $0x3  }
0x182: {  	s18 =	sand.u32 $0x70, s29;
	s31 =	spop (v2sf);
	s19 =	sand.u32 $0xFFFFFC00, s30  }
0x183: {  	s16 =	sor.u32 s17, s16;
	s21 =	sand.u32 $0x70, s31;
	s22 =	spop (v2sf)  }
0x184: {  	[tilespmem:s11+$0xEA00] =	vst v1;
	s17 =	sor.u32 s18, s19;
	s19 =	sshll.u32 s31, $0x3;
	s23 =	sshll.u32 s22, $0x3  }
0x185: {  	[tilespmem:s12+$0xEA80] =	vst v1;
	s24 =	spop (v2sf);
	s25 =	sand.u32 $0x70, s22;
	s18 =	sand.u32 $0xFFFFFC00, s19  }
0x186: {  	[tilespmem:s13+$0xEB00] =	vst v1;
	s12 =	sand.u32 $0xFFFFFC00, s23;
	s26 =	sshll.u32 s24, $0x3;
	s28 =	sand.u32 $0x70, s24  }
0x187: {  	[tilespmem:s14+$0xEB80] =	vst v1;
	s30 =	spop (v2sf);
	s11 =	sor.u32 s21, s18;
	s29 =	sand.u32 $0xFFFFFC00, s26  }
0x188: {  	[tilespmem:s15+$0xEC00] =	vst v1;
	s12 =	sor.u32 s25, s12;
	s18 =	sshll.u32 s30, $0x3;
	s20 =	sand.u32 $0x70, s30  }
0x189: {  	[tilespmem:s16+$0xEC80] =	vst v1;
	s31 =	sor.u32 s28, s29;
	s14 =	sand.u32 $0xFFFFFC00, s18;
	s21 =	spop (v2sf)  }
0x18a: {  	[tilespmem:s17+$0xED00] =	vst v1;
	s14 =	sor.u32 s20, s14;
	s22 =	sshll.u32 s21, $0x3;
	s23 =	spop (v2sf)  }
0x18b: {  	[tilespmem:s11+$0xED80] =	vst v1;
	s24 =	sand.u32 $0x70, s21;
	s15 =	sand.u32 $0xFFFFFC00, s22;
	s25 =	sshll.u32 s23, $0x3  }
0x18c: {  	[tilespmem:s12+$0x10A00] =	vst v1;
	s26 =	sand.u32 $0x70, s23;
	s28 =	spop (v2sf);
	s16 =	sand.u32 $0xFFFFFC00, s25  }
0x18d: {  	[tilespmem:s31+$0x10A80] =	vst v1;
	s11 =	sor.u32 s24, s15;
	s29 =	sshll.u32 s28, $0x3;
	s30 =	sand.u32 $0x70, s28  }
0x18e: {  	[tilespmem:s14+$0x10B00] =	vst v1;
	s12 =	sor.u32 s26, s16;
	s13 =	sand.u32 $0xFFFFFC00, s29;
	s31 =	spop (v2sf)  }
0x18f: {  	[tilespmem:s11+$0x10B80] =	vst v1;
	s16 =	sor.u32 s30, s13;
	s17 =	sshll.u32 s31, $0x3;
	s18 =	spop (v2sf)  }
0x190: {  	[tilespmem:s12+$0x12A00] =	vst v1;
	s19 =	sand.u32 $0x70, s31;
	s13 =	sand.u32 $0xFFFFFC00, s17;
	s20 =	sshll.u32 s18, $0x3  }
0x191: {  	[tilespmem:s16+$0x12A80] =	vst v1;
	s22 =	sand.u32 $0x70, s18;
	s21 =	sor.u32 s19, s13;
	s23 =	sand.u32 $0xFFFFFC00, s20  }
0x192: {  	[tilespmem:s21+$0x12B00] =	vst v1;
	s24 =	sor.u32 s22, s23  }
0x193: {  	[tilespmem:s24+$0x12B80] =	vst v1  }
0x194: {  	v2 =	vld [tilespmem:s9+$0x20];
	_ =	sdelay $0x4  }
0x195: {  	(v2sf) =	vpush v2, $0x0  }
0x196: {  	(v2sf) =	vpush v2, $0x1  }
0x197: {  	(v2sf) =	vpush v2, $0x2;
	_ =	sdelay $0x1  }
0x198: {  	(v2sf) =	vpush v2, $0x3  }
0x199: {  	(v2sf) =	vpush v2, $0x4;
	_ =	sdelay $0x1  }
0x19a: {  	(v2sf) =	vpush v2, $0x5;
	_ =	sdelay $0x1  }
0x19b: {  	(v2sf) =	vpush v2, $0x6  }
0x19c: {  	(v2sf) =	vpush v2, $0x7;
	_ =	sdelay $0x1  }
0x19d: {  	(v2sf) =	vpush v2, $0x8;
	_ =	sdelay $0x1  }
0x19e: {  	(v2sf) =	vpush v2, $0x9  }
0x19f: {  	(v2sf) =	vpush v2, $0xA;
	s25 =	spop (v2sf)  }
0x1a0: {  	p0 =	sne.s32 s10, $0x5D000;
	s26 =	spop (v2sf)  }
0x1a1: {  	s18 =	sshll.u32 s25, $0x3;
	s11 =	sand.u32 $0x70, s25;
	s28 =	spop (v2sf)  }
0x1a2: {  	s17 =	sand.u32 $0xFFFFFC00, s18;
	s20 =	sshll.u32 s26, $0x3;
	s12 =	sand.u32 $0x70, s26  }
0x1a3: {  	(v2sf) =	vpush v2, $0xB;
	s29 =	spop (v2sf);
	s11 =	sor.u32 s11, s17;
	s17 =	sand.u32 $0xFFFFFC00, s20  }
0x1a4: {  	(v2sf) =	vpush v2, $0xC;
	s24 =	sshll.u32 s28, $0x3;
	s13 =	sand.u32 $0x70, s28;
	s30 =	spop (v2sf)  }
0x1a5: {  	(v2sf) =	vpush v2, $0xD;
	s12 =	sor.u32 s12, s17;
	s25 =	sand.u32 $0xFFFFFC00, s24;
	s26 =	sand.u32 $0x70, s29  }
0x1a6: {  	s14 =	sshll.u32 s29, $0x3;
	s31 =	spop (v2sf);
	s13 =	sor.u32 s13, s25  }
0x1a7: {  	(v2sf) =	vpush v2, $0xE;
	s14 =	sand.u32 $0xFFFFFC00, s14;
	s28 =	sshll.u32 s30, $0x3;
	s15 =	sand.u32 $0x70, s30  }
0x1a8: {  	s19 =	spop (v2sf);
	s20 =	sand.u32 $0xFFFFFC00, s28;
	s14 =	sor.u32 s26, s14  }
0x1a9: {  	(v2sf) =	vpush v2, $0xF;
	s30 =	sand.u32 $0x70, s31;
	s16 =	sshll.u32 s31, $0x3;
	s21 =	spop (v2sf)  }
0x1aa: {  	s15 =	sor.u32 s15, s20;
	s31 =	sshll.u32 s19, $0x3;
	s16 =	sand.u32 $0xFFFFFC00, s16  }
0x1ab: {  	s18 =	sand.u32 $0x70, s19;
	s29 =	spop (v2sf);
	s20 =	sand.u32 $0xFFFFFC00, s31  }
0x1ac: {  	[tilespmem:s11+$0x12C00] =	vst v1;
	s11 =	sor.u32 s30, s16;
	s24 =	sand.u32 $0x70, s21;
	s25 =	sshll.u32 s21, $0x3  }
0x1ad: {  	[tilespmem:s12+$0x12C80] =	vst v1;
	s22 =	spop (v2sf);
	s17 =	sor.u32 s18, s20;
	s26 =	sshll.u32 s29, $0x3  }
0x1ae: {  	[tilespmem:s13+$0x12D00] =	vst v1;
	s28 =	sand.u32 $0xFFFFFC00, s25;
	s29 =	sand.u32 $0x70, s29;
	s23 =	spop (v2sf)  }
0x1af: {  	[tilespmem:s14+$0x12D80] =	vst v1;
	s19 =	sand.u32 $0xFFFFFC00, s26;
	s12 =	sor.u32 s24, s28;
	s31 =	sand.u32 $0x70, s22  }
0x1b0: {  	[tilespmem:s15+$0x14A00] =	vst v1;
	s20 =	sshll.u32 s22, $0x3;
	s30 =	sor.u32 s29, s19;
	s21 =	sshll.u32 s23, $0x3  }
0x1b1: {  	[tilespmem:s11+$0x14A80] =	vst v1;
	s22 =	sand.u32 $0xFFFFFC00, s20;
	s24 =	sand.u32 $0x70, s23;
	s19 =	sand.u32 $0xFFFFFC00, s21  }
0x1b2: {  	[tilespmem:s17+$0x14B00] =	vst v1;
	s11 =	sor.u32 s31, s22;
	s26 =	sor.u32 s24, s19;
	s16 =	spop (v2sf)  }
0x1b3: {  	[tilespmem:s12+$0x14B80] =	vst v1;
	s13 =	spop (v2sf);
	s28 =	sand.u32 $0x70, s16;
	s16 =	sshll.u32 s16, $0x3  }
0x1b4: {  	[tilespmem:s30+$0x14C00] =	vst v1;
	s25 =	spop (v2sf);
	s29 =	sshll.u32 s13, $0x3;
	s30 =	sand.u32 $0xFFFFFC00, s16  }
0x1b5: {  	s13 =	sand.u32 $0x70, s13;
	s31 =	sand.u32 $0xFFFFFC00, s29;
	s18 =	sor.u32 s28, s30  }
0x1b6: {  	[tilespmem:s11+$0x14C80] =	vst v1;
	s20 =	sshll.u32 s25, $0x3;
	s21 =	spop (v2sf);
	s15 =	sand.u32 $0x70, s25  }
0x1b7: {  	[tilespmem:s26+$0x14D00] =	vst v1;
	s19 =	sor.u32 s13, s31;
	s13 =	sand.u32 $0xFFFFFC00, s20;
	s23 =	sshll.u32 s21, $0x3  }
.Ltmp0:
0x1b8: {  	[tilespmem:s18+$0x14D80] =	vst v1;
	s24 =	spop (v2sf);
	s25 =	sand.u32 $0x70, s21;
	(pc) =	sbr.rel @p0 .LBB2_2-.Ltmp0, $4  }
0x1b9: {  	s22 =	sor.u32 s15, s13;
	[tilespmem:s19+$0x16A00] =	vst v1;
	s13 =	sand.u32 $0xFFFFFC00, s23;
	s26 =	sshll.u32 s24, $0x3  }
0x1ba: {  	s29 =	sand.u32 $0x70, s24;
	[tilespmem:s22+$0x16A80] =	vst v1;
	s28 =	sor.u32 s25, s13;
	s30 =	sand.u32 $0xFFFFFC00, s26  }
0x1bb: {  	[tilespmem:s28+$0x16B00] =	vst v1;
	s31 =	sor.u32 s29, s30  }
0x1bc: {  	s10 =	sadd.s32 $0x3000, s10;
	s9 =	sadd.s32 $0x50, s9;
	[tilespmem:s31+$0x16B80] =	vst v1  }
0x1bd: {  	s8 =	sadd.s32 $0x1, s8  }
0x1be: {  	p0 =	sne.s32 s8, s5  }
.Ltmp1:
0x1bf: {  	_ = 	snop;
	(pc) =	sbr.rel @p0 .LBB2_1-.Ltmp1, $1  }
0x1c0: {  	_ =	sdelay $0x3  }
0x1c1: {  	_ =	sfence.sel $0x180000  }
0x1c2: {  	[bflag:$0x0] =	sbarrier.arrive $0xFFFF  }
0x1c3: {  	p0 =	sne.s32 s1, $0x0;
	_ =	strace $0x90000047  }
0x1c4: {  	s0 =	sadd.s32 @!p0 $0x100000, s0;
	[bflag:$0x2] =	sbarrier.arrive $0xFFFF  }
0x1c5: {  	[sflag:s0] =	ssyncadd.tile.s32 @!p0 $0x1;
	_ =	shalt  }
.Lfunc_end2:
_tile_overlayer_lowered:
.L_overlay_start_2:
0x1c6: {  	(tag) =	ssettag $0x2  }
0x1c7: {  	s0 =	rddreg [dreg:$0x0];
	s2 =	stileid.u32  }
0x1c8: {  	s1 =	rddreg [dreg:$0x1];
	p0 =	sne.s32 s2, $0x0  }
0x1c9: {  	s3 =	rddreg [dreg:$0x2];
	[bflag:$0x3] =	sbarrier.arrive $0xFFFF;
	s2 =	simm.s32 @!p0 $0x1C01  }
0x1ca: {  	[timem:s3], [sflag:s2] =	dma.local @!p0 [hbm:s0], s1  }
0x1cb: {  	s0 =	simm.s32 @!p0 $0x1  }
0x1cc: {  	_ =	swait.ge @!p0 [sflag:s0], s1  }
0x1cd: {  	s1 =	ssub.s32 @!p0 $0x0, s1;
	[sflag:s0] =	ssyncset.done @!p0 $0x0  }
0x1ce: {  	[sflag:s0] =	ssyncadd.s32 @!p0 s1  }
0x1cf: {  	[bflag:$0x3] =	sbarrier.arrive $0xFFFF  }
0x1d0: {  	_ =	shalt  }

</sc_bundles>
